<compile_context>
chip_gen: v7x
topology: tpu7x:2x2x1
jax: 0.10.2.dev20260603
libtpu: 0.0.44.dev20260713+nightly
codegen_flags: <defaults>
</compile_context>

<pallas_src>
import functools

import jax
import jax.numpy as jnp
from jax import lax
from jax.experimental import pallas as pl
from jax.experimental.pallas import tpu as pltpu
from jax.experimental.pallas import tpu_sc as plsc

NN = 10000
EE = 320000
DIN = 128
HID = 16
CLS = 7

F = 16
NP = 10240
NC = 2
NS = 16
NW = NC * NS
EPW = EE // NW
CH = 500
NCHUNK = EPW // CH
NSB = NCHUNK
NBUF = 6
SLAB = NP // NS
RB = 2048

_MESH = plsc.VectorSubcoreMesh(core_axis_name="c", subcore_axis_name="s")
_SC_PARAMS = pltpu.CompilerParams(use_tc_tiling_on_sc=False)


@functools.partial(
    pl.kernel,
    out_type=jax.ShapeDtypeStruct((NC, NP, F), jnp.float32),
    mesh=_MESH,
    scratch_types=[
        pltpu.VMEM((NCHUNK, CH), jnp.int32),
        pltpu.VMEM((SLAB, F), jnp.float32),
        pltpu.VMEM_SHARED((NP, F), jnp.float32),
        pltpu.SemaphoreType.DMA,
    ],
    compiler_params=_SC_PARAMS,
)
def _deg_kernel(ei_hbm, out_hbm, idx_v, ones_v, acc, sem):
    c = lax.axis_index("c")
    s = lax.axis_index("s")
    wid = c * NS + s

    pltpu.async_copy(ei_hbm.at[1].at[pl.ds(wid * NCHUNK, NCHUNK)], idx_v, sem)

    @pl.loop(0, SLAB)
    def _(i):
        ones_v[i, :] = jnp.ones((F,), jnp.float32)

    pltpu.sync_copy(ones_v, acc.at[pl.ds(s * SLAB, SLAB)])
    pltpu.make_async_copy(ei_hbm.at[1].at[pl.ds(0, NCHUNK)], idx_v, sem).wait()
    plsc.subcore_barrier()

    @pl.loop(0, NCHUNK)
    def _(j):
        pltpu.async_copy(ones_v.at[pl.ds(0, CH)], acc.at[idx_v.at[j]], sem,
                         add=True)

    @pl.loop(0, NCHUNK)
    def _(j):
        pltpu.make_async_copy(ones_v.at[pl.ds(0, CH)], acc.at[idx_v.at[0]],
                              sem).wait()

    plsc.subcore_barrier()
    pltpu.sync_copy(
        acc.at[pl.ds(s * SLAB, SLAB)],
        out_hbm.at[c].at[pl.ds(s * SLAB, SLAB)],
    )


@functools.partial(
    pl.kernel,
    out_type=jax.ShapeDtypeStruct((NC, NP, F), jnp.float32),
    mesh=_MESH,
    scratch_types=[
        pltpu.VMEM((NCHUNK, CH), jnp.int32),
        pltpu.VMEM((NCHUNK, CH), jnp.int32),
        pltpu.VMEM((NBUF, CH, F), jnp.float32),
        pltpu.VMEM((SLAB, F), jnp.float32),
        pltpu.VMEM_SHARED((NP, F), jnp.float32),
        pltpu.VMEM_SHARED((NP, F), jnp.float32),
        pltpu.SemaphoreType.DMA,
        pltpu.SemaphoreType.DMA,
    ],
    compiler_params=_SC_PARAMS,
)
def _agg_kernel(h_hbm, ei_hbm, out_hbm, si_v, di_v, msg_v, stage_v,
                acc, hsh, sem_g, sem_s):
    c = lax.axis_index("c")
    s = lax.axis_index("s")
    wid = c * NS + s

    pltpu.async_copy(h_hbm.at[pl.ds(s * SLAB, SLAB)], stage_v, sem_g)
    pltpu.async_copy(ei_hbm.at[0].at[pl.ds(wid * NCHUNK, NCHUNK)], si_v, sem_g)
    pltpu.async_copy(ei_hbm.at[1].at[pl.ds(wid * NCHUNK, NCHUNK)], di_v, sem_g)
    pltpu.make_async_copy(h_hbm.at[pl.ds(0, SLAB)], stage_v, sem_g).wait()
    pltpu.make_async_copy(ei_hbm.at[0].at[pl.ds(0, NCHUNK)], si_v, sem_g).wait()
    pltpu.make_async_copy(ei_hbm.at[1].at[pl.ds(0, NCHUNK)], di_v, sem_g).wait()
    pltpu.sync_copy(stage_v, acc.at[pl.ds(s * SLAB, SLAB)])
    pltpu.sync_copy(stage_v, hsh.at[pl.ds(s * SLAB, SLAB)])
    plsc.subcore_barrier()

    def fire_g(t, buf):
        pltpu.async_copy(hsh.at[si_v.at[t]], msg_v.at[buf], sem_g)

    def drain_g():
        pltpu.make_async_copy(hsh.at[si_v.at[0]], msg_v.at[0], sem_g).wait()

    def fire_sa(t, buf):
        pltpu.async_copy(msg_v.at[buf], acc.at[di_v.at[t]], sem_s, add=True)

    def drain_sa():
        pltpu.make_async_copy(msg_v.at[0], acc.at[di_v.at[0]], sem_s).wait()

    for t in range(NSB):
        if t >= NBUF:
            drain_sa()
        fire_g(t, t % NBUF)
        if t >= 1:
            drain_g()
            fire_sa(t - 1, (t - 1) % NBUF)
    drain_g()
    fire_sa(NSB - 1, (NSB - 1) % NBUF)
    for _ in range(min(NBUF, NSB)):
        drain_sa()

    plsc.subcore_barrier()
    pltpu.sync_copy(
        acc.at[pl.ds(s * SLAB, SLAB)],
        out_hbm.at[c].at[pl.ds(s * SLAB, SLAB)],
    )


def _mm1_body(x_ref, w_ref, o_ref):
    i = pl.program_id(0)
    row = i * RB + lax.broadcasted_iota(jnp.int32, (RB, F), 0)
    mm = jnp.dot(x_ref[...], w_ref[...], preferred_element_type=jnp.float32)
    o_ref[...] = jnp.where(row < NN, mm, 0.0)


def _mm1(x, w1):
    return pl.pallas_call(
        _mm1_body,
        grid=(NP // RB,),
        in_specs=[
            pl.BlockSpec((RB, DIN), lambda i: (i, 0)),
            pl.BlockSpec((DIN, F), lambda i: (0, 0)),
        ],
        out_specs=pl.BlockSpec((RB, F), lambda i: (i, 0)),
        out_shape=jax.ShapeDtypeStruct((NP, F), jnp.float32),
    )(x, w1)


NPF = NP * F // 128
RBF = 256


def _scale_body(d_ref, h_ref, dinv_ref, hs_ref):
    dinv = lax.rsqrt(d_ref[0] + d_ref[1] - 1.0)
    dinv_ref[...] = dinv
    hs_ref[...] = h_ref[...] * dinv


def _scale(degf, h1f):
    return pl.pallas_call(
        _scale_body,
        grid=(NPF // RBF,),
        in_specs=[
            pl.BlockSpec((NC, RBF, 128), lambda i: (0, i, 0)),
            pl.BlockSpec((RBF, 128), lambda i: (i, 0)),
        ],
        out_specs=[
            pl.BlockSpec((RBF, 128), lambda i: (i, 0)),
            pl.BlockSpec((RBF, 128), lambda i: (i, 0)),
        ],
        out_shape=[
            jax.ShapeDtypeStruct((NPF, 128), jnp.float32),
            jax.ShapeDtypeStruct((NPF, 128), jnp.float32),
        ],
    )(degf, h1f)


def _stage2_body(a_ref, h_ref, dinv_ref, w2_ref, b1_ref, o_ref):
    z = (a_ref[0] + a_ref[1] - h_ref[...]) * dinv_ref[...] + b1_ref[...]
    r = jnp.maximum(z, 0.0)
    mm = jnp.dot(r, w2_ref[...], preferred_element_type=jnp.float32)
    o_ref[...] = mm * dinv_ref[...]


def _stage2(a1f, h1sf, dinvf, w2bd, b1f):
    return pl.pallas_call(
        _stage2_body,
        grid=(NPF // RBF,),
        in_specs=[
            pl.BlockSpec((NC, RBF, 128), lambda i: (0, i, 0)),
            pl.BlockSpec((RBF, 128), lambda i: (i, 0)),
            pl.BlockSpec((RBF, 128), lambda i: (i, 0)),
            pl.BlockSpec((128, 128), lambda i: (0, 0)),
            pl.BlockSpec((1, 128), lambda i: (0, 0)),
        ],
        out_specs=pl.BlockSpec((RBF, 128), lambda i: (i, 0)),
        out_shape=jax.ShapeDtypeStruct((NPF, 128), jnp.float32),
    )(a1f, h1sf, dinvf, w2bd, b1f)


def _stage3_body(a_ref, h_ref, dinv_ref, b2_ref, g_ref, o_ref):
    z = (a_ref[0] + a_ref[1] - h_ref[...]) * dinv_ref[...] + b2_ref[...]
    c = jnp.max(z, axis=1, keepdims=True)
    t = z - c
    lane = lax.broadcasted_iota(jnp.int32, (RBF, 128), 1)
    e = jnp.where(lane % F < CLS, jnp.exp(t), 0.0)
    ssum = jnp.dot(e, g_ref[...], preferred_element_type=jnp.float32)
    o_ref[...] = t - jnp.log(ssum)


def _stage3(a2f, h2sf, dinvf, b2f, g16):
    return pl.pallas_call(
        _stage3_body,
        grid=(NPF // RBF,),
        in_specs=[
            pl.BlockSpec((NC, RBF, 128), lambda i: (0, i, 0)),
            pl.BlockSpec((RBF, 128), lambda i: (i, 0)),
            pl.BlockSpec((RBF, 128), lambda i: (i, 0)),
            pl.BlockSpec((1, 128), lambda i: (0, 0)),
            pl.BlockSpec((128, 128), lambda i: (0, 0)),
        ],
        out_specs=pl.BlockSpec((RBF, 128), lambda i: (i, 0)),
        out_shape=jax.ShapeDtypeStruct((NPF, 128), jnp.float32),
    )(a2f, h2sf, dinvf, b2f, g16)


def kernel(x, edge_index, W1, b1, W2, b2):
    ei3 = edge_index.reshape(2, EE // CH, CH)

    eye8 = jnp.eye(8, dtype=jnp.float32)
    w2p = jnp.zeros((F, F), jnp.float32).at[:, :CLS].set(W2)
    w2bd = jnp.kron(eye8, w2p)
    g16 = jnp.kron(eye8, jnp.ones((F, F), jnp.float32))
    b1f = jnp.tile(b1, 8).reshape(1, 128)
    b2p = jnp.zeros((F,), jnp.float32).at[:CLS].set(b2)
    b2f = jnp.tile(b2p, 8).reshape(1, 128)

    h1 = _mm1(x, W1)
    degp = _deg_kernel(ei3)
    dinvf, h1sf = _scale(degp.reshape(NC, NPF, 128), h1.reshape(NPF, 128))
    a1 = _agg_kernel(h1sf.reshape(NP, F), ei3)
    h2sf = _stage2(a1.reshape(NC, NPF, 128), h1sf, dinvf, w2bd, b1f)
    a2 = _agg_kernel(h2sf.reshape(NP, F), ei3)
    outf = _stage3(a2.reshape(NC, NPF, 128), h2sf, dinvf, b2f, g16)
    return outf.reshape(NP, F)[:NN, :CLS]

# --- scband reference (transcript-rebuilt; emitter-appended) ---
"""Pipeline reference for scband-gcn-48550310313992 (READ-ONLY COPY).

The authoritative reference and input builder live on the scoring server;
editing this copy changes nothing except your own understanding.
"""

import jax, jax.numpy as jnp
import numpy as np

N = 10000
E = 320000
D_IN = 128
HID = 16
CLS = 7


def gcn_conv(x, edge_index, W, b):
    # Faithful PyG GCNConv: add self loops, symmetric degree normalization,
    # linear transform, scatter-add aggregation over dst nodes, plus bias.
    num_nodes = x.shape[0]
    loop = jnp.arange(num_nodes, dtype=edge_index.dtype)
    src = jnp.concatenate([edge_index[0], loop])
    dst = jnp.concatenate([edge_index[1], loop])
    deg = jnp.zeros((num_nodes,), x.dtype).at[dst].add(1.0)
    dinv = jnp.where(deg > 0, jax.lax.rsqrt(jnp.maximum(deg, 1e-12)), 0.0)
    norm = dinv[src] * dinv[dst]
    h = x @ W
    msg = jnp.take(h, src, axis=0) * norm[:, None]
    out = jnp.zeros((num_nodes, W.shape[1]), x.dtype).at[dst].add(msg)
    return out + b


def setup_inputs(seed: int = 0) -> dict:
    key = jax.random.key(seed)
    ks = jax.random.split(key, 6)
    x = jax.random.normal(ks[0], (N, D_IN), dtype=jnp.float32)
    edge_index = jax.random.randint(ks[1], (2, E), 0, N, dtype=jnp.int32)
    # Glorot-style init for GCNConv weights, zeros for bias (PyG default)
    W1 = jax.random.normal(ks[2], (D_IN, HID), dtype=jnp.float32) * (1.0 / np.sqrt(D_IN))
    b1 = jnp.zeros((HID,), dtype=jnp.float32)
    W2 = jax.random.normal(ks[3], (HID, CLS), dtype=jnp.float32) * (1.0 / np.sqrt(HID))
    b2 = jnp.zeros((CLS,), dtype=jnp.float32)
    return {"x": x, "edge_index": edge_index, "W1": W1, "b1": b1, "W2": W2, "b2": b2}


def reference(x, edge_index, W1, b1, W2, b2):
    h = jax.nn.relu(gcn_conv(x, edge_index, W1, b1))
    h = gcn_conv(h, edge_index, W2, b2)
    return jax.nn.log_softmax(h, axis=1)

if __name__ == "__main__":
    import jax
    _d = setup_inputs()
    print(jax.jit(kernel)(*tuple(_d.values())))

</pallas_src>

<mosaic_0001>
#map = affine_map<(d0, d1) -> (0, 0)>
#map1 = affine_map<(d0, d1) -> (0, 0, 0)>
module attributes {stable_mosaic.version = 14 : i64} {
  func.func @_agg_kernel(%arg0: i32, %arg1: i32, %arg2: memref<10240x16xf32, #tpu.memory_space<hbm>>, %arg3: memref<2x640x500xi32, #tpu.memory_space<hbm>>, %arg4: memref<2x10240x16xf32, #tpu.memory_space<hbm>>, %arg5: memref<20x500xi32, #tpu.memory_space<vmem>>, %arg6: memref<20x500xi32, #tpu.memory_space<vmem>>, %arg7: memref<6x500x16xf32, #tpu.memory_space<vmem>>, %arg8: memref<640x16xf32, #tpu.memory_space<vmem>>, %arg9: memref<10240x16xf32, #tpu.memory_space<vmem_shared>>, %arg10: memref<10240x16xf32, #tpu.memory_space<vmem_shared>>, %arg11: memref<!tpu.dma_semaphore, #tpu.memory_space<semaphore_mem>>, %arg12: memref<!tpu.dma_semaphore, #tpu.memory_space<semaphore_mem>>) attributes {dimension_semantics = [#tpu.dimension_semantics<core_parallel>, #tpu.dimension_semantics<subcore_parallel>], iteration_bounds = array<i64: 2, 16>, scalar_prefetch = 0 : i64, scratch_operands = 8 : i64, tpu.core_type = #tpu.core_type<sc_vector_subcore>, window_params = [{transform_indices = #map}, {transform_indices = #map1}, {transform_indices = #map1}]} {
    %mul3A = arith.constant 16 : i32
    %mul3A_0 = arith.muli %arg0, %mul3A : i32
    %add3A = arith.addi %mul3A_0, %arg1 : i32
    %mul3A_1 = arith.constant 640 : i32
    %mul3A_2 = arith.muli %arg1, %mul3A_1 : i32
    %dma_start3A = arith.constant 0 : i32
    %dma_start3A_3 = tpu.memref_slice %arg2[%mul3A_2, %dma_start3A] : memref<10240x16xf32, #tpu.memory_space<hbm>> -> memref<640x16xf32, #tpu.memory_space<hbm>>
    %dma_start3A_4 = arith.constant 0 : i32
    %dma_start3A_5 = tpu.memref_slice %arg2[%mul3A_2, %dma_start3A_4] : memref<10240x16xf32, #tpu.memory_space<hbm>> -> memref<640x16xf32, #tpu.memory_space<hbm>>
    tpu.enqueue_dma source(%dma_start3A_5 : memref<640x16xf32, #tpu.memory_space<hbm>>) target(%arg8 : memref<640x16xf32, #tpu.memory_space<vmem>>) target_semaphore(%arg11 : memref<!tpu.dma_semaphore, #tpu.memory_space<semaphore_mem>>)
    %mul3A_6 = arith.constant 20 : i32
    %mul3A_7 = arith.muli %add3A, %mul3A_6 : i32
    %dma_start3A_8 = arith.constant 0 : i32
    %dma_start3A_9 = arith.constant 0 : i32
    %dma_start3A_10 = arith.constant 0 : i32
    %dma_start3A_11 = tpu.memref_slice %arg3[%dma_start3A_8, %dma_start3A_9, %dma_start3A_10] : memref<2x640x500xi32, #tpu.memory_space<hbm>> -> memref<1x640x500xi32, #tpu.memory_space<hbm>>
    %dma_start3A_12 = tpu.memref_squeeze %dma_start3A_11 : memref<1x640x500xi32, #tpu.memory_space<hbm>> -> memref<640x500xi32, #tpu.memory_space<hbm>>
    %dma_start3A_13 = arith.constant 0 : i32
    %dma_start3A_14 = tpu.memref_slice %dma_start3A_12[%mul3A_7, %dma_start3A_13] : memref<640x500xi32, #tpu.memory_space<hbm>> -> memref<20x500xi32, #tpu.memory_space<hbm>>
    %dma_start3A_15 = arith.constant 0 : i32
    %dma_start3A_16 = arith.constant 0 : i32
    %dma_start3A_17 = tpu.memref_slice %arg3[%dma_start3A_8, %dma_start3A_15, %dma_start3A_16] : memref<2x640x500xi32, #tpu.memory_space<hbm>> -> memref<1x640x500xi32, #tpu.memory_space<hbm>>
    %dma_start3A_18 = tpu.memref_squeeze %dma_start3A_17 : memref<1x640x500xi32, #tpu.memory_space<hbm>> -> memref<640x500xi32, #tpu.memory_space<hbm>>
    %dma_start3A_19 = arith.constant 0 : i32
    %dma_start3A_20 = tpu.memref_slice %dma_start3A_18[%mul3A_7, %dma_start3A_19] : memref<640x500xi32, #tpu.memory_space<hbm>> -> memref<20x500xi32, #tpu.memory_space<hbm>>
    tpu.enqueue_dma source(%dma_start3A_20 : memref<20x500xi32, #tpu.memory_space<hbm>>) target(%arg5 : memref<20x500xi32, #tpu.memory_space<vmem>>) target_semaphore(%arg11 : memref<!tpu.dma_semaphore, #tpu.memory_space<semaphore_mem>>)
    %mul3A_21 = arith.constant 20 : i32
    %mul3A_22 = arith.muli %add3A, %mul3A_21 : i32
    %dma_start3A_23 = arith.constant 1 : i32
    %dma_start3A_24 = arith.constant 0 : i32
    %dma_start3A_25 = arith.constant 0 : i32
    %dma_start3A_26 = tpu.memref_slice %arg3[%dma_start3A_23, %dma_start3A_24, %dma_start3A_25] : memref<2x640x500xi32, #tpu.memory_space<hbm>> -> memref<1x640x500xi32, #tpu.memory_space<hbm>>
    %dma_start3A_27 = tpu.memref_squeeze %dma_start3A_26 : memref<1x640x500xi32, #tpu.memory_space<hbm>> -> memref<640x500xi32, #tpu.memory_space<hbm>>
    %dma_start3A_28 = arith.constant 0 : i32
    %dma_start3A_29 = tpu.memref_slice %dma_start3A_27[%mul3A_22, %dma_start3A_28] : memref<640x500xi32, #tpu.memory_space<hbm>> -> memref<20x500xi32, #tpu.memory_space<hbm>>
    %dma_start3A_30 = arith.constant 0 : i32
    %dma_start3A_31 = arith.constant 0 : i32
    %dma_start3A_32 = tpu.memref_slice %arg3[%dma_start3A_23, %dma_start3A_30, %dma_start3A_31] : memref<2x640x500xi32, #tpu.memory_space<hbm>> -> memref<1x640x500xi32, #tpu.memory_space<hbm>>
    %dma_start3A_33 = tpu.memref_squeeze %dma_start3A_32 : memref<1x640x500xi32, #tpu.memory_space<hbm>> -> memref<640x500xi32, #tpu.memory_space<hbm>>
    %dma_start3A_34 = arith.constant 0 : i32
    %dma_start3A_35 = tpu.memref_slice %dma_start3A_33[%mul3A_22, %dma_start3A_34] : memref<640x500xi32, #tpu.memory_space<hbm>> -> memref<20x500xi32, #tpu.memory_space<hbm>>
    tpu.enqueue_dma source(%dma_start3A_35 : memref<20x500xi32, #tpu.memory_space<hbm>>) target(%arg6 : memref<20x500xi32, #tpu.memory_space<vmem>>) target_semaphore(%arg11 : memref<!tpu.dma_semaphore, #tpu.memory_space<semaphore_mem>>)
    %dma_wait3A = arith.constant 0 : i32
    %dma_wait3A_36 = arith.constant 0 : i32
    %dma_wait3A_37 = tpu.memref_slice %arg2[%dma_wait3A, %dma_wait3A_36] : memref<10240x16xf32, #tpu.memory_space<hbm>> -> memref<640x16xf32, #tpu.memory_space<hbm>>
    %dma_wait3A_38 = arith.constant 0 : i32
    %dma_wait3A_39 = arith.constant 0 : i32
    %dma_wait3A_40 = tpu.memref_slice %arg2[%dma_wait3A_38, %dma_wait3A_39] : memref<10240x16xf32, #tpu.memory_space<hbm>> -> memref<640x16xf32, #tpu.memory_space<hbm>>
    tpu.wait_dma2 semaphore(%arg11 : memref<!tpu.dma_semaphore, #tpu.memory_space<semaphore_mem>>) src(%dma_wait3A_40 : memref<640x16xf32, #tpu.memory_space<hbm>>) dst(%arg8 : memref<640x16xf32, #tpu.memory_space<vmem>>)
    %dma_wait3A_41 = arith.constant 0 : i32
    %dma_wait3A_42 = arith.constant 0 : i32
    %dma_wait3A_43 = arith.constant 0 : i32
    %dma_wait3A_44 = tpu.memref_slice %arg3[%dma_wait3A_41, %dma_wait3A_42, %dma_wait3A_43] : memref<2x640x500xi32, #tpu.memory_space<hbm>> -> memref<1x640x500xi32, #tpu.memory_space<hbm>>
    %dma_wait3A_45 = tpu.memref_squeeze %dma_wait3A_44 : memref<1x640x500xi32, #tpu.memory_space<hbm>> -> memref<640x500xi32, #tpu.memory_space<hbm>>
    %dma_wait3A_46 = arith.constant 0 : i32
    %dma_wait3A_47 = arith.constant 0 : i32
    %dma_wait3A_48 = tpu.memref_slice %dma_wait3A_45[%dma_wait3A_46, %dma_wait3A_47] : memref<640x500xi32, #tpu.memory_space<hbm>> -> memref<20x500xi32, #tpu.memory_space<hbm>>
    %dma_wait3A_49 = arith.constant 0 : i32
    %dma_wait3A_50 = arith.constant 0 : i32
    %dma_wait3A_51 = tpu.memref_slice %arg3[%dma_wait3A_41, %dma_wait3A_49, %dma_wait3A_50] : memref<2x640x500xi32, #tpu.memory_space<hbm>> -> memref<1x640x500xi32, #tpu.memory_space<hbm>>
    %dma_wait3A_52 = tpu.memref_squeeze %dma_wait3A_51 : memref<1x640x500xi32, #tpu.memory_space<hbm>> -> memref<640x500xi32, #tpu.memory_space<hbm>>
    %dma_wait3A_53 = arith.constant 0 : i32
    %dma_wait3A_54 = arith.constant 0 : i32
    %dma_wait3A_55 = tpu.memref_slice %dma_wait3A_52[%dma_wait3A_53, %dma_wait3A_54] : memref<640x500xi32, #tpu.memory_space<hbm>> -> memref<20x500xi32, #tpu.memory_space<hbm>>
    tpu.wait_dma2 semaphore(%arg11 : memref<!tpu.dma_semaphore, #tpu.memory_space<semaphore_mem>>) src(%dma_wait3A_55 : memref<20x500xi32, #tpu.memory_space<hbm>>) dst(%arg5 : memref<20x500xi32, #tpu.memory_space<vmem>>)
    %dma_wait3A_56 = arith.constant 1 : i32
    %dma_wait3A_57 = arith.constant 0 : i32
    %dma_wait3A_58 = arith.constant 0 : i32
    %dma_wait3A_59 = tpu.memref_slice %arg3[%dma_wait3A_56, %dma_wait3A_57, %dma_wait3A_58] : memref<2x640x500xi32, #tpu.memory_space<hbm>> -> memref<1x640x500xi32, #tpu.memory_space<hbm>>
    %dma_wait3A_60 = tpu.memref_squeeze %dma_wait3A_59 : memref<1x640x500xi32, #tpu.memory_space<hbm>> -> memref<640x500xi32, #tpu.memory_space<hbm>>
    %dma_wait3A_61 = arith.constant 0 : i32
    %dma_wait3A_62 = arith.constant 0 : i32
    %dma_wait3A_63 = tpu.memref_slice %dma_wait3A_60[%dma_wait3A_61, %dma_wait3A_62] : memref<640x500xi32, #tpu.memory_space<hbm>> -> memref<20x500xi32, #tpu.memory_space<hbm>>
    %dma_wait3A_64 = arith.constant 0 : i32
    %dma_wait3A_65 = arith.constant 0 : i32
    %dma_wait3A_66 = tpu.memref_slice %arg3[%dma_wait3A_56, %dma_wait3A_64, %dma_wait3A_65] : memref<2x640x500xi32, #tpu.memory_space<hbm>> -> memref<1x640x500xi32, #tpu.memory_space<hbm>>
    %dma_wait3A_67 = tpu.memref_squeeze %dma_wait3A_66 : memref<1x640x500xi32, #tpu.memory_space<hbm>> -> memref<640x500xi32, #tpu.memory_space<hbm>>
    %dma_wait3A_68 = arith.constant 0 : i32
    %dma_wait3A_69 = arith.constant 0 : i32
    %dma_wait3A_70 = tpu.memref_slice %dma_wait3A_67[%dma_wait3A_68, %dma_wait3A_69] : memref<640x500xi32, #tpu.memory_space<hbm>> -> memref<20x500xi32, #tpu.memory_space<hbm>>
    tpu.wait_dma2 semaphore(%arg11 : memref<!tpu.dma_semaphore, #tpu.memory_space<semaphore_mem>>) src(%dma_wait3A_70 : memref<20x500xi32, #tpu.memory_space<hbm>>) dst(%arg6 : memref<20x500xi32, #tpu.memory_space<vmem>>)
    %mul3A_71 = arith.constant 640 : i32
    %mul3A_72 = arith.muli %arg1, %mul3A_71 : i32
    "tpu.region"() ({
      %run_scoped3A = tpu.sem_alloc : memref<!tpu.dma_semaphore, #tpu.memory_space<semaphore_mem>>
      %dma_start3A_1040 = arith.constant 0 : i32
      %dma_start3A_1041 = tpu.memref_slice %arg9[%mul3A_72, %dma_start3A_1040] : memref<10240x16xf32, #tpu.memory_space<vmem_shared>> -> memref<640x16xf32, #tpu.memory_space<vmem_shared>>
      %dma_start3A_1042 = arith.constant 0 : i32
      %dma_start3A_1043 = tpu.memref_slice %arg9[%mul3A_72, %dma_start3A_1042] : memref<10240x16xf32, #tpu.memory_space<vmem_shared>> -> memref<640x16xf32, #tpu.memory_space<vmem_shared>>
      tpu.enqueue_dma source(%arg8 : memref<640x16xf32, #tpu.memory_space<vmem>>) target(%dma_start3A_1043 : memref<640x16xf32, #tpu.memory_space<vmem_shared>>) target_semaphore(%run_scoped3A : memref<!tpu.dma_semaphore, #tpu.memory_space<semaphore_mem>>)
      %dma_wait3A_1044 = arith.constant 0 : i32
      %dma_wait3A_1045 = tpu.memref_slice %arg9[%mul3A_72, %dma_wait3A_1044] : memref<10240x16xf32, #tpu.memory_space<vmem_shared>> -> memref<640x16xf32, #tpu.memory_space<vmem_shared>>
      %dma_wait3A_1046 = arith.constant 0 : i32
      %dma_wait3A_1047 = tpu.memref_slice %arg9[%mul3A_72, %dma_wait3A_1046] : memref<10240x16xf32, #tpu.memory_space<vmem_shared>> -> memref<640x16xf32, #tpu.memory_space<vmem_shared>>
      tpu.wait_dma2 semaphore(%run_scoped3A : memref<!tpu.dma_semaphore, #tpu.memory_space<semaphore_mem>>) src(%arg8 : memref<640x16xf32, #tpu.memory_space<vmem>>) dst(%dma_wait3A_1047 : memref<640x16xf32, #tpu.memory_space<vmem_shared>>)
      tpu.yield
    }) : () -> ()
    %mul3A_73 = arith.constant 640 : i32
    %mul3A_74 = arith.muli %arg1, %mul3A_73 : i32
    "tpu.region"() ({
      %run_scoped3A = tpu.sem_alloc : memref<!tpu.dma_semaphore, #tpu.memory_space<semaphore_mem>>
      %dma_start3A_1040 = arith.constant 0 : i32
      %dma_start3A_1041 = tpu.memref_slice %arg10[%mul3A_74, %dma_start3A_1040] : memref<10240x16xf32, #tpu.memory_space<vmem_shared>> -> memref<640x16xf32, #tpu.memory_space<vmem_shared>>
      %dma_start3A_1042 = arith.constant 0 : i32
      %dma_start3A_1043 = tpu.memref_slice %arg10[%mul3A_74, %dma_start3A_1042] : memref<10240x16xf32, #tpu.memory_space<vmem_shared>> -> memref<640x16xf32, #tpu.memory_space<vmem_shared>>
      tpu.enqueue_dma source(%arg8 : memref<640x16xf32, #tpu.memory_space<vmem>>) target(%dma_start3A_1043 : memref<640x16xf32, #tpu.memory_space<vmem_shared>>) target_semaphore(%run_scoped3A : memref<!tpu.dma_semaphore, #tpu.memory_space<semaphore_mem>>)
      %dma_wait3A_1044 = arith.constant 0 : i32
      %dma_wait3A_1045 = tpu.memref_slice %arg10[%mul3A_74, %dma_wait3A_1044] : memref<10240x16xf32, #tpu.memory_space<vmem_shared>> -> memref<640x16xf32, #tpu.memory_space<vmem_shared>>
      %dma_wait3A_1046 = arith.constant 0 : i32
      %dma_wait3A_1047 = tpu.memref_slice %arg10[%mul3A_74, %dma_wait3A_1046] : memref<10240x16xf32, #tpu.memory_space<vmem_shared>> -> memref<640x16xf32, #tpu.memory_space<vmem_shared>>
      tpu.wait_dma2 semaphore(%run_scoped3A : memref<!tpu.dma_semaphore, #tpu.memory_space<semaphore_mem>>) src(%arg8 : memref<640x16xf32, #tpu.memory_space<vmem>>) dst(%dma_wait3A_1047 : memref<640x16xf32, #tpu.memory_space<vmem_shared>>)
      tpu.yield
    }) : () -> ()
    %barrier3A = arith.constant 0 : index
    tpu.barrier barrier_id(%barrier3A)
    %dma_start3A_75 = arith.constant 0 : i32
    %dma_start3A_76 = arith.constant 0 : i32
    %dma_start3A_77 = arith.constant 0 : i32
    %dma_start3A_78 = arith.constant 0 : i32
    %dma_start3A_79 = tpu.memref_slice %arg7[%dma_start3A_76, %dma_start3A_77, %dma_start3A_78] : memref<6x500x16xf32, #tpu.memory_space<vmem>> -> memref<1x500x16xf32, #tpu.memory_space<vmem>>
    %dma_start3A_80 = tpu.memref_squeeze %dma_start3A_79 : memref<1x500x16xf32, #tpu.memory_space<vmem>> -> memref<500x16xf32, #tpu.memory_space<vmem>>
    %dma_start3A_81 = arith.constant 0 : i32
    %dma_start3A_82 = tpu.memref_slice %arg5[%dma_start3A_75, %dma_start3A_81] : memref<20x500xi32, #tpu.memory_space<vmem>> -> memref<1x500xi32, #tpu.memory_space<vmem>>
    %dma_start3A_83 = tpu.memref_squeeze %dma_start3A_82 : memref<1x500xi32, #tpu.memory_space<vmem>> -> memref<500xi32, #tpu.memory_space<vmem>>
    %dma_start3A_84 = arith.constant 0 : i32
    %dma_start3A_85 = arith.constant 0 : i32
    %dma_start3A_86 = tpu.memref_slice %arg10[%dma_start3A_84, %dma_start3A_85] : memref<10240x16xf32, #tpu.memory_space<vmem_shared>> -> memref<10240x16xf32, #tpu.memory_space<vmem_shared>>
    tpu.enqueue_indirect_dma source(%dma_start3A_86 : memref<10240x16xf32, #tpu.memory_space<vmem_shared>>) target(%dma_start3A_80 : memref<500x16xf32, #tpu.memory_space<vmem>>) offsets(%dma_start3A_83 : memref<500xi32, #tpu.memory_space<vmem>>) semaphore(%arg11 : memref<!tpu.dma_semaphore, #tpu.memory_space<semaphore_mem>>)
    %dma_start3A_87 = arith.constant 1 : i32
    %dma_start3A_88 = arith.constant 1 : i32
    %dma_start3A_89 = arith.constant 0 : i32
    %dma_start3A_90 = arith.constant 0 : i32
    %dma_start3A_91 = tpu.memref_slice %arg7[%dma_start3A_88, %dma_start3A_89, %dma_start3A_90] : memref<6x500x16xf32, #tpu.memory_space<vmem>> -> memref<1x500x16xf32, #tpu.memory_space<vmem>>
    %dma_start3A_92 = tpu.memref_squeeze %dma_start3A_91 : memref<1x500x16xf32, #tpu.memory_space<vmem>> -> memref<500x16xf32, #tpu.memory_space<vmem>>
    %dma_start3A_93 = arith.constant 0 : i32
    %dma_start3A_94 = tpu.memref_slice %arg5[%dma_start3A_87, %dma_start3A_93] : memref<20x500xi32, #tpu.memory_space<vmem>> -> memref<1x500xi32, #tpu.memory_space<vmem>>
    %dma_start3A_95 = tpu.memref_squeeze %dma_start3A_94 : memref<1x500xi32, #tpu.memory_space<vmem>> -> memref<500xi32, #tpu.memory_space<vmem>>
    %dma_start3A_96 = arith.constant 0 : i32
    %dma_start3A_97 = arith.constant 0 : i32
    %dma_start3A_98 = tpu.memref_slice %arg10[%dma_start3A_96, %dma_start3A_97] : memref<10240x16xf32, #tpu.memory_space<vmem_shared>> -> memref<10240x16xf32, #tpu.memory_space<vmem_shared>>
    tpu.enqueue_indirect_dma source(%dma_start3A_98 : memref<10240x16xf32, #tpu.memory_space<vmem_shared>>) target(%dma_start3A_92 : memref<500x16xf32, #tpu.memory_space<vmem>>) offsets(%dma_start3A_95 : memref<500xi32, #tpu.memory_space<vmem>>) semaphore(%arg11 : memref<!tpu.dma_semaphore, #tpu.memory_space<semaphore_mem>>)
    %dma_wait3A_99 = arith.constant 0 : i32
    %dma_wait3A_100 = arith.constant 0 : i32
    %dma_wait3A_101 = arith.constant 0 : i32
    %dma_wait3A_102 = arith.constant 0 : i32
    %dma_wait3A_103 = tpu.memref_slice %arg7[%dma_wait3A_100, %dma_wait3A_101, %dma_wait3A_102] : memref<6x500x16xf32, #tpu.memory_space<vmem>> -> memref<1x500x16xf32, #tpu.memory_space<vmem>>
    %dma_wait3A_104 = tpu.memref_squeeze %dma_wait3A_103 : memref<1x500x16xf32, #tpu.memory_space<vmem>> -> memref<500x16xf32, #tpu.memory_space<vmem>>
    %dma_wait3A_105 = arith.constant 0 : i32
    %dma_wait3A_106 = tpu.memref_slice %arg5[%dma_wait3A_99, %dma_wait3A_105] : memref<20x500xi32, #tpu.memory_space<vmem>> -> memref<1x500xi32, #tpu.memory_space<vmem>>
    %dma_wait3A_107 = tpu.memref_squeeze %dma_wait3A_106 : memref<1x500xi32, #tpu.memory_space<vmem>> -> memref<500xi32, #tpu.memory_space<vmem>>
    %dma_wait3A_108 = arith.constant 0 : i32
    %dma_wait3A_109 = arith.constant 0 : i32
    %dma_wait3A_110 = tpu.memref_slice %arg10[%dma_wait3A_108, %dma_wait3A_109] : memref<10240x16xf32, #tpu.memory_space<vmem_shared>> -> memref<10240x16xf32, #tpu.memory_space<vmem_shared>>
    tpu.wait_indirect_dma semaphore(%arg11 : memref<!tpu.dma_semaphore, #tpu.memory_space<semaphore_mem>>) src(%dma_wait3A_110 : memref<10240x16xf32, #tpu.memory_space<vmem_shared>>) dst(%dma_wait3A_104 : memref<500x16xf32, #tpu.memory_space<vmem>>)
    %dma_start3A_111 = arith.constant 0 : i32
    %dma_start3A_112 = arith.constant 0 : i32
    %dma_start3A_113 = arith.constant 0 : i32
    %dma_start3A_114 = arith.constant 0 : i32
    %dma_start3A_115 = tpu.memref_slice %arg7[%dma_start3A_111, %dma_start3A_113, %dma_start3A_114] : memref<6x500x16xf32, #tpu.memory_space<vmem>> -> memref<1x500x16xf32, #tpu.memory_space<vmem>>
    %dma_start3A_116 = tpu.memref_squeeze %dma_start3A_115 : memref<1x500x16xf32, #tpu.memory_space<vmem>> -> memref<500x16xf32, #tpu.memory_space<vmem>>
    %dma_start3A_117 = arith.constant 0 : i32
    %dma_start3A_118 = tpu.memref_slice %arg6[%dma_start3A_112, %dma_start3A_117] : memref<20x500xi32, #tpu.memory_space<vmem>> -> memref<1x500xi32, #tpu.memory_space<vmem>>
    %dma_start3A_119 = tpu.memref_squeeze %dma_start3A_118 : memref<1x500xi32, #tpu.memory_space<vmem>> -> memref<500xi32, #tpu.memory_space<vmem>>
    %dma_start3A_120 = arith.constant 0 : i32
    %dma_start3A_121 = arith.constant 0 : i32
    %dma_start3A_122 = tpu.memref_slice %arg9[%dma_start3A_120, %dma_start3A_121] : memref<10240x16xf32, #tpu.memory_space<vmem_shared>> -> memref<10240x16xf32, #tpu.memory_space<vmem_shared>>
    tpu.enqueue_indirect_dma source(%dma_start3A_116 : memref<500x16xf32, #tpu.memory_space<vmem>>) target(%dma_start3A_122 : memref<10240x16xf32, #tpu.memory_space<vmem_shared>>) offsets(%dma_start3A_119 : memref<500xi32, #tpu.memory_space<vmem>>) semaphore(%arg12 : memref<!tpu.dma_semaphore, #tpu.memory_space<semaphore_mem>>) {add = true}
    %dma_start3A_123 = arith.constant 2 : i32
    %dma_start3A_124 = arith.constant 2 : i32
    %dma_start3A_125 = arith.constant 0 : i32
    %dma_start3A_126 = arith.constant 0 : i32
    %dma_start3A_127 = tpu.memref_slice %arg7[%dma_start3A_124, %dma_start3A_125, %dma_start3A_126] : memref<6x500x16xf32, #tpu.memory_space<vmem>> -> memref<1x500x16xf32, #tpu.memory_space<vmem>>
    %dma_start3A_128 = tpu.memref_squeeze %dma_start3A_127 : memref<1x500x16xf32, #tpu.memory_space<vmem>> -> memref<500x16xf32, #tpu.memory_space<vmem>>
    %dma_start3A_129 = arith.constant 0 : i32
    %dma_start3A_130 = tpu.memref_slice %arg5[%dma_start3A_123, %dma_start3A_129] : memref<20x500xi32, #tpu.memory_space<vmem>> -> memref<1x500xi32, #tpu.memory_space<vmem>>
    %dma_start3A_131 = tpu.memref_squeeze %dma_start3A_130 : memref<1x500xi32, #tpu.memory_space<vmem>> -> memref<500xi32, #tpu.memory_space<vmem>>
    %dma_start3A_132 = arith.constant 0 : i32
    %dma_start3A_133 = arith.constant 0 : i32
    %dma_start3A_134 = tpu.memref_slice %arg10[%dma_start3A_132, %dma_start3A_133] : memref<10240x16xf32, #tpu.memory_space<vmem_shared>> -> memref<10240x16xf32, #tpu.memory_space<vmem_shared>>
    tpu.enqueue_indirect_dma source(%dma_start3A_134 : memref<10240x16xf32, #tpu.memory_space<vmem_shared>>) target(%dma_start3A_128 : memref<500x16xf32, #tpu.memory_space<vmem>>) offsets(%dma_start3A_131 : memref<500xi32, #tpu.memory_space<vmem>>) semaphore(%arg11 : memref<!tpu.dma_semaphore, #tpu.memory_space<semaphore_mem>>)
    %dma_wait3A_135 = arith.constant 0 : i32
    %dma_wait3A_136 = arith.constant 0 : i32
    %dma_wait3A_137 = arith.constant 0 : i32
    %dma_wait3A_138 = arith.constant 0 : i32
    %dma_wait3A_139 = tpu.memref_slice %arg7[%dma_wait3A_136, %dma_wait3A_137, %dma_wait3A_138] : memref<6x500x16xf32, #tpu.memory_space<vmem>> -> memref<1x500x16xf32, #tpu.memory_space<vmem>>
    %dma_wait3A_140 = tpu.memref_squeeze %dma_wait3A_139 : memref<1x500x16xf32, #tpu.memory_space<vmem>> -> memref<500x16xf32, #tpu.memory_space<vmem>>
    %dma_wait3A_141 = arith.constant 0 : i32
    %dma_wait3A_142 = tpu.memref_slice %arg5[%dma_wait3A_135, %dma_wait3A_141] : memref<20x500xi32, #tpu.memory_space<vmem>> -> memref<1x500xi32, #tpu.memory_space<vmem>>
    %dma_wait3A_143 = tpu.memref_squeeze %dma_wait3A_142 : memref<1x500xi32, #tpu.memory_space<vmem>> -> memref<500xi32, #tpu.memory_space<vmem>>
    %dma_wait3A_144 = arith.constant 0 : i32
    %dma_wait3A_145 = arith.constant 0 : i32
    %dma_wait3A_146 = tpu.memref_slice %arg10[%dma_wait3A_144, %dma_wait3A_145] : memref<10240x16xf32, #tpu.memory_space<vmem_shared>> -> memref<10240x16xf32, #tpu.memory_space<vmem_shared>>
    tpu.wait_indirect_dma semaphore(%arg11 : memref<!tpu.dma_semaphore, #tpu.memory_space<semaphore_mem>>) src(%dma_wait3A_146 : memref<10240x16xf32, #tpu.memory_space<vmem_shared>>) dst(%dma_wait3A_140 : memref<500x16xf32, #tpu.memory_space<vmem>>)
    %dma_start3A_147 = arith.constant 1 : i32
    %dma_start3A_148 = arith.constant 1 : i32
    %dma_start3A_149 = arith.constant 0 : i32
    %dma_start3A_150 = arith.constant 0 : i32
    %dma_start3A_151 = tpu.memref_slice %arg7[%dma_start3A_147, %dma_start3A_149, %dma_start3A_150] : memref<6x500x16xf32, #tpu.memory_space<vmem>> -> memref<1x500x16xf32, #tpu.memory_space<vmem>>
    %dma_start3A_152 = tpu.memref_squeeze %dma_start3A_151 : memref<1x500x16xf32, #tpu.memory_space<vmem>> -> memref<500x16xf32, #tpu.memory_space<vmem>>
    %dma_start3A_153 = arith.constant 0 : i32
    %dma_start3A_154 = tpu.memref_slice %arg6[%dma_start3A_148, %dma_start3A_153] : memref<20x500xi32, #tpu.memory_space<vmem>> -> memref<1x500xi32, #tpu.memory_space<vmem>>
    %dma_start3A_155 = tpu.memref_squeeze %dma_start3A_154 : memref<1x500xi32, #tpu.memory_space<vmem>> -> memref<500xi32, #tpu.memory_space<vmem>>
    %dma_start3A_156 = arith.constant 0 : i32
    %dma_start3A_157 = arith.constant 0 : i32
    %dma_start3A_158 = tpu.memref_slice %arg9[%dma_start3A_156, %dma_start3A_157] : memref<10240x16xf32, #tpu.memory_space<vmem_shared>> -> memref<10240x16xf32, #tpu.memory_space<vmem_shared>>
    tpu.enqueue_indirect_dma source(%dma_start3A_152 : memref<500x16xf32, #tpu.memory_space<vmem>>) target(%dma_start3A_158 : memref<10240x16xf32, #tpu.memory_space<vmem_shared>>) offsets(%dma_start3A_155 : memref<500xi32, #tpu.memory_space<vmem>>) semaphore(%arg12 : memref<!tpu.dma_semaphore, #tpu.memory_space<semaphore_mem>>) {add = true}
    %dma_start3A_159 = arith.constant 3 : i32
    %dma_start3A_160 = arith.constant 3 : i32
    %dma_start3A_161 = arith.constant 0 : i32
    %dma_start3A_162 = arith.constant 0 : i32
    %dma_start3A_163 = tpu.memref_slice %arg7[%dma_start3A_160, %dma_start3A_161, %dma_start3A_162] : memref<6x500x16xf32, #tpu.memory_space<vmem>> -> memref<1x500x16xf32, #tpu.memory_space<vmem>>
    %dma_start3A_164 = tpu.memref_squeeze %dma_start3A_163 : memref<1x500x16xf32, #tpu.memory_space<vmem>> -> memref<500x16xf32, #tpu.memory_space<vmem>>
    %dma_start3A_165 = arith.constant 0 : i32
    %dma_start3A_166 = tpu.memref_slice %arg5[%dma_start3A_159, %dma_start3A_165] : memref<20x500xi32, #tpu.memory_space<vmem>> -> memref<1x500xi32, #tpu.memory_space<vmem>>
    %dma_start3A_167 = tpu.memref_squeeze %dma_start3A_166 : memref<1x500xi32, #tpu.memory_space<vmem>> -> memref<500xi32, #tpu.memory_space<vmem>>
    %dma_start3A_168 = arith.constant 0 : i32
    %dma_start3A_169 = arith.constant 0 : i32
    %dma_start3A_170 = tpu.memref_slice %arg10[%dma_start3A_168, %dma_start3A_169] : memref<10240x16xf32, #tpu.memory_space<vmem_shared>> -> memref<10240x16xf32, #tpu.memory_space<vmem_shared>>
    tpu.enqueue_indirect_dma source(%dma_start3A_170 : memref<10240x16xf32, #tpu.memory_space<vmem_shared>>) target(%dma_start3A_164 : memref<500x16xf32, #tpu.memory_space<vmem>>) offsets(%dma_start3A_167 : memref<500xi32, #tpu.memory_space<vmem>>) semaphore(%arg11 : memref<!tpu.dma_semaphore, #tpu.memory_space<semaphore_mem>>)
    %dma_wait3A_171 = arith.constant 0 : i32
    %dma_wait3A_172 = arith.constant 0 : i32
    %dma_wait3A_173 = arith.constant 0 : i32
    %dma_wait3A_174 = arith.constant 0 : i32
    %dma_wait3A_175 = tpu.memref_slice %arg7[%dma_wait3A_172, %dma_wait3A_173, %dma_wait3A_174] : memref<6x500x16xf32, #tpu.memory_space<vmem>> -> memref<1x500x16xf32, #tpu.memory_space<vmem>>
    %dma_wait3A_176 = tpu.memref_squeeze %dma_wait3A_175 : memref<1x500x16xf32, #tpu.memory_space<vmem>> -> memref<500x16xf32, #tpu.memory_space<vmem>>
    %dma_wait3A_177 = arith.constant 0 : i32
    %dma_wait3A_178 = tpu.memref_slice %arg5[%dma_wait3A_171, %dma_wait3A_177] : memref<20x500xi32, #tpu.memory_space<vmem>> -> memref<1x500xi32, #tpu.memory_space<vmem>>
    %dma_wait3A_179 = tpu.memref_squeeze %dma_wait3A_178 : memref<1x500xi32, #tpu.memory_space<vmem>> -> memref<500xi32, #tpu.memory_space<vmem>>
    %dma_wait3A_180 = arith.constant 0 : i32
    %dma_wait3A_181 = arith.constant 0 : i32
    %dma_wait3A_182 = tpu.memref_slice %arg10[%dma_wait3A_180, %dma_wait3A_181] : memref<10240x16xf32, #tpu.memory_space<vmem_shared>> -> memref<10240x16xf32, #tpu.memory_space<vmem_shared>>
    tpu.wait_indirect_dma semaphore(%arg11 : memref<!tpu.dma_semaphore, #tpu.memory_space<semaphore_mem>>) src(%dma_wait3A_182 : memref<10240x16xf32, #tpu.memory_space<vmem_shared>>) dst(%dma_wait3A_176 : memref<500x16xf32, #tpu.memory_space<vmem>>)
    %dma_start3A_183 = arith.constant 2 : i32
    %dma_start3A_184 = arith.constant 2 : i32
    %dma_start3A_185 = arith.constant 0 : i32
    %dma_start3A_186 = arith.constant 0 : i32
    %dma_start3A_187 = tpu.memref_slice %arg7[%dma_start3A_183, %dma_start3A_185, %dma_start3A_186] : memref<6x500x16xf32, #tpu.memory_space<vmem>> -> memref<1x500x16xf32, #tpu.memory_space<vmem>>
    %dma_start3A_188 = tpu.memref_squeeze %dma_start3A_187 : memref<1x500x16xf32, #tpu.memory_space<vmem>> -> memref<500x16xf32, #tpu.memory_space<vmem>>
    %dma_start3A_189 = arith.constant 0 : i32
    %dma_start3A_190 = tpu.memref_slice %arg6[%dma_start3A_184, %dma_start3A_189] : memref<20x500xi32, #tpu.memory_space<vmem>> -> memref<1x500xi32, #tpu.memory_space<vmem>>
    %dma_start3A_191 = tpu.memref_squeeze %dma_start3A_190 : memref<1x500xi32, #tpu.memory_space<vmem>> -> memref<500xi32, #tpu.memory_space<vmem>>
    %dma_start3A_192 = arith.constant 0 : i32
    %dma_start3A_193 = arith.constant 0 : i32
    %dma_start3A_194 = tpu.memref_slice %arg9[%dma_start3A_192, %dma_start3A_193] : memref<10240x16xf32, #tpu.memory_space<vmem_shared>> -> memref<10240x16xf32, #tpu.memory_space<vmem_shared>>
    tpu.enqueue_indirect_dma source(%dma_start3A_188 : memref<500x16xf32, #tpu.memory_space<vmem>>) target(%dma_start3A_194 : memref<10240x16xf32, #tpu.memory_space<vmem_shared>>) offsets(%dma_start3A_191 : memref<500xi32, #tpu.memory_space<vmem>>) semaphore(%arg12 : memref<!tpu.dma_semaphore, #tpu.memory_space<semaphore_mem>>) {add = true}
    %dma_start3A_195 = arith.constant 4 : i32
    %dma_start3A_196 = arith.constant 4 : i32
    %dma_start3A_197 = arith.constant 0 : i32
    %dma_start3A_198 = arith.constant 0 : i32
    %dma_start3A_199 = tpu.memref_slice %arg7[%dma_start3A_196, %dma_start3A_197, %dma_start3A_198] : memref<6x500x16xf32, #tpu.memory_space<vmem>> -> memref<1x500x16xf32, #tpu.memory_space<vmem>>
    %dma_start3A_200 = tpu.memref_squeeze %dma_start3A_199 : memref<1x500x16xf32, #tpu.memory_space<vmem>> -> memref<500x16xf32, #tpu.memory_space<vmem>>
    %dma_start3A_201 = arith.constant 0 : i32
    %dma_start3A_202 = tpu.memref_slice %arg5[%dma_start3A_195, %dma_start3A_201] : memref<20x500xi32, #tpu.memory_space<vmem>> -> memref<1x500xi32, #tpu.memory_space<vmem>>
    %dma_start3A_203 = tpu.memref_squeeze %dma_start3A_202 : memref<1x500xi32, #tpu.memory_space<vmem>> -> memref<500xi32, #tpu.memory_space<vmem>>
    %dma_start3A_204 = arith.constant 0 : i32
    %dma_start3A_205 = arith.constant 0 : i32
    %dma_start3A_206 = tpu.memref_slice %arg10[%dma_start3A_204, %dma_start3A_205] : memref<10240x16xf32, #tpu.memory_space<vmem_shared>> -> memref<10240x16xf32, #tpu.memory_space<vmem_shared>>
    tpu.enqueue_indirect_dma source(%dma_start3A_206 : memref<10240x16xf32, #tpu.memory_space<vmem_shared>>) target(%dma_start3A_200 : memref<500x16xf32, #tpu.memory_space<vmem>>) offsets(%dma_start3A_203 : memref<500xi32, #tpu.memory_space<vmem>>) semaphore(%arg11 : memref<!tpu.dma_semaphore, #tpu.memory_space<semaphore_mem>>)
    %dma_wait3A_207 = arith.constant 0 : i32
    %dma_wait3A_208 = arith.constant 0 : i32
    %dma_wait3A_209 = arith.constant 0 : i32
    %dma_wait3A_210 = arith.constant 0 : i32
    %dma_wait3A_211 = tpu.memref_slice %arg7[%dma_wait3A_208, %dma_wait3A_209, %dma_wait3A_210] : memref<6x500x16xf32, #tpu.memory_space<vmem>> -> memref<1x500x16xf32, #tpu.memory_space<vmem>>
    %dma_wait3A_212 = tpu.memref_squeeze %dma_wait3A_211 : memref<1x500x16xf32, #tpu.memory_space<vmem>> -> memref<500x16xf32, #tpu.memory_space<vmem>>
    %dma_wait3A_213 = arith.constant 0 : i32
    %dma_wait3A_214 = tpu.memref_slice %arg5[%dma_wait3A_207, %dma_wait3A_213] : memref<20x500xi32, #tpu.memory_space<vmem>> -> memref<1x500xi32, #tpu.memory_space<vmem>>
    %dma_wait3A_215 = tpu.memref_squeeze %dma_wait3A_214 : memref<1x500xi32, #tpu.memory_space<vmem>> -> memref<500xi32, #tpu.memory_space<vmem>>
    %dma_wait3A_216 = arith.constant 0 : i32
    %dma_wait3A_217 = arith.constant 0 : i32
    %dma_wait3A_218 = tpu.memref_slice %arg10[%dma_wait3A_216, %dma_wait3A_217] : memref<10240x16xf32, #tpu.memory_space<vmem_shared>> -> memref<10240x16xf32, #tpu.memory_space<vmem_shared>>
    tpu.wait_indirect_dma semaphore(%arg11 : memref<!tpu.dma_semaphore, #tpu.memory_space<semaphore_mem>>) src(%dma_wait3A_218 : memref<10240x16xf32, #tpu.memory_space<vmem_shared>>) dst(%dma_wait3A_212 : memref<500x16xf32, #tpu.memory_space<vmem>>)
    %dma_start3A_219 = arith.constant 3 : i32
    %dma_start3A_220 = arith.constant 3 : i32
    %dma_start3A_221 = arith.constant 0 : i32
    %dma_start3A_222 = arith.constant 0 : i32
    %dma_start3A_223 = tpu.memref_slice %arg7[%dma_start3A_219, %dma_start3A_221, %dma_start3A_222] : memref<6x500x16xf32, #tpu.memory_space<vmem>> -> memref<1x500x16xf32, #tpu.memory_space<vmem>>
    %dma_start3A_224 = tpu.memref_squeeze %dma_start3A_223 : memref<1x500x16xf32, #tpu.memory_space<vmem>> -> memref<500x16xf32, #tpu.memory_space<vmem>>
    %dma_start3A_225 = arith.constant 0 : i32
    %dma_start3A_226 = tpu.memref_slice %arg6[%dma_start3A_220, %dma_start3A_225] : memref<20x500xi32, #tpu.memory_space<vmem>> -> memref<1x500xi32, #tpu.memory_space<vmem>>
    %dma_start3A_227 = tpu.memref_squeeze %dma_start3A_226 : memref<1x500xi32, #tpu.memory_space<vmem>> -> memref<500xi32, #tpu.memory_space<vmem>>
    %dma_start3A_228 = arith.constant 0 : i32
    %dma_start3A_229 = arith.constant 0 : i32
    %dma_start3A_230 = tpu.memref_slice %arg9[%dma_start3A_228, %dma_start3A_229] : memref<10240x16xf32, #tpu.memory_space<vmem_shared>> -> memref<10240x16xf32, #tpu.memory_space<vmem_shared>>
    tpu.enqueue_indirect_dma source(%dma_start3A_224 : memref<500x16xf32, #tpu.memory_space<vmem>>) target(%dma_start3A_230 : memref<10240x16xf32, #tpu.memory_space<vmem_shared>>) offsets(%dma_start3A_227 : memref<500xi32, #tpu.memory_space<vmem>>) semaphore(%arg12 : memref<!tpu.dma_semaphore, #tpu.memory_space<semaphore_mem>>) {add = true}
    %dma_start3A_231 = arith.constant 5 : i32
    %dma_start3A_232 = arith.constant 5 : i32
    %dma_start3A_233 = arith.constant 0 : i32
    %dma_start3A_234 = arith.constant 0 : i32
    %dma_start3A_235 = tpu.memref_slice %arg7[%dma_start3A_232, %dma_start3A_233, %dma_start3A_234] : memref<6x500x16xf32, #tpu.memory_space<vmem>> -> memref<1x500x16xf32, #tpu.memory_space<vmem>>
    %dma_start3A_236 = tpu.memref_squeeze %dma_start3A_235 : memref<1x500x16xf32, #tpu.memory_space<vmem>> -> memref<500x16xf32, #tpu.memory_space<vmem>>
    %dma_start3A_237 = arith.constant 0 : i32
    %dma_start3A_238 = tpu.memref_slice %arg5[%dma_start3A_231, %dma_start3A_237] : memref<20x500xi32, #tpu.memory_space<vmem>> -> memref<1x500xi32, #tpu.memory_space<vmem>>
    %dma_start3A_239 = tpu.memref_squeeze %dma_start3A_238 : memref<1x500xi32, #tpu.memory_space<vmem>> -> memref<500xi32, #tpu.memory_space<vmem>>
    %dma_start3A_240 = arith.constant 0 : i32
    %dma_start3A_241 = arith.constant 0 : i32
    %dma_start3A_242 = tpu.memref_slice %arg10[%dma_start3A_240, %dma_start3A_241] : memref<10240x16xf32, #tpu.memory_space<vmem_shared>> -> memref<10240x16xf32, #tpu.memory_space<vmem_shared>>
    tpu.enqueue_indirect_dma source(%dma_start3A_242 : memref<10240x16xf32, #tpu.memory_space<vmem_shared>>) target(%dma_start3A_236 : memref<500x16xf32, #tpu.memory_space<vmem>>) offsets(%dma_start3A_239 : memref<500xi32, #tpu.memory_space<vmem>>) semaphore(%arg11 : memref<!tpu.dma_semaphore, #tpu.memory_space<semaphore_mem>>)
    %dma_wait3A_243 = arith.constant 0 : i32
    %dma_wait3A_244 = arith.constant 0 : i32
    %dma_wait3A_245 = arith.constant 0 : i32
    %dma_wait3A_246 = arith.constant 0 : i32
    %dma_wait3A_247 = tpu.memref_slice %arg7[%dma_wait3A_244, %dma_wait3A_245, %dma_wait3A_246] : memref<6x500x16xf32, #tpu.memory_space<vmem>> -> memref<1x500x16xf32, #tpu.memory_space<vmem>>
    %dma_wait3A_248 = tpu.memref_squeeze %dma_wait3A_247 : memref<1x500x16xf32, #tpu.memory_space<vmem>> -> memref<500x16xf32, #tpu.memory_space<vmem>>
    %dma_wait3A_249 = arith.constant 0 : i32
    %dma_wait3A_250 = tpu.memref_slice %arg5[%dma_wait3A_243, %dma_wait3A_249] : memref<20x500xi32, #tpu.memory_space<vmem>> -> memref<1x500xi32, #tpu.memory_space<vmem>>
    %dma_wait3A_251 = tpu.memref_squeeze %dma_wait3A_250 : memref<1x500xi32, #tpu.memory_space<vmem>> -> memref<500xi32, #tpu.memory_space<vmem>>
    %dma_wait3A_252 = arith.constant 0 : i32
    %dma_wait3A_253 = arith.constant 0 : i32
    %dma_wait3A_254 = tpu.memref_slice %arg10[%dma_wait3A_252, %dma_wait3A_253] : memref<10240x16xf32, #tpu.memory_space<vmem_shared>> -> memref<10240x16xf32, #tpu.memory_space<vmem_shared>>
    tpu.wait_indirect_dma semaphore(%arg11 : memref<!tpu.dma_semaphore, #tpu.memory_space<semaphore_mem>>) src(%dma_wait3A_254 : memref<10240x16xf32, #tpu.memory_space<vmem_shared>>) dst(%dma_wait3A_248 : memref<500x16xf32, #tpu.memory_space<vmem>>)
    %dma_start3A_255 = arith.constant 4 : i32
    %dma_start3A_256 = arith.constant 4 : i32
    %dma_start3A_257 = arith.constant 0 : i32
    %dma_start3A_258 = arith.constant 0 : i32
    %dma_start3A_259 = tpu.memref_slice %arg7[%dma_start3A_255, %dma_start3A_257, %dma_start3A_258] : memref<6x500x16xf32, #tpu.memory_space<vmem>> -> memref<1x500x16xf32, #tpu.memory_space<vmem>>
    %dma_start3A_260 = tpu.memref_squeeze %dma_start3A_259 : memref<1x500x16xf32, #tpu.memory_space<vmem>> -> memref<500x16xf32, #tpu.memory_space<vmem>>
    %dma_start3A_261 = arith.constant 0 : i32
    %dma_start3A_262 = tpu.memref_slice %arg6[%dma_start3A_256, %dma_start3A_261] : memref<20x500xi32, #tpu.memory_space<vmem>> -> memref<1x500xi32, #tpu.memory_space<vmem>>
    %dma_start3A_263 = tpu.memref_squeeze %dma_start3A_262 : memref<1x500xi32, #tpu.memory_space<vmem>> -> memref<500xi32, #tpu.memory_space<vmem>>
    %dma_start3A_264 = arith.constant 0 : i32
    %dma_start3A_265 = arith.constant 0 : i32
    %dma_start3A_266 = tpu.memref_slice %arg9[%dma_start3A_264, %dma_start3A_265] : memref<10240x16xf32, #tpu.memory_space<vmem_shared>> -> memref<10240x16xf32, #tpu.memory_space<vmem_shared>>
    tpu.enqueue_indirect_dma source(%dma_start3A_260 : memref<500x16xf32, #tpu.memory_space<vmem>>) target(%dma_start3A_266 : memref<10240x16xf32, #tpu.memory_space<vmem_shared>>) offsets(%dma_start3A_263 : memref<500xi32, #tpu.memory_space<vmem>>) semaphore(%arg12 : memref<!tpu.dma_semaphore, #tpu.memory_space<semaphore_mem>>) {add = true}
    %dma_wait3A_267 = arith.constant 0 : i32
    %dma_wait3A_268 = arith.constant 0 : i32
    %dma_wait3A_269 = arith.constant 0 : i32
    %dma_wait3A_270 = arith.constant 0 : i32
    %dma_wait3A_271 = tpu.memref_slice %arg7[%dma_wait3A_267, %dma_wait3A_269, %dma_wait3A_270] : memref<6x500x16xf32, #tpu.memory_space<vmem>> -> memref<1x500x16xf32, #tpu.memory_space<vmem>>
    %dma_wait3A_272 = tpu.memref_squeeze %dma_wait3A_271 : memref<1x500x16xf32, #tpu.memory_space<vmem>> -> memref<500x16xf32, #tpu.memory_space<vmem>>
    %dma_wait3A_273 = arith.constant 0 : i32
    %dma_wait3A_274 = tpu.memref_slice %arg6[%dma_wait3A_268, %dma_wait3A_273] : memref<20x500xi32, #tpu.memory_space<vmem>> -> memref<1x500xi32, #tpu.memory_space<vmem>>
    %dma_wait3A_275 = tpu.memref_squeeze %dma_wait3A_274 : memref<1x500xi32, #tpu.memory_space<vmem>> -> memref<500xi32, #tpu.memory_space<vmem>>
    %dma_wait3A_276 = arith.constant 0 : i32
    %dma_wait3A_277 = arith.constant 0 : i32
    %dma_wait3A_278 = tpu.memref_slice %arg9[%dma_wait3A_276, %dma_wait3A_277] : memref<10240x16xf32, #tpu.memory_space<vmem_shared>> -> memref<10240x16xf32, #tpu.memory_space<vmem_shared>>
    tpu.wait_indirect_dma semaphore(%arg12 : memref<!tpu.dma_semaphore, #tpu.memory_space<semaphore_mem>>) src(%dma_wait3A_272 : memref<500x16xf32, #tpu.memory_space<vmem>>) dst(%dma_wait3A_278 : memref<10240x16xf32, #tpu.memory_space<vmem_shared>>)
    %dma_start3A_279 = arith.constant 6 : i32
    %dma_start3A_280 = arith.constant 0 : i32
    %dma_start3A_281 = arith.constant 0 : i32
    %dma_start3A_282 = arith.constant 0 : i32
    %dma_start3A_283 = tpu.memref_slice %arg7[%dma_start3A_280, %dma_start3A_281, %dma_start3A_282] : memref<6x500x16xf32, #tpu.memory_space<vmem>> -> memref<1x500x16xf32, #tpu.memory_space<vmem>>
    %dma_start3A_284 = tpu.memref_squeeze %dma_start3A_283 : memref<1x500x16xf32, #tpu.memory_space<vmem>> -> memref<500x16xf32, #tpu.memory_space<vmem>>
    %dma_start3A_285 = arith.constant 0 : i32
    %dma_start3A_286 = tpu.memref_slice %arg5[%dma_start3A_279, %dma_start3A_285] : memref<20x500xi32, #tpu.memory_space<vmem>> -> memref<1x500xi32, #tpu.memory_space<vmem>>
    %dma_start3A_287 = tpu.memref_squeeze %dma_start3A_286 : memref<1x500xi32, #tpu.memory_space<vmem>> -> memref<500xi32, #tpu.memory_space<vmem>>
    %dma_start3A_288 = arith.constant 0 : i32
    %dma_start3A_289 = arith.constant 0 : i32
    %dma_start3A_290 = tpu.memref_slice %arg10[%dma_start3A_288, %dma_start3A_289] : memref<10240x16xf32, #tpu.memory_space<vmem_shared>> -> memref<10240x16xf32, #tpu.memory_space<vmem_shared>>
    tpu.enqueue_indirect_dma source(%dma_start3A_290 : memref<10240x16xf32, #tpu.memory_space<vmem_shared>>) target(%dma_start3A_284 : memref<500x16xf32, #tpu.memory_space<vmem>>) offsets(%dma_start3A_287 : memref<500xi32, #tpu.memory_space<vmem>>) semaphore(%arg11 : memref<!tpu.dma_semaphore, #tpu.memory_space<semaphore_mem>>)
    %dma_wait3A_291 = arith.constant 0 : i32
    %dma_wait3A_292 = arith.constant 0 : i32
    %dma_wait3A_293 = arith.constant 0 : i32
    %dma_wait3A_294 = arith.constant 0 : i32
    %dma_wait3A_295 = tpu.memref_slice %arg7[%dma_wait3A_292, %dma_wait3A_293, %dma_wait3A_294] : memref<6x500x16xf32, #tpu.memory_space<vmem>> -> memref<1x500x16xf32, #tpu.memory_space<vmem>>
    %dma_wait3A_296 = tpu.memref_squeeze %dma_wait3A_295 : memref<1x500x16xf32, #tpu.memory_space<vmem>> -> memref<500x16xf32, #tpu.memory_space<vmem>>
    %dma_wait3A_297 = arith.constant 0 : i32
    %dma_wait3A_298 = tpu.memref_slice %arg5[%dma_wait3A_291, %dma_wait3A_297] : memref<20x500xi32, #tpu.memory_space<vmem>> -> memref<1x500xi32, #tpu.memory_space<vmem>>
    %dma_wait3A_299 = tpu.memref_squeeze %dma_wait3A_298 : memref<1x500xi32, #tpu.memory_space<vmem>> -> memref<500xi32, #tpu.memory_space<vmem>>
    %dma_wait3A_300 = arith.constant 0 : i32
    %dma_wait3A_301 = arith.constant 0 : i32
    %dma_wait3A_302 = tpu.memref_slice %arg10[%dma_wait3A_300, %dma_wait3A_301] : memref<10240x16xf32, #tpu.memory_space<vmem_shared>> -> memref<10240x16xf32, #tpu.memory_space<vmem_shared>>
    tpu.wait_indirect_dma semaphore(%arg11 : memref<!tpu.dma_semaphore, #tpu.memory_space<semaphore_mem>>) src(%dma_wait3A_302 : memref<10240x16xf32, #tpu.memory_space<vmem_shared>>) dst(%dma_wait3A_296 : memref<500x16xf32, #tpu.memory_space<vmem>>)
    %dma_start3A_303 = arith.constant 5 : i32
    %dma_start3A_304 = arith.constant 5 : i32
    %dma_start3A_305 = arith.constant 0 : i32
    %dma_start3A_306 = arith.constant 0 : i32
    %dma_start3A_307 = tpu.memref_slice %arg7[%dma_start3A_303, %dma_start3A_305, %dma_start3A_306] : memref<6x500x16xf32, #tpu.memory_space<vmem>> -> memref<1x500x16xf32, #tpu.memory_space<vmem>>
    %dma_start3A_308 = tpu.memref_squeeze %dma_start3A_307 : memref<1x500x16xf32, #tpu.memory_space<vmem>> -> memref<500x16xf32, #tpu.memory_space<vmem>>
    %dma_start3A_309 = arith.constant 0 : i32
    %dma_start3A_310 = tpu.memref_slice %arg6[%dma_start3A_304, %dma_start3A_309] : memref<20x500xi32, #tpu.memory_space<vmem>> -> memref<1x500xi32, #tpu.memory_space<vmem>>
    %dma_start3A_311 = tpu.memref_squeeze %dma_start3A_310 : memref<1x500xi32, #tpu.memory_space<vmem>> -> memref<500xi32, #tpu.memory_space<vmem>>
    %dma_start3A_312 = arith.constant 0 : i32
    %dma_start3A_313 = arith.constant 0 : i32
    %dma_start3A_314 = tpu.memref_slice %arg9[%dma_start3A_312, %dma_start3A_313] : memref<10240x16xf32, #tpu.memory_space<vmem_shared>> -> memref<10240x16xf32, #tpu.memory_space<vmem_shared>>
    tpu.enqueue_indirect_dma source(%dma_start3A_308 : memref<500x16xf32, #tpu.memory_space<vmem>>) target(%dma_start3A_314 : memref<10240x16xf32, #tpu.memory_space<vmem_shared>>) offsets(%dma_start3A_311 : memref<500xi32, #tpu.memory_space<vmem>>) semaphore(%arg12 : memref<!tpu.dma_semaphore, #tpu.memory_space<semaphore_mem>>) {add = true}
    %dma_wait3A_315 = arith.constant 0 : i32
    %dma_wait3A_316 = arith.constant 0 : i32
    %dma_wait3A_317 = arith.constant 0 : i32
    %dma_wait3A_318 = arith.constant 0 : i32
    %dma_wait3A_319 = tpu.memref_slice %arg7[%dma_wait3A_315, %dma_wait3A_317, %dma_wait3A_318] : memref<6x500x16xf32, #tpu.memory_space<vmem>> -> memref<1x500x16xf32, #tpu.memory_space<vmem>>
    %dma_wait3A_320 = tpu.memref_squeeze %dma_wait3A_319 : memref<1x500x16xf32, #tpu.memory_space<vmem>> -> memref<500x16xf32, #tpu.memory_space<vmem>>
    %dma_wait3A_321 = arith.constant 0 : i32
    %dma_wait3A_322 = tpu.memref_slice %arg6[%dma_wait3A_316, %dma_wait3A_321] : memref<20x500xi32, #tpu.memory_space<vmem>> -> memref<1x500xi32, #tpu.memory_space<vmem>>
    %dma_wait3A_323 = tpu.memref_squeeze %dma_wait3A_322 : memref<1x500xi32, #tpu.memory_space<vmem>> -> memref<500xi32, #tpu.memory_space<vmem>>
    %dma_wait3A_324 = arith.constant 0 : i32
    %dma_wait3A_325 = arith.constant 0 : i32
    %dma_wait3A_326 = tpu.memref_slice %arg9[%dma_wait3A_324, %dma_wait3A_325] : memref<10240x16xf32, #tpu.memory_space<vmem_shared>> -> memref<10240x16xf32, #tpu.memory_space<vmem_shared>>
    tpu.wait_indirect_dma semaphore(%arg12 : memref<!tpu.dma_semaphore, #tpu.memory_space<semaphore_mem>>) src(%dma_wait3A_320 : memref<500x16xf32, #tpu.memory_space<vmem>>) dst(%dma_wait3A_326 : memref<10240x16xf32, #tpu.memory_space<vmem_shared>>)
    %dma_start3A_327 = arith.constant 7 : i32
    %dma_start3A_328 = arith.constant 1 : i32
    %dma_start3A_329 = arith.constant 0 : i32
    %dma_start3A_330 = arith.constant 0 : i32
    %dma_start3A_331 = tpu.memref_slice %arg7[%dma_start3A_328, %dma_start3A_329, %dma_start3A_330] : memref<6x500x16xf32, #tpu.memory_space<vmem>> -> memref<1x500x16xf32, #tpu.memory_space<vmem>>
    %dma_start3A_332 = tpu.memref_squeeze %dma_start3A_331 : memref<1x500x16xf32, #tpu.memory_space<vmem>> -> memref<500x16xf32, #tpu.memory_space<vmem>>
    %dma_start3A_333 = arith.constant 0 : i32
    %dma_start3A_334 = tpu.memref_slice %arg5[%dma_start3A_327, %dma_start3A_333] : memref<20x500xi32, #tpu.memory_space<vmem>> -> memref<1x500xi32, #tpu.memory_space<vmem>>
    %dma_start3A_335 = tpu.memref_squeeze %dma_start3A_334 : memref<1x500xi32, #tpu.memory_space<vmem>> -> memref<500xi32, #tpu.memory_space<vmem>>
    %dma_start3A_336 = arith.constant 0 : i32
    %dma_start3A_337 = arith.constant 0 : i32
    %dma_start3A_338 = tpu.memref_slice %arg10[%dma_start3A_336, %dma_start3A_337] : memref<10240x16xf32, #tpu.memory_space<vmem_shared>> -> memref<10240x16xf32, #tpu.memory_space<vmem_shared>>
    tpu.enqueue_indirect_dma source(%dma_start3A_338 : memref<10240x16xf32, #tpu.memory_space<vmem_shared>>) target(%dma_start3A_332 : memref<500x16xf32, #tpu.memory_space<vmem>>) offsets(%dma_start3A_335 : memref<500xi32, #tpu.memory_space<vmem>>) semaphore(%arg11 : memref<!tpu.dma_semaphore, #tpu.memory_space<semaphore_mem>>)
    %dma_wait3A_339 = arith.constant 0 : i32
    %dma_wait3A_340 = arith.constant 0 : i32
    %dma_wait3A_341 = arith.constant 0 : i32
    %dma_wait3A_342 = arith.constant 0 : i32
    %dma_wait3A_343 = tpu.memref_slice %arg7[%dma_wait3A_340, %dma_wait3A_341, %dma_wait3A_342] : memref<6x500x16xf32, #tpu.memory_space<vmem>> -> memref<1x500x16xf32, #tpu.memory_space<vmem>>
    %dma_wait3A_344 = tpu.memref_squeeze %dma_wait3A_343 : memref<1x500x16xf32, #tpu.memory_space<vmem>> -> memref<500x16xf32, #tpu.memory_space<vmem>>
    %dma_wait3A_345 = arith.constant 0 : i32
    %dma_wait3A_346 = tpu.memref_slice %arg5[%dma_wait3A_339, %dma_wait3A_345] : memref<20x500xi32, #tpu.memory_space<vmem>> -> memref<1x500xi32, #tpu.memory_space<vmem>>
    %dma_wait3A_347 = tpu.memref_squeeze %dma_wait3A_346 : memref<1x500xi32, #tpu.memory_space<vmem>> -> memref<500xi32, #tpu.memory_space<vmem>>
    %dma_wait3A_348 = arith.constant 0 : i32
    %dma_wait3A_349 = arith.constant 0 : i32
    %dma_wait3A_350 = tpu.memref_slice %arg10[%dma_wait3A_348, %dma_wait3A_349] : memref<10240x16xf32, #tpu.memory_space<vmem_shared>> -> memref<10240x16xf32, #tpu.memory_space<vmem_shared>>
    tpu.wait_indirect_dma semaphore(%arg11 : memref<!tpu.dma_semaphore, #tpu.memory_space<semaphore_mem>>) src(%dma_wait3A_350 : memref<10240x16xf32, #tpu.memory_space<vmem_shared>>) dst(%dma_wait3A_344 : memref<500x16xf32, #tpu.memory_space<vmem>>)
    %dma_start3A_351 = arith.constant 0 : i32
    %dma_start3A_352 = arith.constant 6 : i32
    %dma_start3A_353 = arith.constant 0 : i32
    %dma_start3A_354 = arith.constant 0 : i32
    %dma_start3A_355 = tpu.memref_slice %arg7[%dma_start3A_351, %dma_start3A_353, %dma_start3A_354] : memref<6x500x16xf32, #tpu.memory_space<vmem>> -> memref<1x500x16xf32, #tpu.memory_space<vmem>>
    %dma_start3A_356 = tpu.memref_squeeze %dma_start3A_355 : memref<1x500x16xf32, #tpu.memory_space<vmem>> -> memref<500x16xf32, #tpu.memory_space<vmem>>
    %dma_start3A_357 = arith.constant 0 : i32
    %dma_start3A_358 = tpu.memref_slice %arg6[%dma_start3A_352, %dma_start3A_357] : memref<20x500xi32, #tpu.memory_space<vmem>> -> memref<1x500xi32, #tpu.memory_space<vmem>>
    %dma_start3A_359 = tpu.memref_squeeze %dma_start3A_358 : memref<1x500xi32, #tpu.memory_space<vmem>> -> memref<500xi32, #tpu.memory_space<vmem>>
    %dma_start3A_360 = arith.constant 0 : i32
    %dma_start3A_361 = arith.constant 0 : i32
    %dma_start3A_362 = tpu.memref_slice %arg9[%dma_start3A_360, %dma_start3A_361] : memref<10240x16xf32, #tpu.memory_space<vmem_shared>> -> memref<10240x16xf32, #tpu.memory_space<vmem_shared>>
    tpu.enqueue_indirect_dma source(%dma_start3A_356 : memref<500x16xf32, #tpu.memory_space<vmem>>) target(%dma_start3A_362 : memref<10240x16xf32, #tpu.memory_space<vmem_shared>>) offsets(%dma_start3A_359 : memref<500xi32, #tpu.memory_space<vmem>>) semaphore(%arg12 : memref<!tpu.dma_semaphore, #tpu.memory_space<semaphore_mem>>) {add = true}
    %dma_wait3A_363 = arith.constant 0 : i32
    %dma_wait3A_364 = arith.constant 0 : i32
    %dma_wait3A_365 = arith.constant 0 : i32
    %dma_wait3A_366 = arith.constant 0 : i32
    %dma_wait3A_367 = tpu.memref_slice %arg7[%dma_wait3A_363, %dma_wait3A_365, %dma_wait3A_366] : memref<6x500x16xf32, #tpu.memory_space<vmem>> -> memref<1x500x16xf32, #tpu.memory_space<vmem>>
    %dma_wait3A_368 = tpu.memref_squeeze %dma_wait3A_367 : memref<1x500x16xf32, #tpu.memory_space<vmem>> -> memref<500x16xf32, #tpu.memory_space<vmem>>
    %dma_wait3A_369 = arith.constant 0 : i32
    %dma_wait3A_370 = tpu.memref_slice %arg6[%dma_wait3A_364, %dma_wait3A_369] : memref<20x500xi32, #tpu.memory_space<vmem>> -> memref<1x500xi32, #tpu.memory_space<vmem>>
    %dma_wait3A_371 = tpu.memref_squeeze %dma_wait3A_370 : memref<1x500xi32, #tpu.memory_space<vmem>> -> memref<500xi32, #tpu.memory_space<vmem>>
    %dma_wait3A_372 = arith.constant 0 : i32
    %dma_wait3A_373 = arith.constant 0 : i32
    %dma_wait3A_374 = tpu.memref_slice %arg9[%dma_wait3A_372, %dma_wait3A_373] : memref<10240x16xf32, #tpu.memory_space<vmem_shared>> -> memref<10240x16xf32, #tpu.memory_space<vmem_shared>>
    tpu.wait_indirect_dma semaphore(%arg12 : memref<!tpu.dma_semaphore, #tpu.memory_space<semaphore_mem>>) src(%dma_wait3A_368 : memref<500x16xf32, #tpu.memory_space<vmem>>) dst(%dma_wait3A_374 : memref<10240x16xf32, #tpu.memory_space<vmem_shared>>)
    %dma_start3A_375 = arith.constant 8 : i32
    %dma_start3A_376 = arith.constant 2 : i32
    %dma_start3A_377 = arith.constant 0 : i32
    %dma_start3A_378 = arith.constant 0 : i32
    %dma_start3A_379 = tpu.memref_slice %arg7[%dma_start3A_376, %dma_start3A_377, %dma_start3A_378] : memref<6x500x16xf32, #tpu.memory_space<vmem>> -> memref<1x500x16xf32, #tpu.memory_space<vmem>>
    %dma_start3A_380 = tpu.memref_squeeze %dma_start3A_379 : memref<1x500x16xf32, #tpu.memory_space<vmem>> -> memref<500x16xf32, #tpu.memory_space<vmem>>
    %dma_start3A_381 = arith.constant 0 : i32
    %dma_start3A_382 = tpu.memref_slice %arg5[%dma_start3A_375, %dma_start3A_381] : memref<20x500xi32, #tpu.memory_space<vmem>> -> memref<1x500xi32, #tpu.memory_space<vmem>>
    %dma_start3A_383 = tpu.memref_squeeze %dma_start3A_382 : memref<1x500xi32, #tpu.memory_space<vmem>> -> memref<500xi32, #tpu.memory_space<vmem>>
    %dma_start3A_384 = arith.constant 0 : i32
    %dma_start3A_385 = arith.constant 0 : i32
    %dma_start3A_386 = tpu.memref_slice %arg10[%dma_start3A_384, %dma_start3A_385] : memref<10240x16xf32, #tpu.memory_space<vmem_shared>> -> memref<10240x16xf32, #tpu.memory_space<vmem_shared>>
    tpu.enqueue_indirect_dma source(%dma_start3A_386 : memref<10240x16xf32, #tpu.memory_space<vmem_shared>>) target(%dma_start3A_380 : memref<500x16xf32, #tpu.memory_space<vmem>>) offsets(%dma_start3A_383 : memref<500xi32, #tpu.memory_space<vmem>>) semaphore(%arg11 : memref<!tpu.dma_semaphore, #tpu.memory_space<semaphore_mem>>)
    %dma_wait3A_387 = arith.constant 0 : i32
    %dma_wait3A_388 = arith.constant 0 : i32
    %dma_wait3A_389 = arith.constant 0 : i32
    %dma_wait3A_390 = arith.constant 0 : i32
    %dma_wait3A_391 = tpu.memref_slice %arg7[%dma_wait3A_388, %dma_wait3A_389, %dma_wait3A_390] : memref<6x500x16xf32, #tpu.memory_space<vmem>> -> memref<1x500x16xf32, #tpu.memory_space<vmem>>
    %dma_wait3A_392 = tpu.memref_squeeze %dma_wait3A_391 : memref<1x500x16xf32, #tpu.memory_space<vmem>> -> memref<500x16xf32, #tpu.memory_space<vmem>>
    %dma_wait3A_393 = arith.constant 0 : i32
    %dma_wait3A_394 = tpu.memref_slice %arg5[%dma_wait3A_387, %dma_wait3A_393] : memref<20x500xi32, #tpu.memory_space<vmem>> -> memref<1x500xi32, #tpu.memory_space<vmem>>
    %dma_wait3A_395 = tpu.memref_squeeze %dma_wait3A_394 : memref<1x500xi32, #tpu.memory_space<vmem>> -> memref<500xi32, #tpu.memory_space<vmem>>
    %dma_wait3A_396 = arith.constant 0 : i32
    %dma_wait3A_397 = arith.constant 0 : i32
    %dma_wait3A_398 = tpu.memref_slice %arg10[%dma_wait3A_396, %dma_wait3A_397] : memref<10240x16xf32, #tpu.memory_space<vmem_shared>> -> memref<10240x16xf32, #tpu.memory_space<vmem_shared>>
    tpu.wait_indirect_dma semaphore(%arg11 : memref<!tpu.dma_semaphore, #tpu.memory_space<semaphore_mem>>) src(%dma_wait3A_398 : memref<10240x16xf32, #tpu.memory_space<vmem_shared>>) dst(%dma_wait3A_392 : memref<500x16xf32, #tpu.memory_space<vmem>>)
    %dma_start3A_399 = arith.constant 1 : i32
    %dma_start3A_400 = arith.constant 7 : i32
    %dma_start3A_401 = arith.constant 0 : i32
    %dma_start3A_402 = arith.constant 0 : i32
    %dma_start3A_403 = tpu.memref_slice %arg7[%dma_start3A_399, %dma_start3A_401, %dma_start3A_402] : memref<6x500x16xf32, #tpu.memory_space<vmem>> -> memref<1x500x16xf32, #tpu.memory_space<vmem>>
    %dma_start3A_404 = tpu.memref_squeeze %dma_start3A_403 : memref<1x500x16xf32, #tpu.memory_space<vmem>> -> memref<500x16xf32, #tpu.memory_space<vmem>>
    %dma_start3A_405 = arith.constant 0 : i32
    %dma_start3A_406 = tpu.memref_slice %arg6[%dma_start3A_400, %dma_start3A_405] : memref<20x500xi32, #tpu.memory_space<vmem>> -> memref<1x500xi32, #tpu.memory_space<vmem>>
    %dma_start3A_407 = tpu.memref_squeeze %dma_start3A_406 : memref<1x500xi32, #tpu.memory_space<vmem>> -> memref<500xi32, #tpu.memory_space<vmem>>
    %dma_start3A_408 = arith.constant 0 : i32
    %dma_start3A_409 = arith.constant 0 : i32
    %dma_start3A_410 = tpu.memref_slice %arg9[%dma_start3A_408, %dma_start3A_409] : memref<10240x16xf32, #tpu.memory_space<vmem_shared>> -> memref<10240x16xf32, #tpu.memory_space<vmem_shared>>
    tpu.enqueue_indirect_dma source(%dma_start3A_404 : memref<500x16xf32, #tpu.memory_space<vmem>>) target(%dma_start3A_410 : memref<10240x16xf32, #tpu.memory_space<vmem_shared>>) offsets(%dma_start3A_407 : memref<500xi32, #tpu.memory_space<vmem>>) semaphore(%arg12 : memref<!tpu.dma_semaphore, #tpu.memory_space<semaphore_mem>>) {add = true}
    %dma_wait3A_411 = arith.constant 0 : i32
    %dma_wait3A_412 = arith.constant 0 : i32
    %dma_wait3A_413 = arith.constant 0 : i32
    %dma_wait3A_414 = arith.constant 0 : i32
    %dma_wait3A_415 = tpu.memref_slice %arg7[%dma_wait3A_411, %dma_wait3A_413, %dma_wait3A_414] : memref<6x500x16xf32, #tpu.memory_space<vmem>> -> memref<1x500x16xf32, #tpu.memory_space<vmem>>
    %dma_wait3A_416 = tpu.memref_squeeze %dma_wait3A_415 : memref<1x500x16xf32, #tpu.memory_space<vmem>> -> memref<500x16xf32, #tpu.memory_space<vmem>>
    %dma_wait3A_417 = arith.constant 0 : i32
    %dma_wait3A_418 = tpu.memref_slice %arg6[%dma_wait3A_412, %dma_wait3A_417] : memref<20x500xi32, #tpu.memory_space<vmem>> -> memref<1x500xi32, #tpu.memory_space<vmem>>
    %dma_wait3A_419 = tpu.memref_squeeze %dma_wait3A_418 : memref<1x500xi32, #tpu.memory_space<vmem>> -> memref<500xi32, #tpu.memory_space<vmem>>
    %dma_wait3A_420 = arith.constant 0 : i32
    %dma_wait3A_421 = arith.constant 0 : i32
    %dma_wait3A_422 = tpu.memref_slice %arg9[%dma_wait3A_420, %dma_wait3A_421] : memref<10240x16xf32, #tpu.memory_space<vmem_shared>> -> memref<10240x16xf32, #tpu.memory_space<vmem_shared>>
    tpu.wait_indirect_dma semaphore(%arg12 : memref<!tpu.dma_semaphore, #tpu.memory_space<semaphore_mem>>) src(%dma_wait3A_416 : memref<500x16xf32, #tpu.memory_space<vmem>>) dst(%dma_wait3A_422 : memref<10240x16xf32, #tpu.memory_space<vmem_shared>>)
    %dma_start3A_423 = arith.constant 9 : i32
    %dma_start3A_424 = arith.constant 3 : i32
    %dma_start3A_425 = arith.constant 0 : i32
    %dma_start3A_426 = arith.constant 0 : i32
    %dma_start3A_427 = tpu.memref_slice %arg7[%dma_start3A_424, %dma_start3A_425, %dma_start3A_426] : memref<6x500x16xf32, #tpu.memory_space<vmem>> -> memref<1x500x16xf32, #tpu.memory_space<vmem>>
    %dma_start3A_428 = tpu.memref_squeeze %dma_start3A_427 : memref<1x500x16xf32, #tpu.memory_space<vmem>> -> memref<500x16xf32, #tpu.memory_space<vmem>>
    %dma_start3A_429 = arith.constant 0 : i32
    %dma_start3A_430 = tpu.memref_slice %arg5[%dma_start3A_423, %dma_start3A_429] : memref<20x500xi32, #tpu.memory_space<vmem>> -> memref<1x500xi32, #tpu.memory_space<vmem>>
    %dma_start3A_431 = tpu.memref_squeeze %dma_start3A_430 : memref<1x500xi32, #tpu.memory_space<vmem>> -> memref<500xi32, #tpu.memory_space<vmem>>
    %dma_start3A_432 = arith.constant 0 : i32
    %dma_start3A_433 = arith.constant 0 : i32
    %dma_start3A_434 = tpu.memref_slice %arg10[%dma_start3A_432, %dma_start3A_433] : memref<10240x16xf32, #tpu.memory_space<vmem_shared>> -> memref<10240x16xf32, #tpu.memory_space<vmem_shared>>
    tpu.enqueue_indirect_dma source(%dma_start3A_434 : memref<10240x16xf32, #tpu.memory_space<vmem_shared>>) target(%dma_start3A_428 : memref<500x16xf32, #tpu.memory_space<vmem>>) offsets(%dma_start3A_431 : memref<500xi32, #tpu.memory_space<vmem>>) semaphore(%arg11 : memref<!tpu.dma_semaphore, #tpu.memory_space<semaphore_mem>>)
    %dma_wait3A_435 = arith.constant 0 : i32
    %dma_wait3A_436 = arith.constant 0 : i32
    %dma_wait3A_437 = arith.constant 0 : i32
    %dma_wait3A_438 = arith.constant 0 : i32
    %dma_wait3A_439 = tpu.memref_slice %arg7[%dma_wait3A_436, %dma_wait3A_437, %dma_wait3A_438] : memref<6x500x16xf32, #tpu.memory_space<vmem>> -> memref<1x500x16xf32, #tpu.memory_space<vmem>>
    %dma_wait3A_440 = tpu.memref_squeeze %dma_wait3A_439 : memref<1x500x16xf32, #tpu.memory_space<vmem>> -> memref<500x16xf32, #tpu.memory_space<vmem>>
    %dma_wait3A_441 = arith.constant 0 : i32
    %dma_wait3A_442 = tpu.memref_slice %arg5[%dma_wait3A_435, %dma_wait3A_441] : memref<20x500xi32, #tpu.memory_space<vmem>> -> memref<1x500xi32, #tpu.memory_space<vmem>>
    %dma_wait3A_443 = tpu.memref_squeeze %dma_wait3A_442 : memref<1x500xi32, #tpu.memory_space<vmem>> -> memref<500xi32, #tpu.memory_space<vmem>>
    %dma_wait3A_444 = arith.constant 0 : i32
    %dma_wait3A_445 = arith.constant 0 : i32
    %dma_wait3A_446 = tpu.memref_slice %arg10[%dma_wait3A_444, %dma_wait3A_445] : memref<10240x16xf32, #tpu.memory_space<vmem_shared>> -> memref<10240x16xf32, #tpu.memory_space<vmem_shared>>
    tpu.wait_indirect_dma semaphore(%arg11 : memref<!tpu.dma_semaphore, #tpu.memory_space<semaphore_mem>>) src(%dma_wait3A_446 : memref<10240x16xf32, #tpu.memory_space<vmem_shared>>) dst(%dma_wait3A_440 : memref<500x16xf32, #tpu.memory_space<vmem>>)
    %dma_start3A_447 = arith.constant 2 : i32
    %dma_start3A_448 = arith.constant 8 : i32
    %dma_start3A_449 = arith.constant 0 : i32
    %dma_start3A_450 = arith.constant 0 : i32
    %dma_start3A_451 = tpu.memref_slice %arg7[%dma_start3A_447, %dma_start3A_449, %dma_start3A_450] : memref<6x500x16xf32, #tpu.memory_space<vmem>> -> memref<1x500x16xf32, #tpu.memory_space<vmem>>
    %dma_start3A_452 = tpu.memref_squeeze %dma_start3A_451 : memref<1x500x16xf32, #tpu.memory_space<vmem>> -> memref<500x16xf32, #tpu.memory_space<vmem>>
    %dma_start3A_453 = arith.constant 0 : i32
    %dma_start3A_454 = tpu.memref_slice %arg6[%dma_start3A_448, %dma_start3A_453] : memref<20x500xi32, #tpu.memory_space<vmem>> -> memref<1x500xi32, #tpu.memory_space<vmem>>
    %dma_start3A_455 = tpu.memref_squeeze %dma_start3A_454 : memref<1x500xi32, #tpu.memory_space<vmem>> -> memref<500xi32, #tpu.memory_space<vmem>>
    %dma_start3A_456 = arith.constant 0 : i32
    %dma_start3A_457 = arith.constant 0 : i32
    %dma_start3A_458 = tpu.memref_slice %arg9[%dma_start3A_456, %dma_start3A_457] : memref<10240x16xf32, #tpu.memory_space<vmem_shared>> -> memref<10240x16xf32, #tpu.memory_space<vmem_shared>>
    tpu.enqueue_indirect_dma source(%dma_start3A_452 : memref<500x16xf32, #tpu.memory_space<vmem>>) target(%dma_start3A_458 : memref<10240x16xf32, #tpu.memory_space<vmem_shared>>) offsets(%dma_start3A_455 : memref<500xi32, #tpu.memory_space<vmem>>) semaphore(%arg12 : memref<!tpu.dma_semaphore, #tpu.memory_space<semaphore_mem>>) {add = true}
    %dma_wait3A_459 = arith.constant 0 : i32
    %dma_wait3A_460 = arith.constant 0 : i32
    %dma_wait3A_461 = arith.constant 0 : i32
    %dma_wait3A_462 = arith.constant 0 : i32
    %dma_wait3A_463 = tpu.memref_slice %arg7[%dma_wait3A_459, %dma_wait3A_461, %dma_wait3A_462] : memref<6x500x16xf32, #tpu.memory_space<vmem>> -> memref<1x500x16xf32, #tpu.memory_space<vmem>>
    %dma_wait3A_464 = tpu.memref_squeeze %dma_wait3A_463 : memref<1x500x16xf32, #tpu.memory_space<vmem>> -> memref<500x16xf32, #tpu.memory_space<vmem>>
    %dma_wait3A_465 = arith.constant 0 : i32
    %dma_wait3A_466 = tpu.memref_slice %arg6[%dma_wait3A_460, %dma_wait3A_465] : memref<20x500xi32, #tpu.memory_space<vmem>> -> memref<1x500xi32, #tpu.memory_space<vmem>>
    %dma_wait3A_467 = tpu.memref_squeeze %dma_wait3A_466 : memref<1x500xi32, #tpu.memory_space<vmem>> -> memref<500xi32, #tpu.memory_space<vmem>>
    %dma_wait3A_468 = arith.constant 0 : i32
    %dma_wait3A_469 = arith.constant 0 : i32
    %dma_wait3A_470 = tpu.memref_slice %arg9[%dma_wait3A_468, %dma_wait3A_469] : memref<10240x16xf32, #tpu.memory_space<vmem_shared>> -> memref<10240x16xf32, #tpu.memory_space<vmem_shared>>
    tpu.wait_indirect_dma semaphore(%arg12 : memref<!tpu.dma_semaphore, #tpu.memory_space<semaphore_mem>>) src(%dma_wait3A_464 : memref<500x16xf32, #tpu.memory_space<vmem>>) dst(%dma_wait3A_470 : memref<10240x16xf32, #tpu.memory_space<vmem_shared>>)
    %dma_start3A_471 = arith.constant 10 : i32
    %dma_start3A_472 = arith.constant 4 : i32
    %dma_start3A_473 = arith.constant 0 : i32
    %dma_start3A_474 = arith.constant 0 : i32
    %dma_start3A_475 = tpu.memref_slice %arg7[%dma_start3A_472, %dma_start3A_473, %dma_start3A_474] : memref<6x500x16xf32, #tpu.memory_space<vmem>> -> memref<1x500x16xf32, #tpu.memory_space<vmem>>
    %dma_start3A_476 = tpu.memref_squeeze %dma_start3A_475 : memref<1x500x16xf32, #tpu.memory_space<vmem>> -> memref<500x16xf32, #tpu.memory_space<vmem>>
    %dma_start3A_477 = arith.constant 0 : i32
    %dma_start3A_478 = tpu.memref_slice %arg5[%dma_start3A_471, %dma_start3A_477] : memref<20x500xi32, #tpu.memory_space<vmem>> -> memref<1x500xi32, #tpu.memory_space<vmem>>
    %dma_start3A_479 = tpu.memref_squeeze %dma_start3A_478 : memref<1x500xi32, #tpu.memory_space<vmem>> -> memref<500xi32, #tpu.memory_space<vmem>>
    %dma_start3A_480 = arith.constant 0 : i32
    %dma_start3A_481 = arith.constant 0 : i32
    %dma_start3A_482 = tpu.memref_slice %arg10[%dma_start3A_480, %dma_start3A_481] : memref<10240x16xf32, #tpu.memory_space<vmem_shared>> -> memref<10240x16xf32, #tpu.memory_space<vmem_shared>>
    tpu.enqueue_indirect_dma source(%dma_start3A_482 : memref<10240x16xf32, #tpu.memory_space<vmem_shared>>) target(%dma_start3A_476 : memref<500x16xf32, #tpu.memory_space<vmem>>) offsets(%dma_start3A_479 : memref<500xi32, #tpu.memory_space<vmem>>) semaphore(%arg11 : memref<!tpu.dma_semaphore, #tpu.memory_space<semaphore_mem>>)
    %dma_wait3A_483 = arith.constant 0 : i32
    %dma_wait3A_484 = arith.constant 0 : i32
    %dma_wait3A_485 = arith.constant 0 : i32
    %dma_wait3A_486 = arith.constant 0 : i32
    %dma_wait3A_487 = tpu.memref_slice %arg7[%dma_wait3A_484, %dma_wait3A_485, %dma_wait3A_486] : memref<6x500x16xf32, #tpu.memory_space<vmem>> -> memref<1x500x16xf32, #tpu.memory_space<vmem>>
    %dma_wait3A_488 = tpu.memref_squeeze %dma_wait3A_487 : memref<1x500x16xf32, #tpu.memory_space<vmem>> -> memref<500x16xf32, #tpu.memory_space<vmem>>
    %dma_wait3A_489 = arith.constant 0 : i32
    %dma_wait3A_490 = tpu.memref_slice %arg5[%dma_wait3A_483, %dma_wait3A_489] : memref<20x500xi32, #tpu.memory_space<vmem>> -> memref<1x500xi32, #tpu.memory_space<vmem>>
    %dma_wait3A_491 = tpu.memref_squeeze %dma_wait3A_490 : memref<1x500xi32, #tpu.memory_space<vmem>> -> memref<500xi32, #tpu.memory_space<vmem>>
    %dma_wait3A_492 = arith.constant 0 : i32
    %dma_wait3A_493 = arith.constant 0 : i32
    %dma_wait3A_494 = tpu.memref_slice %arg10[%dma_wait3A_492, %dma_wait3A_493] : memref<10240x16xf32, #tpu.memory_space<vmem_shared>> -> memref<10240x16xf32, #tpu.memory_space<vmem_shared>>
    tpu.wait_indirect_dma semaphore(%arg11 : memref<!tpu.dma_semaphore, #tpu.memory_space<semaphore_mem>>) src(%dma_wait3A_494 : memref<10240x16xf32, #tpu.memory_space<vmem_shared>>) dst(%dma_wait3A_488 : memref<500x16xf32, #tpu.memory_space<vmem>>)
    %dma_start3A_495 = arith.constant 3 : i32
    %dma_start3A_496 = arith.constant 9 : i32
    %dma_start3A_497 = arith.constant 0 : i32
    %dma_start3A_498 = arith.constant 0 : i32
    %dma_start3A_499 = tpu.memref_slice %arg7[%dma_start3A_495, %dma_start3A_497, %dma_start3A_498] : memref<6x500x16xf32, #tpu.memory_space<vmem>> -> memref<1x500x16xf32, #tpu.memory_space<vmem>>
    %dma_start3A_500 = tpu.memref_squeeze %dma_start3A_499 : memref<1x500x16xf32, #tpu.memory_space<vmem>> -> memref<500x16xf32, #tpu.memory_space<vmem>>
    %dma_start3A_501 = arith.constant 0 : i32
    %dma_start3A_502 = tpu.memref_slice %arg6[%dma_start3A_496, %dma_start3A_501] : memref<20x500xi32, #tpu.memory_space<vmem>> -> memref<1x500xi32, #tpu.memory_space<vmem>>
    %dma_start3A_503 = tpu.memref_squeeze %dma_start3A_502 : memref<1x500xi32, #tpu.memory_space<vmem>> -> memref<500xi32, #tpu.memory_space<vmem>>
    %dma_start3A_504 = arith.constant 0 : i32
    %dma_start3A_505 = arith.constant 0 : i32
    %dma_start3A_506 = tpu.memref_slice %arg9[%dma_start3A_504, %dma_start3A_505] : memref<10240x16xf32, #tpu.memory_space<vmem_shared>> -> memref<10240x16xf32, #tpu.memory_space<vmem_shared>>
    tpu.enqueue_indirect_dma source(%dma_start3A_500 : memref<500x16xf32, #tpu.memory_space<vmem>>) target(%dma_start3A_506 : memref<10240x16xf32, #tpu.memory_space<vmem_shared>>) offsets(%dma_start3A_503 : memref<500xi32, #tpu.memory_space<vmem>>) semaphore(%arg12 : memref<!tpu.dma_semaphore, #tpu.memory_space<semaphore_mem>>) {add = true}
    %dma_wait3A_507 = arith.constant 0 : i32
    %dma_wait3A_508 = arith.constant 0 : i32
    %dma_wait3A_509 = arith.constant 0 : i32
    %dma_wait3A_510 = arith.constant 0 : i32
    %dma_wait3A_511 = tpu.memref_slice %arg7[%dma_wait3A_507, %dma_wait3A_509, %dma_wait3A_510] : memref<6x500x16xf32, #tpu.memory_space<vmem>> -> memref<1x500x16xf32, #tpu.memory_space<vmem>>
    %dma_wait3A_512 = tpu.memref_squeeze %dma_wait3A_511 : memref<1x500x16xf32, #tpu.memory_space<vmem>> -> memref<500x16xf32, #tpu.memory_space<vmem>>
    %dma_wait3A_513 = arith.constant 0 : i32
    %dma_wait3A_514 = tpu.memref_slice %arg6[%dma_wait3A_508, %dma_wait3A_513] : memref<20x500xi32, #tpu.memory_space<vmem>> -> memref<1x500xi32, #tpu.memory_space<vmem>>
    %dma_wait3A_515 = tpu.memref_squeeze %dma_wait3A_514 : memref<1x500xi32, #tpu.memory_space<vmem>> -> memref<500xi32, #tpu.memory_space<vmem>>
    %dma_wait3A_516 = arith.constant 0 : i32
    %dma_wait3A_517 = arith.constant 0 : i32
    %dma_wait3A_518 = tpu.memref_slice %arg9[%dma_wait3A_516, %dma_wait3A_517] : memref<10240x16xf32, #tpu.memory_space<vmem_shared>> -> memref<10240x16xf32, #tpu.memory_space<vmem_shared>>
    tpu.wait_indirect_dma semaphore(%arg12 : memref<!tpu.dma_semaphore, #tpu.memory_space<semaphore_mem>>) src(%dma_wait3A_512 : memref<500x16xf32, #tpu.memory_space<vmem>>) dst(%dma_wait3A_518 : memref<10240x16xf32, #tpu.memory_space<vmem_shared>>)
    %dma_start3A_519 = arith.constant 11 : i32
    %dma_start3A_520 = arith.constant 5 : i32
    %dma_start3A_521 = arith.constant 0 : i32
    %dma_start3A_522 = arith.constant 0 : i32
    %dma_start3A_523 = tpu.memref_slice %arg7[%dma_start3A_520, %dma_start3A_521, %dma_start3A_522] : memref<6x500x16xf32, #tpu.memory_space<vmem>> -> memref<1x500x16xf32, #tpu.memory_space<vmem>>
    %dma_start3A_524 = tpu.memref_squeeze %dma_start3A_523 : memref<1x500x16xf32, #tpu.memory_space<vmem>> -> memref<500x16xf32, #tpu.memory_space<vmem>>
    %dma_start3A_525 = arith.constant 0 : i32
    %dma_start3A_526 = tpu.memref_slice %arg5[%dma_start3A_519, %dma_start3A_525] : memref<20x500xi32, #tpu.memory_space<vmem>> -> memref<1x500xi32, #tpu.memory_space<vmem>>
    %dma_start3A_527 = tpu.memref_squeeze %dma_start3A_526 : memref<1x500xi32, #tpu.memory_space<vmem>> -> memref<500xi32, #tpu.memory_space<vmem>>
    %dma_start3A_528 = arith.constant 0 : i32
    %dma_start3A_529 = arith.constant 0 : i32
    %dma_start3A_530 = tpu.memref_slice %arg10[%dma_start3A_528, %dma_start3A_529] : memref<10240x16xf32, #tpu.memory_space<vmem_shared>> -> memref<10240x16xf32, #tpu.memory_space<vmem_shared>>
    tpu.enqueue_indirect_dma source(%dma_start3A_530 : memref<10240x16xf32, #tpu.memory_space<vmem_shared>>) target(%dma_start3A_524 : memref<500x16xf32, #tpu.memory_space<vmem>>) offsets(%dma_start3A_527 : memref<500xi32, #tpu.memory_space<vmem>>) semaphore(%arg11 : memref<!tpu.dma_semaphore, #tpu.memory_space<semaphore_mem>>)
    %dma_wait3A_531 = arith.constant 0 : i32
    %dma_wait3A_532 = arith.constant 0 : i32
    %dma_wait3A_533 = arith.constant 0 : i32
    %dma_wait3A_534 = arith.constant 0 : i32
    %dma_wait3A_535 = tpu.memref_slice %arg7[%dma_wait3A_532, %dma_wait3A_533, %dma_wait3A_534] : memref<6x500x16xf32, #tpu.memory_space<vmem>> -> memref<1x500x16xf32, #tpu.memory_space<vmem>>
    %dma_wait3A_536 = tpu.memref_squeeze %dma_wait3A_535 : memref<1x500x16xf32, #tpu.memory_space<vmem>> -> memref<500x16xf32, #tpu.memory_space<vmem>>
    %dma_wait3A_537 = arith.constant 0 : i32
    %dma_wait3A_538 = tpu.memref_slice %arg5[%dma_wait3A_531, %dma_wait3A_537] : memref<20x500xi32, #tpu.memory_space<vmem>> -> memref<1x500xi32, #tpu.memory_space<vmem>>
    %dma_wait3A_539 = tpu.memref_squeeze %dma_wait3A_538 : memref<1x500xi32, #tpu.memory_space<vmem>> -> memref<500xi32, #tpu.memory_space<vmem>>
    %dma_wait3A_540 = arith.constant 0 : i32
    %dma_wait3A_541 = arith.constant 0 : i32
    %dma_wait3A_542 = tpu.memref_slice %arg10[%dma_wait3A_540, %dma_wait3A_541] : memref<10240x16xf32, #tpu.memory_space<vmem_shared>> -> memref<10240x16xf32, #tpu.memory_space<vmem_shared>>
    tpu.wait_indirect_dma semaphore(%arg11 : memref<!tpu.dma_semaphore, #tpu.memory_space<semaphore_mem>>) src(%dma_wait3A_542 : memref<10240x16xf32, #tpu.memory_space<vmem_shared>>) dst(%dma_wait3A_536 : memref<500x16xf32, #tpu.memory_space<vmem>>)
    %dma_start3A_543 = arith.constant 4 : i32
    %dma_start3A_544 = arith.constant 10 : i32
    %dma_start3A_545 = arith.constant 0 : i32
    %dma_start3A_546 = arith.constant 0 : i32
    %dma_start3A_547 = tpu.memref_slice %arg7[%dma_start3A_543, %dma_start3A_545, %dma_start3A_546] : memref<6x500x16xf32, #tpu.memory_space<vmem>> -> memref<1x500x16xf32, #tpu.memory_space<vmem>>
    %dma_start3A_548 = tpu.memref_squeeze %dma_start3A_547 : memref<1x500x16xf32, #tpu.memory_space<vmem>> -> memref<500x16xf32, #tpu.memory_space<vmem>>
    %dma_start3A_549 = arith.constant 0 : i32
    %dma_start3A_550 = tpu.memref_slice %arg6[%dma_start3A_544, %dma_start3A_549] : memref<20x500xi32, #tpu.memory_space<vmem>> -> memref<1x500xi32, #tpu.memory_space<vmem>>
    %dma_start3A_551 = tpu.memref_squeeze %dma_start3A_550 : memref<1x500xi32, #tpu.memory_space<vmem>> -> memref<500xi32, #tpu.memory_space<vmem>>
    %dma_start3A_552 = arith.constant 0 : i32
    %dma_start3A_553 = arith.constant 0 : i32
    %dma_start3A_554 = tpu.memref_slice %arg9[%dma_start3A_552, %dma_start3A_553] : memref<10240x16xf32, #tpu.memory_space<vmem_shared>> -> memref<10240x16xf32, #tpu.memory_space<vmem_shared>>
    tpu.enqueue_indirect_dma source(%dma_start3A_548 : memref<500x16xf32, #tpu.memory_space<vmem>>) target(%dma_start3A_554 : memref<10240x16xf32, #tpu.memory_space<vmem_shared>>) offsets(%dma_start3A_551 : memref<500xi32, #tpu.memory_space<vmem>>) semaphore(%arg12 : memref<!tpu.dma_semaphore, #tpu.memory_space<semaphore_mem>>) {add = true}
    %dma_wait3A_555 = arith.constant 0 : i32
    %dma_wait3A_556 = arith.constant 0 : i32
    %dma_wait3A_557 = arith.constant 0 : i32
    %dma_wait3A_558 = arith.constant 0 : i32
    %dma_wait3A_559 = tpu.memref_slice %arg7[%dma_wait3A_555, %dma_wait3A_557, %dma_wait3A_558] : memref<6x500x16xf32, #tpu.memory_space<vmem>> -> memref<1x500x16xf32, #tpu.memory_space<vmem>>
    %dma_wait3A_560 = tpu.memref_squeeze %dma_wait3A_559 : memref<1x500x16xf32, #tpu.memory_space<vmem>> -> memref<500x16xf32, #tpu.memory_space<vmem>>
    %dma_wait3A_561 = arith.constant 0 : i32
    %dma_wait3A_562 = tpu.memref_slice %arg6[%dma_wait3A_556, %dma_wait3A_561] : memref<20x500xi32, #tpu.memory_space<vmem>> -> memref<1x500xi32, #tpu.memory_space<vmem>>
    %dma_wait3A_563 = tpu.memref_squeeze %dma_wait3A_562 : memref<1x500xi32, #tpu.memory_space<vmem>> -> memref<500xi32, #tpu.memory_space<vmem>>
    %dma_wait3A_564 = arith.constant 0 : i32
    %dma_wait3A_565 = arith.constant 0 : i32
    %dma_wait3A_566 = tpu.memref_slice %arg9[%dma_wait3A_564, %dma_wait3A_565] : memref<10240x16xf32, #tpu.memory_space<vmem_shared>> -> memref<10240x16xf32, #tpu.memory_space<vmem_shared>>
    tpu.wait_indirect_dma semaphore(%arg12 : memref<!tpu.dma_semaphore, #tpu.memory_space<semaphore_mem>>) src(%dma_wait3A_560 : memref<500x16xf32, #tpu.memory_space<vmem>>) dst(%dma_wait3A_566 : memref<10240x16xf32, #tpu.memory_space<vmem_shared>>)
    %dma_start3A_567 = arith.constant 12 : i32
    %dma_start3A_568 = arith.constant 0 : i32
    %dma_start3A_569 = arith.constant 0 : i32
    %dma_start3A_570 = arith.constant 0 : i32
    %dma_start3A_571 = tpu.memref_slice %arg7[%dma_start3A_568, %dma_start3A_569, %dma_start3A_570] : memref<6x500x16xf32, #tpu.memory_space<vmem>> -> memref<1x500x16xf32, #tpu.memory_space<vmem>>
    %dma_start3A_572 = tpu.memref_squeeze %dma_start3A_571 : memref<1x500x16xf32, #tpu.memory_space<vmem>> -> memref<500x16xf32, #tpu.memory_space<vmem>>
    %dma_start3A_573 = arith.constant 0 : i32
    %dma_start3A_574 = tpu.memref_slice %arg5[%dma_start3A_567, %dma_start3A_573] : memref<20x500xi32, #tpu.memory_space<vmem>> -> memref<1x500xi32, #tpu.memory_space<vmem>>
    %dma_start3A_575 = tpu.memref_squeeze %dma_start3A_574 : memref<1x500xi32, #tpu.memory_space<vmem>> -> memref<500xi32, #tpu.memory_space<vmem>>
    %dma_start3A_576 = arith.constant 0 : i32
    %dma_start3A_577 = arith.constant 0 : i32
    %dma_start3A_578 = tpu.memref_slice %arg10[%dma_start3A_576, %dma_start3A_577] : memref<10240x16xf32, #tpu.memory_space<vmem_shared>> -> memref<10240x16xf32, #tpu.memory_space<vmem_shared>>
    tpu.enqueue_indirect_dma source(%dma_start3A_578 : memref<10240x16xf32, #tpu.memory_space<vmem_shared>>) target(%dma_start3A_572 : memref<500x16xf32, #tpu.memory_space<vmem>>) offsets(%dma_start3A_575 : memref<500xi32, #tpu.memory_space<vmem>>) semaphore(%arg11 : memref<!tpu.dma_semaphore, #tpu.memory_space<semaphore_mem>>)
    %dma_wait3A_579 = arith.constant 0 : i32
    %dma_wait3A_580 = arith.constant 0 : i32
    %dma_wait3A_581 = arith.constant 0 : i32
    %dma_wait3A_582 = arith.constant 0 : i32
    %dma_wait3A_583 = tpu.memref_slice %arg7[%dma_wait3A_580, %dma_wait3A_581, %dma_wait3A_582] : memref<6x500x16xf32, #tpu.memory_space<vmem>> -> memref<1x500x16xf32, #tpu.memory_space<vmem>>
    %dma_wait3A_584 = tpu.memref_squeeze %dma_wait3A_583 : memref<1x500x16xf32, #tpu.memory_space<vmem>> -> memref<500x16xf32, #tpu.memory_space<vmem>>
    %dma_wait3A_585 = arith.constant 0 : i32
    %dma_wait3A_586 = tpu.memref_slice %arg5[%dma_wait3A_579, %dma_wait3A_585] : memref<20x500xi32, #tpu.memory_space<vmem>> -> memref<1x500xi32, #tpu.memory_space<vmem>>
    %dma_wait3A_587 = tpu.memref_squeeze %dma_wait3A_586 : memref<1x500xi32, #tpu.memory_space<vmem>> -> memref<500xi32, #tpu.memory_space<vmem>>
    %dma_wait3A_588 = arith.constant 0 : i32
    %dma_wait3A_589 = arith.constant 0 : i32
    %dma_wait3A_590 = tpu.memref_slice %arg10[%dma_wait3A_588, %dma_wait3A_589] : memref<10240x16xf32, #tpu.memory_space<vmem_shared>> -> memref<10240x16xf32, #tpu.memory_space<vmem_shared>>
    tpu.wait_indirect_dma semaphore(%arg11 : memref<!tpu.dma_semaphore, #tpu.memory_space<semaphore_mem>>) src(%dma_wait3A_590 : memref<10240x16xf32, #tpu.memory_space<vmem_shared>>) dst(%dma_wait3A_584 : memref<500x16xf32, #tpu.memory_space<vmem>>)
    %dma_start3A_591 = arith.constant 5 : i32
    %dma_start3A_592 = arith.constant 11 : i32
    %dma_start3A_593 = arith.constant 0 : i32
    %dma_start3A_594 = arith.constant 0 : i32
    %dma_start3A_595 = tpu.memref_slice %arg7[%dma_start3A_591, %dma_start3A_593, %dma_start3A_594] : memref<6x500x16xf32, #tpu.memory_space<vmem>> -> memref<1x500x16xf32, #tpu.memory_space<vmem>>
    %dma_start3A_596 = tpu.memref_squeeze %dma_start3A_595 : memref<1x500x16xf32, #tpu.memory_space<vmem>> -> memref<500x16xf32, #tpu.memory_space<vmem>>
    %dma_start3A_597 = arith.constant 0 : i32
    %dma_start3A_598 = tpu.memref_slice %arg6[%dma_start3A_592, %dma_start3A_597] : memref<20x500xi32, #tpu.memory_space<vmem>> -> memref<1x500xi32, #tpu.memory_space<vmem>>
    %dma_start3A_599 = tpu.memref_squeeze %dma_start3A_598 : memref<1x500xi32, #tpu.memory_space<vmem>> -> memref<500xi32, #tpu.memory_space<vmem>>
    %dma_start3A_600 = arith.constant 0 : i32
    %dma_start3A_601 = arith.constant 0 : i32
    %dma_start3A_602 = tpu.memref_slice %arg9[%dma_start3A_600, %dma_start3A_601] : memref<10240x16xf32, #tpu.memory_space<vmem_shared>> -> memref<10240x16xf32, #tpu.memory_space<vmem_shared>>
    tpu.enqueue_indirect_dma source(%dma_start3A_596 : memref<500x16xf32, #tpu.memory_space<vmem>>) target(%dma_start3A_602 : memref<10240x16xf32, #tpu.memory_space<vmem_shared>>) offsets(%dma_start3A_599 : memref<500xi32, #tpu.memory_space<vmem>>) semaphore(%arg12 : memref<!tpu.dma_semaphore, #tpu.memory_space<semaphore_mem>>) {add = true}
    %dma_wait3A_603 = arith.constant 0 : i32
    %dma_wait3A_604 = arith.constant 0 : i32
    %dma_wait3A_605 = arith.constant 0 : i32
    %dma_wait3A_606 = arith.constant 0 : i32
    %dma_wait3A_607 = tpu.memref_slice %arg7[%dma_wait3A_603, %dma_wait3A_605, %dma_wait3A_606] : memref<6x500x16xf32, #tpu.memory_space<vmem>> -> memref<1x500x16xf32, #tpu.memory_space<vmem>>
    %dma_wait3A_608 = tpu.memref_squeeze %dma_wait3A_607 : memref<1x500x16xf32, #tpu.memory_space<vmem>> -> memref<500x16xf32, #tpu.memory_space<vmem>>
    %dma_wait3A_609 = arith.constant 0 : i32
    %dma_wait3A_610 = tpu.memref_slice %arg6[%dma_wait3A_604, %dma_wait3A_609] : memref<20x500xi32, #tpu.memory_space<vmem>> -> memref<1x500xi32, #tpu.memory_space<vmem>>
    %dma_wait3A_611 = tpu.memref_squeeze %dma_wait3A_610 : memref<1x500xi32, #tpu.memory_space<vmem>> -> memref<500xi32, #tpu.memory_space<vmem>>
    %dma_wait3A_612 = arith.constant 0 : i32
    %dma_wait3A_613 = arith.constant 0 : i32
    %dma_wait3A_614 = tpu.memref_slice %arg9[%dma_wait3A_612, %dma_wait3A_613] : memref<10240x16xf32, #tpu.memory_space<vmem_shared>> -> memref<10240x16xf32, #tpu.memory_space<vmem_shared>>
    tpu.wait_indirect_dma semaphore(%arg12 : memref<!tpu.dma_semaphore, #tpu.memory_space<semaphore_mem>>) src(%dma_wait3A_608 : memref<500x16xf32, #tpu.memory_space<vmem>>) dst(%dma_wait3A_614 : memref<10240x16xf32, #tpu.memory_space<vmem_shared>>)
    %dma_start3A_615 = arith.constant 13 : i32
    %dma_start3A_616 = arith.constant 1 : i32
    %dma_start3A_617 = arith.constant 0 : i32
    %dma_start3A_618 = arith.constant 0 : i32
    %dma_start3A_619 = tpu.memref_slice %arg7[%dma_start3A_616, %dma_start3A_617, %dma_start3A_618] : memref<6x500x16xf32, #tpu.memory_space<vmem>> -> memref<1x500x16xf32, #tpu.memory_space<vmem>>
    %dma_start3A_620 = tpu.memref_squeeze %dma_start3A_619 : memref<1x500x16xf32, #tpu.memory_space<vmem>> -> memref<500x16xf32, #tpu.memory_space<vmem>>
    %dma_start3A_621 = arith.constant 0 : i32
    %dma_start3A_622 = tpu.memref_slice %arg5[%dma_start3A_615, %dma_start3A_621] : memref<20x500xi32, #tpu.memory_space<vmem>> -> memref<1x500xi32, #tpu.memory_space<vmem>>
    %dma_start3A_623 = tpu.memref_squeeze %dma_start3A_622 : memref<1x500xi32, #tpu.memory_space<vmem>> -> memref<500xi32, #tpu.memory_space<vmem>>
    %dma_start3A_624 = arith.constant 0 : i32
    %dma_start3A_625 = arith.constant 0 : i32
    %dma_start3A_626 = tpu.memref_slice %arg10[%dma_start3A_624, %dma_start3A_625] : memref<10240x16xf32, #tpu.memory_space<vmem_shared>> -> memref<10240x16xf32, #tpu.memory_space<vmem_shared>>
    tpu.enqueue_indirect_dma source(%dma_start3A_626 : memref<10240x16xf32, #tpu.memory_space<vmem_shared>>) target(%dma_start3A_620 : memref<500x16xf32, #tpu.memory_space<vmem>>) offsets(%dma_start3A_623 : memref<500xi32, #tpu.memory_space<vmem>>) semaphore(%arg11 : memref<!tpu.dma_semaphore, #tpu.memory_space<semaphore_mem>>)
    %dma_wait3A_627 = arith.constant 0 : i32
    %dma_wait3A_628 = arith.constant 0 : i32
    %dma_wait3A_629 = arith.constant 0 : i32
    %dma_wait3A_630 = arith.constant 0 : i32
    %dma_wait3A_631 = tpu.memref_slice %arg7[%dma_wait3A_628, %dma_wait3A_629, %dma_wait3A_630] : memref<6x500x16xf32, #tpu.memory_space<vmem>> -> memref<1x500x16xf32, #tpu.memory_space<vmem>>
    %dma_wait3A_632 = tpu.memref_squeeze %dma_wait3A_631 : memref<1x500x16xf32, #tpu.memory_space<vmem>> -> memref<500x16xf32, #tpu.memory_space<vmem>>
    %dma_wait3A_633 = arith.constant 0 : i32
    %dma_wait3A_634 = tpu.memref_slice %arg5[%dma_wait3A_627, %dma_wait3A_633] : memref<20x500xi32, #tpu.memory_space<vmem>> -> memref<1x500xi32, #tpu.memory_space<vmem>>
    %dma_wait3A_635 = tpu.memref_squeeze %dma_wait3A_634 : memref<1x500xi32, #tpu.memory_space<vmem>> -> memref<500xi32, #tpu.memory_space<vmem>>
    %dma_wait3A_636 = arith.constant 0 : i32
    %dma_wait3A_637 = arith.constant 0 : i32
    %dma_wait3A_638 = tpu.memref_slice %arg10[%dma_wait3A_636, %dma_wait3A_637] : memref<10240x16xf32, #tpu.memory_space<vmem_shared>> -> memref<10240x16xf32, #tpu.memory_space<vmem_shared>>
    tpu.wait_indirect_dma semaphore(%arg11 : memref<!tpu.dma_semaphore, #tpu.memory_space<semaphore_mem>>) src(%dma_wait3A_638 : memref<10240x16xf32, #tpu.memory_space<vmem_shared>>) dst(%dma_wait3A_632 : memref<500x16xf32, #tpu.memory_space<vmem>>)
    %dma_start3A_639 = arith.constant 0 : i32
    %dma_start3A_640 = arith.constant 12 : i32
    %dma_start3A_641 = arith.constant 0 : i32
    %dma_start3A_642 = arith.constant 0 : i32
    %dma_start3A_643 = tpu.memref_slice %arg7[%dma_start3A_639, %dma_start3A_641, %dma_start3A_642] : memref<6x500x16xf32, #tpu.memory_space<vmem>> -> memref<1x500x16xf32, #tpu.memory_space<vmem>>
    %dma_start3A_644 = tpu.memref_squeeze %dma_start3A_643 : memref<1x500x16xf32, #tpu.memory_space<vmem>> -> memref<500x16xf32, #tpu.memory_space<vmem>>
    %dma_start3A_645 = arith.constant 0 : i32
    %dma_start3A_646 = tpu.memref_slice %arg6[%dma_start3A_640, %dma_start3A_645] : memref<20x500xi32, #tpu.memory_space<vmem>> -> memref<1x500xi32, #tpu.memory_space<vmem>>
    %dma_start3A_647 = tpu.memref_squeeze %dma_start3A_646 : memref<1x500xi32, #tpu.memory_space<vmem>> -> memref<500xi32, #tpu.memory_space<vmem>>
    %dma_start3A_648 = arith.constant 0 : i32
    %dma_start3A_649 = arith.constant 0 : i32
    %dma_start3A_650 = tpu.memref_slice %arg9[%dma_start3A_648, %dma_start3A_649] : memref<10240x16xf32, #tpu.memory_space<vmem_shared>> -> memref<10240x16xf32, #tpu.memory_space<vmem_shared>>
    tpu.enqueue_indirect_dma source(%dma_start3A_644 : memref<500x16xf32, #tpu.memory_space<vmem>>) target(%dma_start3A_650 : memref<10240x16xf32, #tpu.memory_space<vmem_shared>>) offsets(%dma_start3A_647 : memref<500xi32, #tpu.memory_space<vmem>>) semaphore(%arg12 : memref<!tpu.dma_semaphore, #tpu.memory_space<semaphore_mem>>) {add = true}
    %dma_wait3A_651 = arith.constant 0 : i32
    %dma_wait3A_652 = arith.constant 0 : i32
    %dma_wait3A_653 = arith.constant 0 : i32
    %dma_wait3A_654 = arith.constant 0 : i32
    %dma_wait3A_655 = tpu.memref_slice %arg7[%dma_wait3A_651, %dma_wait3A_653, %dma_wait3A_654] : memref<6x500x16xf32, #tpu.memory_space<vmem>> -> memref<1x500x16xf32, #tpu.memory_space<vmem>>
    %dma_wait3A_656 = tpu.memref_squeeze %dma_wait3A_655 : memref<1x500x16xf32, #tpu.memory_space<vmem>> -> memref<500x16xf32, #tpu.memory_space<vmem>>
    %dma_wait3A_657 = arith.constant 0 : i32
    %dma_wait3A_658 = tpu.memref_slice %arg6[%dma_wait3A_652, %dma_wait3A_657] : memref<20x500xi32, #tpu.memory_space<vmem>> -> memref<1x500xi32, #tpu.memory_space<vmem>>
    %dma_wait3A_659 = tpu.memref_squeeze %dma_wait3A_658 : memref<1x500xi32, #tpu.memory_space<vmem>> -> memref<500xi32, #tpu.memory_space<vmem>>
    %dma_wait3A_660 = arith.constant 0 : i32
    %dma_wait3A_661 = arith.constant 0 : i32
    %dma_wait3A_662 = tpu.memref_slice %arg9[%dma_wait3A_660, %dma_wait3A_661] : memref<10240x16xf32, #tpu.memory_space<vmem_shared>> -> memref<10240x16xf32, #tpu.memory_space<vmem_shared>>
    tpu.wait_indirect_dma semaphore(%arg12 : memref<!tpu.dma_semaphore, #tpu.memory_space<semaphore_mem>>) src(%dma_wait3A_656 : memref<500x16xf32, #tpu.memory_space<vmem>>) dst(%dma_wait3A_662 : memref<10240x16xf32, #tpu.memory_space<vmem_shared>>)
    %dma_start3A_663 = arith.constant 14 : i32
    %dma_start3A_664 = arith.constant 2 : i32
    %dma_start3A_665 = arith.constant 0 : i32
    %dma_start3A_666 = arith.constant 0 : i32
    %dma_start3A_667 = tpu.memref_slice %arg7[%dma_start3A_664, %dma_start3A_665, %dma_start3A_666] : memref<6x500x16xf32, #tpu.memory_space<vmem>> -> memref<1x500x16xf32, #tpu.memory_space<vmem>>
    %dma_start3A_668 = tpu.memref_squeeze %dma_start3A_667 : memref<1x500x16xf32, #tpu.memory_space<vmem>> -> memref<500x16xf32, #tpu.memory_space<vmem>>
    %dma_start3A_669 = arith.constant 0 : i32
    %dma_start3A_670 = tpu.memref_slice %arg5[%dma_start3A_663, %dma_start3A_669] : memref<20x500xi32, #tpu.memory_space<vmem>> -> memref<1x500xi32, #tpu.memory_space<vmem>>
    %dma_start3A_671 = tpu.memref_squeeze %dma_start3A_670 : memref<1x500xi32, #tpu.memory_space<vmem>> -> memref<500xi32, #tpu.memory_space<vmem>>
    %dma_start3A_672 = arith.constant 0 : i32
    %dma_start3A_673 = arith.constant 0 : i32
    %dma_start3A_674 = tpu.memref_slice %arg10[%dma_start3A_672, %dma_start3A_673] : memref<10240x16xf32, #tpu.memory_space<vmem_shared>> -> memref<10240x16xf32, #tpu.memory_space<vmem_shared>>
    tpu.enqueue_indirect_dma source(%dma_start3A_674 : memref<10240x16xf32, #tpu.memory_space<vmem_shared>>) target(%dma_start3A_668 : memref<500x16xf32, #tpu.memory_space<vmem>>) offsets(%dma_start3A_671 : memref<500xi32, #tpu.memory_space<vmem>>) semaphore(%arg11 : memref<!tpu.dma_semaphore, #tpu.memory_space<semaphore_mem>>)
    %dma_wait3A_675 = arith.constant 0 : i32
    %dma_wait3A_676 = arith.constant 0 : i32
    %dma_wait3A_677 = arith.constant 0 : i32
    %dma_wait3A_678 = arith.constant 0 : i32
    %dma_wait3A_679 = tpu.memref_slice %arg7[%dma_wait3A_676, %dma_wait3A_677, %dma_wait3A_678] : memref<6x500x16xf32, #tpu.memory_space<vmem>> -> memref<1x500x16xf32, #tpu.memory_space<vmem>>
    %dma_wait3A_680 = tpu.memref_squeeze %dma_wait3A_679 : memref<1x500x16xf32, #tpu.memory_space<vmem>> -> memref<500x16xf32, #tpu.memory_space<vmem>>
    %dma_wait3A_681 = arith.constant 0 : i32
    %dma_wait3A_682 = tpu.memref_slice %arg5[%dma_wait3A_675, %dma_wait3A_681] : memref<20x500xi32, #tpu.memory_space<vmem>> -> memref<1x500xi32, #tpu.memory_space<vmem>>
    %dma_wait3A_683 = tpu.memref_squeeze %dma_wait3A_682 : memref<1x500xi32, #tpu.memory_space<vmem>> -> memref<500xi32, #tpu.memory_space<vmem>>
    %dma_wait3A_684 = arith.constant 0 : i32
    %dma_wait3A_685 = arith.constant 0 : i32
    %dma_wait3A_686 = tpu.memref_slice %arg10[%dma_wait3A_684, %dma_wait3A_685] : memref<10240x16xf32, #tpu.memory_space<vmem_shared>> -> memref<10240x16xf32, #tpu.memory_space<vmem_shared>>
    tpu.wait_indirect_dma semaphore(%arg11 : memref<!tpu.dma_semaphore, #tpu.memory_space<semaphore_mem>>) src(%dma_wait3A_686 : memref<10240x16xf32, #tpu.memory_space<vmem_shared>>) dst(%dma_wait3A_680 : memref<500x16xf32, #tpu.memory_space<vmem>>)
    %dma_start3A_687 = arith.constant 1 : i32
    %dma_start3A_688 = arith.constant 13 : i32
    %dma_start3A_689 = arith.constant 0 : i32
    %dma_start3A_690 = arith.constant 0 : i32
    %dma_start3A_691 = tpu.memref_slice %arg7[%dma_start3A_687, %dma_start3A_689, %dma_start3A_690] : memref<6x500x16xf32, #tpu.memory_space<vmem>> -> memref<1x500x16xf32, #tpu.memory_space<vmem>>
    %dma_start3A_692 = tpu.memref_squeeze %dma_start3A_691 : memref<1x500x16xf32, #tpu.memory_space<vmem>> -> memref<500x16xf32, #tpu.memory_space<vmem>>
    %dma_start3A_693 = arith.constant 0 : i32
    %dma_start3A_694 = tpu.memref_slice %arg6[%dma_start3A_688, %dma_start3A_693] : memref<20x500xi32, #tpu.memory_space<vmem>> -> memref<1x500xi32, #tpu.memory_space<vmem>>
    %dma_start3A_695 = tpu.memref_squeeze %dma_start3A_694 : memref<1x500xi32, #tpu.memory_space<vmem>> -> memref<500xi32, #tpu.memory_space<vmem>>
    %dma_start3A_696 = arith.constant 0 : i32
    %dma_start3A_697 = arith.constant 0 : i32
    %dma_start3A_698 = tpu.memref_slice %arg9[%dma_start3A_696, %dma_start3A_697] : memref<10240x16xf32, #tpu.memory_space<vmem_shared>> -> memref<10240x16xf32, #tpu.memory_space<vmem_shared>>
    tpu.enqueue_indirect_dma source(%dma_start3A_692 : memref<500x16xf32, #tpu.memory_space<vmem>>) target(%dma_start3A_698 : memref<10240x16xf32, #tpu.memory_space<vmem_shared>>) offsets(%dma_start3A_695 : memref<500xi32, #tpu.memory_space<vmem>>) semaphore(%arg12 : memref<!tpu.dma_semaphore, #tpu.memory_space<semaphore_mem>>) {add = true}
    %dma_wait3A_699 = arith.constant 0 : i32
    %dma_wait3A_700 = arith.constant 0 : i32
    %dma_wait3A_701 = arith.constant 0 : i32
    %dma_wait3A_702 = arith.constant 0 : i32
    %dma_wait3A_703 = tpu.memref_slice %arg7[%dma_wait3A_699, %dma_wait3A_701, %dma_wait3A_702] : memref<6x500x16xf32, #tpu.memory_space<vmem>> -> memref<1x500x16xf32, #tpu.memory_space<vmem>>
    %dma_wait3A_704 = tpu.memref_squeeze %dma_wait3A_703 : memref<1x500x16xf32, #tpu.memory_space<vmem>> -> memref<500x16xf32, #tpu.memory_space<vmem>>
    %dma_wait3A_705 = arith.constant 0 : i32
    %dma_wait3A_706 = tpu.memref_slice %arg6[%dma_wait3A_700, %dma_wait3A_705] : memref<20x500xi32, #tpu.memory_space<vmem>> -> memref<1x500xi32, #tpu.memory_space<vmem>>
    %dma_wait3A_707 = tpu.memref_squeeze %dma_wait3A_706 : memref<1x500xi32, #tpu.memory_space<vmem>> -> memref<500xi32, #tpu.memory_space<vmem>>
    %dma_wait3A_708 = arith.constant 0 : i32
    %dma_wait3A_709 = arith.constant 0 : i32
    %dma_wait3A_710 = tpu.memref_slice %arg9[%dma_wait3A_708, %dma_wait3A_709] : memref<10240x16xf32, #tpu.memory_space<vmem_shared>> -> memref<10240x16xf32, #tpu.memory_space<vmem_shared>>
    tpu.wait_indirect_dma semaphore(%arg12 : memref<!tpu.dma_semaphore, #tpu.memory_space<semaphore_mem>>) src(%dma_wait3A_704 : memref<500x16xf32, #tpu.memory_space<vmem>>) dst(%dma_wait3A_710 : memref<10240x16xf32, #tpu.memory_space<vmem_shared>>)
    %dma_start3A_711 = arith.constant 15 : i32
    %dma_start3A_712 = arith.constant 3 : i32
    %dma_start3A_713 = arith.constant 0 : i32
    %dma_start3A_714 = arith.constant 0 : i32
    %dma_start3A_715 = tpu.memref_slice %arg7[%dma_start3A_712, %dma_start3A_713, %dma_start3A_714] : memref<6x500x16xf32, #tpu.memory_space<vmem>> -> memref<1x500x16xf32, #tpu.memory_space<vmem>>
    %dma_start3A_716 = tpu.memref_squeeze %dma_start3A_715 : memref<1x500x16xf32, #tpu.memory_space<vmem>> -> memref<500x16xf32, #tpu.memory_space<vmem>>
    %dma_start3A_717 = arith.constant 0 : i32
    %dma_start3A_718 = tpu.memref_slice %arg5[%dma_start3A_711, %dma_start3A_717] : memref<20x500xi32, #tpu.memory_space<vmem>> -> memref<1x500xi32, #tpu.memory_space<vmem>>
    %dma_start3A_719 = tpu.memref_squeeze %dma_start3A_718 : memref<1x500xi32, #tpu.memory_space<vmem>> -> memref<500xi32, #tpu.memory_space<vmem>>
    %dma_start3A_720 = arith.constant 0 : i32
    %dma_start3A_721 = arith.constant 0 : i32
    %dma_start3A_722 = tpu.memref_slice %arg10[%dma_start3A_720, %dma_start3A_721] : memref<10240x16xf32, #tpu.memory_space<vmem_shared>> -> memref<10240x16xf32, #tpu.memory_space<vmem_shared>>
    tpu.enqueue_indirect_dma source(%dma_start3A_722 : memref<10240x16xf32, #tpu.memory_space<vmem_shared>>) target(%dma_start3A_716 : memref<500x16xf32, #tpu.memory_space<vmem>>) offsets(%dma_start3A_719 : memref<500xi32, #tpu.memory_space<vmem>>) semaphore(%arg11 : memref<!tpu.dma_semaphore, #tpu.memory_space<semaphore_mem>>)
    %dma_wait3A_723 = arith.constant 0 : i32
    %dma_wait3A_724 = arith.constant 0 : i32
    %dma_wait3A_725 = arith.constant 0 : i32
    %dma_wait3A_726 = arith.constant 0 : i32
    %dma_wait3A_727 = tpu.memref_slice %arg7[%dma_wait3A_724, %dma_wait3A_725, %dma_wait3A_726] : memref<6x500x16xf32, #tpu.memory_space<vmem>> -> memref<1x500x16xf32, #tpu.memory_space<vmem>>
    %dma_wait3A_728 = tpu.memref_squeeze %dma_wait3A_727 : memref<1x500x16xf32, #tpu.memory_space<vmem>> -> memref<500x16xf32, #tpu.memory_space<vmem>>
    %dma_wait3A_729 = arith.constant 0 : i32
    %dma_wait3A_730 = tpu.memref_slice %arg5[%dma_wait3A_723, %dma_wait3A_729] : memref<20x500xi32, #tpu.memory_space<vmem>> -> memref<1x500xi32, #tpu.memory_space<vmem>>
    %dma_wait3A_731 = tpu.memref_squeeze %dma_wait3A_730 : memref<1x500xi32, #tpu.memory_space<vmem>> -> memref<500xi32, #tpu.memory_space<vmem>>
    %dma_wait3A_732 = arith.constant 0 : i32
    %dma_wait3A_733 = arith.constant 0 : i32
    %dma_wait3A_734 = tpu.memref_slice %arg10[%dma_wait3A_732, %dma_wait3A_733] : memref<10240x16xf32, #tpu.memory_space<vmem_shared>> -> memref<10240x16xf32, #tpu.memory_space<vmem_shared>>
    tpu.wait_indirect_dma semaphore(%arg11 : memref<!tpu.dma_semaphore, #tpu.memory_space<semaphore_mem>>) src(%dma_wait3A_734 : memref<10240x16xf32, #tpu.memory_space<vmem_shared>>) dst(%dma_wait3A_728 : memref<500x16xf32, #tpu.memory_space<vmem>>)
    %dma_start3A_735 = arith.constant 2 : i32
    %dma_start3A_736 = arith.constant 14 : i32
    %dma_start3A_737 = arith.constant 0 : i32
    %dma_start3A_738 = arith.constant 0 : i32
    %dma_start3A_739 = tpu.memref_slice %arg7[%dma_start3A_735, %dma_start3A_737, %dma_start3A_738] : memref<6x500x16xf32, #tpu.memory_space<vmem>> -> memref<1x500x16xf32, #tpu.memory_space<vmem>>
    %dma_start3A_740 = tpu.memref_squeeze %dma_start3A_739 : memref<1x500x16xf32, #tpu.memory_space<vmem>> -> memref<500x16xf32, #tpu.memory_space<vmem>>
    %dma_start3A_741 = arith.constant 0 : i32
    %dma_start3A_742 = tpu.memref_slice %arg6[%dma_start3A_736, %dma_start3A_741] : memref<20x500xi32, #tpu.memory_space<vmem>> -> memref<1x500xi32, #tpu.memory_space<vmem>>
    %dma_start3A_743 = tpu.memref_squeeze %dma_start3A_742 : memref<1x500xi32, #tpu.memory_space<vmem>> -> memref<500xi32, #tpu.memory_space<vmem>>
    %dma_start3A_744 = arith.constant 0 : i32
    %dma_start3A_745 = arith.constant 0 : i32
    %dma_start3A_746 = tpu.memref_slice %arg9[%dma_start3A_744, %dma_start3A_745] : memref<10240x16xf32, #tpu.memory_space<vmem_shared>> -> memref<10240x16xf32, #tpu.memory_space<vmem_shared>>
    tpu.enqueue_indirect_dma source(%dma_start3A_740 : memref<500x16xf32, #tpu.memory_space<vmem>>) target(%dma_start3A_746 : memref<10240x16xf32, #tpu.memory_space<vmem_shared>>) offsets(%dma_start3A_743 : memref<500xi32, #tpu.memory_space<vmem>>) semaphore(%arg12 : memref<!tpu.dma_semaphore, #tpu.memory_space<semaphore_mem>>) {add = true}
    %dma_wait3A_747 = arith.constant 0 : i32
    %dma_wait3A_748 = arith.constant 0 : i32
    %dma_wait3A_749 = arith.constant 0 : i32
    %dma_wait3A_750 = arith.constant 0 : i32
    %dma_wait3A_751 = tpu.memref_slice %arg7[%dma_wait3A_747, %dma_wait3A_749, %dma_wait3A_750] : memref<6x500x16xf32, #tpu.memory_space<vmem>> -> memref<1x500x16xf32, #tpu.memory_space<vmem>>
    %dma_wait3A_752 = tpu.memref_squeeze %dma_wait3A_751 : memref<1x500x16xf32, #tpu.memory_space<vmem>> -> memref<500x16xf32, #tpu.memory_space<vmem>>
    %dma_wait3A_753 = arith.constant 0 : i32
    %dma_wait3A_754 = tpu.memref_slice %arg6[%dma_wait3A_748, %dma_wait3A_753] : memref<20x500xi32, #tpu.memory_space<vmem>> -> memref<1x500xi32, #tpu.memory_space<vmem>>
    %dma_wait3A_755 = tpu.memref_squeeze %dma_wait3A_754 : memref<1x500xi32, #tpu.memory_space<vmem>> -> memref<500xi32, #tpu.memory_space<vmem>>
    %dma_wait3A_756 = arith.constant 0 : i32
    %dma_wait3A_757 = arith.constant 0 : i32
    %dma_wait3A_758 = tpu.memref_slice %arg9[%dma_wait3A_756, %dma_wait3A_757] : memref<10240x16xf32, #tpu.memory_space<vmem_shared>> -> memref<10240x16xf32, #tpu.memory_space<vmem_shared>>
    tpu.wait_indirect_dma semaphore(%arg12 : memref<!tpu.dma_semaphore, #tpu.memory_space<semaphore_mem>>) src(%dma_wait3A_752 : memref<500x16xf32, #tpu.memory_space<vmem>>) dst(%dma_wait3A_758 : memref<10240x16xf32, #tpu.memory_space<vmem_shared>>)
    %dma_start3A_759 = arith.constant 16 : i32
    %dma_start3A_760 = arith.constant 4 : i32
    %dma_start3A_761 = arith.constant 0 : i32
    %dma_start3A_762 = arith.constant 0 : i32
    %dma_start3A_763 = tpu.memref_slice %arg7[%dma_start3A_760, %dma_start3A_761, %dma_start3A_762] : memref<6x500x16xf32, #tpu.memory_space<vmem>> -> memref<1x500x16xf32, #tpu.memory_space<vmem>>
    %dma_start3A_764 = tpu.memref_squeeze %dma_start3A_763 : memref<1x500x16xf32, #tpu.memory_space<vmem>> -> memref<500x16xf32, #tpu.memory_space<vmem>>
    %dma_start3A_765 = arith.constant 0 : i32
    %dma_start3A_766 = tpu.memref_slice %arg5[%dma_start3A_759, %dma_start3A_765] : memref<20x500xi32, #tpu.memory_space<vmem>> -> memref<1x500xi32, #tpu.memory_space<vmem>>
    %dma_start3A_767 = tpu.memref_squeeze %dma_start3A_766 : memref<1x500xi32, #tpu.memory_space<vmem>> -> memref<500xi32, #tpu.memory_space<vmem>>
    %dma_start3A_768 = arith.constant 0 : i32
    %dma_start3A_769 = arith.constant 0 : i32
    %dma_start3A_770 = tpu.memref_slice %arg10[%dma_start3A_768, %dma_start3A_769] : memref<10240x16xf32, #tpu.memory_space<vmem_shared>> -> memref<10240x16xf32, #tpu.memory_space<vmem_shared>>
    tpu.enqueue_indirect_dma source(%dma_start3A_770 : memref<10240x16xf32, #tpu.memory_space<vmem_shared>>) target(%dma_start3A_764 : memref<500x16xf32, #tpu.memory_space<vmem>>) offsets(%dma_start3A_767 : memref<500xi32, #tpu.memory_space<vmem>>) semaphore(%arg11 : memref<!tpu.dma_semaphore, #tpu.memory_space<semaphore_mem>>)
    %dma_wait3A_771 = arith.constant 0 : i32
    %dma_wait3A_772 = arith.constant 0 : i32
    %dma_wait3A_773 = arith.constant 0 : i32
    %dma_wait3A_774 = arith.constant 0 : i32
    %dma_wait3A_775 = tpu.memref_slice %arg7[%dma_wait3A_772, %dma_wait3A_773, %dma_wait3A_774] : memref<6x500x16xf32, #tpu.memory_space<vmem>> -> memref<1x500x16xf32, #tpu.memory_space<vmem>>
    %dma_wait3A_776 = tpu.memref_squeeze %dma_wait3A_775 : memref<1x500x16xf32, #tpu.memory_space<vmem>> -> memref<500x16xf32, #tpu.memory_space<vmem>>
    %dma_wait3A_777 = arith.constant 0 : i32
    %dma_wait3A_778 = tpu.memref_slice %arg5[%dma_wait3A_771, %dma_wait3A_777] : memref<20x500xi32, #tpu.memory_space<vmem>> -> memref<1x500xi32, #tpu.memory_space<vmem>>
    %dma_wait3A_779 = tpu.memref_squeeze %dma_wait3A_778 : memref<1x500xi32, #tpu.memory_space<vmem>> -> memref<500xi32, #tpu.memory_space<vmem>>
    %dma_wait3A_780 = arith.constant 0 : i32
    %dma_wait3A_781 = arith.constant 0 : i32
    %dma_wait3A_782 = tpu.memref_slice %arg10[%dma_wait3A_780, %dma_wait3A_781] : memref<10240x16xf32, #tpu.memory_space<vmem_shared>> -> memref<10240x16xf32, #tpu.memory_space<vmem_shared>>
    tpu.wait_indirect_dma semaphore(%arg11 : memref<!tpu.dma_semaphore, #tpu.memory_space<semaphore_mem>>) src(%dma_wait3A_782 : memref<10240x16xf32, #tpu.memory_space<vmem_shared>>) dst(%dma_wait3A_776 : memref<500x16xf32, #tpu.memory_space<vmem>>)
    %dma_start3A_783 = arith.constant 3 : i32
    %dma_start3A_784 = arith.constant 15 : i32
    %dma_start3A_785 = arith.constant 0 : i32
    %dma_start3A_786 = arith.constant 0 : i32
    %dma_start3A_787 = tpu.memref_slice %arg7[%dma_start3A_783, %dma_start3A_785, %dma_start3A_786] : memref<6x500x16xf32, #tpu.memory_space<vmem>> -> memref<1x500x16xf32, #tpu.memory_space<vmem>>
    %dma_start3A_788 = tpu.memref_squeeze %dma_start3A_787 : memref<1x500x16xf32, #tpu.memory_space<vmem>> -> memref<500x16xf32, #tpu.memory_space<vmem>>
    %dma_start3A_789 = arith.constant 0 : i32
    %dma_start3A_790 = tpu.memref_slice %arg6[%dma_start3A_784, %dma_start3A_789] : memref<20x500xi32, #tpu.memory_space<vmem>> -> memref<1x500xi32, #tpu.memory_space<vmem>>
    %dma_start3A_791 = tpu.memref_squeeze %dma_start3A_790 : memref<1x500xi32, #tpu.memory_space<vmem>> -> memref<500xi32, #tpu.memory_space<vmem>>
    %dma_start3A_792 = arith.constant 0 : i32
    %dma_start3A_793 = arith.constant 0 : i32
    %dma_start3A_794 = tpu.memref_slice %arg9[%dma_start3A_792, %dma_start3A_793] : memref<10240x16xf32, #tpu.memory_space<vmem_shared>> -> memref<10240x16xf32, #tpu.memory_space<vmem_shared>>
    tpu.enqueue_indirect_dma source(%dma_start3A_788 : memref<500x16xf32, #tpu.memory_space<vmem>>) target(%dma_start3A_794 : memref<10240x16xf32, #tpu.memory_space<vmem_shared>>) offsets(%dma_start3A_791 : memref<500xi32, #tpu.memory_space<vmem>>) semaphore(%arg12 : memref<!tpu.dma_semaphore, #tpu.memory_space<semaphore_mem>>) {add = true}
    %dma_wait3A_795 = arith.constant 0 : i32
    %dma_wait3A_796 = arith.constant 0 : i32
    %dma_wait3A_797 = arith.constant 0 : i32
    %dma_wait3A_798 = arith.constant 0 : i32
    %dma_wait3A_799 = tpu.memref_slice %arg7[%dma_wait3A_795, %dma_wait3A_797, %dma_wait3A_798] : memref<6x500x16xf32, #tpu.memory_space<vmem>> -> memref<1x500x16xf32, #tpu.memory_space<vmem>>
    %dma_wait3A_800 = tpu.memref_squeeze %dma_wait3A_799 : memref<1x500x16xf32, #tpu.memory_space<vmem>> -> memref<500x16xf32, #tpu.memory_space<vmem>>
    %dma_wait3A_801 = arith.constant 0 : i32
    %dma_wait3A_802 = tpu.memref_slice %arg6[%dma_wait3A_796, %dma_wait3A_801] : memref<20x500xi32, #tpu.memory_space<vmem>> -> memref<1x500xi32, #tpu.memory_space<vmem>>
    %dma_wait3A_803 = tpu.memref_squeeze %dma_wait3A_802 : memref<1x500xi32, #tpu.memory_space<vmem>> -> memref<500xi32, #tpu.memory_space<vmem>>
    %dma_wait3A_804 = arith.constant 0 : i32
    %dma_wait3A_805 = arith.constant 0 : i32
    %dma_wait3A_806 = tpu.memref_slice %arg9[%dma_wait3A_804, %dma_wait3A_805] : memref<10240x16xf32, #tpu.memory_space<vmem_shared>> -> memref<10240x16xf32, #tpu.memory_space<vmem_shared>>
    tpu.wait_indirect_dma semaphore(%arg12 : memref<!tpu.dma_semaphore, #tpu.memory_space<semaphore_mem>>) src(%dma_wait3A_800 : memref<500x16xf32, #tpu.memory_space<vmem>>) dst(%dma_wait3A_806 : memref<10240x16xf32, #tpu.memory_space<vmem_shared>>)
    %dma_start3A_807 = arith.constant 17 : i32
    %dma_start3A_808 = arith.constant 5 : i32
    %dma_start3A_809 = arith.constant 0 : i32
    %dma_start3A_810 = arith.constant 0 : i32
    %dma_start3A_811 = tpu.memref_slice %arg7[%dma_start3A_808, %dma_start3A_809, %dma_start3A_810] : memref<6x500x16xf32, #tpu.memory_space<vmem>> -> memref<1x500x16xf32, #tpu.memory_space<vmem>>
    %dma_start3A_812 = tpu.memref_squeeze %dma_start3A_811 : memref<1x500x16xf32, #tpu.memory_space<vmem>> -> memref<500x16xf32, #tpu.memory_space<vmem>>
    %dma_start3A_813 = arith.constant 0 : i32
    %dma_start3A_814 = tpu.memref_slice %arg5[%dma_start3A_807, %dma_start3A_813] : memref<20x500xi32, #tpu.memory_space<vmem>> -> memref<1x500xi32, #tpu.memory_space<vmem>>
    %dma_start3A_815 = tpu.memref_squeeze %dma_start3A_814 : memref<1x500xi32, #tpu.memory_space<vmem>> -> memref<500xi32, #tpu.memory_space<vmem>>
    %dma_start3A_816 = arith.constant 0 : i32
    %dma_start3A_817 = arith.constant 0 : i32
    %dma_start3A_818 = tpu.memref_slice %arg10[%dma_start3A_816, %dma_start3A_817] : memref<10240x16xf32, #tpu.memory_space<vmem_shared>> -> memref<10240x16xf32, #tpu.memory_space<vmem_shared>>
    tpu.enqueue_indirect_dma source(%dma_start3A_818 : memref<10240x16xf32, #tpu.memory_space<vmem_shared>>) target(%dma_start3A_812 : memref<500x16xf32, #tpu.memory_space<vmem>>) offsets(%dma_start3A_815 : memref<500xi32, #tpu.memory_space<vmem>>) semaphore(%arg11 : memref<!tpu.dma_semaphore, #tpu.memory_space<semaphore_mem>>)
    %dma_wait3A_819 = arith.constant 0 : i32
    %dma_wait3A_820 = arith.constant 0 : i32
    %dma_wait3A_821 = arith.constant 0 : i32
    %dma_wait3A_822 = arith.constant 0 : i32
    %dma_wait3A_823 = tpu.memref_slice %arg7[%dma_wait3A_820, %dma_wait3A_821, %dma_wait3A_822] : memref<6x500x16xf32, #tpu.memory_space<vmem>> -> memref<1x500x16xf32, #tpu.memory_space<vmem>>
    %dma_wait3A_824 = tpu.memref_squeeze %dma_wait3A_823 : memref<1x500x16xf32, #tpu.memory_space<vmem>> -> memref<500x16xf32, #tpu.memory_space<vmem>>
    %dma_wait3A_825 = arith.constant 0 : i32
    %dma_wait3A_826 = tpu.memref_slice %arg5[%dma_wait3A_819, %dma_wait3A_825] : memref<20x500xi32, #tpu.memory_space<vmem>> -> memref<1x500xi32, #tpu.memory_space<vmem>>
    %dma_wait3A_827 = tpu.memref_squeeze %dma_wait3A_826 : memref<1x500xi32, #tpu.memory_space<vmem>> -> memref<500xi32, #tpu.memory_space<vmem>>
    %dma_wait3A_828 = arith.constant 0 : i32
    %dma_wait3A_829 = arith.constant 0 : i32
    %dma_wait3A_830 = tpu.memref_slice %arg10[%dma_wait3A_828, %dma_wait3A_829] : memref<10240x16xf32, #tpu.memory_space<vmem_shared>> -> memref<10240x16xf32, #tpu.memory_space<vmem_shared>>
    tpu.wait_indirect_dma semaphore(%arg11 : memref<!tpu.dma_semaphore, #tpu.memory_space<semaphore_mem>>) src(%dma_wait3A_830 : memref<10240x16xf32, #tpu.memory_space<vmem_shared>>) dst(%dma_wait3A_824 : memref<500x16xf32, #tpu.memory_space<vmem>>)
    %dma_start3A_831 = arith.constant 4 : i32
    %dma_start3A_832 = arith.constant 16 : i32
    %dma_start3A_833 = arith.constant 0 : i32
    %dma_start3A_834 = arith.constant 0 : i32
    %dma_start3A_835 = tpu.memref_slice %arg7[%dma_start3A_831, %dma_start3A_833, %dma_start3A_834] : memref<6x500x16xf32, #tpu.memory_space<vmem>> -> memref<1x500x16xf32, #tpu.memory_space<vmem>>
    %dma_start3A_836 = tpu.memref_squeeze %dma_start3A_835 : memref<1x500x16xf32, #tpu.memory_space<vmem>> -> memref<500x16xf32, #tpu.memory_space<vmem>>
    %dma_start3A_837 = arith.constant 0 : i32
    %dma_start3A_838 = tpu.memref_slice %arg6[%dma_start3A_832, %dma_start3A_837] : memref<20x500xi32, #tpu.memory_space<vmem>> -> memref<1x500xi32, #tpu.memory_space<vmem>>
    %dma_start3A_839 = tpu.memref_squeeze %dma_start3A_838 : memref<1x500xi32, #tpu.memory_space<vmem>> -> memref<500xi32, #tpu.memory_space<vmem>>
    %dma_start3A_840 = arith.constant 0 : i32
    %dma_start3A_841 = arith.constant 0 : i32
    %dma_start3A_842 = tpu.memref_slice %arg9[%dma_start3A_840, %dma_start3A_841] : memref<10240x16xf32, #tpu.memory_space<vmem_shared>> -> memref<10240x16xf32, #tpu.memory_space<vmem_shared>>
    tpu.enqueue_indirect_dma source(%dma_start3A_836 : memref<500x16xf32, #tpu.memory_space<vmem>>) target(%dma_start3A_842 : memref<10240x16xf32, #tpu.memory_space<vmem_shared>>) offsets(%dma_start3A_839 : memref<500xi32, #tpu.memory_space<vmem>>) semaphore(%arg12 : memref<!tpu.dma_semaphore, #tpu.memory_space<semaphore_mem>>) {add = true}
    %dma_wait3A_843 = arith.constant 0 : i32
    %dma_wait3A_844 = arith.constant 0 : i32
    %dma_wait3A_845 = arith.constant 0 : i32
    %dma_wait3A_846 = arith.constant 0 : i32
    %dma_wait3A_847 = tpu.memref_slice %arg7[%dma_wait3A_843, %dma_wait3A_845, %dma_wait3A_846] : memref<6x500x16xf32, #tpu.memory_space<vmem>> -> memref<1x500x16xf32, #tpu.memory_space<vmem>>
    %dma_wait3A_848 = tpu.memref_squeeze %dma_wait3A_847 : memref<1x500x16xf32, #tpu.memory_space<vmem>> -> memref<500x16xf32, #tpu.memory_space<vmem>>
    %dma_wait3A_849 = arith.constant 0 : i32
    %dma_wait3A_850 = tpu.memref_slice %arg6[%dma_wait3A_844, %dma_wait3A_849] : memref<20x500xi32, #tpu.memory_space<vmem>> -> memref<1x500xi32, #tpu.memory_space<vmem>>
    %dma_wait3A_851 = tpu.memref_squeeze %dma_wait3A_850 : memref<1x500xi32, #tpu.memory_space<vmem>> -> memref<500xi32, #tpu.memory_space<vmem>>
    %dma_wait3A_852 = arith.constant 0 : i32
    %dma_wait3A_853 = arith.constant 0 : i32
    %dma_wait3A_854 = tpu.memref_slice %arg9[%dma_wait3A_852, %dma_wait3A_853] : memref<10240x16xf32, #tpu.memory_space<vmem_shared>> -> memref<10240x16xf32, #tpu.memory_space<vmem_shared>>
    tpu.wait_indirect_dma semaphore(%arg12 : memref<!tpu.dma_semaphore, #tpu.memory_space<semaphore_mem>>) src(%dma_wait3A_848 : memref<500x16xf32, #tpu.memory_space<vmem>>) dst(%dma_wait3A_854 : memref<10240x16xf32, #tpu.memory_space<vmem_shared>>)
    %dma_start3A_855 = arith.constant 18 : i32
    %dma_start3A_856 = arith.constant 0 : i32
    %dma_start3A_857 = arith.constant 0 : i32
    %dma_start3A_858 = arith.constant 0 : i32
    %dma_start3A_859 = tpu.memref_slice %arg7[%dma_start3A_856, %dma_start3A_857, %dma_start3A_858] : memref<6x500x16xf32, #tpu.memory_space<vmem>> -> memref<1x500x16xf32, #tpu.memory_space<vmem>>
    %dma_start3A_860 = tpu.memref_squeeze %dma_start3A_859 : memref<1x500x16xf32, #tpu.memory_space<vmem>> -> memref<500x16xf32, #tpu.memory_space<vmem>>
    %dma_start3A_861 = arith.constant 0 : i32
    %dma_start3A_862 = tpu.memref_slice %arg5[%dma_start3A_855, %dma_start3A_861] : memref<20x500xi32, #tpu.memory_space<vmem>> -> memref<1x500xi32, #tpu.memory_space<vmem>>
    %dma_start3A_863 = tpu.memref_squeeze %dma_start3A_862 : memref<1x500xi32, #tpu.memory_space<vmem>> -> memref<500xi32, #tpu.memory_space<vmem>>
    %dma_start3A_864 = arith.constant 0 : i32
    %dma_start3A_865 = arith.constant 0 : i32
    %dma_start3A_866 = tpu.memref_slice %arg10[%dma_start3A_864, %dma_start3A_865] : memref<10240x16xf32, #tpu.memory_space<vmem_shared>> -> memref<10240x16xf32, #tpu.memory_space<vmem_shared>>
    tpu.enqueue_indirect_dma source(%dma_start3A_866 : memref<10240x16xf32, #tpu.memory_space<vmem_shared>>) target(%dma_start3A_860 : memref<500x16xf32, #tpu.memory_space<vmem>>) offsets(%dma_start3A_863 : memref<500xi32, #tpu.memory_space<vmem>>) semaphore(%arg11 : memref<!tpu.dma_semaphore, #tpu.memory_space<semaphore_mem>>)
    %dma_wait3A_867 = arith.constant 0 : i32
    %dma_wait3A_868 = arith.constant 0 : i32
    %dma_wait3A_869 = arith.constant 0 : i32
    %dma_wait3A_870 = arith.constant 0 : i32
    %dma_wait3A_871 = tpu.memref_slice %arg7[%dma_wait3A_868, %dma_wait3A_869, %dma_wait3A_870] : memref<6x500x16xf32, #tpu.memory_space<vmem>> -> memref<1x500x16xf32, #tpu.memory_space<vmem>>
    %dma_wait3A_872 = tpu.memref_squeeze %dma_wait3A_871 : memref<1x500x16xf32, #tpu.memory_space<vmem>> -> memref<500x16xf32, #tpu.memory_space<vmem>>
    %dma_wait3A_873 = arith.constant 0 : i32
    %dma_wait3A_874 = tpu.memref_slice %arg5[%dma_wait3A_867, %dma_wait3A_873] : memref<20x500xi32, #tpu.memory_space<vmem>> -> memref<1x500xi32, #tpu.memory_space<vmem>>
    %dma_wait3A_875 = tpu.memref_squeeze %dma_wait3A_874 : memref<1x500xi32, #tpu.memory_space<vmem>> -> memref<500xi32, #tpu.memory_space<vmem>>
    %dma_wait3A_876 = arith.constant 0 : i32
    %dma_wait3A_877 = arith.constant 0 : i32
    %dma_wait3A_878 = tpu.memref_slice %arg10[%dma_wait3A_876, %dma_wait3A_877] : memref<10240x16xf32, #tpu.memory_space<vmem_shared>> -> memref<10240x16xf32, #tpu.memory_space<vmem_shared>>
    tpu.wait_indirect_dma semaphore(%arg11 : memref<!tpu.dma_semaphore, #tpu.memory_space<semaphore_mem>>) src(%dma_wait3A_878 : memref<10240x16xf32, #tpu.memory_space<vmem_shared>>) dst(%dma_wait3A_872 : memref<500x16xf32, #tpu.memory_space<vmem>>)
    %dma_start3A_879 = arith.constant 5 : i32
    %dma_start3A_880 = arith.constant 17 : i32
    %dma_start3A_881 = arith.constant 0 : i32
    %dma_start3A_882 = arith.constant 0 : i32
    %dma_start3A_883 = tpu.memref_slice %arg7[%dma_start3A_879, %dma_start3A_881, %dma_start3A_882] : memref<6x500x16xf32, #tpu.memory_space<vmem>> -> memref<1x500x16xf32, #tpu.memory_space<vmem>>
    %dma_start3A_884 = tpu.memref_squeeze %dma_start3A_883 : memref<1x500x16xf32, #tpu.memory_space<vmem>> -> memref<500x16xf32, #tpu.memory_space<vmem>>
    %dma_start3A_885 = arith.constant 0 : i32
    %dma_start3A_886 = tpu.memref_slice %arg6[%dma_start3A_880, %dma_start3A_885] : memref<20x500xi32, #tpu.memory_space<vmem>> -> memref<1x500xi32, #tpu.memory_space<vmem>>
    %dma_start3A_887 = tpu.memref_squeeze %dma_start3A_886 : memref<1x500xi32, #tpu.memory_space<vmem>> -> memref<500xi32, #tpu.memory_space<vmem>>
    %dma_start3A_888 = arith.constant 0 : i32
    %dma_start3A_889 = arith.constant 0 : i32
    %dma_start3A_890 = tpu.memref_slice %arg9[%dma_start3A_888, %dma_start3A_889] : memref<10240x16xf32, #tpu.memory_space<vmem_shared>> -> memref<10240x16xf32, #tpu.memory_space<vmem_shared>>
    tpu.enqueue_indirect_dma source(%dma_start3A_884 : memref<500x16xf32, #tpu.memory_space<vmem>>) target(%dma_start3A_890 : memref<10240x16xf32, #tpu.memory_space<vmem_shared>>) offsets(%dma_start3A_887 : memref<500xi32, #tpu.memory_space<vmem>>) semaphore(%arg12 : memref<!tpu.dma_semaphore, #tpu.memory_space<semaphore_mem>>) {add = true}
    %dma_wait3A_891 = arith.constant 0 : i32
    %dma_wait3A_892 = arith.constant 0 : i32
    %dma_wait3A_893 = arith.constant 0 : i32
    %dma_wait3A_894 = arith.constant 0 : i32
    %dma_wait3A_895 = tpu.memref_slice %arg7[%dma_wait3A_891, %dma_wait3A_893, %dma_wait3A_894] : memref<6x500x16xf32, #tpu.memory_space<vmem>> -> memref<1x500x16xf32, #tpu.memory_space<vmem>>
    %dma_wait3A_896 = tpu.memref_squeeze %dma_wait3A_895 : memref<1x500x16xf32, #tpu.memory_space<vmem>> -> memref<500x16xf32, #tpu.memory_space<vmem>>
    %dma_wait3A_897 = arith.constant 0 : i32
    %dma_wait3A_898 = tpu.memref_slice %arg6[%dma_wait3A_892, %dma_wait3A_897] : memref<20x500xi32, #tpu.memory_space<vmem>> -> memref<1x500xi32, #tpu.memory_space<vmem>>
    %dma_wait3A_899 = tpu.memref_squeeze %dma_wait3A_898 : memref<1x500xi32, #tpu.memory_space<vmem>> -> memref<500xi32, #tpu.memory_space<vmem>>
    %dma_wait3A_900 = arith.constant 0 : i32
    %dma_wait3A_901 = arith.constant 0 : i32
    %dma_wait3A_902 = tpu.memref_slice %arg9[%dma_wait3A_900, %dma_wait3A_901] : memref<10240x16xf32, #tpu.memory_space<vmem_shared>> -> memref<10240x16xf32, #tpu.memory_space<vmem_shared>>
    tpu.wait_indirect_dma semaphore(%arg12 : memref<!tpu.dma_semaphore, #tpu.memory_space<semaphore_mem>>) src(%dma_wait3A_896 : memref<500x16xf32, #tpu.memory_space<vmem>>) dst(%dma_wait3A_902 : memref<10240x16xf32, #tpu.memory_space<vmem_shared>>)
    %dma_start3A_903 = arith.constant 19 : i32
    %dma_start3A_904 = arith.constant 1 : i32
    %dma_start3A_905 = arith.constant 0 : i32
    %dma_start3A_906 = arith.constant 0 : i32
    %dma_start3A_907 = tpu.memref_slice %arg7[%dma_start3A_904, %dma_start3A_905, %dma_start3A_906] : memref<6x500x16xf32, #tpu.memory_space<vmem>> -> memref<1x500x16xf32, #tpu.memory_space<vmem>>
    %dma_start3A_908 = tpu.memref_squeeze %dma_start3A_907 : memref<1x500x16xf32, #tpu.memory_space<vmem>> -> memref<500x16xf32, #tpu.memory_space<vmem>>
    %dma_start3A_909 = arith.constant 0 : i32
    %dma_start3A_910 = tpu.memref_slice %arg5[%dma_start3A_903, %dma_start3A_909] : memref<20x500xi32, #tpu.memory_space<vmem>> -> memref<1x500xi32, #tpu.memory_space<vmem>>
    %dma_start3A_911 = tpu.memref_squeeze %dma_start3A_910 : memref<1x500xi32, #tpu.memory_space<vmem>> -> memref<500xi32, #tpu.memory_space<vmem>>
    %dma_start3A_912 = arith.constant 0 : i32
    %dma_start3A_913 = arith.constant 0 : i32
    %dma_start3A_914 = tpu.memref_slice %arg10[%dma_start3A_912, %dma_start3A_913] : memref<10240x16xf32, #tpu.memory_space<vmem_shared>> -> memref<10240x16xf32, #tpu.memory_space<vmem_shared>>
    tpu.enqueue_indirect_dma source(%dma_start3A_914 : memref<10240x16xf32, #tpu.memory_space<vmem_shared>>) target(%dma_start3A_908 : memref<500x16xf32, #tpu.memory_space<vmem>>) offsets(%dma_start3A_911 : memref<500xi32, #tpu.memory_space<vmem>>) semaphore(%arg11 : memref<!tpu.dma_semaphore, #tpu.memory_space<semaphore_mem>>)
    %dma_wait3A_915 = arith.constant 0 : i32
    %dma_wait3A_916 = arith.constant 0 : i32
    %dma_wait3A_917 = arith.constant 0 : i32
    %dma_wait3A_918 = arith.constant 0 : i32
    %dma_wait3A_919 = tpu.memref_slice %arg7[%dma_wait3A_916, %dma_wait3A_917, %dma_wait3A_918] : memref<6x500x16xf32, #tpu.memory_space<vmem>> -> memref<1x500x16xf32, #tpu.memory_space<vmem>>
    %dma_wait3A_920 = tpu.memref_squeeze %dma_wait3A_919 : memref<1x500x16xf32, #tpu.memory_space<vmem>> -> memref<500x16xf32, #tpu.memory_space<vmem>>
    %dma_wait3A_921 = arith.constant 0 : i32
    %dma_wait3A_922 = tpu.memref_slice %arg5[%dma_wait3A_915, %dma_wait3A_921] : memref<20x500xi32, #tpu.memory_space<vmem>> -> memref<1x500xi32, #tpu.memory_space<vmem>>
    %dma_wait3A_923 = tpu.memref_squeeze %dma_wait3A_922 : memref<1x500xi32, #tpu.memory_space<vmem>> -> memref<500xi32, #tpu.memory_space<vmem>>
    %dma_wait3A_924 = arith.constant 0 : i32
    %dma_wait3A_925 = arith.constant 0 : i32
    %dma_wait3A_926 = tpu.memref_slice %arg10[%dma_wait3A_924, %dma_wait3A_925] : memref<10240x16xf32, #tpu.memory_space<vmem_shared>> -> memref<10240x16xf32, #tpu.memory_space<vmem_shared>>
    tpu.wait_indirect_dma semaphore(%arg11 : memref<!tpu.dma_semaphore, #tpu.memory_space<semaphore_mem>>) src(%dma_wait3A_926 : memref<10240x16xf32, #tpu.memory_space<vmem_shared>>) dst(%dma_wait3A_920 : memref<500x16xf32, #tpu.memory_space<vmem>>)
    %dma_start3A_927 = arith.constant 0 : i32
    %dma_start3A_928 = arith.constant 18 : i32
    %dma_start3A_929 = arith.constant 0 : i32
    %dma_start3A_930 = arith.constant 0 : i32
    %dma_start3A_931 = tpu.memref_slice %arg7[%dma_start3A_927, %dma_start3A_929, %dma_start3A_930] : memref<6x500x16xf32, #tpu.memory_space<vmem>> -> memref<1x500x16xf32, #tpu.memory_space<vmem>>
    %dma_start3A_932 = tpu.memref_squeeze %dma_start3A_931 : memref<1x500x16xf32, #tpu.memory_space<vmem>> -> memref<500x16xf32, #tpu.memory_space<vmem>>
    %dma_start3A_933 = arith.constant 0 : i32
    %dma_start3A_934 = tpu.memref_slice %arg6[%dma_start3A_928, %dma_start3A_933] : memref<20x500xi32, #tpu.memory_space<vmem>> -> memref<1x500xi32, #tpu.memory_space<vmem>>
    %dma_start3A_935 = tpu.memref_squeeze %dma_start3A_934 : memref<1x500xi32, #tpu.memory_space<vmem>> -> memref<500xi32, #tpu.memory_space<vmem>>
    %dma_start3A_936 = arith.constant 0 : i32
    %dma_start3A_937 = arith.constant 0 : i32
    %dma_start3A_938 = tpu.memref_slice %arg9[%dma_start3A_936, %dma_start3A_937] : memref<10240x16xf32, #tpu.memory_space<vmem_shared>> -> memref<10240x16xf32, #tpu.memory_space<vmem_shared>>
    tpu.enqueue_indirect_dma source(%dma_start3A_932 : memref<500x16xf32, #tpu.memory_space<vmem>>) target(%dma_start3A_938 : memref<10240x16xf32, #tpu.memory_space<vmem_shared>>) offsets(%dma_start3A_935 : memref<500xi32, #tpu.memory_space<vmem>>) semaphore(%arg12 : memref<!tpu.dma_semaphore, #tpu.memory_space<semaphore_mem>>) {add = true}
    %dma_wait3A_939 = arith.constant 0 : i32
    %dma_wait3A_940 = arith.constant 0 : i32
    %dma_wait3A_941 = arith.constant 0 : i32
    %dma_wait3A_942 = arith.constant 0 : i32
    %dma_wait3A_943 = tpu.memref_slice %arg7[%dma_wait3A_940, %dma_wait3A_941, %dma_wait3A_942] : memref<6x500x16xf32, #tpu.memory_space<vmem>> -> memref<1x500x16xf32, #tpu.memory_space<vmem>>
    %dma_wait3A_944 = tpu.memref_squeeze %dma_wait3A_943 : memref<1x500x16xf32, #tpu.memory_space<vmem>> -> memref<500x16xf32, #tpu.memory_space<vmem>>
    %dma_wait3A_945 = arith.constant 0 : i32
    %dma_wait3A_946 = tpu.memref_slice %arg5[%dma_wait3A_939, %dma_wait3A_945] : memref<20x500xi32, #tpu.memory_space<vmem>> -> memref<1x500xi32, #tpu.memory_space<vmem>>
    %dma_wait3A_947 = tpu.memref_squeeze %dma_wait3A_946 : memref<1x500xi32, #tpu.memory_space<vmem>> -> memref<500xi32, #tpu.memory_space<vmem>>
    %dma_wait3A_948 = arith.constant 0 : i32
    %dma_wait3A_949 = arith.constant 0 : i32
    %dma_wait3A_950 = tpu.memref_slice %arg10[%dma_wait3A_948, %dma_wait3A_949] : memref<10240x16xf32, #tpu.memory_space<vmem_shared>> -> memref<10240x16xf32, #tpu.memory_space<vmem_shared>>
    tpu.wait_indirect_dma semaphore(%arg11 : memref<!tpu.dma_semaphore, #tpu.memory_space<semaphore_mem>>) src(%dma_wait3A_950 : memref<10240x16xf32, #tpu.memory_space<vmem_shared>>) dst(%dma_wait3A_944 : memref<500x16xf32, #tpu.memory_space<vmem>>)
    %dma_start3A_951 = arith.constant 1 : i32
    %dma_start3A_952 = arith.constant 19 : i32
    %dma_start3A_953 = arith.constant 0 : i32
    %dma_start3A_954 = arith.constant 0 : i32
    %dma_start3A_955 = tpu.memref_slice %arg7[%dma_start3A_951, %dma_start3A_953, %dma_start3A_954] : memref<6x500x16xf32, #tpu.memory_space<vmem>> -> memref<1x500x16xf32, #tpu.memory_space<vmem>>
    %dma_start3A_956 = tpu.memref_squeeze %dma_start3A_955 : memref<1x500x16xf32, #tpu.memory_space<vmem>> -> memref<500x16xf32, #tpu.memory_space<vmem>>
    %dma_start3A_957 = arith.constant 0 : i32
    %dma_start3A_958 = tpu.memref_slice %arg6[%dma_start3A_952, %dma_start3A_957] : memref<20x500xi32, #tpu.memory_space<vmem>> -> memref<1x500xi32, #tpu.memory_space<vmem>>
    %dma_start3A_959 = tpu.memref_squeeze %dma_start3A_958 : memref<1x500xi32, #tpu.memory_space<vmem>> -> memref<500xi32, #tpu.memory_space<vmem>>
    %dma_start3A_960 = arith.constant 0 : i32
    %dma_start3A_961 = arith.constant 0 : i32
    %dma_start3A_962 = tpu.memref_slice %arg9[%dma_start3A_960, %dma_start3A_961] : memref<10240x16xf32, #tpu.memory_space<vmem_shared>> -> memref<10240x16xf32, #tpu.memory_space<vmem_shared>>
    tpu.enqueue_indirect_dma source(%dma_start3A_956 : memref<500x16xf32, #tpu.memory_space<vmem>>) target(%dma_start3A_962 : memref<10240x16xf32, #tpu.memory_space<vmem_shared>>) offsets(%dma_start3A_959 : memref<500xi32, #tpu.memory_space<vmem>>) semaphore(%arg12 : memref<!tpu.dma_semaphore, #tpu.memory_space<semaphore_mem>>) {add = true}
    %dma_wait3A_963 = arith.constant 0 : i32
    %dma_wait3A_964 = arith.constant 0 : i32
    %dma_wait3A_965 = arith.constant 0 : i32
    %dma_wait3A_966 = arith.constant 0 : i32
    %dma_wait3A_967 = tpu.memref_slice %arg7[%dma_wait3A_963, %dma_wait3A_965, %dma_wait3A_966] : memref<6x500x16xf32, #tpu.memory_space<vmem>> -> memref<1x500x16xf32, #tpu.memory_space<vmem>>
    %dma_wait3A_968 = tpu.memref_squeeze %dma_wait3A_967 : memref<1x500x16xf32, #tpu.memory_space<vmem>> -> memref<500x16xf32, #tpu.memory_space<vmem>>
    %dma_wait3A_969 = arith.constant 0 : i32
    %dma_wait3A_970 = tpu.memref_slice %arg6[%dma_wait3A_964, %dma_wait3A_969] : memref<20x500xi32, #tpu.memory_space<vmem>> -> memref<1x500xi32, #tpu.memory_space<vmem>>
    %dma_wait3A_971 = tpu.memref_squeeze %dma_wait3A_970 : memref<1x500xi32, #tpu.memory_space<vmem>> -> memref<500xi32, #tpu.memory_space<vmem>>
    %dma_wait3A_972 = arith.constant 0 : i32
    %dma_wait3A_973 = arith.constant 0 : i32
    %dma_wait3A_974 = tpu.memref_slice %arg9[%dma_wait3A_972, %dma_wait3A_973] : memref<10240x16xf32, #tpu.memory_space<vmem_shared>> -> memref<10240x16xf32, #tpu.memory_space<vmem_shared>>
    tpu.wait_indirect_dma semaphore(%arg12 : memref<!tpu.dma_semaphore, #tpu.memory_space<semaphore_mem>>) src(%dma_wait3A_968 : memref<500x16xf32, #tpu.memory_space<vmem>>) dst(%dma_wait3A_974 : memref<10240x16xf32, #tpu.memory_space<vmem_shared>>)
    %dma_wait3A_975 = arith.constant 0 : i32
    %dma_wait3A_976 = arith.constant 0 : i32
    %dma_wait3A_977 = arith.constant 0 : i32
    %dma_wait3A_978 = arith.constant 0 : i32
    %dma_wait3A_979 = tpu.memref_slice %arg7[%dma_wait3A_975, %dma_wait3A_977, %dma_wait3A_978] : memref<6x500x16xf32, #tpu.memory_space<vmem>> -> memref<1x500x16xf32, #tpu.memory_space<vmem>>
    %dma_wait3A_980 = tpu.memref_squeeze %dma_wait3A_979 : memref<1x500x16xf32, #tpu.memory_space<vmem>> -> memref<500x16xf32, #tpu.memory_space<vmem>>
    %dma_wait3A_981 = arith.constant 0 : i32
    %dma_wait3A_982 = tpu.memref_slice %arg6[%dma_wait3A_976, %dma_wait3A_981] : memref<20x500xi32, #tpu.memory_space<vmem>> -> memref<1x500xi32, #tpu.memory_space<vmem>>
    %dma_wait3A_983 = tpu.memref_squeeze %dma_wait3A_982 : memref<1x500xi32, #tpu.memory_space<vmem>> -> memref<500xi32, #tpu.memory_space<vmem>>
    %dma_wait3A_984 = arith.constant 0 : i32
    %dma_wait3A_985 = arith.constant 0 : i32
    %dma_wait3A_986 = tpu.memref_slice %arg9[%dma_wait3A_984, %dma_wait3A_985] : memref<10240x16xf32, #tpu.memory_space<vmem_shared>> -> memref<10240x16xf32, #tpu.memory_space<vmem_shared>>
    tpu.wait_indirect_dma semaphore(%arg12 : memref<!tpu.dma_semaphore, #tpu.memory_space<semaphore_mem>>) src(%dma_wait3A_980 : memref<500x16xf32, #tpu.memory_space<vmem>>) dst(%dma_wait3A_986 : memref<10240x16xf32, #tpu.memory_space<vmem_shared>>)
    %dma_wait3A_987 = arith.constant 0 : i32
    %dma_wait3A_988 = arith.constant 0 : i32
    %dma_wait3A_989 = arith.constant 0 : i32
    %dma_wait3A_990 = arith.constant 0 : i32
    %dma_wait3A_991 = tpu.memref_slice %arg7[%dma_wait3A_987, %dma_wait3A_989, %dma_wait3A_990] : memref<6x500x16xf32, #tpu.memory_space<vmem>> -> memref<1x500x16xf32, #tpu.memory_space<vmem>>
    %dma_wait3A_992 = tpu.memref_squeeze %dma_wait3A_991 : memref<1x500x16xf32, #tpu.memory_space<vmem>> -> memref<500x16xf32, #tpu.memory_space<vmem>>
    %dma_wait3A_993 = arith.constant 0 : i32
    %dma_wait3A_994 = tpu.memref_slice %arg6[%dma_wait3A_988, %dma_wait3A_993] : memref<20x500xi32, #tpu.memory_space<vmem>> -> memref<1x500xi32, #tpu.memory_space<vmem>>
    %dma_wait3A_995 = tpu.memref_squeeze %dma_wait3A_994 : memref<1x500xi32, #tpu.memory_space<vmem>> -> memref<500xi32, #tpu.memory_space<vmem>>
    %dma_wait3A_996 = arith.constant 0 : i32
    %dma_wait3A_997 = arith.constant 0 : i32
    %dma_wait3A_998 = tpu.memref_slice %arg9[%dma_wait3A_996, %dma_wait3A_997] : memref<10240x16xf32, #tpu.memory_space<vmem_shared>> -> memref<10240x16xf32, #tpu.memory_space<vmem_shared>>
    tpu.wait_indirect_dma semaphore(%arg12 : memref<!tpu.dma_semaphore, #tpu.memory_space<semaphore_mem>>) src(%dma_wait3A_992 : memref<500x16xf32, #tpu.memory_space<vmem>>) dst(%dma_wait3A_998 : memref<10240x16xf32, #tpu.memory_space<vmem_shared>>)
    %dma_wait3A_999 = arith.constant 0 : i32
    %dma_wait3A_1000 = arith.constant 0 : i32
    %dma_wait3A_1001 = arith.constant 0 : i32
    %dma_wait3A_1002 = arith.constant 0 : i32
    %dma_wait3A_1003 = tpu.memref_slice %arg7[%dma_wait3A_999, %dma_wait3A_1001, %dma_wait3A_1002] : memref<6x500x16xf32, #tpu.memory_space<vmem>> -> memref<1x500x16xf32, #tpu.memory_space<vmem>>
    %dma_wait3A_1004 = tpu.memref_squeeze %dma_wait3A_1003 : memref<1x500x16xf32, #tpu.memory_space<vmem>> -> memref<500x16xf32, #tpu.memory_space<vmem>>
    %dma_wait3A_1005 = arith.constant 0 : i32
    %dma_wait3A_1006 = tpu.memref_slice %arg6[%dma_wait3A_1000, %dma_wait3A_1005] : memref<20x500xi32, #tpu.memory_space<vmem>> -> memref<1x500xi32, #tpu.memory_space<vmem>>
    %dma_wait3A_1007 = tpu.memref_squeeze %dma_wait3A_1006 : memref<1x500xi32, #tpu.memory_space<vmem>> -> memref<500xi32, #tpu.memory_space<vmem>>
    %dma_wait3A_1008 = arith.constant 0 : i32
    %dma_wait3A_1009 = arith.constant 0 : i32
    %dma_wait3A_1010 = tpu.memref_slice %arg9[%dma_wait3A_1008, %dma_wait3A_1009] : memref<10240x16xf32, #tpu.memory_space<vmem_shared>> -> memref<10240x16xf32, #tpu.memory_space<vmem_shared>>
    tpu.wait_indirect_dma semaphore(%arg12 : memref<!tpu.dma_semaphore, #tpu.memory_space<semaphore_mem>>) src(%dma_wait3A_1004 : memref<500x16xf32, #tpu.memory_space<vmem>>) dst(%dma_wait3A_1010 : memref<10240x16xf32, #tpu.memory_space<vmem_shared>>)
    %dma_wait3A_1011 = arith.constant 0 : i32
    %dma_wait3A_1012 = arith.constant 0 : i32
    %dma_wait3A_1013 = arith.constant 0 : i32
    %dma_wait3A_1014 = arith.constant 0 : i32
    %dma_wait3A_1015 = tpu.memref_slice %arg7[%dma_wait3A_1011, %dma_wait3A_1013, %dma_wait3A_1014] : memref<6x500x16xf32, #tpu.memory_space<vmem>> -> memref<1x500x16xf32, #tpu.memory_space<vmem>>
    %dma_wait3A_1016 = tpu.memref_squeeze %dma_wait3A_1015 : memref<1x500x16xf32, #tpu.memory_space<vmem>> -> memref<500x16xf32, #tpu.memory_space<vmem>>
    %dma_wait3A_1017 = arith.constant 0 : i32
    %dma_wait3A_1018 = tpu.memref_slice %arg6[%dma_wait3A_1012, %dma_wait3A_1017] : memref<20x500xi32, #tpu.memory_space<vmem>> -> memref<1x500xi32, #tpu.memory_space<vmem>>
    %dma_wait3A_1019 = tpu.memref_squeeze %dma_wait3A_1018 : memref<1x500xi32, #tpu.memory_space<vmem>> -> memref<500xi32, #tpu.memory_space<vmem>>
    %dma_wait3A_1020 = arith.constant 0 : i32
    %dma_wait3A_1021 = arith.constant 0 : i32
    %dma_wait3A_1022 = tpu.memref_slice %arg9[%dma_wait3A_1020, %dma_wait3A_1021] : memref<10240x16xf32, #tpu.memory_space<vmem_shared>> -> memref<10240x16xf32, #tpu.memory_space<vmem_shared>>
    tpu.wait_indirect_dma semaphore(%arg12 : memref<!tpu.dma_semaphore, #tpu.memory_space<semaphore_mem>>) src(%dma_wait3A_1016 : memref<500x16xf32, #tpu.memory_space<vmem>>) dst(%dma_wait3A_1022 : memref<10240x16xf32, #tpu.memory_space<vmem_shared>>)
    %dma_wait3A_1023 = arith.constant 0 : i32
    %dma_wait3A_1024 = arith.constant 0 : i32
    %dma_wait3A_1025 = arith.constant 0 : i32
    %dma_wait3A_1026 = arith.constant 0 : i32
    %dma_wait3A_1027 = tpu.memref_slice %arg7[%dma_wait3A_1023, %dma_wait3A_1025, %dma_wait3A_1026] : memref<6x500x16xf32, #tpu.memory_space<vmem>> -> memref<1x500x16xf32, #tpu.memory_space<vmem>>
    %dma_wait3A_1028 = tpu.memref_squeeze %dma_wait3A_1027 : memref<1x500x16xf32, #tpu.memory_space<vmem>> -> memref<500x16xf32, #tpu.memory_space<vmem>>
    %dma_wait3A_1029 = arith.constant 0 : i32
    %dma_wait3A_1030 = tpu.memref_slice %arg6[%dma_wait3A_1024, %dma_wait3A_1029] : memref<20x500xi32, #tpu.memory_space<vmem>> -> memref<1x500xi32, #tpu.memory_space<vmem>>
    %dma_wait3A_1031 = tpu.memref_squeeze %dma_wait3A_1030 : memref<1x500xi32, #tpu.memory_space<vmem>> -> memref<500xi32, #tpu.memory_space<vmem>>
    %dma_wait3A_1032 = arith.constant 0 : i32
    %dma_wait3A_1033 = arith.constant 0 : i32
    %dma_wait3A_1034 = tpu.memref_slice %arg9[%dma_wait3A_1032, %dma_wait3A_1033] : memref<10240x16xf32, #tpu.memory_space<vmem_shared>> -> memref<10240x16xf32, #tpu.memory_space<vmem_shared>>
    tpu.wait_indirect_dma semaphore(%arg12 : memref<!tpu.dma_semaphore, #tpu.memory_space<semaphore_mem>>) src(%dma_wait3A_1028 : memref<500x16xf32, #tpu.memory_space<vmem>>) dst(%dma_wait3A_1034 : memref<10240x16xf32, #tpu.memory_space<vmem_shared>>)
    %barrier3A_1035 = arith.constant 0 : index
    tpu.barrier barrier_id(%barrier3A_1035)
    %mul3A_1036 = arith.constant 640 : i32
    %mul3A_1037 = arith.muli %arg1, %mul3A_1036 : i32
    %mul3A_1038 = arith.constant 640 : i32
    %mul3A_1039 = arith.muli %arg1, %mul3A_1038 : i32
    "tpu.region"() ({
      %run_scoped3A = tpu.sem_alloc : memref<!tpu.dma_semaphore, #tpu.memory_space<semaphore_mem>>
      %dma_start3A_1040 = arith.constant 0 : i32
      %dma_start3A_1041 = arith.constant 0 : i32
      %dma_start3A_1042 = tpu.memref_slice %arg4[%arg0, %dma_start3A_1040, %dma_start3A_1041] : memref<2x10240x16xf32, #tpu.memory_space<hbm>> -> memref<1x10240x16xf32, #tpu.memory_space<hbm>>
      %dma_start3A_1043 = tpu.memref_squeeze %dma_start3A_1042 : memref<1x10240x16xf32, #tpu.memory_space<hbm>> -> memref<10240x16xf32, #tpu.memory_space<hbm>>
      %dma_start3A_1044 = arith.constant 0 : i32
      %dma_start3A_1045 = tpu.memref_slice %dma_start3A_1043[%mul3A_1039, %dma_start3A_1044] : memref<10240x16xf32, #tpu.memory_space<hbm>> -> memref<640x16xf32, #tpu.memory_space<hbm>>
      %dma_start3A_1046 = arith.constant 0 : i32
      %dma_start3A_1047 = tpu.memref_slice %arg9[%mul3A_1037, %dma_start3A_1046] : memref<10240x16xf32, #tpu.memory_space<vmem_shared>> -> memref<640x16xf32, #tpu.memory_space<vmem_shared>>
      tpu.enqueue_dma source(%dma_start3A_1047 : memref<640x16xf32, #tpu.memory_space<vmem_shared>>) target(%dma_start3A_1045 : memref<640x16xf32, #tpu.memory_space<hbm>>) target_semaphore(%run_scoped3A : memref<!tpu.dma_semaphore, #tpu.memory_space<semaphore_mem>>)
      %dma_wait3A_1048 = arith.constant 0 : i32
      %dma_wait3A_1049 = arith.constant 0 : i32
      %dma_wait3A_1050 = tpu.memref_slice %arg4[%arg0, %dma_wait3A_1048, %dma_wait3A_1049] : memref<2x10240x16xf32, #tpu.memory_space<hbm>> -> memref<1x10240x16xf32, #tpu.memory_space<hbm>>
      %dma_wait3A_1051 = tpu.memref_squeeze %dma_wait3A_1050 : memref<1x10240x16xf32, #tpu.memory_space<hbm>> -> memref<10240x16xf32, #tpu.memory_space<hbm>>
      %dma_wait3A_1052 = arith.constant 0 : i32
      %dma_wait3A_1053 = tpu.memref_slice %dma_wait3A_1051[%mul3A_1039, %dma_wait3A_1052] : memref<10240x16xf32, #tpu.memory_space<hbm>> -> memref<640x16xf32, #tpu.memory_space<hbm>>
      %dma_wait3A_1054 = arith.constant 0 : i32
      %dma_wait3A_1055 = tpu.memref_slice %arg9[%mul3A_1037, %dma_wait3A_1054] : memref<10240x16xf32, #tpu.memory_space<vmem_shared>> -> memref<640x16xf32, #tpu.memory_space<vmem_shared>>
      tpu.wait_dma2 semaphore(%run_scoped3A : memref<!tpu.dma_semaphore, #tpu.memory_space<semaphore_mem>>) src(%dma_wait3A_1055 : memref<640x16xf32, #tpu.memory_space<vmem_shared>>) dst(%dma_wait3A_1053 : memref<640x16xf32, #tpu.memory_space<hbm>>)
      tpu.yield
    }) : () -> ()
    return
  }
}

#map = affine_map<(d0, d1) -> (0, 0, 0)>
module attributes {stable_mosaic.version = 14 : i64} {
  func.func @_deg_kernel(%arg0: i32, %arg1: i32, %arg2: memref<2x640x500xi32, #tpu.memory_space<hbm>>, %arg3: memref<2x10240x16xf32, #tpu.memory_space<hbm>>, %arg4: memref<20x500xi32, #tpu.memory_space<vmem>>, %arg5: memref<640x16xf32, #tpu.memory_space<vmem>>, %arg6: memref<10240x16xf32, #tpu.memory_space<vmem_shared>>, %arg7: memref<!tpu.dma_semaphore, #tpu.memory_space<semaphore_mem>>) attributes {dimension_semantics = [#tpu.dimension_semantics<core_parallel>, #tpu.dimension_semantics<subcore_parallel>], iteration_bounds = array<i64: 2, 16>, scalar_prefetch = 0 : i64, scratch_operands = 4 : i64, tpu.core_type = #tpu.core_type<sc_vector_subcore>, window_params = [{transform_indices = #map}, {transform_indices = #map}]} {
    %mul3A = arith.constant 16 : i32
    %mul3A_0 = arith.muli %arg0, %mul3A : i32
    %add3A = arith.addi %mul3A_0, %arg1 : i32
    %mul3A_1 = arith.constant 20 : i32
    %mul3A_2 = arith.muli %add3A, %mul3A_1 : i32
    %dma_start3A = arith.constant 1 : i32
    %dma_start3A_3 = arith.constant 0 : i32
    %dma_start3A_4 = arith.constant 0 : i32
    %dma_start3A_5 = tpu.memref_slice %arg2[%dma_start3A, %dma_start3A_3, %dma_start3A_4] : memref<2x640x500xi32, #tpu.memory_space<hbm>> -> memref<1x640x500xi32, #tpu.memory_space<hbm>>
    %dma_start3A_6 = tpu.memref_squeeze %dma_start3A_5 : memref<1x640x500xi32, #tpu.memory_space<hbm>> -> memref<640x500xi32, #tpu.memory_space<hbm>>
    %dma_start3A_7 = arith.constant 0 : i32
    %dma_start3A_8 = tpu.memref_slice %dma_start3A_6[%mul3A_2, %dma_start3A_7] : memref<640x500xi32, #tpu.memory_space<hbm>> -> memref<20x500xi32, #tpu.memory_space<hbm>>
    %dma_start3A_9 = arith.constant 0 : i32
    %dma_start3A_10 = arith.constant 0 : i32
    %dma_start3A_11 = tpu.memref_slice %arg2[%dma_start3A, %dma_start3A_9, %dma_start3A_10] : memref<2x640x500xi32, #tpu.memory_space<hbm>> -> memref<1x640x500xi32, #tpu.memory_space<hbm>>
    %dma_start3A_12 = tpu.memref_squeeze %dma_start3A_11 : memref<1x640x500xi32, #tpu.memory_space<hbm>> -> memref<640x500xi32, #tpu.memory_space<hbm>>
    %dma_start3A_13 = arith.constant 0 : i32
    %dma_start3A_14 = tpu.memref_slice %dma_start3A_12[%mul3A_2, %dma_start3A_13] : memref<640x500xi32, #tpu.memory_space<hbm>> -> memref<20x500xi32, #tpu.memory_space<hbm>>
    tpu.enqueue_dma source(%dma_start3A_14 : memref<20x500xi32, #tpu.memory_space<hbm>>) target(%arg4 : memref<20x500xi32, #tpu.memory_space<vmem>>) target_semaphore(%arg7 : memref<!tpu.dma_semaphore, #tpu.memory_space<semaphore_mem>>)
    %scan3A = arith.constant 0 : i32
    %scan3A_15 = arith.constant 640 : i32
    %scan3A_16 = arith.addi %scan3A, %scan3A_15 : i32
    %scan3A_17 = arith.constant 1 : i32
    scf.for %scan3A_50 = %scan3A to %scan3A_16 step %scan3A_17  : i32 {
      %mul3A_51 = arith.constant 1 : i32
      %mul3A_52 = arith.muli %scan3A_50, %mul3A_51 : i32
      %add3A_53 = arith.constant 0 : i32
      %add3A_54 = arith.addi %add3A_53, %mul3A_52 : i32
      %broadcast_in_dim3A = arith.constant 1.000000e+00 : f32
      %broadcast_in_dim3A_55 = vector.broadcast %broadcast_in_dim3A : f32 to vector<16xf32>
      %swap3A = arith.index_cast %add3A_54 : i32 to index
      %swap3A_56 = arith.constant 0 : index
      %swap3A_57 = tpu.vector_load %arg5[%swap3A, %swap3A_56] {strides = array<i32>} : memref<640x16xf32, #tpu.memory_space<vmem>>, vector<1x16xf32>,
      %swap3A_58 = vector.shape_cast %swap3A_57 : vector<1x16xf32> to vector<16xf32>
      %swap3A_59 = vector.shape_cast %broadcast_in_dim3A_55 : vector<16xf32> to vector<1x16xf32>
      tpu.vector_store %arg5[%swap3A, %swap3A_56], %swap3A_59 {strides = array<i32>} : memref<640x16xf32, #tpu.memory_space<vmem>>, vector<1x16xf32>,
    }
    %scan3A_18 = arith.constant 640 : i32
    %mul3A_19 = arith.constant 640 : i32
    %mul3A_20 = arith.muli %arg1, %mul3A_19 : i32
    "tpu.region"() ({
      %run_scoped3A = tpu.sem_alloc : memref<!tpu.dma_semaphore, #tpu.memory_space<semaphore_mem>>
      %dma_start3A_50 = arith.constant 0 : i32
      %dma_start3A_51 = tpu.memref_slice %arg6[%mul3A_20, %dma_start3A_50] : memref<10240x16xf32, #tpu.memory_space<vmem_shared>> -> memref<640x16xf32, #tpu.memory_space<vmem_shared>>
      %dma_start3A_52 = arith.constant 0 : i32
      %dma_start3A_53 = tpu.memref_slice %arg6[%mul3A_20, %dma_start3A_52] : memref<10240x16xf32, #tpu.memory_space<vmem_shared>> -> memref<640x16xf32, #tpu.memory_space<vmem_shared>>
      tpu.enqueue_dma source(%arg5 : memref<640x16xf32, #tpu.memory_space<vmem>>) target(%dma_start3A_53 : memref<640x16xf32, #tpu.memory_space<vmem_shared>>) target_semaphore(%run_scoped3A : memref<!tpu.dma_semaphore, #tpu.memory_space<semaphore_mem>>)
      %dma_wait3A_54 = arith.constant 0 : i32
      %dma_wait3A_55 = tpu.memref_slice %arg6[%mul3A_20, %dma_wait3A_54] : memref<10240x16xf32, #tpu.memory_space<vmem_shared>> -> memref<640x16xf32, #tpu.memory_space<vmem_shared>>
      %dma_wait3A_56 = arith.constant 0 : i32
      %dma_wait3A_57 = tpu.memref_slice %arg6[%mul3A_20, %dma_wait3A_56] : memref<10240x16xf32, #tpu.memory_space<vmem_shared>> -> memref<640x16xf32, #tpu.memory_space<vmem_shared>>
      tpu.wait_dma2 semaphore(%run_scoped3A : memref<!tpu.dma_semaphore, #tpu.memory_space<semaphore_mem>>) src(%arg5 : memref<640x16xf32, #tpu.memory_space<vmem>>) dst(%dma_wait3A_57 : memref<640x16xf32, #tpu.memory_space<vmem_shared>>)
      tpu.yield
    }) : () -> ()
    %dma_wait3A = arith.constant 1 : i32
    %dma_wait3A_21 = arith.constant 0 : i32
    %dma_wait3A_22 = arith.constant 0 : i32
    %dma_wait3A_23 = tpu.memref_slice %arg2[%dma_wait3A, %dma_wait3A_21, %dma_wait3A_22] : memref<2x640x500xi32, #tpu.memory_space<hbm>> -> memref<1x640x500xi32, #tpu.memory_space<hbm>>
    %dma_wait3A_24 = tpu.memref_squeeze %dma_wait3A_23 : memref<1x640x500xi32, #tpu.memory_space<hbm>> -> memref<640x500xi32, #tpu.memory_space<hbm>>
    %dma_wait3A_25 = arith.constant 0 : i32
    %dma_wait3A_26 = arith.constant 0 : i32
    %dma_wait3A_27 = tpu.memref_slice %dma_wait3A_24[%dma_wait3A_25, %dma_wait3A_26] : memref<640x500xi32, #tpu.memory_space<hbm>> -> memref<20x500xi32, #tpu.memory_space<hbm>>
    %dma_wait3A_28 = arith.constant 0 : i32
    %dma_wait3A_29 = arith.constant 0 : i32
    %dma_wait3A_30 = tpu.memref_slice %arg2[%dma_wait3A, %dma_wait3A_28, %dma_wait3A_29] : memref<2x640x500xi32, #tpu.memory_space<hbm>> -> memref<1x640x500xi32, #tpu.memory_space<hbm>>
    %dma_wait3A_31 = tpu.memref_squeeze %dma_wait3A_30 : memref<1x640x500xi32, #tpu.memory_space<hbm>> -> memref<640x500xi32, #tpu.memory_space<hbm>>
    %dma_wait3A_32 = arith.constant 0 : i32
    %dma_wait3A_33 = arith.constant 0 : i32
    %dma_wait3A_34 = tpu.memref_slice %dma_wait3A_31[%dma_wait3A_32, %dma_wait3A_33] : memref<640x500xi32, #tpu.memory_space<hbm>> -> memref<20x500xi32, #tpu.memory_space<hbm>>
    tpu.wait_dma2 semaphore(%arg7 : memref<!tpu.dma_semaphore, #tpu.memory_space<semaphore_mem>>) src(%dma_wait3A_34 : memref<20x500xi32, #tpu.memory_space<hbm>>) dst(%arg4 : memref<20x500xi32, #tpu.memory_space<vmem>>)
    %barrier3A = arith.constant 0 : index
    tpu.barrier barrier_id(%barrier3A)
    %scan3A_35 = arith.constant 0 : i32
    %scan3A_36 = arith.constant 20 : i32
    %scan3A_37 = arith.addi %scan3A_35, %scan3A_36 : i32
    %scan3A_38 = arith.constant 1 : i32
    scf.for %scan3A_50 = %scan3A_35 to %scan3A_37 step %scan3A_38  : i32 {
      %mul3A_51 = arith.constant 1 : i32
      %mul3A_52 = arith.muli %scan3A_50, %mul3A_51 : i32
      %add3A_53 = arith.constant 0 : i32
      %add3A_54 = arith.addi %add3A_53, %mul3A_52 : i32
      %dma_start3A_55 = arith.constant 0 : i32
      %dma_start3A_56 = arith.constant 0 : i32
      %dma_start3A_57 = tpu.memref_slice %arg5[%dma_start3A_55, %dma_start3A_56] : memref<640x16xf32, #tpu.memory_space<vmem>> -> memref<500x16xf32, #tpu.memory_space<vmem>>
      %dma_start3A_58 = arith.constant 0 : i32
      %dma_start3A_59 = tpu.memref_slice %arg4[%add3A_54, %dma_start3A_58] : memref<20x500xi32, #tpu.memory_space<vmem>> -> memref<1x500xi32, #tpu.memory_space<vmem>>
      %dma_start3A_60 = tpu.memref_squeeze %dma_start3A_59 : memref<1x500xi32, #tpu.memory_space<vmem>> -> memref<500xi32, #tpu.memory_space<vmem>>
      %dma_start3A_61 = arith.constant 0 : i32
      %dma_start3A_62 = arith.constant 0 : i32
      %dma_start3A_63 = tpu.memref_slice %arg6[%dma_start3A_61, %dma_start3A_62] : memref<10240x16xf32, #tpu.memory_space<vmem_shared>> -> memref<10240x16xf32, #tpu.memory_space<vmem_shared>>
      tpu.enqueue_indirect_dma source(%dma_start3A_57 : memref<500x16xf32, #tpu.memory_space<vmem>>) target(%dma_start3A_63 : memref<10240x16xf32, #tpu.memory_space<vmem_shared>>) offsets(%dma_start3A_60 : memref<500xi32, #tpu.memory_space<vmem>>) semaphore(%arg7 : memref<!tpu.dma_semaphore, #tpu.memory_space<semaphore_mem>>) {add = true}
    }
    %scan3A_39 = arith.constant 20 : i32
    %scan3A_40 = arith.constant 0 : i32
    %scan3A_41 = arith.constant 20 : i32
    %scan3A_42 = arith.addi %scan3A_40, %scan3A_41 : i32
    %scan3A_43 = arith.constant 1 : i32
    scf.for %scan3A_50 = %scan3A_40 to %scan3A_42 step %scan3A_43  : i32 {
      %mul3A_51 = arith.constant 1 : i32
      %mul3A_52 = arith.muli %scan3A_50, %mul3A_51 : i32
      %add3A_53 = arith.constant 0 : i32
      %add3A_54 = arith.addi %add3A_53, %mul3A_52 : i32
      %dma_wait3A_55 = arith.constant 0 : i32
      %dma_wait3A_56 = arith.constant 0 : i32
      %dma_wait3A_57 = arith.constant 0 : i32
      %dma_wait3A_58 = tpu.memref_slice %arg5[%dma_wait3A_56, %dma_wait3A_57] : memref<640x16xf32, #tpu.memory_space<vmem>> -> memref<500x16xf32, #tpu.memory_space<vmem>>
      %dma_wait3A_59 = arith.constant 0 : i32
      %dma_wait3A_60 = tpu.memref_slice %arg4[%dma_wait3A_55, %dma_wait3A_59] : memref<20x500xi32, #tpu.memory_space<vmem>> -> memref<1x500xi32, #tpu.memory_space<vmem>>
      %dma_wait3A_61 = tpu.memref_squeeze %dma_wait3A_60 : memref<1x500xi32, #tpu.memory_space<vmem>> -> memref<500xi32, #tpu.memory_space<vmem>>
      %dma_wait3A_62 = arith.constant 0 : i32
      %dma_wait3A_63 = arith.constant 0 : i32
      %dma_wait3A_64 = tpu.memref_slice %arg6[%dma_wait3A_62, %dma_wait3A_63] : memref<10240x16xf32, #tpu.memory_space<vmem_shared>> -> memref<10240x16xf32, #tpu.memory_space<vmem_shared>>
      tpu.wait_indirect_dma semaphore(%arg7 : memref<!tpu.dma_semaphore, #tpu.memory_space<semaphore_mem>>) src(%dma_wait3A_58 : memref<500x16xf32, #tpu.memory_space<vmem>>) dst(%dma_wait3A_64 : memref<10240x16xf32, #tpu.memory_space<vmem_shared>>)
    }
    %scan3A_44 = arith.constant 20 : i32
    %barrier3A_45 = arith.constant 0 : index
    tpu.barrier barrier_id(%barrier3A_45)
    %mul3A_46 = arith.constant 640 : i32
    %mul3A_47 = arith.muli %arg1, %mul3A_46 : i32
    %mul3A_48 = arith.constant 640 : i32
    %mul3A_49 = arith.muli %arg1, %mul3A_48 : i32
    "tpu.region"() ({
      %run_scoped3A = tpu.sem_alloc : memref<!tpu.dma_semaphore, #tpu.memory_space<semaphore_mem>>
      %dma_start3A_50 = arith.constant 0 : i32
      %dma_start3A_51 = arith.constant 0 : i32
      %dma_start3A_52 = tpu.memref_slice %arg3[%arg0, %dma_start3A_50, %dma_start3A_51] : memref<2x10240x16xf32, #tpu.memory_space<hbm>> -> memref<1x10240x16xf32, #tpu.memory_space<hbm>>
      %dma_start3A_53 = tpu.memref_squeeze %dma_start3A_52 : memref<1x10240x16xf32, #tpu.memory_space<hbm>> -> memref<10240x16xf32, #tpu.memory_space<hbm>>
      %dma_start3A_54 = arith.constant 0 : i32
      %dma_start3A_55 = tpu.memref_slice %dma_start3A_53[%mul3A_49, %dma_start3A_54] : memref<10240x16xf32, #tpu.memory_space<hbm>> -> memref<640x16xf32, #tpu.memory_space<hbm>>
      %dma_start3A_56 = arith.constant 0 : i32
      %dma_start3A_57 = tpu.memref_slice %arg6[%mul3A_47, %dma_start3A_56] : memref<10240x16xf32, #tpu.memory_space<vmem_shared>> -> memref<640x16xf32, #tpu.memory_space<vmem_shared>>
      tpu.enqueue_dma source(%dma_start3A_57 : memref<640x16xf32, #tpu.memory_space<vmem_shared>>) target(%dma_start3A_55 : memref<640x16xf32, #tpu.memory_space<hbm>>) target_semaphore(%run_scoped3A : memref<!tpu.dma_semaphore, #tpu.memory_space<semaphore_mem>>)
      %dma_wait3A_58 = arith.constant 0 : i32
      %dma_wait3A_59 = arith.constant 0 : i32
      %dma_wait3A_60 = tpu.memref_slice %arg3[%arg0, %dma_wait3A_58, %dma_wait3A_59] : memref<2x10240x16xf32, #tpu.memory_space<hbm>> -> memref<1x10240x16xf32, #tpu.memory_space<hbm>>
      %dma_wait3A_61 = tpu.memref_squeeze %dma_wait3A_60 : memref<1x10240x16xf32, #tpu.memory_space<hbm>> -> memref<10240x16xf32, #tpu.memory_space<hbm>>
      %dma_wait3A_62 = arith.constant 0 : i32
      %dma_wait3A_63 = tpu.memref_slice %dma_wait3A_61[%mul3A_49, %dma_wait3A_62] : memref<10240x16xf32, #tpu.memory_space<hbm>> -> memref<640x16xf32, #tpu.memory_space<hbm>>
      %dma_wait3A_64 = arith.constant 0 : i32
      %dma_wait3A_65 = tpu.memref_slice %arg6[%mul3A_47, %dma_wait3A_64] : memref<10240x16xf32, #tpu.memory_space<vmem_shared>> -> memref<640x16xf32, #tpu.memory_space<vmem_shared>>
      tpu.wait_dma2 semaphore(%run_scoped3A : memref<!tpu.dma_semaphore, #tpu.memory_space<semaphore_mem>>) src(%dma_wait3A_65 : memref<640x16xf32, #tpu.memory_space<vmem_shared>>) dst(%dma_wait3A_63 : memref<640x16xf32, #tpu.memory_space<hbm>>)
      tpu.yield
    }) : () -> ()
    return
  }
}

#map = affine_map<(d0, d1) -> (0, 0)>
#map1 = affine_map<(d0, d1) -> (0, 0, 0)>
module attributes {stable_mosaic.version = 14 : i64} {
  func.func @_agg_kernel(%arg0: i32, %arg1: i32, %arg2: memref<10240x16xf32, #tpu.memory_space<hbm>>, %arg3: memref<2x640x500xi32, #tpu.memory_space<hbm>>, %arg4: memref<2x10240x16xf32, #tpu.memory_space<hbm>>, %arg5: memref<20x500xi32, #tpu.memory_space<vmem>>, %arg6: memref<20x500xi32, #tpu.memory_space<vmem>>, %arg7: memref<6x500x16xf32, #tpu.memory_space<vmem>>, %arg8: memref<640x16xf32, #tpu.memory_space<vmem>>, %arg9: memref<10240x16xf32, #tpu.memory_space<vmem_shared>>, %arg10: memref<10240x16xf32, #tpu.memory_space<vmem_shared>>, %arg11: memref<!tpu.dma_semaphore, #tpu.memory_space<semaphore_mem>>, %arg12: memref<!tpu.dma_semaphore, #tpu.memory_space<semaphore_mem>>) attributes {dimension_semantics = [#tpu.dimension_semantics<core_parallel>, #tpu.dimension_semantics<subcore_parallel>], iteration_bounds = array<i64: 2, 16>, scalar_prefetch = 0 : i64, scratch_operands = 8 : i64, tpu.core_type = #tpu.core_type<sc_vector_subcore>, window_params = [{transform_indices = #map}, {transform_indices = #map1}, {transform_indices = #map1}]} {
    %mul3A = arith.constant 16 : i32
    %mul3A_0 = arith.muli %arg0, %mul3A : i32
    %add3A = arith.addi %mul3A_0, %arg1 : i32
    %mul3A_1 = arith.constant 640 : i32
    %mul3A_2 = arith.muli %arg1, %mul3A_1 : i32
    %dma_start3A = arith.constant 0 : i32
    %dma_start3A_3 = tpu.memref_slice %arg2[%mul3A_2, %dma_start3A] : memref<10240x16xf32, #tpu.memory_space<hbm>> -> memref<640x16xf32, #tpu.memory_space<hbm>>
    %dma_start3A_4 = arith.constant 0 : i32
    %dma_start3A_5 = tpu.memref_slice %arg2[%mul3A_2, %dma_start3A_4] : memref<10240x16xf32, #tpu.memory_space<hbm>> -> memref<640x16xf32, #tpu.memory_space<hbm>>
    tpu.enqueue_dma source(%dma_start3A_5 : memref<640x16xf32, #tpu.memory_space<hbm>>) target(%arg8 : memref<640x16xf32, #tpu.memory_space<vmem>>) target_semaphore(%arg11 : memref<!tpu.dma_semaphore, #tpu.memory_space<semaphore_mem>>)
    %mul3A_6 = arith.constant 20 : i32
    %mul3A_7 = arith.muli %add3A, %mul3A_6 : i32
    %dma_start3A_8 = arith.constant 0 : i32
    %dma_start3A_9 = arith.constant 0 : i32
    %dma_start3A_10 = arith.constant 0 : i32
    %dma_start3A_11 = tpu.memref_slice %arg3[%dma_start3A_8, %dma_start3A_9, %dma_start3A_10] : memref<2x640x500xi32, #tpu.memory_space<hbm>> -> memref<1x640x500xi32, #tpu.memory_space<hbm>>
    %dma_start3A_12 = tpu.memref_squeeze %dma_start3A_11 : memref<1x640x500xi32, #tpu.memory_space<hbm>> -> memref<640x500xi32, #tpu.memory_space<hbm>>
    %dma_start3A_13 = arith.constant 0 : i32
    %dma_start3A_14 = tpu.memref_slice %dma_start3A_12[%mul3A_7, %dma_start3A_13] : memref<640x500xi32, #tpu.memory_space<hbm>> -> memref<20x500xi32, #tpu.memory_space<hbm>>
    %dma_start3A_15 = arith.constant 0 : i32
    %dma_start3A_16 = arith.constant 0 : i32
    %dma_start3A_17 = tpu.memref_slice %arg3[%dma_start3A_8, %dma_start3A_15, %dma_start3A_16] : memref<2x640x500xi32, #tpu.memory_space<hbm>> -> memref<1x640x500xi32, #tpu.memory_space<hbm>>
    %dma_start3A_18 = tpu.memref_squeeze %dma_start3A_17 : memref<1x640x500xi32, #tpu.memory_space<hbm>> -> memref<640x500xi32, #tpu.memory_space<hbm>>
    %dma_start3A_19 = arith.constant 0 : i32
    %dma_start3A_20 = tpu.memref_slice %dma_start3A_18[%mul3A_7, %dma_start3A_19] : memref<640x500xi32, #tpu.memory_space<hbm>> -> memref<20x500xi32, #tpu.memory_space<hbm>>
    tpu.enqueue_dma source(%dma_start3A_20 : memref<20x500xi32, #tpu.memory_space<hbm>>) target(%arg5 : memref<20x500xi32, #tpu.memory_space<vmem>>) target_semaphore(%arg11 : memref<!tpu.dma_semaphore, #tpu.memory_space<semaphore_mem>>)
    %mul3A_21 = arith.constant 20 : i32
    %mul3A_22 = arith.muli %add3A, %mul3A_21 : i32
    %dma_start3A_23 = arith.constant 1 : i32
    %dma_start3A_24 = arith.constant 0 : i32
    %dma_start3A_25 = arith.constant 0 : i32
    %dma_start3A_26 = tpu.memref_slice %arg3[%dma_start3A_23, %dma_start3A_24, %dma_start3A_25] : memref<2x640x500xi32, #tpu.memory_space<hbm>> -> memref<1x640x500xi32, #tpu.memory_space<hbm>>
    %dma_start3A_27 = tpu.memref_squeeze %dma_start3A_26 : memref<1x640x500xi32, #tpu.memory_space<hbm>> -> memref<640x500xi32, #tpu.memory_space<hbm>>
    %dma_start3A_28 = arith.constant 0 : i32
    %dma_start3A_29 = tpu.memref_slice %dma_start3A_27[%mul3A_22, %dma_start3A_28] : memref<640x500xi32, #tpu.memory_space<hbm>> -> memref<20x500xi32, #tpu.memory_space<hbm>>
    %dma_start3A_30 = arith.constant 0 : i32
    %dma_start3A_31 = arith.constant 0 : i32
    %dma_start3A_32 = tpu.memref_slice %arg3[%dma_start3A_23, %dma_start3A_30, %dma_start3A_31] : memref<2x640x500xi32, #tpu.memory_space<hbm>> -> memref<1x640x500xi32, #tpu.memory_space<hbm>>
    %dma_start3A_33 = tpu.memref_squeeze %dma_start3A_32 : memref<1x640x500xi32, #tpu.memory_space<hbm>> -> memref<640x500xi32, #tpu.memory_space<hbm>>
    %dma_start3A_34 = arith.constant 0 : i32
    %dma_start3A_35 = tpu.memref_slice %dma_start3A_33[%mul3A_22, %dma_start3A_34] : memref<640x500xi32, #tpu.memory_space<hbm>> -> memref<20x500xi32, #tpu.memory_space<hbm>>
    tpu.enqueue_dma source(%dma_start3A_35 : memref<20x500xi32, #tpu.memory_space<hbm>>) target(%arg6 : memref<20x500xi32, #tpu.memory_space<vmem>>) target_semaphore(%arg11 : memref<!tpu.dma_semaphore, #tpu.memory_space<semaphore_mem>>)
    %dma_wait3A = arith.constant 0 : i32
    %dma_wait3A_36 = arith.constant 0 : i32
    %dma_wait3A_37 = tpu.memref_slice %arg2[%dma_wait3A, %dma_wait3A_36] : memref<10240x16xf32, #tpu.memory_space<hbm>> -> memref<640x16xf32, #tpu.memory_space<hbm>>
    %dma_wait3A_38 = arith.constant 0 : i32
    %dma_wait3A_39 = arith.constant 0 : i32
    %dma_wait3A_40 = tpu.memref_slice %arg2[%dma_wait3A_38, %dma_wait3A_39] : memref<10240x16xf32, #tpu.memory_space<hbm>> -> memref<640x16xf32, #tpu.memory_space<hbm>>
    tpu.wait_dma2 semaphore(%arg11 : memref<!tpu.dma_semaphore, #tpu.memory_space<semaphore_mem>>) src(%dma_wait3A_40 : memref<640x16xf32, #tpu.memory_space<hbm>>) dst(%arg8 : memref<640x16xf32, #tpu.memory_space<vmem>>)
    %dma_wait3A_41 = arith.constant 0 : i32
    %dma_wait3A_42 = arith.constant 0 : i32
    %dma_wait3A_43 = arith.constant 0 : i32
    %dma_wait3A_44 = tpu.memref_slice %arg3[%dma_wait3A_41, %dma_wait3A_42, %dma_wait3A_43] : memref<2x640x500xi32, #tpu.memory_space<hbm>> -> memref<1x640x500xi32, #tpu.memory_space<hbm>>
    %dma_wait3A_45 = tpu.memref_squeeze %dma_wait3A_44 : memref<1x640x500xi32, #tpu.memory_space<hbm>> -> memref<640x500xi32, #tpu.memory_space<hbm>>
    %dma_wait3A_46 = arith.constant 0 : i32
    %dma_wait3A_47 = arith.constant 0 : i32
    %dma_wait3A_48 = tpu.memref_slice %dma_wait3A_45[%dma_wait3A_46, %dma_wait3A_47] : memref<640x500xi32, #tpu.memory_space<hbm>> -> memref<20x500xi32, #tpu.memory_space<hbm>>
    %dma_wait3A_49 = arith.constant 0 : i32
    %dma_wait3A_50 = arith.constant 0 : i32
    %dma_wait3A_51 = tpu.memref_slice %arg3[%dma_wait3A_41, %dma_wait3A_49, %dma_wait3A_50] : memref<2x640x500xi32, #tpu.memory_space<hbm>> -> memref<1x640x500xi32, #tpu.memory_space<hbm>>
    %dma_wait3A_52 = tpu.memref_squeeze %dma_wait3A_51 : memref<1x640x500xi32, #tpu.memory_space<hbm>> -> memref<640x500xi32, #tpu.memory_space<hbm>>
    %dma_wait3A_53 = arith.constant 0 : i32
    %dma_wait3A_54 = arith.constant 0 : i32
    %dma_wait3A_55 = tpu.memref_slice %dma_wait3A_52[%dma_wait3A_53, %dma_wait3A_54] : memref<640x500xi32, #tpu.memory_space<hbm>> -> memref<20x500xi32, #tpu.memory_space<hbm>>
    tpu.wait_dma2 semaphore(%arg11 : memref<!tpu.dma_semaphore, #tpu.memory_space<semaphore_mem>>) src(%dma_wait3A_55 : memref<20x500xi32, #tpu.memory_space<hbm>>) dst(%arg5 : memref<20x500xi32, #tpu.memory_space<vmem>>)
    %dma_wait3A_56 = arith.constant 1 : i32
    %dma_wait3A_57 = arith.constant 0 : i32
    %dma_wait3A_58 = arith.constant 0 : i32
    %dma_wait3A_59 = tpu.memref_slice %arg3[%dma_wait3A_56, %dma_wait3A_57, %dma_wait3A_58] : memref<2x640x500xi32, #tpu.memory_space<hbm>> -> memref<1x640x500xi32, #tpu.memory_space<hbm>>
    %dma_wait3A_60 = tpu.memref_squeeze %dma_wait3A_59 : memref<1x640x500xi32, #tpu.memory_space<hbm>> -> memref<640x500xi32, #tpu.memory_space<hbm>>
    %dma_wait3A_61 = arith.constant 0 : i32
    %dma_wait3A_62 = arith.constant 0 : i32
    %dma_wait3A_63 = tpu.memref_slice %dma_wait3A_60[%dma_wait3A_61, %dma_wait3A_62] : memref<640x500xi32, #tpu.memory_space<hbm>> -> memref<20x500xi32, #tpu.memory_space<hbm>>
    %dma_wait3A_64 = arith.constant 0 : i32
    %dma_wait3A_65 = arith.constant 0 : i32
    %dma_wait3A_66 = tpu.memref_slice %arg3[%dma_wait3A_56, %dma_wait3A_64, %dma_wait3A_65] : memref<2x640x500xi32, #tpu.memory_space<hbm>> -> memref<1x640x500xi32, #tpu.memory_space<hbm>>
    %dma_wait3A_67 = tpu.memref_squeeze %dma_wait3A_66 : memref<1x640x500xi32, #tpu.memory_space<hbm>> -> memref<640x500xi32, #tpu.memory_space<hbm>>
    %dma_wait3A_68 = arith.constant 0 : i32
    %dma_wait3A_69 = arith.constant 0 : i32
    %dma_wait3A_70 = tpu.memref_slice %dma_wait3A_67[%dma_wait3A_68, %dma_wait3A_69] : memref<640x500xi32, #tpu.memory_space<hbm>> -> memref<20x500xi32, #tpu.memory_space<hbm>>
    tpu.wait_dma2 semaphore(%arg11 : memref<!tpu.dma_semaphore, #tpu.memory_space<semaphore_mem>>) src(%dma_wait3A_70 : memref<20x500xi32, #tpu.memory_space<hbm>>) dst(%arg6 : memref<20x500xi32, #tpu.memory_space<vmem>>)
    %mul3A_71 = arith.constant 640 : i32
    %mul3A_72 = arith.muli %arg1, %mul3A_71 : i32
    "tpu.region"() ({
      %run_scoped3A = tpu.sem_alloc : memref<!tpu.dma_semaphore, #tpu.memory_space<semaphore_mem>>
      %dma_start3A_1040 = arith.constant 0 : i32
      %dma_start3A_1041 = tpu.memref_slice %arg9[%mul3A_72, %dma_start3A_1040] : memref<10240x16xf32, #tpu.memory_space<vmem_shared>> -> memref<640x16xf32, #tpu.memory_space<vmem_shared>>
      %dma_start3A_1042 = arith.constant 0 : i32
      %dma_start3A_1043 = tpu.memref_slice %arg9[%mul3A_72, %dma_start3A_1042] : memref<10240x16xf32, #tpu.memory_space<vmem_shared>> -> memref<640x16xf32, #tpu.memory_space<vmem_shared>>
      tpu.enqueue_dma source(%arg8 : memref<640x16xf32, #tpu.memory_space<vmem>>) target(%dma_start3A_1043 : memref<640x16xf32, #tpu.memory_space<vmem_shared>>) target_semaphore(%run_scoped3A : memref<!tpu.dma_semaphore, #tpu.memory_space<semaphore_mem>>)
      %dma_wait3A_1044 = arith.constant 0 : i32
      %dma_wait3A_1045 = tpu.memref_slice %arg9[%mul3A_72, %dma_wait3A_1044] : memref<10240x16xf32, #tpu.memory_space<vmem_shared>> -> memref<640x16xf32, #tpu.memory_space<vmem_shared>>
      %dma_wait3A_1046 = arith.constant 0 : i32
      %dma_wait3A_1047 = tpu.memref_slice %arg9[%mul3A_72, %dma_wait3A_1046] : memref<10240x16xf32, #tpu.memory_space<vmem_shared>> -> memref<640x16xf32, #tpu.memory_space<vmem_shared>>
      tpu.wait_dma2 semaphore(%run_scoped3A : memref<!tpu.dma_semaphore, #tpu.memory_space<semaphore_mem>>) src(%arg8 : memref<640x16xf32, #tpu.memory_space<vmem>>) dst(%dma_wait3A_1047 : memref<640x16xf32, #tpu.memory_space<vmem_shared>>)
      tpu.yield
    }) : () -> ()
    %mul3A_73 = arith.constant 640 : i32
    %mul3A_74 = arith.muli %arg1, %mul3A_73 : i32
    "tpu.region"() ({
      %run_scoped3A = tpu.sem_alloc : memref<!tpu.dma_semaphore, #tpu.memory_space<semaphore_mem>>
      %dma_start3A_1040 = arith.constant 0 : i32
      %dma_start3A_1041 = tpu.memref_slice %arg10[%mul3A_74, %dma_start3A_1040] : memref<10240x16xf32, #tpu.memory_space<vmem_shared>> -> memref<640x16xf32, #tpu.memory_space<vmem_shared>>
      %dma_start3A_1042 = arith.constant 0 : i32
      %dma_start3A_1043 = tpu.memref_slice %arg10[%mul3A_74, %dma_start3A_1042] : memref<10240x16xf32, #tpu.memory_space<vmem_shared>> -> memref<640x16xf32, #tpu.memory_space<vmem_shared>>
      tpu.enqueue_dma source(%arg8 : memref<640x16xf32, #tpu.memory_space<vmem>>) target(%dma_start3A_1043 : memref<640x16xf32, #tpu.memory_space<vmem_shared>>) target_semaphore(%run_scoped3A : memref<!tpu.dma_semaphore, #tpu.memory_space<semaphore_mem>>)
      %dma_wait3A_1044 = arith.constant 0 : i32
      %dma_wait3A_1045 = tpu.memref_slice %arg10[%mul3A_74, %dma_wait3A_1044] : memref<10240x16xf32, #tpu.memory_space<vmem_shared>> -> memref<640x16xf32, #tpu.memory_space<vmem_shared>>
      %dma_wait3A_1046 = arith.constant 0 : i32
      %dma_wait3A_1047 = tpu.memref_slice %arg10[%mul3A_74, %dma_wait3A_1046] : memref<10240x16xf32, #tpu.memory_space<vmem_shared>> -> memref<640x16xf32, #tpu.memory_space<vmem_shared>>
      tpu.wait_dma2 semaphore(%run_scoped3A : memref<!tpu.dma_semaphore, #tpu.memory_space<semaphore_mem>>) src(%arg8 : memref<640x16xf32, #tpu.memory_space<vmem>>) dst(%dma_wait3A_1047 : memref<640x16xf32, #tpu.memory_space<vmem_shared>>)
      tpu.yield
    }) : () -> ()
    %barrier3A = arith.constant 0 : index
    tpu.barrier barrier_id(%barrier3A)
    %dma_start3A_75 = arith.constant 0 : i32
    %dma_start3A_76 = arith.constant 0 : i32
    %dma_start3A_77 = arith.constant 0 : i32
    %dma_start3A_78 = arith.constant 0 : i32
    %dma_start3A_79 = tpu.memref_slice %arg7[%dma_start3A_76, %dma_start3A_77, %dma_start3A_78] : memref<6x500x16xf32, #tpu.memory_space<vmem>> -> memref<1x500x16xf32, #tpu.memory_space<vmem>>
    %dma_start3A_80 = tpu.memref_squeeze %dma_start3A_79 : memref<1x500x16xf32, #tpu.memory_space<vmem>> -> memref<500x16xf32, #tpu.memory_space<vmem>>
    %dma_start3A_81 = arith.constant 0 : i32
    %dma_start3A_82 = tpu.memref_slice %arg5[%dma_start3A_75, %dma_start3A_81] : memref<20x500xi32, #tpu.memory_space<vmem>> -> memref<1x500xi32, #tpu.memory_space<vmem>>
    %dma_start3A_83 = tpu.memref_squeeze %dma_start3A_82 : memref<1x500xi32, #tpu.memory_space<vmem>> -> memref<500xi32, #tpu.memory_space<vmem>>
    %dma_start3A_84 = arith.constant 0 : i32
    %dma_start3A_85 = arith.constant 0 : i32
    %dma_start3A_86 = tpu.memref_slice %arg10[%dma_start3A_84, %dma_start3A_85] : memref<10240x16xf32, #tpu.memory_space<vmem_shared>> -> memref<10240x16xf32, #tpu.memory_space<vmem_shared>>
    tpu.enqueue_indirect_dma source(%dma_start3A_86 : memref<10240x16xf32, #tpu.memory_space<vmem_shared>>) target(%dma_start3A_80 : memref<500x16xf32, #tpu.memory_space<vmem>>) offsets(%dma_start3A_83 : memref<500xi32, #tpu.memory_space<vmem>>) semaphore(%arg11 : memref<!tpu.dma_semaphore, #tpu.memory_space<semaphore_mem>>)
    %dma_start3A_87 = arith.constant 1 : i32
    %dma_start3A_88 = arith.constant 1 : i32
    %dma_start3A_89 = arith.constant 0 : i32
    %dma_start3A_90 = arith.constant 0 : i32
    %dma_start3A_91 = tpu.memref_slice %arg7[%dma_start3A_88, %dma_start3A_89, %dma_start3A_90] : memref<6x500x16xf32, #tpu.memory_space<vmem>> -> memref<1x500x16xf32, #tpu.memory_space<vmem>>
    %dma_start3A_92 = tpu.memref_squeeze %dma_start3A_91 : memref<1x500x16xf32, #tpu.memory_space<vmem>> -> memref<500x16xf32, #tpu.memory_space<vmem>>
    %dma_start3A_93 = arith.constant 0 : i32
    %dma_start3A_94 = tpu.memref_slice %arg5[%dma_start3A_87, %dma_start3A_93] : memref<20x500xi32, #tpu.memory_space<vmem>> -> memref<1x500xi32, #tpu.memory_space<vmem>>
    %dma_start3A_95 = tpu.memref_squeeze %dma_start3A_94 : memref<1x500xi32, #tpu.memory_space<vmem>> -> memref<500xi32, #tpu.memory_space<vmem>>
    %dma_start3A_96 = arith.constant 0 : i32
    %dma_start3A_97 = arith.constant 0 : i32
    %dma_start3A_98 = tpu.memref_slice %arg10[%dma_start3A_96, %dma_start3A_97] : memref<10240x16xf32, #tpu.memory_space<vmem_shared>> -> memref<10240x16xf32, #tpu.memory_space<vmem_shared>>
    tpu.enqueue_indirect_dma source(%dma_start3A_98 : memref<10240x16xf32, #tpu.memory_space<vmem_shared>>) target(%dma_start3A_92 : memref<500x16xf32, #tpu.memory_space<vmem>>) offsets(%dma_start3A_95 : memref<500xi32, #tpu.memory_space<vmem>>) semaphore(%arg11 : memref<!tpu.dma_semaphore, #tpu.memory_space<semaphore_mem>>)
    %dma_wait3A_99 = arith.constant 0 : i32
    %dma_wait3A_100 = arith.constant 0 : i32
    %dma_wait3A_101 = arith.constant 0 : i32
    %dma_wait3A_102 = arith.constant 0 : i32
    %dma_wait3A_103 = tpu.memref_slice %arg7[%dma_wait3A_100, %dma_wait3A_101, %dma_wait3A_102] : memref<6x500x16xf32, #tpu.memory_space<vmem>> -> memref<1x500x16xf32, #tpu.memory_space<vmem>>
    %dma_wait3A_104 = tpu.memref_squeeze %dma_wait3A_103 : memref<1x500x16xf32, #tpu.memory_space<vmem>> -> memref<500x16xf32, #tpu.memory_space<vmem>>
    %dma_wait3A_105 = arith.constant 0 : i32
    %dma_wait3A_106 = tpu.memref_slice %arg5[%dma_wait3A_99, %dma_wait3A_105] : memref<20x500xi32, #tpu.memory_space<vmem>> -> memref<1x500xi32, #tpu.memory_space<vmem>>
    %dma_wait3A_107 = tpu.memref_squeeze %dma_wait3A_106 : memref<1x500xi32, #tpu.memory_space<vmem>> -> memref<500xi32, #tpu.memory_space<vmem>>
    %dma_wait3A_108 = arith.constant 0 : i32
    %dma_wait3A_109 = arith.constant 0 : i32
    %dma_wait3A_110 = tpu.memref_slice %arg10[%dma_wait3A_108, %dma_wait3A_109] : memref<10240x16xf32, #tpu.memory_space<vmem_shared>> -> memref<10240x16xf32, #tpu.memory_space<vmem_shared>>
    tpu.wait_indirect_dma semaphore(%arg11 : memref<!tpu.dma_semaphore, #tpu.memory_space<semaphore_mem>>) src(%dma_wait3A_110 : memref<10240x16xf32, #tpu.memory_space<vmem_shared>>) dst(%dma_wait3A_104 : memref<500x16xf32, #tpu.memory_space<vmem>>)
    %dma_start3A_111 = arith.constant 0 : i32
    %dma_start3A_112 = arith.constant 0 : i32
    %dma_start3A_113 = arith.constant 0 : i32
    %dma_start3A_114 = arith.constant 0 : i32
    %dma_start3A_115 = tpu.memref_slice %arg7[%dma_start3A_111, %dma_start3A_113, %dma_start3A_114] : memref<6x500x16xf32, #tpu.memory_space<vmem>> -> memref<1x500x16xf32, #tpu.memory_space<vmem>>
    %dma_start3A_116 = tpu.memref_squeeze %dma_start3A_115 : memref<1x500x16xf32, #tpu.memory_space<vmem>> -> memref<500x16xf32, #tpu.memory_space<vmem>>
    %dma_start3A_117 = arith.constant 0 : i32
    %dma_start3A_118 = tpu.memref_slice %arg6[%dma_start3A_112, %dma_start3A_117] : memref<20x500xi32, #tpu.memory_space<vmem>> -> memref<1x500xi32, #tpu.memory_space<vmem>>
    %dma_start3A_119 = tpu.memref_squeeze %dma_start3A_118 : memref<1x500xi32, #tpu.memory_space<vmem>> -> memref<500xi32, #tpu.memory_space<vmem>>
    %dma_start3A_120 = arith.constant 0 : i32
    %dma_start3A_121 = arith.constant 0 : i32
    %dma_start3A_122 = tpu.memref_slice %arg9[%dma_start3A_120, %dma_start3A_121] : memref<10240x16xf32, #tpu.memory_space<vmem_shared>> -> memref<10240x16xf32, #tpu.memory_space<vmem_shared>>
    tpu.enqueue_indirect_dma source(%dma_start3A_116 : memref<500x16xf32, #tpu.memory_space<vmem>>) target(%dma_start3A_122 : memref<10240x16xf32, #tpu.memory_space<vmem_shared>>) offsets(%dma_start3A_119 : memref<500xi32, #tpu.memory_space<vmem>>) semaphore(%arg12 : memref<!tpu.dma_semaphore, #tpu.memory_space<semaphore_mem>>) {add = true}
    %dma_start3A_123 = arith.constant 2 : i32
    %dma_start3A_124 = arith.constant 2 : i32
    %dma_start3A_125 = arith.constant 0 : i32
    %dma_start3A_126 = arith.constant 0 : i32
    %dma_start3A_127 = tpu.memref_slice %arg7[%dma_start3A_124, %dma_start3A_125, %dma_start3A_126] : memref<6x500x16xf32, #tpu.memory_space<vmem>> -> memref<1x500x16xf32, #tpu.memory_space<vmem>>
    %dma_start3A_128 = tpu.memref_squeeze %dma_start3A_127 : memref<1x500x16xf32, #tpu.memory_space<vmem>> -> memref<500x16xf32, #tpu.memory_space<vmem>>
    %dma_start3A_129 = arith.constant 0 : i32
    %dma_start3A_130 = tpu.memref_slice %arg5[%dma_start3A_123, %dma_start3A_129] : memref<20x500xi32, #tpu.memory_space<vmem>> -> memref<1x500xi32, #tpu.memory_space<vmem>>
    %dma_start3A_131 = tpu.memref_squeeze %dma_start3A_130 : memref<1x500xi32, #tpu.memory_space<vmem>> -> memref<500xi32, #tpu.memory_space<vmem>>
    %dma_start3A_132 = arith.constant 0 : i32
    %dma_start3A_133 = arith.constant 0 : i32
    %dma_start3A_134 = tpu.memref_slice %arg10[%dma_start3A_132, %dma_start3A_133] : memref<10240x16xf32, #tpu.memory_space<vmem_shared>> -> memref<10240x16xf32, #tpu.memory_space<vmem_shared>>
    tpu.enqueue_indirect_dma source(%dma_start3A_134 : memref<10240x16xf32, #tpu.memory_space<vmem_shared>>) target(%dma_start3A_128 : memref<500x16xf32, #tpu.memory_space<vmem>>) offsets(%dma_start3A_131 : memref<500xi32, #tpu.memory_space<vmem>>) semaphore(%arg11 : memref<!tpu.dma_semaphore, #tpu.memory_space<semaphore_mem>>)
    %dma_wait3A_135 = arith.constant 0 : i32
    %dma_wait3A_136 = arith.constant 0 : i32
    %dma_wait3A_137 = arith.constant 0 : i32
    %dma_wait3A_138 = arith.constant 0 : i32
    %dma_wait3A_139 = tpu.memref_slice %arg7[%dma_wait3A_136, %dma_wait3A_137, %dma_wait3A_138] : memref<6x500x16xf32, #tpu.memory_space<vmem>> -> memref<1x500x16xf32, #tpu.memory_space<vmem>>
    %dma_wait3A_140 = tpu.memref_squeeze %dma_wait3A_139 : memref<1x500x16xf32, #tpu.memory_space<vmem>> -> memref<500x16xf32, #tpu.memory_space<vmem>>
    %dma_wait3A_141 = arith.constant 0 : i32
    %dma_wait3A_142 = tpu.memref_slice %arg5[%dma_wait3A_135, %dma_wait3A_141] : memref<20x500xi32, #tpu.memory_space<vmem>> -> memref<1x500xi32, #tpu.memory_space<vmem>>
    %dma_wait3A_143 = tpu.memref_squeeze %dma_wait3A_142 : memref<1x500xi32, #tpu.memory_space<vmem>> -> memref<500xi32, #tpu.memory_space<vmem>>
    %dma_wait3A_144 = arith.constant 0 : i32
    %dma_wait3A_145 = arith.constant 0 : i32
    %dma_wait3A_146 = tpu.memref_slice %arg10[%dma_wait3A_144, %dma_wait3A_145] : memref<10240x16xf32, #tpu.memory_space<vmem_shared>> -> memref<10240x16xf32, #tpu.memory_space<vmem_shared>>
    tpu.wait_indirect_dma semaphore(%arg11 : memref<!tpu.dma_semaphore, #tpu.memory_space<semaphore_mem>>) src(%dma_wait3A_146 : memref<10240x16xf32, #tpu.memory_space<vmem_shared>>) dst(%dma_wait3A_140 : memref<500x16xf32, #tpu.memory_space<vmem>>)
    %dma_start3A_147 = arith.constant 1 : i32
    %dma_start3A_148 = arith.constant 1 : i32
    %dma_start3A_149 = arith.constant 0 : i32
    %dma_start3A_150 = arith.constant 0 : i32
    %dma_start3A_151 = tpu.memref_slice %arg7[%dma_start3A_147, %dma_start3A_149, %dma_start3A_150] : memref<6x500x16xf32, #tpu.memory_space<vmem>> -> memref<1x500x16xf32, #tpu.memory_space<vmem>>
    %dma_start3A_152 = tpu.memref_squeeze %dma_start3A_151 : memref<1x500x16xf32, #tpu.memory_space<vmem>> -> memref<500x16xf32, #tpu.memory_space<vmem>>
    %dma_start3A_153 = arith.constant 0 : i32
    %dma_start3A_154 = tpu.memref_slice %arg6[%dma_start3A_148, %dma_start3A_153] : memref<20x500xi32, #tpu.memory_space<vmem>> -> memref<1x500xi32, #tpu.memory_space<vmem>>
    %dma_start3A_155 = tpu.memref_squeeze %dma_start3A_154 : memref<1x500xi32, #tpu.memory_space<vmem>> -> memref<500xi32, #tpu.memory_space<vmem>>
    %dma_start3A_156 = arith.constant 0 : i32
    %dma_start3A_157 = arith.constant 0 : i32
    %dma_start3A_158 = tpu.memref_slice %arg9[%dma_start3A_156, %dma_start3A_157] : memref<10240x16xf32, #tpu.memory_space<vmem_shared>> -> memref<10240x16xf32, #tpu.memory_space<vmem_shared>>
    tpu.enqueue_indirect_dma source(%dma_start3A_152 : memref<500x16xf32, #tpu.memory_space<vmem>>) target(%dma_start3A_158 : memref<10240x16xf32, #tpu.memory_space<vmem_shared>>) offsets(%dma_start3A_155 : memref<500xi32, #tpu.memory_space<vmem>>) semaphore(%arg12 : memref<!tpu.dma_semaphore, #tpu.memory_space<semaphore_mem>>) {add = true}
    %dma_start3A_159 = arith.constant 3 : i32
    %dma_start3A_160 = arith.constant 3 : i32
    %dma_start3A_161 = arith.constant 0 : i32
    %dma_start3A_162 = arith.constant 0 : i32
    %dma_start3A_163 = tpu.memref_slice %arg7[%dma_start3A_160, %dma_start3A_161, %dma_start3A_162] : memref<6x500x16xf32, #tpu.memory_space<vmem>> -> memref<1x500x16xf32, #tpu.memory_space<vmem>>
    %dma_start3A_164 = tpu.memref_squeeze %dma_start3A_163 : memref<1x500x16xf32, #tpu.memory_space<vmem>> -> memref<500x16xf32, #tpu.memory_space<vmem>>
    %dma_start3A_165 = arith.constant 0 : i32
    %dma_start3A_166 = tpu.memref_slice %arg5[%dma_start3A_159, %dma_start3A_165] : memref<20x500xi32, #tpu.memory_space<vmem>> -> memref<1x500xi32, #tpu.memory_space<vmem>>
    %dma_start3A_167 = tpu.memref_squeeze %dma_start3A_166 : memref<1x500xi32, #tpu.memory_space<vmem>> -> memref<500xi32, #tpu.memory_space<vmem>>
    %dma_start3A_168 = arith.constant 0 : i32
    %dma_start3A_169 = arith.constant 0 : i32
    %dma_start3A_170 = tpu.memref_slice %arg10[%dma_start3A_168, %dma_start3A_169] : memref<10240x16xf32, #tpu.memory_space<vmem_shared>> -> memref<10240x16xf32, #tpu.memory_space<vmem_shared>>
    tpu.enqueue_indirect_dma source(%dma_start3A_170 : memref<10240x16xf32, #tpu.memory_space<vmem_shared>>) target(%dma_start3A_164 : memref<500x16xf32, #tpu.memory_space<vmem>>) offsets(%dma_start3A_167 : memref<500xi32, #tpu.memory_space<vmem>>) semaphore(%arg11 : memref<!tpu.dma_semaphore, #tpu.memory_space<semaphore_mem>>)
    %dma_wait3A_171 = arith.constant 0 : i32
    %dma_wait3A_172 = arith.constant 0 : i32
    %dma_wait3A_173 = arith.constant 0 : i32
    %dma_wait3A_174 = arith.constant 0 : i32
    %dma_wait3A_175 = tpu.memref_slice %arg7[%dma_wait3A_172, %dma_wait3A_173, %dma_wait3A_174] : memref<6x500x16xf32, #tpu.memory_space<vmem>> -> memref<1x500x16xf32, #tpu.memory_space<vmem>>
    %dma_wait3A_176 = tpu.memref_squeeze %dma_wait3A_175 : memref<1x500x16xf32, #tpu.memory_space<vmem>> -> memref<500x16xf32, #tpu.memory_space<vmem>>
    %dma_wait3A_177 = arith.constant 0 : i32
    %dma_wait3A_178 = tpu.memref_slice %arg5[%dma_wait3A_171, %dma_wait3A_177] : memref<20x500xi32, #tpu.memory_space<vmem>> -> memref<1x500xi32, #tpu.memory_space<vmem>>
    %dma_wait3A_179 = tpu.memref_squeeze %dma_wait3A_178 : memref<1x500xi32, #tpu.memory_space<vmem>> -> memref<500xi32, #tpu.memory_space<vmem>>
    %dma_wait3A_180 = arith.constant 0 : i32
    %dma_wait3A_181 = arith.constant 0 : i32
    %dma_wait3A_182 = tpu.memref_slice %arg10[%dma_wait3A_180, %dma_wait3A_181] : memref<10240x16xf32, #tpu.memory_space<vmem_shared>> -> memref<10240x16xf32, #tpu.memory_space<vmem_shared>>
    tpu.wait_indirect_dma semaphore(%arg11 : memref<!tpu.dma_semaphore, #tpu.memory_space<semaphore_mem>>) src(%dma_wait3A_182 : memref<10240x16xf32, #tpu.memory_space<vmem_shared>>) dst(%dma_wait3A_176 : memref<500x16xf32, #tpu.memory_space<vmem>>)
    %dma_start3A_183 = arith.constant 2 : i32
    %dma_start3A_184 = arith.constant 2 : i32
    %dma_start3A_185 = arith.constant 0 : i32
    %dma_start3A_186 = arith.constant 0 : i32
    %dma_start3A_187 = tpu.memref_slice %arg7[%dma_start3A_183, %dma_start3A_185, %dma_start3A_186] : memref<6x500x16xf32, #tpu.memory_space<vmem>> -> memref<1x500x16xf32, #tpu.memory_space<vmem>>
    %dma_start3A_188 = tpu.memref_squeeze %dma_start3A_187 : memref<1x500x16xf32, #tpu.memory_space<vmem>> -> memref<500x16xf32, #tpu.memory_space<vmem>>
    %dma_start3A_189 = arith.constant 0 : i32
    %dma_start3A_190 = tpu.memref_slice %arg6[%dma_start3A_184, %dma_start3A_189] : memref<20x500xi32, #tpu.memory_space<vmem>> -> memref<1x500xi32, #tpu.memory_space<vmem>>
    %dma_start3A_191 = tpu.memref_squeeze %dma_start3A_190 : memref<1x500xi32, #tpu.memory_space<vmem>> -> memref<500xi32, #tpu.memory_space<vmem>>
    %dma_start3A_192 = arith.constant 0 : i32
    %dma_start3A_193 = arith.constant 0 : i32
    %dma_start3A_194 = tpu.memref_slice %arg9[%dma_start3A_192, %dma_start3A_193] : memref<10240x16xf32, #tpu.memory_space<vmem_shared>> -> memref<10240x16xf32, #tpu.memory_space<vmem_shared>>
    tpu.enqueue_indirect_dma source(%dma_start3A_188 : memref<500x16xf32, #tpu.memory_space<vmem>>) target(%dma_start3A_194 : memref<10240x16xf32, #tpu.memory_space<vmem_shared>>) offsets(%dma_start3A_191 : memref<500xi32, #tpu.memory_space<vmem>>) semaphore(%arg12 : memref<!tpu.dma_semaphore, #tpu.memory_space<semaphore_mem>>) {add = true}
    %dma_start3A_195 = arith.constant 4 : i32
    %dma_start3A_196 = arith.constant 4 : i32
    %dma_start3A_197 = arith.constant 0 : i32
    %dma_start3A_198 = arith.constant 0 : i32
    %dma_start3A_199 = tpu.memref_slice %arg7[%dma_start3A_196, %dma_start3A_197, %dma_start3A_198] : memref<6x500x16xf32, #tpu.memory_space<vmem>> -> memref<1x500x16xf32, #tpu.memory_space<vmem>>
    %dma_start3A_200 = tpu.memref_squeeze %dma_start3A_199 : memref<1x500x16xf32, #tpu.memory_space<vmem>> -> memref<500x16xf32, #tpu.memory_space<vmem>>
    %dma_start3A_201 = arith.constant 0 : i32
    %dma_start3A_202 = tpu.memref_slice %arg5[%dma_start3A_195, %dma_start3A_201] : memref<20x500xi32, #tpu.memory_space<vmem>> -> memref<1x500xi32, #tpu.memory_space<vmem>>
    %dma_start3A_203 = tpu.memref_squeeze %dma_start3A_202 : memref<1x500xi32, #tpu.memory_space<vmem>> -> memref<500xi32, #tpu.memory_space<vmem>>
    %dma_start3A_204 = arith.constant 0 : i32
    %dma_start3A_205 = arith.constant 0 : i32
    %dma_start3A_206 = tpu.memref_slice %arg10[%dma_start3A_204, %dma_start3A_205] : memref<10240x16xf32, #tpu.memory_space<vmem_shared>> -> memref<10240x16xf32, #tpu.memory_space<vmem_shared>>
    tpu.enqueue_indirect_dma source(%dma_start3A_206 : memref<10240x16xf32, #tpu.memory_space<vmem_shared>>) target(%dma_start3A_200 : memref<500x16xf32, #tpu.memory_space<vmem>>) offsets(%dma_start3A_203 : memref<500xi32, #tpu.memory_space<vmem>>) semaphore(%arg11 : memref<!tpu.dma_semaphore, #tpu.memory_space<semaphore_mem>>)
    %dma_wait3A_207 = arith.constant 0 : i32
    %dma_wait3A_208 = arith.constant 0 : i32
    %dma_wait3A_209 = arith.constant 0 : i32
    %dma_wait3A_210 = arith.constant 0 : i32
    %dma_wait3A_211 = tpu.memref_slice %arg7[%dma_wait3A_208, %dma_wait3A_209, %dma_wait3A_210] : memref<6x500x16xf32, #tpu.memory_space<vmem>> -> memref<1x500x16xf32, #tpu.memory_space<vmem>>
    %dma_wait3A_212 = tpu.memref_squeeze %dma_wait3A_211 : memref<1x500x16xf32, #tpu.memory_space<vmem>> -> memref<500x16xf32, #tpu.memory_space<vmem>>
    %dma_wait3A_213 = arith.constant 0 : i32
    %dma_wait3A_214 = tpu.memref_slice %arg5[%dma_wait3A_207, %dma_wait3A_213] : memref<20x500xi32, #tpu.memory_space<vmem>> -> memref<1x500xi32, #tpu.memory_space<vmem>>
    %dma_wait3A_215 = tpu.memref_squeeze %dma_wait3A_214 : memref<1x500xi32, #tpu.memory_space<vmem>> -> memref<500xi32, #tpu.memory_space<vmem>>
    %dma_wait3A_216 = arith.constant 0 : i32
    %dma_wait3A_217 = arith.constant 0 : i32
    %dma_wait3A_218 = tpu.memref_slice %arg10[%dma_wait3A_216, %dma_wait3A_217] : memref<10240x16xf32, #tpu.memory_space<vmem_shared>> -> memref<10240x16xf32, #tpu.memory_space<vmem_shared>>
    tpu.wait_indirect_dma semaphore(%arg11 : memref<!tpu.dma_semaphore, #tpu.memory_space<semaphore_mem>>) src(%dma_wait3A_218 : memref<10240x16xf32, #tpu.memory_space<vmem_shared>>) dst(%dma_wait3A_212 : memref<500x16xf32, #tpu.memory_space<vmem>>)
    %dma_start3A_219 = arith.constant 3 : i32
    %dma_start3A_220 = arith.constant 3 : i32
    %dma_start3A_221 = arith.constant 0 : i32
    %dma_start3A_222 = arith.constant 0 : i32
    %dma_start3A_223 = tpu.memref_slice %arg7[%dma_start3A_219, %dma_start3A_221, %dma_start3A_222] : memref<6x500x16xf32, #tpu.memory_space<vmem>> -> memref<1x500x16xf32, #tpu.memory_space<vmem>>
    %dma_start3A_224 = tpu.memref_squeeze %dma_start3A_223 : memref<1x500x16xf32, #tpu.memory_space<vmem>> -> memref<500x16xf32, #tpu.memory_space<vmem>>
    %dma_start3A_225 = arith.constant 0 : i32
    %dma_start3A_226 = tpu.memref_slice %arg6[%dma_start3A_220, %dma_start3A_225] : memref<20x500xi32, #tpu.memory_space<vmem>> -> memref<1x500xi32, #tpu.memory_space<vmem>>
    %dma_start3A_227 = tpu.memref_squeeze %dma_start3A_226 : memref<1x500xi32, #tpu.memory_space<vmem>> -> memref<500xi32, #tpu.memory_space<vmem>>
    %dma_start3A_228 = arith.constant 0 : i32
    %dma_start3A_229 = arith.constant 0 : i32
    %dma_start3A_230 = tpu.memref_slice %arg9[%dma_start3A_228, %dma_start3A_229] : memref<10240x16xf32, #tpu.memory_space<vmem_shared>> -> memref<10240x16xf32, #tpu.memory_space<vmem_shared>>
    tpu.enqueue_indirect_dma source(%dma_start3A_224 : memref<500x16xf32, #tpu.memory_space<vmem>>) target(%dma_start3A_230 : memref<10240x16xf32, #tpu.memory_space<vmem_shared>>) offsets(%dma_start3A_227 : memref<500xi32, #tpu.memory_space<vmem>>) semaphore(%arg12 : memref<!tpu.dma_semaphore, #tpu.memory_space<semaphore_mem>>) {add = true}
    %dma_start3A_231 = arith.constant 5 : i32
    %dma_start3A_232 = arith.constant 5 : i32
    %dma_start3A_233 = arith.constant 0 : i32
    %dma_start3A_234 = arith.constant 0 : i32
    %dma_start3A_235 = tpu.memref_slice %arg7[%dma_start3A_232, %dma_start3A_233, %dma_start3A_234] : memref<6x500x16xf32, #tpu.memory_space<vmem>> -> memref<1x500x16xf32, #tpu.memory_space<vmem>>
    %dma_start3A_236 = tpu.memref_squeeze %dma_start3A_235 : memref<1x500x16xf32, #tpu.memory_space<vmem>> -> memref<500x16xf32, #tpu.memory_space<vmem>>
    %dma_start3A_237 = arith.constant 0 : i32
    %dma_start3A_238 = tpu.memref_slice %arg5[%dma_start3A_231, %dma_start3A_237] : memref<20x500xi32, #tpu.memory_space<vmem>> -> memref<1x500xi32, #tpu.memory_space<vmem>>
    %dma_start3A_239 = tpu.memref_squeeze %dma_start3A_238 : memref<1x500xi32, #tpu.memory_space<vmem>> -> memref<500xi32, #tpu.memory_space<vmem>>
    %dma_start3A_240 = arith.constant 0 : i32
    %dma_start3A_241 = arith.constant 0 : i32
    %dma_start3A_242 = tpu.memref_slice %arg10[%dma_start3A_240, %dma_start3A_241] : memref<10240x16xf32, #tpu.memory_space<vmem_shared>> -> memref<10240x16xf32, #tpu.memory_space<vmem_shared>>
    tpu.enqueue_indirect_dma source(%dma_start3A_242 : memref<10240x16xf32, #tpu.memory_space<vmem_shared>>) target(%dma_start3A_236 : memref<500x16xf32, #tpu.memory_space<vmem>>) offsets(%dma_start3A_239 : memref<500xi32, #tpu.memory_space<vmem>>) semaphore(%arg11 : memref<!tpu.dma_semaphore, #tpu.memory_space<semaphore_mem>>)
    %dma_wait3A_243 = arith.constant 0 : i32
    %dma_wait3A_244 = arith.constant 0 : i32
    %dma_wait3A_245 = arith.constant 0 : i32
    %dma_wait3A_246 = arith.constant 0 : i32
    %dma_wait3A_247 = tpu.memref_slice %arg7[%dma_wait3A_244, %dma_wait3A_245, %dma_wait3A_246] : memref<6x500x16xf32, #tpu.memory_space<vmem>> -> memref<1x500x16xf32, #tpu.memory_space<vmem>>
    %dma_wait3A_248 = tpu.memref_squeeze %dma_wait3A_247 : memref<1x500x16xf32, #tpu.memory_space<vmem>> -> memref<500x16xf32, #tpu.memory_space<vmem>>
    %dma_wait3A_249 = arith.constant 0 : i32
    %dma_wait3A_250 = tpu.memref_slice %arg5[%dma_wait3A_243, %dma_wait3A_249] : memref<20x500xi32, #tpu.memory_space<vmem>> -> memref<1x500xi32, #tpu.memory_space<vmem>>
    %dma_wait3A_251 = tpu.memref_squeeze %dma_wait3A_250 : memref<1x500xi32, #tpu.memory_space<vmem>> -> memref<500xi32, #tpu.memory_space<vmem>>
    %dma_wait3A_252 = arith.constant 0 : i32
    %dma_wait3A_253 = arith.constant 0 : i32
    %dma_wait3A_254 = tpu.memref_slice %arg10[%dma_wait3A_252, %dma_wait3A_253] : memref<10240x16xf32, #tpu.memory_space<vmem_shared>> -> memref<10240x16xf32, #tpu.memory_space<vmem_shared>>
    tpu.wait_indirect_dma semaphore(%arg11 : memref<!tpu.dma_semaphore, #tpu.memory_space<semaphore_mem>>) src(%dma_wait3A_254 : memref<10240x16xf32, #tpu.memory_space<vmem_shared>>) dst(%dma_wait3A_248 : memref<500x16xf32, #tpu.memory_space<vmem>>)
    %dma_start3A_255 = arith.constant 4 : i32
    %dma_start3A_256 = arith.constant 4 : i32
    %dma_start3A_257 = arith.constant 0 : i32
    %dma_start3A_258 = arith.constant 0 : i32
    %dma_start3A_259 = tpu.memref_slice %arg7[%dma_start3A_255, %dma_start3A_257, %dma_start3A_258] : memref<6x500x16xf32, #tpu.memory_space<vmem>> -> memref<1x500x16xf32, #tpu.memory_space<vmem>>
    %dma_start3A_260 = tpu.memref_squeeze %dma_start3A_259 : memref<1x500x16xf32, #tpu.memory_space<vmem>> -> memref<500x16xf32, #tpu.memory_space<vmem>>
    %dma_start3A_261 = arith.constant 0 : i32
    %dma_start3A_262 = tpu.memref_slice %arg6[%dma_start3A_256, %dma_start3A_261] : memref<20x500xi32, #tpu.memory_space<vmem>> -> memref<1x500xi32, #tpu.memory_space<vmem>>
    %dma_start3A_263 = tpu.memref_squeeze %dma_start3A_262 : memref<1x500xi32, #tpu.memory_space<vmem>> -> memref<500xi32, #tpu.memory_space<vmem>>
    %dma_start3A_264 = arith.constant 0 : i32
    %dma_start3A_265 = arith.constant 0 : i32
    %dma_start3A_266 = tpu.memref_slice %arg9[%dma_start3A_264, %dma_start3A_265] : memref<10240x16xf32, #tpu.memory_space<vmem_shared>> -> memref<10240x16xf32, #tpu.memory_space<vmem_shared>>
    tpu.enqueue_indirect_dma source(%dma_start3A_260 : memref<500x16xf32, #tpu.memory_space<vmem>>) target(%dma_start3A_266 : memref<10240x16xf32, #tpu.memory_space<vmem_shared>>) offsets(%dma_start3A_263 : memref<500xi32, #tpu.memory_space<vmem>>) semaphore(%arg12 : memref<!tpu.dma_semaphore, #tpu.memory_space<semaphore_mem>>) {add = true}
    %dma_wait3A_267 = arith.constant 0 : i32
    %dma_wait3A_268 = arith.constant 0 : i32
    %dma_wait3A_269 = arith.constant 0 : i32
    %dma_wait3A_270 = arith.constant 0 : i32
    %dma_wait3A_271 = tpu.memref_slice %arg7[%dma_wait3A_267, %dma_wait3A_269, %dma_wait3A_270] : memref<6x500x16xf32, #tpu.memory_space<vmem>> -> memref<1x500x16xf32, #tpu.memory_space<vmem>>
    %dma_wait3A_272 = tpu.memref_squeeze %dma_wait3A_271 : memref<1x500x16xf32, #tpu.memory_space<vmem>> -> memref<500x16xf32, #tpu.memory_space<vmem>>
    %dma_wait3A_273 = arith.constant 0 : i32
    %dma_wait3A_274 = tpu.memref_slice %arg6[%dma_wait3A_268, %dma_wait3A_273] : memref<20x500xi32, #tpu.memory_space<vmem>> -> memref<1x500xi32, #tpu.memory_space<vmem>>
    %dma_wait3A_275 = tpu.memref_squeeze %dma_wait3A_274 : memref<1x500xi32, #tpu.memory_space<vmem>> -> memref<500xi32, #tpu.memory_space<vmem>>
    %dma_wait3A_276 = arith.constant 0 : i32
    %dma_wait3A_277 = arith.constant 0 : i32
    %dma_wait3A_278 = tpu.memref_slice %arg9[%dma_wait3A_276, %dma_wait3A_277] : memref<10240x16xf32, #tpu.memory_space<vmem_shared>> -> memref<10240x16xf32, #tpu.memory_space<vmem_shared>>
    tpu.wait_indirect_dma semaphore(%arg12 : memref<!tpu.dma_semaphore, #tpu.memory_space<semaphore_mem>>) src(%dma_wait3A_272 : memref<500x16xf32, #tpu.memory_space<vmem>>) dst(%dma_wait3A_278 : memref<10240x16xf32, #tpu.memory_space<vmem_shared>>)
    %dma_start3A_279 = arith.constant 6 : i32
    %dma_start3A_280 = arith.constant 0 : i32
    %dma_start3A_281 = arith.constant 0 : i32
    %dma_start3A_282 = arith.constant 0 : i32
    %dma_start3A_283 = tpu.memref_slice %arg7[%dma_start3A_280, %dma_start3A_281, %dma_start3A_282] : memref<6x500x16xf32, #tpu.memory_space<vmem>> -> memref<1x500x16xf32, #tpu.memory_space<vmem>>
    %dma_start3A_284 = tpu.memref_squeeze %dma_start3A_283 : memref<1x500x16xf32, #tpu.memory_space<vmem>> -> memref<500x16xf32, #tpu.memory_space<vmem>>
    %dma_start3A_285 = arith.constant 0 : i32
    %dma_start3A_286 = tpu.memref_slice %arg5[%dma_start3A_279, %dma_start3A_285] : memref<20x500xi32, #tpu.memory_space<vmem>> -> memref<1x500xi32, #tpu.memory_space<vmem>>
    %dma_start3A_287 = tpu.memref_squeeze %dma_start3A_286 : memref<1x500xi32, #tpu.memory_space<vmem>> -> memref<500xi32, #tpu.memory_space<vmem>>
    %dma_start3A_288 = arith.constant 0 : i32
    %dma_start3A_289 = arith.constant 0 : i32
    %dma_start3A_290 = tpu.memref_slice %arg10[%dma_start3A_288, %dma_start3A_289] : memref<10240x16xf32, #tpu.memory_space<vmem_shared>> -> memref<10240x16xf32, #tpu.memory_space<vmem_shared>>
    tpu.enqueue_indirect_dma source(%dma_start3A_290 : memref<10240x16xf32, #tpu.memory_space<vmem_shared>>) target(%dma_start3A_284 : memref<500x16xf32, #tpu.memory_space<vmem>>) offsets(%dma_start3A_287 : memref<500xi32, #tpu.memory_space<vmem>>) semaphore(%arg11 : memref<!tpu.dma_semaphore, #tpu.memory_space<semaphore_mem>>)
    %dma_wait3A_291 = arith.constant 0 : i32
    %dma_wait3A_292 = arith.constant 0 : i32
    %dma_wait3A_293 = arith.constant 0 : i32
    %dma_wait3A_294 = arith.constant 0 : i32
    %dma_wait3A_295 = tpu.memref_slice %arg7[%dma_wait3A_292, %dma_wait3A_293, %dma_wait3A_294] : memref<6x500x16xf32, #tpu.memory_space<vmem>> -> memref<1x500x16xf32, #tpu.memory_space<vmem>>
    %dma_wait3A_296 = tpu.memref_squeeze %dma_wait3A_295 : memref<1x500x16xf32, #tpu.memory_space<vmem>> -> memref<500x16xf32, #tpu.memory_space<vmem>>
    %dma_wait3A_297 = arith.constant 0 : i32
    %dma_wait3A_298 = tpu.memref_slice %arg5[%dma_wait3A_291, %dma_wait3A_297] : memref<20x500xi32, #tpu.memory_space<vmem>> -> memref<1x500xi32, #tpu.memory_space<vmem>>
    %dma_wait3A_299 = tpu.memref_squeeze %dma_wait3A_298 : memref<1x500xi32, #tpu.memory_space<vmem>> -> memref<500xi32, #tpu.memory_space<vmem>>
    %dma_wait3A_300 = arith.constant 0 : i32
    %dma_wait3A_301 = arith.constant 0 : i32
    %dma_wait3A_302 = tpu.memref_slice %arg10[%dma_wait3A_300, %dma_wait3A_301] : memref<10240x16xf32, #tpu.memory_space<vmem_shared>> -> memref<10240x16xf32, #tpu.memory_space<vmem_shared>>
    tpu.wait_indirect_dma semaphore(%arg11 : memref<!tpu.dma_semaphore, #tpu.memory_space<semaphore_mem>>) src(%dma_wait3A_302 : memref<10240x16xf32, #tpu.memory_space<vmem_shared>>) dst(%dma_wait3A_296 : memref<500x16xf32, #tpu.memory_space<vmem>>)
    %dma_start3A_303 = arith.constant 5 : i32
    %dma_start3A_304 = arith.constant 5 : i32
    %dma_start3A_305 = arith.constant 0 : i32
    %dma_start3A_306 = arith.constant 0 : i32
    %dma_start3A_307 = tpu.memref_slice %arg7[%dma_start3A_303, %dma_start3A_305, %dma_start3A_306] : memref<6x500x16xf32, #tpu.memory_space<vmem>> -> memref<1x500x16xf32, #tpu.memory_space<vmem>>
    %dma_start3A_308 = tpu.memref_squeeze %dma_start3A_307 : memref<1x500x16xf32, #tpu.memory_space<vmem>> -> memref<500x16xf32, #tpu.memory_space<vmem>>
    %dma_start3A_309 = arith.constant 0 : i32
    %dma_start3A_310 = tpu.memref_slice %arg6[%dma_start3A_304, %dma_start3A_309] : memref<20x500xi32, #tpu.memory_space<vmem>> -> memref<1x500xi32, #tpu.memory_space<vmem>>
    %dma_start3A_311 = tpu.memref_squeeze %dma_start3A_310 : memref<1x500xi32, #tpu.memory_space<vmem>> -> memref<500xi32, #tpu.memory_space<vmem>>
    %dma_start3A_312 = arith.constant 0 : i32
    %dma_start3A_313 = arith.constant 0 : i32
    %dma_start3A_314 = tpu.memref_slice %arg9[%dma_start3A_312, %dma_start3A_313] : memref<10240x16xf32, #tpu.memory_space<vmem_shared>> -> memref<10240x16xf32, #tpu.memory_space<vmem_shared>>
    tpu.enqueue_indirect_dma source(%dma_start3A_308 : memref<500x16xf32, #tpu.memory_space<vmem>>) target(%dma_start3A_314 : memref<10240x16xf32, #tpu.memory_space<vmem_shared>>) offsets(%dma_start3A_311 : memref<500xi32, #tpu.memory_space<vmem>>) semaphore(%arg12 : memref<!tpu.dma_semaphore, #tpu.memory_space<semaphore_mem>>) {add = true}
    %dma_wait3A_315 = arith.constant 0 : i32
    %dma_wait3A_316 = arith.constant 0 : i32
    %dma_wait3A_317 = arith.constant 0 : i32
    %dma_wait3A_318 = arith.constant 0 : i32
    %dma_wait3A_319 = tpu.memref_slice %arg7[%dma_wait3A_315, %dma_wait3A_317, %dma_wait3A_318] : memref<6x500x16xf32, #tpu.memory_space<vmem>> -> memref<1x500x16xf32, #tpu.memory_space<vmem>>
    %dma_wait3A_320 = tpu.memref_squeeze %dma_wait3A_319 : memref<1x500x16xf32, #tpu.memory_space<vmem>> -> memref<500x16xf32, #tpu.memory_space<vmem>>
    %dma_wait3A_321 = arith.constant 0 : i32
    %dma_wait3A_322 = tpu.memref_slice %arg6[%dma_wait3A_316, %dma_wait3A_321] : memref<20x500xi32, #tpu.memory_space<vmem>> -> memref<1x500xi32, #tpu.memory_space<vmem>>
    %dma_wait3A_323 = tpu.memref_squeeze %dma_wait3A_322 : memref<1x500xi32, #tpu.memory_space<vmem>> -> memref<500xi32, #tpu.memory_space<vmem>>
    %dma_wait3A_324 = arith.constant 0 : i32
    %dma_wait3A_325 = arith.constant 0 : i32
    %dma_wait3A_326 = tpu.memref_slice %arg9[%dma_wait3A_324, %dma_wait3A_325] : memref<10240x16xf32, #tpu.memory_space<vmem_shared>> -> memref<10240x16xf32, #tpu.memory_space<vmem_shared>>
    tpu.wait_indirect_dma semaphore(%arg12 : memref<!tpu.dma_semaphore, #tpu.memory_space<semaphore_mem>>) src(%dma_wait3A_320 : memref<500x16xf32, #tpu.memory_space<vmem>>) dst(%dma_wait3A_326 : memref<10240x16xf32, #tpu.memory_space<vmem_shared>>)
    %dma_start3A_327 = arith.constant 7 : i32
    %dma_start3A_328 = arith.constant 1 : i32
    %dma_start3A_329 = arith.constant 0 : i32
    %dma_start3A_330 = arith.constant 0 : i32
    %dma_start3A_331 = tpu.memref_slice %arg7[%dma_start3A_328, %dma_start3A_329, %dma_start3A_330] : memref<6x500x16xf32, #tpu.memory_space<vmem>> -> memref<1x500x16xf32, #tpu.memory_space<vmem>>
    %dma_start3A_332 = tpu.memref_squeeze %dma_start3A_331 : memref<1x500x16xf32, #tpu.memory_space<vmem>> -> memref<500x16xf32, #tpu.memory_space<vmem>>
    %dma_start3A_333 = arith.constant 0 : i32
    %dma_start3A_334 = tpu.memref_slice %arg5[%dma_start3A_327, %dma_start3A_333] : memref<20x500xi32, #tpu.memory_space<vmem>> -> memref<1x500xi32, #tpu.memory_space<vmem>>
    %dma_start3A_335 = tpu.memref_squeeze %dma_start3A_334 : memref<1x500xi32, #tpu.memory_space<vmem>> -> memref<500xi32, #tpu.memory_space<vmem>>
    %dma_start3A_336 = arith.constant 0 : i32
    %dma_start3A_337 = arith.constant 0 : i32
    %dma_start3A_338 = tpu.memref_slice %arg10[%dma_start3A_336, %dma_start3A_337] : memref<10240x16xf32, #tpu.memory_space<vmem_shared>> -> memref<10240x16xf32, #tpu.memory_space<vmem_shared>>
    tpu.enqueue_indirect_dma source(%dma_start3A_338 : memref<10240x16xf32, #tpu.memory_space<vmem_shared>>) target(%dma_start3A_332 : memref<500x16xf32, #tpu.memory_space<vmem>>) offsets(%dma_start3A_335 : memref<500xi32, #tpu.memory_space<vmem>>) semaphore(%arg11 : memref<!tpu.dma_semaphore, #tpu.memory_space<semaphore_mem>>)
    %dma_wait3A_339 = arith.constant 0 : i32
    %dma_wait3A_340 = arith.constant 0 : i32
    %dma_wait3A_341 = arith.constant 0 : i32
    %dma_wait3A_342 = arith.constant 0 : i32
    %dma_wait3A_343 = tpu.memref_slice %arg7[%dma_wait3A_340, %dma_wait3A_341, %dma_wait3A_342] : memref<6x500x16xf32, #tpu.memory_space<vmem>> -> memref<1x500x16xf32, #tpu.memory_space<vmem>>
    %dma_wait3A_344 = tpu.memref_squeeze %dma_wait3A_343 : memref<1x500x16xf32, #tpu.memory_space<vmem>> -> memref<500x16xf32, #tpu.memory_space<vmem>>
    %dma_wait3A_345 = arith.constant 0 : i32
    %dma_wait3A_346 = tpu.memref_slice %arg5[%dma_wait3A_339, %dma_wait3A_345] : memref<20x500xi32, #tpu.memory_space<vmem>> -> memref<1x500xi32, #tpu.memory_space<vmem>>
    %dma_wait3A_347 = tpu.memref_squeeze %dma_wait3A_346 : memref<1x500xi32, #tpu.memory_space<vmem>> -> memref<500xi32, #tpu.memory_space<vmem>>
    %dma_wait3A_348 = arith.constant 0 : i32
    %dma_wait3A_349 = arith.constant 0 : i32
    %dma_wait3A_350 = tpu.memref_slice %arg10[%dma_wait3A_348, %dma_wait3A_349] : memref<10240x16xf32, #tpu.memory_space<vmem_shared>> -> memref<10240x16xf32, #tpu.memory_space<vmem_shared>>
    tpu.wait_indirect_dma semaphore(%arg11 : memref<!tpu.dma_semaphore, #tpu.memory_space<semaphore_mem>>) src(%dma_wait3A_350 : memref<10240x16xf32, #tpu.memory_space<vmem_shared>>) dst(%dma_wait3A_344 : memref<500x16xf32, #tpu.memory_space<vmem>>)
    %dma_start3A_351 = arith.constant 0 : i32
    %dma_start3A_352 = arith.constant 6 : i32
    %dma_start3A_353 = arith.constant 0 : i32
    %dma_start3A_354 = arith.constant 0 : i32
    %dma_start3A_355 = tpu.memref_slice %arg7[%dma_start3A_351, %dma_start3A_353, %dma_start3A_354] : memref<6x500x16xf32, #tpu.memory_space<vmem>> -> memref<1x500x16xf32, #tpu.memory_space<vmem>>
    %dma_start3A_356 = tpu.memref_squeeze %dma_start3A_355 : memref<1x500x16xf32, #tpu.memory_space<vmem>> -> memref<500x16xf32, #tpu.memory_space<vmem>>
    %dma_start3A_357 = arith.constant 0 : i32
    %dma_start3A_358 = tpu.memref_slice %arg6[%dma_start3A_352, %dma_start3A_357] : memref<20x500xi32, #tpu.memory_space<vmem>> -> memref<1x500xi32, #tpu.memory_space<vmem>>
    %dma_start3A_359 = tpu.memref_squeeze %dma_start3A_358 : memref<1x500xi32, #tpu.memory_space<vmem>> -> memref<500xi32, #tpu.memory_space<vmem>>
    %dma_start3A_360 = arith.constant 0 : i32
    %dma_start3A_361 = arith.constant 0 : i32
    %dma_start3A_362 = tpu.memref_slice %arg9[%dma_start3A_360, %dma_start3A_361] : memref<10240x16xf32, #tpu.memory_space<vmem_shared>> -> memref<10240x16xf32, #tpu.memory_space<vmem_shared>>
    tpu.enqueue_indirect_dma source(%dma_start3A_356 : memref<500x16xf32, #tpu.memory_space<vmem>>) target(%dma_start3A_362 : memref<10240x16xf32, #tpu.memory_space<vmem_shared>>) offsets(%dma_start3A_359 : memref<500xi32, #tpu.memory_space<vmem>>) semaphore(%arg12 : memref<!tpu.dma_semaphore, #tpu.memory_space<semaphore_mem>>) {add = true}
    %dma_wait3A_363 = arith.constant 0 : i32
    %dma_wait3A_364 = arith.constant 0 : i32
    %dma_wait3A_365 = arith.constant 0 : i32
    %dma_wait3A_366 = arith.constant 0 : i32
    %dma_wait3A_367 = tpu.memref_slice %arg7[%dma_wait3A_363, %dma_wait3A_365, %dma_wait3A_366] : memref<6x500x16xf32, #tpu.memory_space<vmem>> -> memref<1x500x16xf32, #tpu.memory_space<vmem>>
    %dma_wait3A_368 = tpu.memref_squeeze %dma_wait3A_367 : memref<1x500x16xf32, #tpu.memory_space<vmem>> -> memref<500x16xf32, #tpu.memory_space<vmem>>
    %dma_wait3A_369 = arith.constant 0 : i32
    %dma_wait3A_370 = tpu.memref_slice %arg6[%dma_wait3A_364, %dma_wait3A_369] : memref<20x500xi32, #tpu.memory_space<vmem>> -> memref<1x500xi32, #tpu.memory_space<vmem>>
    %dma_wait3A_371 = tpu.memref_squeeze %dma_wait3A_370 : memref<1x500xi32, #tpu.memory_space<vmem>> -> memref<500xi32, #tpu.memory_space<vmem>>
    %dma_wait3A_372 = arith.constant 0 : i32
    %dma_wait3A_373 = arith.constant 0 : i32
    %dma_wait3A_374 = tpu.memref_slice %arg9[%dma_wait3A_372, %dma_wait3A_373] : memref<10240x16xf32, #tpu.memory_space<vmem_shared>> -> memref<10240x16xf32, #tpu.memory_space<vmem_shared>>
    tpu.wait_indirect_dma semaphore(%arg12 : memref<!tpu.dma_semaphore, #tpu.memory_space<semaphore_mem>>) src(%dma_wait3A_368 : memref<500x16xf32, #tpu.memory_space<vmem>>) dst(%dma_wait3A_374 : memref<10240x16xf32, #tpu.memory_space<vmem_shared>>)
    %dma_start3A_375 = arith.constant 8 : i32
    %dma_start3A_376 = arith.constant 2 : i32
    %dma_start3A_377 = arith.constant 0 : i32
    %dma_start3A_378 = arith.constant 0 : i32
    %dma_start3A_379 = tpu.memref_slice %arg7[%dma_start3A_376, %dma_start3A_377, %dma_start3A_378] : memref<6x500x16xf32, #tpu.memory_space<vmem>> -> memref<1x500x16xf32, #tpu.memory_space<vmem>>
    %dma_start3A_380 = tpu.memref_squeeze %dma_start3A_379 : memref<1x500x16xf32, #tpu.memory_space<vmem>> -> memref<500x16xf32, #tpu.memory_space<vmem>>
    %dma_start3A_381 = arith.constant 0 : i32
    %dma_start3A_382 = tpu.memref_slice %arg5[%dma_start3A_375, %dma_start3A_381] : memref<20x500xi32, #tpu.memory_space<vmem>> -> memref<1x500xi32, #tpu.memory_space<vmem>>
    %dma_start3A_383 = tpu.memref_squeeze %dma_start3A_382 : memref<1x500xi32, #tpu.memory_space<vmem>> -> memref<500xi32, #tpu.memory_space<vmem>>
    %dma_start3A_384 = arith.constant 0 : i32
    %dma_start3A_385 = arith.constant 0 : i32
    %dma_start3A_386 = tpu.memref_slice %arg10[%dma_start3A_384, %dma_start3A_385] : memref<10240x16xf32, #tpu.memory_space<vmem_shared>> -> memref<10240x16xf32, #tpu.memory_space<vmem_shared>>
    tpu.enqueue_indirect_dma source(%dma_start3A_386 : memref<10240x16xf32, #tpu.memory_space<vmem_shared>>) target(%dma_start3A_380 : memref<500x16xf32, #tpu.memory_space<vmem>>) offsets(%dma_start3A_383 : memref<500xi32, #tpu.memory_space<vmem>>) semaphore(%arg11 : memref<!tpu.dma_semaphore, #tpu.memory_space<semaphore_mem>>)
    %dma_wait3A_387 = arith.constant 0 : i32
    %dma_wait3A_388 = arith.constant 0 : i32
    %dma_wait3A_389 = arith.constant 0 : i32
    %dma_wait3A_390 = arith.constant 0 : i32
    %dma_wait3A_391 = tpu.memref_slice %arg7[%dma_wait3A_388, %dma_wait3A_389, %dma_wait3A_390] : memref<6x500x16xf32, #tpu.memory_space<vmem>> -> memref<1x500x16xf32, #tpu.memory_space<vmem>>
    %dma_wait3A_392 = tpu.memref_squeeze %dma_wait3A_391 : memref<1x500x16xf32, #tpu.memory_space<vmem>> -> memref<500x16xf32, #tpu.memory_space<vmem>>
    %dma_wait3A_393 = arith.constant 0 : i32
    %dma_wait3A_394 = tpu.memref_slice %arg5[%dma_wait3A_387, %dma_wait3A_393] : memref<20x500xi32, #tpu.memory_space<vmem>> -> memref<1x500xi32, #tpu.memory_space<vmem>>
    %dma_wait3A_395 = tpu.memref_squeeze %dma_wait3A_394 : memref<1x500xi32, #tpu.memory_space<vmem>> -> memref<500xi32, #tpu.memory_space<vmem>>
    %dma_wait3A_396 = arith.constant 0 : i32
    %dma_wait3A_397 = arith.constant 0 : i32
    %dma_wait3A_398 = tpu.memref_slice %arg10[%dma_wait3A_396, %dma_wait3A_397] : memref<10240x16xf32, #tpu.memory_space<vmem_shared>> -> memref<10240x16xf32, #tpu.memory_space<vmem_shared>>
    tpu.wait_indirect_dma semaphore(%arg11 : memref<!tpu.dma_semaphore, #tpu.memory_space<semaphore_mem>>) src(%dma_wait3A_398 : memref<10240x16xf32, #tpu.memory_space<vmem_shared>>) dst(%dma_wait3A_392 : memref<500x16xf32, #tpu.memory_space<vmem>>)
    %dma_start3A_399 = arith.constant 1 : i32
    %dma_start3A_400 = arith.constant 7 : i32
    %dma_start3A_401 = arith.constant 0 : i32
    %dma_start3A_402 = arith.constant 0 : i32
    %dma_start3A_403 = tpu.memref_slice %arg7[%dma_start3A_399, %dma_start3A_401, %dma_start3A_402] : memref<6x500x16xf32, #tpu.memory_space<vmem>> -> memref<1x500x16xf32, #tpu.memory_space<vmem>>
    %dma_start3A_404 = tpu.memref_squeeze %dma_start3A_403 : memref<1x500x16xf32, #tpu.memory_space<vmem>> -> memref<500x16xf32, #tpu.memory_space<vmem>>
    %dma_start3A_405 = arith.constant 0 : i32
    %dma_start3A_406 = tpu.memref_slice %arg6[%dma_start3A_400, %dma_start3A_405] : memref<20x500xi32, #tpu.memory_space<vmem>> -> memref<1x500xi32, #tpu.memory_space<vmem>>
    %dma_start3A_407 = tpu.memref_squeeze %dma_start3A_406 : memref<1x500xi32, #tpu.memory_space<vmem>> -> memref<500xi32, #tpu.memory_space<vmem>>
    %dma_start3A_408 = arith.constant 0 : i32
    %dma_start3A_409 = arith.constant 0 : i32
    %dma_start3A_410 = tpu.memref_slice %arg9[%dma_start3A_408, %dma_start3A_409] : memref<10240x16xf32, #tpu.memory_space<vmem_shared>> -> memref<10240x16xf32, #tpu.memory_space<vmem_shared>>
    tpu.enqueue_indirect_dma source(%dma_start3A_404 : memref<500x16xf32, #tpu.memory_space<vmem>>) target(%dma_start3A_410 : memref<10240x16xf32, #tpu.memory_space<vmem_shared>>) offsets(%dma_start3A_407 : memref<500xi32, #tpu.memory_space<vmem>>) semaphore(%arg12 : memref<!tpu.dma_semaphore, #tpu.memory_space<semaphore_mem>>) {add = true}
    %dma_wait3A_411 = arith.constant 0 : i32
    %dma_wait3A_412 = arith.constant 0 : i32
    %dma_wait3A_413 = arith.constant 0 : i32
    %dma_wait3A_414 = arith.constant 0 : i32
    %dma_wait3A_415 = tpu.memref_slice %arg7[%dma_wait3A_411, %dma_wait3A_413, %dma_wait3A_414] : memref<6x500x16xf32, #tpu.memory_space<vmem>> -> memref<1x500x16xf32, #tpu.memory_space<vmem>>
    %dma_wait3A_416 = tpu.memref_squeeze %dma_wait3A_415 : memref<1x500x16xf32, #tpu.memory_space<vmem>> -> memref<500x16xf32, #tpu.memory_space<vmem>>
    %dma_wait3A_417 = arith.constant 0 : i32
    %dma_wait3A_418 = tpu.memref_slice %arg6[%dma_wait3A_412, %dma_wait3A_417] : memref<20x500xi32, #tpu.memory_space<vmem>> -> memref<1x500xi32, #tpu.memory_space<vmem>>
    %dma_wait3A_419 = tpu.memref_squeeze %dma_wait3A_418 : memref<1x500xi32, #tpu.memory_space<vmem>> -> memref<500xi32, #tpu.memory_space<vmem>>
    %dma_wait3A_420 = arith.constant 0 : i32
    %dma_wait3A_421 = arith.constant 0 : i32
    %dma_wait3A_422 = tpu.memref_slice %arg9[%dma_wait3A_420, %dma_wait3A_421] : memref<10240x16xf32, #tpu.memory_space<vmem_shared>> -> memref<10240x16xf32, #tpu.memory_space<vmem_shared>>
    tpu.wait_indirect_dma semaphore(%arg12 : memref<!tpu.dma_semaphore, #tpu.memory_space<semaphore_mem>>) src(%dma_wait3A_416 : memref<500x16xf32, #tpu.memory_space<vmem>>) dst(%dma_wait3A_422 : memref<10240x16xf32, #tpu.memory_space<vmem_shared>>)
    %dma_start3A_423 = arith.constant 9 : i32
    %dma_start3A_424 = arith.constant 3 : i32
    %dma_start3A_425 = arith.constant 0 : i32
    %dma_start3A_426 = arith.constant 0 : i32
    %dma_start3A_427 = tpu.memref_slice %arg7[%dma_start3A_424, %dma_start3A_425, %dma_start3A_426] : memref<6x500x16xf32, #tpu.memory_space<vmem>> -> memref<1x500x16xf32, #tpu.memory_space<vmem>>
    %dma_start3A_428 = tpu.memref_squeeze %dma_start3A_427 : memref<1x500x16xf32, #tpu.memory_space<vmem>> -> memref<500x16xf32, #tpu.memory_space<vmem>>
    %dma_start3A_429 = arith.constant 0 : i32
    %dma_start3A_430 = tpu.memref_slice %arg5[%dma_start3A_423, %dma_start3A_429] : memref<20x500xi32, #tpu.memory_space<vmem>> -> memref<1x500xi32, #tpu.memory_space<vmem>>
    %dma_start3A_431 = tpu.memref_squeeze %dma_start3A_430 : memref<1x500xi32, #tpu.memory_space<vmem>> -> memref<500xi32, #tpu.memory_space<vmem>>
    %dma_start3A_432 = arith.constant 0 : i32
    %dma_start3A_433 = arith.constant 0 : i32
    %dma_start3A_434 = tpu.memref_slice %arg10[%dma_start3A_432, %dma_start3A_433] : memref<10240x16xf32, #tpu.memory_space<vmem_shared>> -> memref<10240x16xf32, #tpu.memory_space<vmem_shared>>
    tpu.enqueue_indirect_dma source(%dma_start3A_434 : memref<10240x16xf32, #tpu.memory_space<vmem_shared>>) target(%dma_start3A_428 : memref<500x16xf32, #tpu.memory_space<vmem>>) offsets(%dma_start3A_431 : memref<500xi32, #tpu.memory_space<vmem>>) semaphore(%arg11 : memref<!tpu.dma_semaphore, #tpu.memory_space<semaphore_mem>>)
    %dma_wait3A_435 = arith.constant 0 : i32
    %dma_wait3A_436 = arith.constant 0 : i32
    %dma_wait3A_437 = arith.constant 0 : i32
    %dma_wait3A_438 = arith.constant 0 : i32
    %dma_wait3A_439 = tpu.memref_slice %arg7[%dma_wait3A_436, %dma_wait3A_437, %dma_wait3A_438] : memref<6x500x16xf32, #tpu.memory_space<vmem>> -> memref<1x500x16xf32, #tpu.memory_space<vmem>>
    %dma_wait3A_440 = tpu.memref_squeeze %dma_wait3A_439 : memref<1x500x16xf32, #tpu.memory_space<vmem>> -> memref<500x16xf32, #tpu.memory_space<vmem>>
    %dma_wait3A_441 = arith.constant 0 : i32
    %dma_wait3A_442 = tpu.memref_slice %arg5[%dma_wait3A_435, %dma_wait3A_441] : memref<20x500xi32, #tpu.memory_space<vmem>> -> memref<1x500xi32, #tpu.memory_space<vmem>>
    %dma_wait3A_443 = tpu.memref_squeeze %dma_wait3A_442 : memref<1x500xi32, #tpu.memory_space<vmem>> -> memref<500xi32, #tpu.memory_space<vmem>>
    %dma_wait3A_444 = arith.constant 0 : i32
    %dma_wait3A_445 = arith.constant 0 : i32
    %dma_wait3A_446 = tpu.memref_slice %arg10[%dma_wait3A_444, %dma_wait3A_445] : memref<10240x16xf32, #tpu.memory_space<vmem_shared>> -> memref<10240x16xf32, #tpu.memory_space<vmem_shared>>
    tpu.wait_indirect_dma semaphore(%arg11 : memref<!tpu.dma_semaphore, #tpu.memory_space<semaphore_mem>>) src(%dma_wait3A_446 : memref<10240x16xf32, #tpu.memory_space<vmem_shared>>) dst(%dma_wait3A_440 : memref<500x16xf32, #tpu.memory_space<vmem>>)
    %dma_start3A_447 = arith.constant 2 : i32
    %dma_start3A_448 = arith.constant 8 : i32
    %dma_start3A_449 = arith.constant 0 : i32
    %dma_start3A_450 = arith.constant 0 : i32
    %dma_start3A_451 = tpu.memref_slice %arg7[%dma_start3A_447, %dma_start3A_449, %dma_start3A_450] : memref<6x500x16xf32, #tpu.memory_space<vmem>> -> memref<1x500x16xf32, #tpu.memory_space<vmem>>
    %dma_start3A_452 = tpu.memref_squeeze %dma_start3A_451 : memref<1x500x16xf32, #tpu.memory_space<vmem>> -> memref<500x16xf32, #tpu.memory_space<vmem>>
    %dma_start3A_453 = arith.constant 0 : i32
    %dma_start3A_454 = tpu.memref_slice %arg6[%dma_start3A_448, %dma_start3A_453] : memref<20x500xi32, #tpu.memory_space<vmem>> -> memref<1x500xi32, #tpu.memory_space<vmem>>
    %dma_start3A_455 = tpu.memref_squeeze %dma_start3A_454 : memref<1x500xi32, #tpu.memory_space<vmem>> -> memref<500xi32, #tpu.memory_space<vmem>>
    %dma_start3A_456 = arith.constant 0 : i32
    %dma_start3A_457 = arith.constant 0 : i32
    %dma_start3A_458 = tpu.memref_slice %arg9[%dma_start3A_456, %dma_start3A_457] : memref<10240x16xf32, #tpu.memory_space<vmem_shared>> -> memref<10240x16xf32, #tpu.memory_space<vmem_shared>>
    tpu.enqueue_indirect_dma source(%dma_start3A_452 : memref<500x16xf32, #tpu.memory_space<vmem>>) target(%dma_start3A_458 : memref<10240x16xf32, #tpu.memory_space<vmem_shared>>) offsets(%dma_start3A_455 : memref<500xi32, #tpu.memory_space<vmem>>) semaphore(%arg12 : memref<!tpu.dma_semaphore, #tpu.memory_space<semaphore_mem>>) {add = true}
    %dma_wait3A_459 = arith.constant 0 : i32
    %dma_wait3A_460 = arith.constant 0 : i32
    %dma_wait3A_461 = arith.constant 0 : i32
    %dma_wait3A_462 = arith.constant 0 : i32
    %dma_wait3A_463 = tpu.memref_slice %arg7[%dma_wait3A_459, %dma_wait3A_461, %dma_wait3A_462] : memref<6x500x16xf32, #tpu.memory_space<vmem>> -> memref<1x500x16xf32, #tpu.memory_space<vmem>>
    %dma_wait3A_464 = tpu.memref_squeeze %dma_wait3A_463 : memref<1x500x16xf32, #tpu.memory_space<vmem>> -> memref<500x16xf32, #tpu.memory_space<vmem>>
    %dma_wait3A_465 = arith.constant 0 : i32
    %dma_wait3A_466 = tpu.memref_slice %arg6[%dma_wait3A_460, %dma_wait3A_465] : memref<20x500xi32, #tpu.memory_space<vmem>> -> memref<1x500xi32, #tpu.memory_space<vmem>>
    %dma_wait3A_467 = tpu.memref_squeeze %dma_wait3A_466 : memref<1x500xi32, #tpu.memory_space<vmem>> -> memref<500xi32, #tpu.memory_space<vmem>>
    %dma_wait3A_468 = arith.constant 0 : i32
    %dma_wait3A_469 = arith.constant 0 : i32
    %dma_wait3A_470 = tpu.memref_slice %arg9[%dma_wait3A_468, %dma_wait3A_469] : memref<10240x16xf32, #tpu.memory_space<vmem_shared>> -> memref<10240x16xf32, #tpu.memory_space<vmem_shared>>
    tpu.wait_indirect_dma semaphore(%arg12 : memref<!tpu.dma_semaphore, #tpu.memory_space<semaphore_mem>>) src(%dma_wait3A_464 : memref<500x16xf32, #tpu.memory_space<vmem>>) dst(%dma_wait3A_470 : memref<10240x16xf32, #tpu.memory_space<vmem_shared>>)
    %dma_start3A_471 = arith.constant 10 : i32
    %dma_start3A_472 = arith.constant 4 : i32
    %dma_start3A_473 = arith.constant 0 : i32
    %dma_start3A_474 = arith.constant 0 : i32
    %dma_start3A_475 = tpu.memref_slice %arg7[%dma_start3A_472, %dma_start3A_473, %dma_start3A_474] : memref<6x500x16xf32, #tpu.memory_space<vmem>> -> memref<1x500x16xf32, #tpu.memory_space<vmem>>
    %dma_start3A_476 = tpu.memref_squeeze %dma_start3A_475 : memref<1x500x16xf32, #tpu.memory_space<vmem>> -> memref<500x16xf32, #tpu.memory_space<vmem>>
    %dma_start3A_477 = arith.constant 0 : i32
    %dma_start3A_478 = tpu.memref_slice %arg5[%dma_start3A_471, %dma_start3A_477] : memref<20x500xi32, #tpu.memory_space<vmem>> -> memref<1x500xi32, #tpu.memory_space<vmem>>
    %dma_start3A_479 = tpu.memref_squeeze %dma_start3A_478 : memref<1x500xi32, #tpu.memory_space<vmem>> -> memref<500xi32, #tpu.memory_space<vmem>>
    %dma_start3A_480 = arith.constant 0 : i32
    %dma_start3A_481 = arith.constant 0 : i32
    %dma_start3A_482 = tpu.memref_slice %arg10[%dma_start3A_480, %dma_start3A_481] : memref<10240x16xf32, #tpu.memory_space<vmem_shared>> -> memref<10240x16xf32, #tpu.memory_space<vmem_shared>>
    tpu.enqueue_indirect_dma source(%dma_start3A_482 : memref<10240x16xf32, #tpu.memory_space<vmem_shared>>) target(%dma_start3A_476 : memref<500x16xf32, #tpu.memory_space<vmem>>) offsets(%dma_start3A_479 : memref<500xi32, #tpu.memory_space<vmem>>) semaphore(%arg11 : memref<!tpu.dma_semaphore, #tpu.memory_space<semaphore_mem>>)
    %dma_wait3A_483 = arith.constant 0 : i32
    %dma_wait3A_484 = arith.constant 0 : i32
    %dma_wait3A_485 = arith.constant 0 : i32
    %dma_wait3A_486 = arith.constant 0 : i32
    %dma_wait3A_487 = tpu.memref_slice %arg7[%dma_wait3A_484, %dma_wait3A_485, %dma_wait3A_486] : memref<6x500x16xf32, #tpu.memory_space<vmem>> -> memref<1x500x16xf32, #tpu.memory_space<vmem>>
    %dma_wait3A_488 = tpu.memref_squeeze %dma_wait3A_487 : memref<1x500x16xf32, #tpu.memory_space<vmem>> -> memref<500x16xf32, #tpu.memory_space<vmem>>
    %dma_wait3A_489 = arith.constant 0 : i32
    %dma_wait3A_490 = tpu.memref_slice %arg5[%dma_wait3A_483, %dma_wait3A_489] : memref<20x500xi32, #tpu.memory_space<vmem>> -> memref<1x500xi32, #tpu.memory_space<vmem>>
    %dma_wait3A_491 = tpu.memref_squeeze %dma_wait3A_490 : memref<1x500xi32, #tpu.memory_space<vmem>> -> memref<500xi32, #tpu.memory_space<vmem>>
    %dma_wait3A_492 = arith.constant 0 : i32
    %dma_wait3A_493 = arith.constant 0 : i32
    %dma_wait3A_494 = tpu.memref_slice %arg10[%dma_wait3A_492, %dma_wait3A_493] : memref<10240x16xf32, #tpu.memory_space<vmem_shared>> -> memref<10240x16xf32, #tpu.memory_space<vmem_shared>>
    tpu.wait_indirect_dma semaphore(%arg11 : memref<!tpu.dma_semaphore, #tpu.memory_space<semaphore_mem>>) src(%dma_wait3A_494 : memref<10240x16xf32, #tpu.memory_space<vmem_shared>>) dst(%dma_wait3A_488 : memref<500x16xf32, #tpu.memory_space<vmem>>)
    %dma_start3A_495 = arith.constant 3 : i32
    %dma_start3A_496 = arith.constant 9 : i32
    %dma_start3A_497 = arith.constant 0 : i32
    %dma_start3A_498 = arith.constant 0 : i32
    %dma_start3A_499 = tpu.memref_slice %arg7[%dma_start3A_495, %dma_start3A_497, %dma_start3A_498] : memref<6x500x16xf32, #tpu.memory_space<vmem>> -> memref<1x500x16xf32, #tpu.memory_space<vmem>>
    %dma_start3A_500 = tpu.memref_squeeze %dma_start3A_499 : memref<1x500x16xf32, #tpu.memory_space<vmem>> -> memref<500x16xf32, #tpu.memory_space<vmem>>
    %dma_start3A_501 = arith.constant 0 : i32
    %dma_start3A_502 = tpu.memref_slice %arg6[%dma_start3A_496, %dma_start3A_501] : memref<20x500xi32, #tpu.memory_space<vmem>> -> memref<1x500xi32, #tpu.memory_space<vmem>>
    %dma_start3A_503 = tpu.memref_squeeze %dma_start3A_502 : memref<1x500xi32, #tpu.memory_space<vmem>> -> memref<500xi32, #tpu.memory_space<vmem>>
    %dma_start3A_504 = arith.constant 0 : i32
    %dma_start3A_505 = arith.constant 0 : i32
    %dma_start3A_506 = tpu.memref_slice %arg9[%dma_start3A_504, %dma_start3A_505] : memref<10240x16xf32, #tpu.memory_space<vmem_shared>> -> memref<10240x16xf32, #tpu.memory_space<vmem_shared>>
    tpu.enqueue_indirect_dma source(%dma_start3A_500 : memref<500x16xf32, #tpu.memory_space<vmem>>) target(%dma_start3A_506 : memref<10240x16xf32, #tpu.memory_space<vmem_shared>>) offsets(%dma_start3A_503 : memref<500xi32, #tpu.memory_space<vmem>>) semaphore(%arg12 : memref<!tpu.dma_semaphore, #tpu.memory_space<semaphore_mem>>) {add = true}
    %dma_wait3A_507 = arith.constant 0 : i32
    %dma_wait3A_508 = arith.constant 0 : i32
    %dma_wait3A_509 = arith.constant 0 : i32
    %dma_wait3A_510 = arith.constant 0 : i32
    %dma_wait3A_511 = tpu.memref_slice %arg7[%dma_wait3A_507, %dma_wait3A_509, %dma_wait3A_510] : memref<6x500x16xf32, #tpu.memory_space<vmem>> -> memref<1x500x16xf32, #tpu.memory_space<vmem>>
    %dma_wait3A_512 = tpu.memref_squeeze %dma_wait3A_511 : memref<1x500x16xf32, #tpu.memory_space<vmem>> -> memref<500x16xf32, #tpu.memory_space<vmem>>
    %dma_wait3A_513 = arith.constant 0 : i32
    %dma_wait3A_514 = tpu.memref_slice %arg6[%dma_wait3A_508, %dma_wait3A_513] : memref<20x500xi32, #tpu.memory_space<vmem>> -> memref<1x500xi32, #tpu.memory_space<vmem>>
    %dma_wait3A_515 = tpu.memref_squeeze %dma_wait3A_514 : memref<1x500xi32, #tpu.memory_space<vmem>> -> memref<500xi32, #tpu.memory_space<vmem>>
    %dma_wait3A_516 = arith.constant 0 : i32
    %dma_wait3A_517 = arith.constant 0 : i32
    %dma_wait3A_518 = tpu.memref_slice %arg9[%dma_wait3A_516, %dma_wait3A_517] : memref<10240x16xf32, #tpu.memory_space<vmem_shared>> -> memref<10240x16xf32, #tpu.memory_space<vmem_shared>>
    tpu.wait_indirect_dma semaphore(%arg12 : memref<!tpu.dma_semaphore, #tpu.memory_space<semaphore_mem>>) src(%dma_wait3A_512 : memref<500x16xf32, #tpu.memory_space<vmem>>) dst(%dma_wait3A_518 : memref<10240x16xf32, #tpu.memory_space<vmem_shared>>)
    %dma_start3A_519 = arith.constant 11 : i32
    %dma_start3A_520 = arith.constant 5 : i32
    %dma_start3A_521 = arith.constant 0 : i32
    %dma_start3A_522 = arith.constant 0 : i32
    %dma_start3A_523 = tpu.memref_slice %arg7[%dma_start3A_520, %dma_start3A_521, %dma_start3A_522] : memref<6x500x16xf32, #tpu.memory_space<vmem>> -> memref<1x500x16xf32, #tpu.memory_space<vmem>>
    %dma_start3A_524 = tpu.memref_squeeze %dma_start3A_523 : memref<1x500x16xf32, #tpu.memory_space<vmem>> -> memref<500x16xf32, #tpu.memory_space<vmem>>
    %dma_start3A_525 = arith.constant 0 : i32
    %dma_start3A_526 = tpu.memref_slice %arg5[%dma_start3A_519, %dma_start3A_525] : memref<20x500xi32, #tpu.memory_space<vmem>> -> memref<1x500xi32, #tpu.memory_space<vmem>>
    %dma_start3A_527 = tpu.memref_squeeze %dma_start3A_526 : memref<1x500xi32, #tpu.memory_space<vmem>> -> memref<500xi32, #tpu.memory_space<vmem>>
    %dma_start3A_528 = arith.constant 0 : i32
    %dma_start3A_529 = arith.constant 0 : i32
    %dma_start3A_530 = tpu.memref_slice %arg10[%dma_start3A_528, %dma_start3A_529] : memref<10240x16xf32, #tpu.memory_space<vmem_shared>> -> memref<10240x16xf32, #tpu.memory_space<vmem_shared>>
    tpu.enqueue_indirect_dma source(%dma_start3A_530 : memref<10240x16xf32, #tpu.memory_space<vmem_shared>>) target(%dma_start3A_524 : memref<500x16xf32, #tpu.memory_space<vmem>>) offsets(%dma_start3A_527 : memref<500xi32, #tpu.memory_space<vmem>>) semaphore(%arg11 : memref<!tpu.dma_semaphore, #tpu.memory_space<semaphore_mem>>)
    %dma_wait3A_531 = arith.constant 0 : i32
    %dma_wait3A_532 = arith.constant 0 : i32
    %dma_wait3A_533 = arith.constant 0 : i32
    %dma_wait3A_534 = arith.constant 0 : i32
    %dma_wait3A_535 = tpu.memref_slice %arg7[%dma_wait3A_532, %dma_wait3A_533, %dma_wait3A_534] : memref<6x500x16xf32, #tpu.memory_space<vmem>> -> memref<1x500x16xf32, #tpu.memory_space<vmem>>
    %dma_wait3A_536 = tpu.memref_squeeze %dma_wait3A_535 : memref<1x500x16xf32, #tpu.memory_space<vmem>> -> memref<500x16xf32, #tpu.memory_space<vmem>>
    %dma_wait3A_537 = arith.constant 0 : i32
    %dma_wait3A_538 = tpu.memref_slice %arg5[%dma_wait3A_531, %dma_wait3A_537] : memref<20x500xi32, #tpu.memory_space<vmem>> -> memref<1x500xi32, #tpu.memory_space<vmem>>
    %dma_wait3A_539 = tpu.memref_squeeze %dma_wait3A_538 : memref<1x500xi32, #tpu.memory_space<vmem>> -> memref<500xi32, #tpu.memory_space<vmem>>
    %dma_wait3A_540 = arith.constant 0 : i32
    %dma_wait3A_541 = arith.constant 0 : i32
    %dma_wait3A_542 = tpu.memref_slice %arg10[%dma_wait3A_540, %dma_wait3A_541] : memref<10240x16xf32, #tpu.memory_space<vmem_shared>> -> memref<10240x16xf32, #tpu.memory_space<vmem_shared>>
    tpu.wait_indirect_dma semaphore(%arg11 : memref<!tpu.dma_semaphore, #tpu.memory_space<semaphore_mem>>) src(%dma_wait3A_542 : memref<10240x16xf32, #tpu.memory_space<vmem_shared>>) dst(%dma_wait3A_536 : memref<500x16xf32, #tpu.memory_space<vmem>>)
    %dma_start3A_543 = arith.constant 4 : i32
    %dma_start3A_544 = arith.constant 10 : i32
    %dma_start3A_545 = arith.constant 0 : i32
    %dma_start3A_546 = arith.constant 0 : i32
    %dma_start3A_547 = tpu.memref_slice %arg7[%dma_start3A_543, %dma_start3A_545, %dma_start3A_546] : memref<6x500x16xf32, #tpu.memory_space<vmem>> -> memref<1x500x16xf32, #tpu.memory_space<vmem>>
    %dma_start3A_548 = tpu.memref_squeeze %dma_start3A_547 : memref<1x500x16xf32, #tpu.memory_space<vmem>> -> memref<500x16xf32, #tpu.memory_space<vmem>>
    %dma_start3A_549 = arith.constant 0 : i32
    %dma_start3A_550 = tpu.memref_slice %arg6[%dma_start3A_544, %dma_start3A_549] : memref<20x500xi32, #tpu.memory_space<vmem>> -> memref<1x500xi32, #tpu.memory_space<vmem>>
    %dma_start3A_551 = tpu.memref_squeeze %dma_start3A_550 : memref<1x500xi32, #tpu.memory_space<vmem>> -> memref<500xi32, #tpu.memory_space<vmem>>
    %dma_start3A_552 = arith.constant 0 : i32
    %dma_start3A_553 = arith.constant 0 : i32
    %dma_start3A_554 = tpu.memref_slice %arg9[%dma_start3A_552, %dma_start3A_553] : memref<10240x16xf32, #tpu.memory_space<vmem_shared>> -> memref<10240x16xf32, #tpu.memory_space<vmem_shared>>
    tpu.enqueue_indirect_dma source(%dma_start3A_548 : memref<500x16xf32, #tpu.memory_space<vmem>>) target(%dma_start3A_554 : memref<10240x16xf32, #tpu.memory_space<vmem_shared>>) offsets(%dma_start3A_551 : memref<500xi32, #tpu.memory_space<vmem>>) semaphore(%arg12 : memref<!tpu.dma_semaphore, #tpu.memory_space<semaphore_mem>>) {add = true}
    %dma_wait3A_555 = arith.constant 0 : i32
    %dma_wait3A_556 = arith.constant 0 : i32
    %dma_wait3A_557 = arith.constant 0 : i32
    %dma_wait3A_558 = arith.constant 0 : i32
    %dma_wait3A_559 = tpu.memref_slice %arg7[%dma_wait3A_555, %dma_wait3A_557, %dma_wait3A_558] : memref<6x500x16xf32, #tpu.memory_space<vmem>> -> memref<1x500x16xf32, #tpu.memory_space<vmem>>
    %dma_wait3A_560 = tpu.memref_squeeze %dma_wait3A_559 : memref<1x500x16xf32, #tpu.memory_space<vmem>> -> memref<500x16xf32, #tpu.memory_space<vmem>>
    %dma_wait3A_561 = arith.constant 0 : i32
    %dma_wait3A_562 = tpu.memref_slice %arg6[%dma_wait3A_556, %dma_wait3A_561] : memref<20x500xi32, #tpu.memory_space<vmem>> -> memref<1x500xi32, #tpu.memory_space<vmem>>
    %dma_wait3A_563 = tpu.memref_squeeze %dma_wait3A_562 : memref<1x500xi32, #tpu.memory_space<vmem>> -> memref<500xi32, #tpu.memory_space<vmem>>
    %dma_wait3A_564 = arith.constant 0 : i32
    %dma_wait3A_565 = arith.constant 0 : i32
    %dma_wait3A_566 = tpu.memref_slice %arg9[%dma_wait3A_564, %dma_wait3A_565] : memref<10240x16xf32, #tpu.memory_space<vmem_shared>> -> memref<10240x16xf32, #tpu.memory_space<vmem_shared>>
    tpu.wait_indirect_dma semaphore(%arg12 : memref<!tpu.dma_semaphore, #tpu.memory_space<semaphore_mem>>) src(%dma_wait3A_560 : memref<500x16xf32, #tpu.memory_space<vmem>>) dst(%dma_wait3A_566 : memref<10240x16xf32, #tpu.memory_space<vmem_shared>>)
    %dma_start3A_567 = arith.constant 12 : i32
    %dma_start3A_568 = arith.constant 0 : i32
    %dma_start3A_569 = arith.constant 0 : i32
    %dma_start3A_570 = arith.constant 0 : i32
    %dma_start3A_571 = tpu.memref_slice %arg7[%dma_start3A_568, %dma_start3A_569, %dma_start3A_570] : memref<6x500x16xf32, #tpu.memory_space<vmem>> -> memref<1x500x16xf32, #tpu.memory_space<vmem>>
    %dma_start3A_572 = tpu.memref_squeeze %dma_start3A_571 : memref<1x500x16xf32, #tpu.memory_space<vmem>> -> memref<500x16xf32, #tpu.memory_space<vmem>>
    %dma_start3A_573 = arith.constant 0 : i32
    %dma_start3A_574 = tpu.memref_slice %arg5[%dma_start3A_567, %dma_start3A_573] : memref<20x500xi32, #tpu.memory_space<vmem>> -> memref<1x500xi32, #tpu.memory_space<vmem>>
    %dma_start3A_575 = tpu.memref_squeeze %dma_start3A_574 : memref<1x500xi32, #tpu.memory_space<vmem>> -> memref<500xi32, #tpu.memory_space<vmem>>
    %dma_start3A_576 = arith.constant 0 : i32
    %dma_start3A_577 = arith.constant 0 : i32
    %dma_start3A_578 = tpu.memref_slice %arg10[%dma_start3A_576, %dma_start3A_577] : memref<10240x16xf32, #tpu.memory_space<vmem_shared>> -> memref<10240x16xf32, #tpu.memory_space<vmem_shared>>
    tpu.enqueue_indirect_dma source(%dma_start3A_578 : memref<10240x16xf32, #tpu.memory_space<vmem_shared>>) target(%dma_start3A_572 : memref<500x16xf32, #tpu.memory_space<vmem>>) offsets(%dma_start3A_575 : memref<500xi32, #tpu.memory_space<vmem>>) semaphore(%arg11 : memref<!tpu.dma_semaphore, #tpu.memory_space<semaphore_mem>>)
    %dma_wait3A_579 = arith.constant 0 : i32
    %dma_wait3A_580 = arith.constant 0 : i32
    %dma_wait3A_581 = arith.constant 0 : i32
    %dma_wait3A_582 = arith.constant 0 : i32
    %dma_wait3A_583 = tpu.memref_slice %arg7[%dma_wait3A_580, %dma_wait3A_581, %dma_wait3A_582] : memref<6x500x16xf32, #tpu.memory_space<vmem>> -> memref<1x500x16xf32, #tpu.memory_space<vmem>>
    %dma_wait3A_584 = tpu.memref_squeeze %dma_wait3A_583 : memref<1x500x16xf32, #tpu.memory_space<vmem>> -> memref<500x16xf32, #tpu.memory_space<vmem>>
    %dma_wait3A_585 = arith.constant 0 : i32
    %dma_wait3A_586 = tpu.memref_slice %arg5[%dma_wait3A_579, %dma_wait3A_585] : memref<20x500xi32, #tpu.memory_space<vmem>> -> memref<1x500xi32, #tpu.memory_space<vmem>>
    %dma_wait3A_587 = tpu.memref_squeeze %dma_wait3A_586 : memref<1x500xi32, #tpu.memory_space<vmem>> -> memref<500xi32, #tpu.memory_space<vmem>>
    %dma_wait3A_588 = arith.constant 0 : i32
    %dma_wait3A_589 = arith.constant 0 : i32
    %dma_wait3A_590 = tpu.memref_slice %arg10[%dma_wait3A_588, %dma_wait3A_589] : memref<10240x16xf32, #tpu.memory_space<vmem_shared>> -> memref<10240x16xf32, #tpu.memory_space<vmem_shared>>
    tpu.wait_indirect_dma semaphore(%arg11 : memref<!tpu.dma_semaphore, #tpu.memory_space<semaphore_mem>>) src(%dma_wait3A_590 : memref<10240x16xf32, #tpu.memory_space<vmem_shared>>) dst(%dma_wait3A_584 : memref<500x16xf32, #tpu.memory_space<vmem>>)
    %dma_start3A_591 = arith.constant 5 : i32
    %dma_start3A_592 = arith.constant 11 : i32
    %dma_start3A_593 = arith.constant 0 : i32
    %dma_start3A_594 = arith.constant 0 : i32
    %dma_start3A_595 = tpu.memref_slice %arg7[%dma_start3A_591, %dma_start3A_593, %dma_start3A_594] : memref<6x500x16xf32, #tpu.memory_space<vmem>> -> memref<1x500x16xf32, #tpu.memory_space<vmem>>
    %dma_start3A_596 = tpu.memref_squeeze %dma_start3A_595 : memref<1x500x16xf32, #tpu.memory_space<vmem>> -> memref<500x16xf32, #tpu.memory_space<vmem>>
    %dma_start3A_597 = arith.constant 0 : i32
    %dma_start3A_598 = tpu.memref_slice %arg6[%dma_start3A_592, %dma_start3A_597] : memref<20x500xi32, #tpu.memory_space<vmem>> -> memref<1x500xi32, #tpu.memory_space<vmem>>
    %dma_start3A_599 = tpu.memref_squeeze %dma_start3A_598 : memref<1x500xi32, #tpu.memory_space<vmem>> -> memref<500xi32, #tpu.memory_space<vmem>>
    %dma_start3A_600 = arith.constant 0 : i32
    %dma_start3A_601 = arith.constant 0 : i32
    %dma_start3A_602 = tpu.memref_slice %arg9[%dma_start3A_600, %dma_start3A_601] : memref<10240x16xf32, #tpu.memory_space<vmem_shared>> -> memref<10240x16xf32, #tpu.memory_space<vmem_shared>>
    tpu.enqueue_indirect_dma source(%dma_start3A_596 : memref<500x16xf32, #tpu.memory_space<vmem>>) target(%dma_start3A_602 : memref<10240x16xf32, #tpu.memory_space<vmem_shared>>) offsets(%dma_start3A_599 : memref<500xi32, #tpu.memory_space<vmem>>) semaphore(%arg12 : memref<!tpu.dma_semaphore, #tpu.memory_space<semaphore_mem>>) {add = true}
    %dma_wait3A_603 = arith.constant 0 : i32
    %dma_wait3A_604 = arith.constant 0 : i32
    %dma_wait3A_605 = arith.constant 0 : i32
    %dma_wait3A_606 = arith.constant 0 : i32
    %dma_wait3A_607 = tpu.memref_slice %arg7[%dma_wait3A_603, %dma_wait3A_605, %dma_wait3A_606] : memref<6x500x16xf32, #tpu.memory_space<vmem>> -> memref<1x500x16xf32, #tpu.memory_space<vmem>>
    %dma_wait3A_608 = tpu.memref_squeeze %dma_wait3A_607 : memref<1x500x16xf32, #tpu.memory_space<vmem>> -> memref<500x16xf32, #tpu.memory_space<vmem>>
    %dma_wait3A_609 = arith.constant 0 : i32
    %dma_wait3A_610 = tpu.memref_slice %arg6[%dma_wait3A_604, %dma_wait3A_609] : memref<20x500xi32, #tpu.memory_space<vmem>> -> memref<1x500xi32, #tpu.memory_space<vmem>>
    %dma_wait3A_611 = tpu.memref_squeeze %dma_wait3A_610 : memref<1x500xi32, #tpu.memory_space<vmem>> -> memref<500xi32, #tpu.memory_space<vmem>>
    %dma_wait3A_612 = arith.constant 0 : i32
    %dma_wait3A_613 = arith.constant 0 : i32
    %dma_wait3A_614 = tpu.memref_slice %arg9[%dma_wait3A_612, %dma_wait3A_613] : memref<10240x16xf32, #tpu.memory_space<vmem_shared>> -> memref<10240x16xf32, #tpu.memory_space<vmem_shared>>
    tpu.wait_indirect_dma semaphore(%arg12 : memref<!tpu.dma_semaphore, #tpu.memory_space<semaphore_mem>>) src(%dma_wait3A_608 : memref<500x16xf32, #tpu.memory_space<vmem>>) dst(%dma_wait3A_614 : memref<10240x16xf32, #tpu.memory_space<vmem_shared>>)
    %dma_start3A_615 = arith.constant 13 : i32
    %dma_start3A_616 = arith.constant 1 : i32
    %dma_start3A_617 = arith.constant 0 : i32
    %dma_start3A_618 = arith.constant 0 : i32
    %dma_start3A_619 = tpu.memref_slice %arg7[%dma_start3A_616, %dma_start3A_617, %dma_start3A_618] : memref<6x500x16xf32, #tpu.memory_space<vmem>> -> memref<1x500x16xf32, #tpu.memory_space<vmem>>
    %dma_start3A_620 = tpu.memref_squeeze %dma_start3A_619 : memref<1x500x16xf32, #tpu.memory_space<vmem>> -> memref<500x16xf32, #tpu.memory_space<vmem>>
    %dma_start3A_621 = arith.constant 0 : i32
    %dma_start3A_622 = tpu.memref_slice %arg5[%dma_start3A_615, %dma_start3A_621] : memref<20x500xi32, #tpu.memory_space<vmem>> -> memref<1x500xi32, #tpu.memory_space<vmem>>
    %dma_start3A_623 = tpu.memref_squeeze %dma_start3A_622 : memref<1x500xi32, #tpu.memory_space<vmem>> -> memref<500xi32, #tpu.memory_space<vmem>>
    %dma_start3A_624 = arith.constant 0 : i32
    %dma_start3A_625 = arith.constant 0 : i32
    %dma_start3A_626 = tpu.memref_slice %arg10[%dma_start3A_624, %dma_start3A_625] : memref<10240x16xf32, #tpu.memory_space<vmem_shared>> -> memref<10240x16xf32, #tpu.memory_space<vmem_shared>>
    tpu.enqueue_indirect_dma source(%dma_start3A_626 : memref<10240x16xf32, #tpu.memory_space<vmem_shared>>) target(%dma_start3A_620 : memref<500x16xf32, #tpu.memory_space<vmem>>) offsets(%dma_start3A_623 : memref<500xi32, #tpu.memory_space<vmem>>) semaphore(%arg11 : memref<!tpu.dma_semaphore, #tpu.memory_space<semaphore_mem>>)
    %dma_wait3A_627 = arith.constant 0 : i32
    %dma_wait3A_628 = arith.constant 0 : i32
    %dma_wait3A_629 = arith.constant 0 : i32
    %dma_wait3A_630 = arith.constant 0 : i32
    %dma_wait3A_631 = tpu.memref_slice %arg7[%dma_wait3A_628, %dma_wait3A_629, %dma_wait3A_630] : memref<6x500x16xf32, #tpu.memory_space<vmem>> -> memref<1x500x16xf32, #tpu.memory_space<vmem>>
    %dma_wait3A_632 = tpu.memref_squeeze %dma_wait3A_631 : memref<1x500x16xf32, #tpu.memory_space<vmem>> -> memref<500x16xf32, #tpu.memory_space<vmem>>
    %dma_wait3A_633 = arith.constant 0 : i32
    %dma_wait3A_634 = tpu.memref_slice %arg5[%dma_wait3A_627, %dma_wait3A_633] : memref<20x500xi32, #tpu.memory_space<vmem>> -> memref<1x500xi32, #tpu.memory_space<vmem>>
    %dma_wait3A_635 = tpu.memref_squeeze %dma_wait3A_634 : memref<1x500xi32, #tpu.memory_space<vmem>> -> memref<500xi32, #tpu.memory_space<vmem>>
    %dma_wait3A_636 = arith.constant 0 : i32
    %dma_wait3A_637 = arith.constant 0 : i32
    %dma_wait3A_638 = tpu.memref_slice %arg10[%dma_wait3A_636, %dma_wait3A_637] : memref<10240x16xf32, #tpu.memory_space<vmem_shared>> -> memref<10240x16xf32, #tpu.memory_space<vmem_shared>>
    tpu.wait_indirect_dma semaphore(%arg11 : memref<!tpu.dma_semaphore, #tpu.memory_space<semaphore_mem>>) src(%dma_wait3A_638 : memref<10240x16xf32, #tpu.memory_space<vmem_shared>>) dst(%dma_wait3A_632 : memref<500x16xf32, #tpu.memory_space<vmem>>)
    %dma_start3A_639 = arith.constant 0 : i32
    %dma_start3A_640 = arith.constant 12 : i32
    %dma_start3A_641 = arith.constant 0 : i32
    %dma_start3A_642 = arith.constant 0 : i32
    %dma_start3A_643 = tpu.memref_slice %arg7[%dma_start3A_639, %dma_start3A_641, %dma_start3A_642] : memref<6x500x16xf32, #tpu.memory_space<vmem>> -> memref<1x500x16xf32, #tpu.memory_space<vmem>>
    %dma_start3A_644 = tpu.memref_squeeze %dma_start3A_643 : memref<1x500x16xf32, #tpu.memory_space<vmem>> -> memref<500x16xf32, #tpu.memory_space<vmem>>
    %dma_start3A_645 = arith.constant 0 : i32
    %dma_start3A_646 = tpu.memref_slice %arg6[%dma_start3A_640, %dma_start3A_645] : memref<20x500xi32, #tpu.memory_space<vmem>> -> memref<1x500xi32, #tpu.memory_space<vmem>>
    %dma_start3A_647 = tpu.memref_squeeze %dma_start3A_646 : memref<1x500xi32, #tpu.memory_space<vmem>> -> memref<500xi32, #tpu.memory_space<vmem>>
    %dma_start3A_648 = arith.constant 0 : i32
    %dma_start3A_649 = arith.constant 0 : i32
    %dma_start3A_650 = tpu.memref_slice %arg9[%dma_start3A_648, %dma_start3A_649] : memref<10240x16xf32, #tpu.memory_space<vmem_shared>> -> memref<10240x16xf32, #tpu.memory_space<vmem_shared>>
    tpu.enqueue_indirect_dma source(%dma_start3A_644 : memref<500x16xf32, #tpu.memory_space<vmem>>) target(%dma_start3A_650 : memref<10240x16xf32, #tpu.memory_space<vmem_shared>>) offsets(%dma_start3A_647 : memref<500xi32, #tpu.memory_space<vmem>>) semaphore(%arg12 : memref<!tpu.dma_semaphore, #tpu.memory_space<semaphore_mem>>) {add = true}
    %dma_wait3A_651 = arith.constant 0 : i32
    %dma_wait3A_652 = arith.constant 0 : i32
    %dma_wait3A_653 = arith.constant 0 : i32
    %dma_wait3A_654 = arith.constant 0 : i32
    %dma_wait3A_655 = tpu.memref_slice %arg7[%dma_wait3A_651, %dma_wait3A_653, %dma_wait3A_654] : memref<6x500x16xf32, #tpu.memory_space<vmem>> -> memref<1x500x16xf32, #tpu.memory_space<vmem>>
    %dma_wait3A_656 = tpu.memref_squeeze %dma_wait3A_655 : memref<1x500x16xf32, #tpu.memory_space<vmem>> -> memref<500x16xf32, #tpu.memory_space<vmem>>
    %dma_wait3A_657 = arith.constant 0 : i32
    %dma_wait3A_658 = tpu.memref_slice %arg6[%dma_wait3A_652, %dma_wait3A_657] : memref<20x500xi32, #tpu.memory_space<vmem>> -> memref<1x500xi32, #tpu.memory_space<vmem>>
    %dma_wait3A_659 = tpu.memref_squeeze %dma_wait3A_658 : memref<1x500xi32, #tpu.memory_space<vmem>> -> memref<500xi32, #tpu.memory_space<vmem>>
    %dma_wait3A_660 = arith.constant 0 : i32
    %dma_wait3A_661 = arith.constant 0 : i32
    %dma_wait3A_662 = tpu.memref_slice %arg9[%dma_wait3A_660, %dma_wait3A_661] : memref<10240x16xf32, #tpu.memory_space<vmem_shared>> -> memref<10240x16xf32, #tpu.memory_space<vmem_shared>>
    tpu.wait_indirect_dma semaphore(%arg12 : memref<!tpu.dma_semaphore, #tpu.memory_space<semaphore_mem>>) src(%dma_wait3A_656 : memref<500x16xf32, #tpu.memory_space<vmem>>) dst(%dma_wait3A_662 : memref<10240x16xf32, #tpu.memory_space<vmem_shared>>)
    %dma_start3A_663 = arith.constant 14 : i32
    %dma_start3A_664 = arith.constant 2 : i32
    %dma_start3A_665 = arith.constant 0 : i32
    %dma_start3A_666 = arith.constant 0 : i32
    %dma_start3A_667 = tpu.memref_slice %arg7[%dma_start3A_664, %dma_start3A_665, %dma_start3A_666] : memref<6x500x16xf32, #tpu.memory_space<vmem>> -> memref<1x500x16xf32, #tpu.memory_space<vmem>>
    %dma_start3A_668 = tpu.memref_squeeze %dma_start3A_667 : memref<1x500x16xf32, #tpu.memory_space<vmem>> -> memref<500x16xf32, #tpu.memory_space<vmem>>
    %dma_start3A_669 = arith.constant 0 : i32
    %dma_start3A_670 = tpu.memref_slice %arg5[%dma_start3A_663, %dma_start3A_669] : memref<20x500xi32, #tpu.memory_space<vmem>> -> memref<1x500xi32, #tpu.memory_space<vmem>>
    %dma_start3A_671 = tpu.memref_squeeze %dma_start3A_670 : memref<1x500xi32, #tpu.memory_space<vmem>> -> memref<500xi32, #tpu.memory_space<vmem>>
    %dma_start3A_672 = arith.constant 0 : i32
    %dma_start3A_673 = arith.constant 0 : i32
    %dma_start3A_674 = tpu.memref_slice %arg10[%dma_start3A_672, %dma_start3A_673] : memref<10240x16xf32, #tpu.memory_space<vmem_shared>> -> memref<10240x16xf32, #tpu.memory_space<vmem_shared>>
    tpu.enqueue_indirect_dma source(%dma_start3A_674 : memref<10240x16xf32, #tpu.memory_space<vmem_shared>>) target(%dma_start3A_668 : memref<500x16xf32, #tpu.memory_space<vmem>>) offsets(%dma_start3A_671 : memref<500xi32, #tpu.memory_space<vmem>>) semaphore(%arg11 : memref<!tpu.dma_semaphore, #tpu.memory_space<semaphore_mem>>)
    %dma_wait3A_675 = arith.constant 0 : i32
    %dma_wait3A_676 = arith.constant 0 : i32
    %dma_wait3A_677 = arith.constant 0 : i32
    %dma_wait3A_678 = arith.constant 0 : i32
    %dma_wait3A_679 = tpu.memref_slice %arg7[%dma_wait3A_676, %dma_wait3A_677, %dma_wait3A_678] : memref<6x500x16xf32, #tpu.memory_space<vmem>> -> memref<1x500x16xf32, #tpu.memory_space<vmem>>
    %dma_wait3A_680 = tpu.memref_squeeze %dma_wait3A_679 : memref<1x500x16xf32, #tpu.memory_space<vmem>> -> memref<500x16xf32, #tpu.memory_space<vmem>>
    %dma_wait3A_681 = arith.constant 0 : i32
    %dma_wait3A_682 = tpu.memref_slice %arg5[%dma_wait3A_675, %dma_wait3A_681] : memref<20x500xi32, #tpu.memory_space<vmem>> -> memref<1x500xi32, #tpu.memory_space<vmem>>
    %dma_wait3A_683 = tpu.memref_squeeze %dma_wait3A_682 : memref<1x500xi32, #tpu.memory_space<vmem>> -> memref<500xi32, #tpu.memory_space<vmem>>
    %dma_wait3A_684 = arith.constant 0 : i32
    %dma_wait3A_685 = arith.constant 0 : i32
    %dma_wait3A_686 = tpu.memref_slice %arg10[%dma_wait3A_684, %dma_wait3A_685] : memref<10240x16xf32, #tpu.memory_space<vmem_shared>> -> memref<10240x16xf32, #tpu.memory_space<vmem_shared>>
    tpu.wait_indirect_dma semaphore(%arg11 : memref<!tpu.dma_semaphore, #tpu.memory_space<semaphore_mem>>) src(%dma_wait3A_686 : memref<10240x16xf32, #tpu.memory_space<vmem_shared>>) dst(%dma_wait3A_680 : memref<500x16xf32, #tpu.memory_space<vmem>>)
    %dma_start3A_687 = arith.constant 1 : i32
    %dma_start3A_688 = arith.constant 13 : i32
    %dma_start3A_689 = arith.constant 0 : i32
    %dma_start3A_690 = arith.constant 0 : i32
    %dma_start3A_691 = tpu.memref_slice %arg7[%dma_start3A_687, %dma_start3A_689, %dma_start3A_690] : memref<6x500x16xf32, #tpu.memory_space<vmem>> -> memref<1x500x16xf32, #tpu.memory_space<vmem>>
    %dma_start3A_692 = tpu.memref_squeeze %dma_start3A_691 : memref<1x500x16xf32, #tpu.memory_space<vmem>> -> memref<500x16xf32, #tpu.memory_space<vmem>>
    %dma_start3A_693 = arith.constant 0 : i32
    %dma_start3A_694 = tpu.memref_slice %arg6[%dma_start3A_688, %dma_start3A_693] : memref<20x500xi32, #tpu.memory_space<vmem>> -> memref<1x500xi32, #tpu.memory_space<vmem>>
    %dma_start3A_695 = tpu.memref_squeeze %dma_start3A_694 : memref<1x500xi32, #tpu.memory_space<vmem>> -> memref<500xi32, #tpu.memory_space<vmem>>
    %dma_start3A_696 = arith.constant 0 : i32
    %dma_start3A_697 = arith.constant 0 : i32
    %dma_start3A_698 = tpu.memref_slice %arg9[%dma_start3A_696, %dma_start3A_697] : memref<10240x16xf32, #tpu.memory_space<vmem_shared>> -> memref<10240x16xf32, #tpu.memory_space<vmem_shared>>
    tpu.enqueue_indirect_dma source(%dma_start3A_692 : memref<500x16xf32, #tpu.memory_space<vmem>>) target(%dma_start3A_698 : memref<10240x16xf32, #tpu.memory_space<vmem_shared>>) offsets(%dma_start3A_695 : memref<500xi32, #tpu.memory_space<vmem>>) semaphore(%arg12 : memref<!tpu.dma_semaphore, #tpu.memory_space<semaphore_mem>>) {add = true}
    %dma_wait3A_699 = arith.constant 0 : i32
    %dma_wait3A_700 = arith.constant 0 : i32
    %dma_wait3A_701 = arith.constant 0 : i32
    %dma_wait3A_702 = arith.constant 0 : i32
    %dma_wait3A_703 = tpu.memref_slice %arg7[%dma_wait3A_699, %dma_wait3A_701, %dma_wait3A_702] : memref<6x500x16xf32, #tpu.memory_space<vmem>> -> memref<1x500x16xf32, #tpu.memory_space<vmem>>
    %dma_wait3A_704 = tpu.memref_squeeze %dma_wait3A_703 : memref<1x500x16xf32, #tpu.memory_space<vmem>> -> memref<500x16xf32, #tpu.memory_space<vmem>>
    %dma_wait3A_705 = arith.constant 0 : i32
    %dma_wait3A_706 = tpu.memref_slice %arg6[%dma_wait3A_700, %dma_wait3A_705] : memref<20x500xi32, #tpu.memory_space<vmem>> -> memref<1x500xi32, #tpu.memory_space<vmem>>
    %dma_wait3A_707 = tpu.memref_squeeze %dma_wait3A_706 : memref<1x500xi32, #tpu.memory_space<vmem>> -> memref<500xi32, #tpu.memory_space<vmem>>
    %dma_wait3A_708 = arith.constant 0 : i32
    %dma_wait3A_709 = arith.constant 0 : i32
    %dma_wait3A_710 = tpu.memref_slice %arg9[%dma_wait3A_708, %dma_wait3A_709] : memref<10240x16xf32, #tpu.memory_space<vmem_shared>> -> memref<10240x16xf32, #tpu.memory_space<vmem_shared>>
    tpu.wait_indirect_dma semaphore(%arg12 : memref<!tpu.dma_semaphore, #tpu.memory_space<semaphore_mem>>) src(%dma_wait3A_704 : memref<500x16xf32, #tpu.memory_space<vmem>>) dst(%dma_wait3A_710 : memref<10240x16xf32, #tpu.memory_space<vmem_shared>>)
    %dma_start3A_711 = arith.constant 15 : i32
    %dma_start3A_712 = arith.constant 3 : i32
    %dma_start3A_713 = arith.constant 0 : i32
    %dma_start3A_714 = arith.constant 0 : i32
    %dma_start3A_715 = tpu.memref_slice %arg7[%dma_start3A_712, %dma_start3A_713, %dma_start3A_714] : memref<6x500x16xf32, #tpu.memory_space<vmem>> -> memref<1x500x16xf32, #tpu.memory_space<vmem>>
    %dma_start3A_716 = tpu.memref_squeeze %dma_start3A_715 : memref<1x500x16xf32, #tpu.memory_space<vmem>> -> memref<500x16xf32, #tpu.memory_space<vmem>>
    %dma_start3A_717 = arith.constant 0 : i32
    %dma_start3A_718 = tpu.memref_slice %arg5[%dma_start3A_711, %dma_start3A_717] : memref<20x500xi32, #tpu.memory_space<vmem>> -> memref<1x500xi32, #tpu.memory_space<vmem>>
    %dma_start3A_719 = tpu.memref_squeeze %dma_start3A_718 : memref<1x500xi32, #tpu.memory_space<vmem>> -> memref<500xi32, #tpu.memory_space<vmem>>
    %dma_start3A_720 = arith.constant 0 : i32
    %dma_start3A_721 = arith.constant 0 : i32
    %dma_start3A_722 = tpu.memref_slice %arg10[%dma_start3A_720, %dma_start3A_721] : memref<10240x16xf32, #tpu.memory_space<vmem_shared>> -> memref<10240x16xf32, #tpu.memory_space<vmem_shared>>
    tpu.enqueue_indirect_dma source(%dma_start3A_722 : memref<10240x16xf32, #tpu.memory_space<vmem_shared>>) target(%dma_start3A_716 : memref<500x16xf32, #tpu.memory_space<vmem>>) offsets(%dma_start3A_719 : memref<500xi32, #tpu.memory_space<vmem>>) semaphore(%arg11 : memref<!tpu.dma_semaphore, #tpu.memory_space<semaphore_mem>>)
    %dma_wait3A_723 = arith.constant 0 : i32
    %dma_wait3A_724 = arith.constant 0 : i32
    %dma_wait3A_725 = arith.constant 0 : i32
    %dma_wait3A_726 = arith.constant 0 : i32
    %dma_wait3A_727 = tpu.memref_slice %arg7[%dma_wait3A_724, %dma_wait3A_725, %dma_wait3A_726] : memref<6x500x16xf32, #tpu.memory_space<vmem>> -> memref<1x500x16xf32, #tpu.memory_space<vmem>>
    %dma_wait3A_728 = tpu.memref_squeeze %dma_wait3A_727 : memref<1x500x16xf32, #tpu.memory_space<vmem>> -> memref<500x16xf32, #tpu.memory_space<vmem>>
    %dma_wait3A_729 = arith.constant 0 : i32
    %dma_wait3A_730 = tpu.memref_slice %arg5[%dma_wait3A_723, %dma_wait3A_729] : memref<20x500xi32, #tpu.memory_space<vmem>> -> memref<1x500xi32, #tpu.memory_space<vmem>>
    %dma_wait3A_731 = tpu.memref_squeeze %dma_wait3A_730 : memref<1x500xi32, #tpu.memory_space<vmem>> -> memref<500xi32, #tpu.memory_space<vmem>>
    %dma_wait3A_732 = arith.constant 0 : i32
    %dma_wait3A_733 = arith.constant 0 : i32
    %dma_wait3A_734 = tpu.memref_slice %arg10[%dma_wait3A_732, %dma_wait3A_733] : memref<10240x16xf32, #tpu.memory_space<vmem_shared>> -> memref<10240x16xf32, #tpu.memory_space<vmem_shared>>
    tpu.wait_indirect_dma semaphore(%arg11 : memref<!tpu.dma_semaphore, #tpu.memory_space<semaphore_mem>>) src(%dma_wait3A_734 : memref<10240x16xf32, #tpu.memory_space<vmem_shared>>) dst(%dma_wait3A_728 : memref<500x16xf32, #tpu.memory_space<vmem>>)
    %dma_start3A_735 = arith.constant 2 : i32
    %dma_start3A_736 = arith.constant 14 : i32
    %dma_start3A_737 = arith.constant 0 : i32
    %dma_start3A_738 = arith.constant 0 : i32
    %dma_start3A_739 = tpu.memref_slice %arg7[%dma_start3A_735, %dma_start3A_737, %dma_start3A_738] : memref<6x500x16xf32, #tpu.memory_space<vmem>> -> memref<1x500x16xf32, #tpu.memory_space<vmem>>
    %dma_start3A_740 = tpu.memref_squeeze %dma_start3A_739 : memref<1x500x16xf32, #tpu.memory_space<vmem>> -> memref<500x16xf32, #tpu.memory_space<vmem>>
    %dma_start3A_741 = arith.constant 0 : i32
    %dma_start3A_742 = tpu.memref_slice %arg6[%dma_start3A_736, %dma_start3A_741] : memref<20x500xi32, #tpu.memory_space<vmem>> -> memref<1x500xi32, #tpu.memory_space<vmem>>
    %dma_start3A_743 = tpu.memref_squeeze %dma_start3A_742 : memref<1x500xi32, #tpu.memory_space<vmem>> -> memref<500xi32, #tpu.memory_space<vmem>>
    %dma_start3A_744 = arith.constant 0 : i32
    %dma_start3A_745 = arith.constant 0 : i32
    %dma_start3A_746 = tpu.memref_slice %arg9[%dma_start3A_744, %dma_start3A_745] : memref<10240x16xf32, #tpu.memory_space<vmem_shared>> -> memref<10240x16xf32, #tpu.memory_space<vmem_shared>>
    tpu.enqueue_indirect_dma source(%dma_start3A_740 : memref<500x16xf32, #tpu.memory_space<vmem>>) target(%dma_start3A_746 : memref<10240x16xf32, #tpu.memory_space<vmem_shared>>) offsets(%dma_start3A_743 : memref<500xi32, #tpu.memory_space<vmem>>) semaphore(%arg12 : memref<!tpu.dma_semaphore, #tpu.memory_space<semaphore_mem>>) {add = true}
    %dma_wait3A_747 = arith.constant 0 : i32
    %dma_wait3A_748 = arith.constant 0 : i32
    %dma_wait3A_749 = arith.constant 0 : i32
    %dma_wait3A_750 = arith.constant 0 : i32
    %dma_wait3A_751 = tpu.memref_slice %arg7[%dma_wait3A_747, %dma_wait3A_749, %dma_wait3A_750] : memref<6x500x16xf32, #tpu.memory_space<vmem>> -> memref<1x500x16xf32, #tpu.memory_space<vmem>>
    %dma_wait3A_752 = tpu.memref_squeeze %dma_wait3A_751 : memref<1x500x16xf32, #tpu.memory_space<vmem>> -> memref<500x16xf32, #tpu.memory_space<vmem>>
    %dma_wait3A_753 = arith.constant 0 : i32
    %dma_wait3A_754 = tpu.memref_slice %arg6[%dma_wait3A_748, %dma_wait3A_753] : memref<20x500xi32, #tpu.memory_space<vmem>> -> memref<1x500xi32, #tpu.memory_space<vmem>>
    %dma_wait3A_755 = tpu.memref_squeeze %dma_wait3A_754 : memref<1x500xi32, #tpu.memory_space<vmem>> -> memref<500xi32, #tpu.memory_space<vmem>>
    %dma_wait3A_756 = arith.constant 0 : i32
    %dma_wait3A_757 = arith.constant 0 : i32
    %dma_wait3A_758 = tpu.memref_slice %arg9[%dma_wait3A_756, %dma_wait3A_757] : memref<10240x16xf32, #tpu.memory_space<vmem_shared>> -> memref<10240x16xf32, #tpu.memory_space<vmem_shared>>
    tpu.wait_indirect_dma semaphore(%arg12 : memref<!tpu.dma_semaphore, #tpu.memory_space<semaphore_mem>>) src(%dma_wait3A_752 : memref<500x16xf32, #tpu.memory_space<vmem>>) dst(%dma_wait3A_758 : memref<10240x16xf32, #tpu.memory_space<vmem_shared>>)
    %dma_start3A_759 = arith.constant 16 : i32
    %dma_start3A_760 = arith.constant 4 : i32
    %dma_start3A_761 = arith.constant 0 : i32
    %dma_start3A_762 = arith.constant 0 : i32
    %dma_start3A_763 = tpu.memref_slice %arg7[%dma_start3A_760, %dma_start3A_761, %dma_start3A_762] : memref<6x500x16xf32, #tpu.memory_space<vmem>> -> memref<1x500x16xf32, #tpu.memory_space<vmem>>
    %dma_start3A_764 = tpu.memref_squeeze %dma_start3A_763 : memref<1x500x16xf32, #tpu.memory_space<vmem>> -> memref<500x16xf32, #tpu.memory_space<vmem>>
    %dma_start3A_765 = arith.constant 0 : i32
    %dma_start3A_766 = tpu.memref_slice %arg5[%dma_start3A_759, %dma_start3A_765] : memref<20x500xi32, #tpu.memory_space<vmem>> -> memref<1x500xi32, #tpu.memory_space<vmem>>
    %dma_start3A_767 = tpu.memref_squeeze %dma_start3A_766 : memref<1x500xi32, #tpu.memory_space<vmem>> -> memref<500xi32, #tpu.memory_space<vmem>>
    %dma_start3A_768 = arith.constant 0 : i32
    %dma_start3A_769 = arith.constant 0 : i32
    %dma_start3A_770 = tpu.memref_slice %arg10[%dma_start3A_768, %dma_start3A_769] : memref<10240x16xf32, #tpu.memory_space<vmem_shared>> -> memref<10240x16xf32, #tpu.memory_space<vmem_shared>>
    tpu.enqueue_indirect_dma source(%dma_start3A_770 : memref<10240x16xf32, #tpu.memory_space<vmem_shared>>) target(%dma_start3A_764 : memref<500x16xf32, #tpu.memory_space<vmem>>) offsets(%dma_start3A_767 : memref<500xi32, #tpu.memory_space<vmem>>) semaphore(%arg11 : memref<!tpu.dma_semaphore, #tpu.memory_space<semaphore_mem>>)
    %dma_wait3A_771 = arith.constant 0 : i32
    %dma_wait3A_772 = arith.constant 0 : i32
    %dma_wait3A_773 = arith.constant 0 : i32
    %dma_wait3A_774 = arith.constant 0 : i32
    %dma_wait3A_775 = tpu.memref_slice %arg7[%dma_wait3A_772, %dma_wait3A_773, %dma_wait3A_774] : memref<6x500x16xf32, #tpu.memory_space<vmem>> -> memref<1x500x16xf32, #tpu.memory_space<vmem>>
    %dma_wait3A_776 = tpu.memref_squeeze %dma_wait3A_775 : memref<1x500x16xf32, #tpu.memory_space<vmem>> -> memref<500x16xf32, #tpu.memory_space<vmem>>
    %dma_wait3A_777 = arith.constant 0 : i32
    %dma_wait3A_778 = tpu.memref_slice %arg5[%dma_wait3A_771, %dma_wait3A_777] : memref<20x500xi32, #tpu.memory_space<vmem>> -> memref<1x500xi32, #tpu.memory_space<vmem>>
    %dma_wait3A_779 = tpu.memref_squeeze %dma_wait3A_778 : memref<1x500xi32, #tpu.memory_space<vmem>> -> memref<500xi32, #tpu.memory_space<vmem>>
    %dma_wait3A_780 = arith.constant 0 : i32
    %dma_wait3A_781 = arith.constant 0 : i32
    %dma_wait3A_782 = tpu.memref_slice %arg10[%dma_wait3A_780, %dma_wait3A_781] : memref<10240x16xf32, #tpu.memory_space<vmem_shared>> -> memref<10240x16xf32, #tpu.memory_space<vmem_shared>>
    tpu.wait_indirect_dma semaphore(%arg11 : memref<!tpu.dma_semaphore, #tpu.memory_space<semaphore_mem>>) src(%dma_wait3A_782 : memref<10240x16xf32, #tpu.memory_space<vmem_shared>>) dst(%dma_wait3A_776 : memref<500x16xf32, #tpu.memory_space<vmem>>)
    %dma_start3A_783 = arith.constant 3 : i32
    %dma_start3A_784 = arith.constant 15 : i32
    %dma_start3A_785 = arith.constant 0 : i32
    %dma_start3A_786 = arith.constant 0 : i32
    %dma_start3A_787 = tpu.memref_slice %arg7[%dma_start3A_783, %dma_start3A_785, %dma_start3A_786] : memref<6x500x16xf32, #tpu.memory_space<vmem>> -> memref<1x500x16xf32, #tpu.memory_space<vmem>>
    %dma_start3A_788 = tpu.memref_squeeze %dma_start3A_787 : memref<1x500x16xf32, #tpu.memory_space<vmem>> -> memref<500x16xf32, #tpu.memory_space<vmem>>
    %dma_start3A_789 = arith.constant 0 : i32
    %dma_start3A_790 = tpu.memref_slice %arg6[%dma_start3A_784, %dma_start3A_789] : memref<20x500xi32, #tpu.memory_space<vmem>> -> memref<1x500xi32, #tpu.memory_space<vmem>>
    %dma_start3A_791 = tpu.memref_squeeze %dma_start3A_790 : memref<1x500xi32, #tpu.memory_space<vmem>> -> memref<500xi32, #tpu.memory_space<vmem>>
    %dma_start3A_792 = arith.constant 0 : i32
    %dma_start3A_793 = arith.constant 0 : i32
    %dma_start3A_794 = tpu.memref_slice %arg9[%dma_start3A_792, %dma_start3A_793] : memref<10240x16xf32, #tpu.memory_space<vmem_shared>> -> memref<10240x16xf32, #tpu.memory_space<vmem_shared>>
    tpu.enqueue_indirect_dma source(%dma_start3A_788 : memref<500x16xf32, #tpu.memory_space<vmem>>) target(%dma_start3A_794 : memref<10240x16xf32, #tpu.memory_space<vmem_shared>>) offsets(%dma_start3A_791 : memref<500xi32, #tpu.memory_space<vmem>>) semaphore(%arg12 : memref<!tpu.dma_semaphore, #tpu.memory_space<semaphore_mem>>) {add = true}
    %dma_wait3A_795 = arith.constant 0 : i32
    %dma_wait3A_796 = arith.constant 0 : i32
    %dma_wait3A_797 = arith.constant 0 : i32
    %dma_wait3A_798 = arith.constant 0 : i32
    %dma_wait3A_799 = tpu.memref_slice %arg7[%dma_wait3A_795, %dma_wait3A_797, %dma_wait3A_798] : memref<6x500x16xf32, #tpu.memory_space<vmem>> -> memref<1x500x16xf32, #tpu.memory_space<vmem>>
    %dma_wait3A_800 = tpu.memref_squeeze %dma_wait3A_799 : memref<1x500x16xf32, #tpu.memory_space<vmem>> -> memref<500x16xf32, #tpu.memory_space<vmem>>
    %dma_wait3A_801 = arith.constant 0 : i32
    %dma_wait3A_802 = tpu.memref_slice %arg6[%dma_wait3A_796, %dma_wait3A_801] : memref<20x500xi32, #tpu.memory_space<vmem>> -> memref<1x500xi32, #tpu.memory_space<vmem>>
    %dma_wait3A_803 = tpu.memref_squeeze %dma_wait3A_802 : memref<1x500xi32, #tpu.memory_space<vmem>> -> memref<500xi32, #tpu.memory_space<vmem>>
    %dma_wait3A_804 = arith.constant 0 : i32
    %dma_wait3A_805 = arith.constant 0 : i32
    %dma_wait3A_806 = tpu.memref_slice %arg9[%dma_wait3A_804, %dma_wait3A_805] : memref<10240x16xf32, #tpu.memory_space<vmem_shared>> -> memref<10240x16xf32, #tpu.memory_space<vmem_shared>>
    tpu.wait_indirect_dma semaphore(%arg12 : memref<!tpu.dma_semaphore, #tpu.memory_space<semaphore_mem>>) src(%dma_wait3A_800 : memref<500x16xf32, #tpu.memory_space<vmem>>) dst(%dma_wait3A_806 : memref<10240x16xf32, #tpu.memory_space<vmem_shared>>)
    %dma_start3A_807 = arith.constant 17 : i32
    %dma_start3A_808 = arith.constant 5 : i32
    %dma_start3A_809 = arith.constant 0 : i32
    %dma_start3A_810 = arith.constant 0 : i32
    %dma_start3A_811 = tpu.memref_slice %arg7[%dma_start3A_808, %dma_start3A_809, %dma_start3A_810] : memref<6x500x16xf32, #tpu.memory_space<vmem>> -> memref<1x500x16xf32, #tpu.memory_space<vmem>>
    %dma_start3A_812 = tpu.memref_squeeze %dma_start3A_811 : memref<1x500x16xf32, #tpu.memory_space<vmem>> -> memref<500x16xf32, #tpu.memory_space<vmem>>
    %dma_start3A_813 = arith.constant 0 : i32
    %dma_start3A_814 = tpu.memref_slice %arg5[%dma_start3A_807, %dma_start3A_813] : memref<20x500xi32, #tpu.memory_space<vmem>> -> memref<1x500xi32, #tpu.memory_space<vmem>>
    %dma_start3A_815 = tpu.memref_squeeze %dma_start3A_814 : memref<1x500xi32, #tpu.memory_space<vmem>> -> memref<500xi32, #tpu.memory_space<vmem>>
    %dma_start3A_816 = arith.constant 0 : i32
    %dma_start3A_817 = arith.constant 0 : i32
    %dma_start3A_818 = tpu.memref_slice %arg10[%dma_start3A_816, %dma_start3A_817] : memref<10240x16xf32, #tpu.memory_space<vmem_shared>> -> memref<10240x16xf32, #tpu.memory_space<vmem_shared>>
    tpu.enqueue_indirect_dma source(%dma_start3A_818 : memref<10240x16xf32, #tpu.memory_space<vmem_shared>>) target(%dma_start3A_812 : memref<500x16xf32, #tpu.memory_space<vmem>>) offsets(%dma_start3A_815 : memref<500xi32, #tpu.memory_space<vmem>>) semaphore(%arg11 : memref<!tpu.dma_semaphore, #tpu.memory_space<semaphore_mem>>)
    %dma_wait3A_819 = arith.constant 0 : i32
    %dma_wait3A_820 = arith.constant 0 : i32
    %dma_wait3A_821 = arith.constant 0 : i32
    %dma_wait3A_822 = arith.constant 0 : i32
    %dma_wait3A_823 = tpu.memref_slice %arg7[%dma_wait3A_820, %dma_wait3A_821, %dma_wait3A_822] : memref<6x500x16xf32, #tpu.memory_space<vmem>> -> memref<1x500x16xf32, #tpu.memory_space<vmem>>
    %dma_wait3A_824 = tpu.memref_squeeze %dma_wait3A_823 : memref<1x500x16xf32, #tpu.memory_space<vmem>> -> memref<500x16xf32, #tpu.memory_space<vmem>>
    %dma_wait3A_825 = arith.constant 0 : i32
    %dma_wait3A_826 = tpu.memref_slice %arg5[%dma_wait3A_819, %dma_wait3A_825] : memref<20x500xi32, #tpu.memory_space<vmem>> -> memref<1x500xi32, #tpu.memory_space<vmem>>
    %dma_wait3A_827 = tpu.memref_squeeze %dma_wait3A_826 : memref<1x500xi32, #tpu.memory_space<vmem>> -> memref<500xi32, #tpu.memory_space<vmem>>
    %dma_wait3A_828 = arith.constant 0 : i32
    %dma_wait3A_829 = arith.constant 0 : i32
    %dma_wait3A_830 = tpu.memref_slice %arg10[%dma_wait3A_828, %dma_wait3A_829] : memref<10240x16xf32, #tpu.memory_space<vmem_shared>> -> memref<10240x16xf32, #tpu.memory_space<vmem_shared>>
    tpu.wait_indirect_dma semaphore(%arg11 : memref<!tpu.dma_semaphore, #tpu.memory_space<semaphore_mem>>) src(%dma_wait3A_830 : memref<10240x16xf32, #tpu.memory_space<vmem_shared>>) dst(%dma_wait3A_824 : memref<500x16xf32, #tpu.memory_space<vmem>>)
    %dma_start3A_831 = arith.constant 4 : i32
    %dma_start3A_832 = arith.constant 16 : i32
    %dma_start3A_833 = arith.constant 0 : i32
    %dma_start3A_834 = arith.constant 0 : i32
    %dma_start3A_835 = tpu.memref_slice %arg7[%dma_start3A_831, %dma_start3A_833, %dma_start3A_834] : memref<6x500x16xf32, #tpu.memory_space<vmem>> -> memref<1x500x16xf32, #tpu.memory_space<vmem>>
    %dma_start3A_836 = tpu.memref_squeeze %dma_start3A_835 : memref<1x500x16xf32, #tpu.memory_space<vmem>> -> memref<500x16xf32, #tpu.memory_space<vmem>>
    %dma_start3A_837 = arith.constant 0 : i32
    %dma_start3A_838 = tpu.memref_slice %arg6[%dma_start3A_832, %dma_start3A_837] : memref<20x500xi32, #tpu.memory_space<vmem>> -> memref<1x500xi32, #tpu.memory_space<vmem>>
    %dma_start3A_839 = tpu.memref_squeeze %dma_start3A_838 : memref<1x500xi32, #tpu.memory_space<vmem>> -> memref<500xi32, #tpu.memory_space<vmem>>
    %dma_start3A_840 = arith.constant 0 : i32
    %dma_start3A_841 = arith.constant 0 : i32
    %dma_start3A_842 = tpu.memref_slice %arg9[%dma_start3A_840, %dma_start3A_841] : memref<10240x16xf32, #tpu.memory_space<vmem_shared>> -> memref<10240x16xf32, #tpu.memory_space<vmem_shared>>
    tpu.enqueue_indirect_dma source(%dma_start3A_836 : memref<500x16xf32, #tpu.memory_space<vmem>>) target(%dma_start3A_842 : memref<10240x16xf32, #tpu.memory_space<vmem_shared>>) offsets(%dma_start3A_839 : memref<500xi32, #tpu.memory_space<vmem>>) semaphore(%arg12 : memref<!tpu.dma_semaphore, #tpu.memory_space<semaphore_mem>>) {add = true}
    %dma_wait3A_843 = arith.constant 0 : i32
    %dma_wait3A_844 = arith.constant 0 : i32
    %dma_wait3A_845 = arith.constant 0 : i32
    %dma_wait3A_846 = arith.constant 0 : i32
    %dma_wait3A_847 = tpu.memref_slice %arg7[%dma_wait3A_843, %dma_wait3A_845, %dma_wait3A_846] : memref<6x500x16xf32, #tpu.memory_space<vmem>> -> memref<1x500x16xf32, #tpu.memory_space<vmem>>
    %dma_wait3A_848 = tpu.memref_squeeze %dma_wait3A_847 : memref<1x500x16xf32, #tpu.memory_space<vmem>> -> memref<500x16xf32, #tpu.memory_space<vmem>>
    %dma_wait3A_849 = arith.constant 0 : i32
    %dma_wait3A_850 = tpu.memref_slice %arg6[%dma_wait3A_844, %dma_wait3A_849] : memref<20x500xi32, #tpu.memory_space<vmem>> -> memref<1x500xi32, #tpu.memory_space<vmem>>
    %dma_wait3A_851 = tpu.memref_squeeze %dma_wait3A_850 : memref<1x500xi32, #tpu.memory_space<vmem>> -> memref<500xi32, #tpu.memory_space<vmem>>
    %dma_wait3A_852 = arith.constant 0 : i32
    %dma_wait3A_853 = arith.constant 0 : i32
    %dma_wait3A_854 = tpu.memref_slice %arg9[%dma_wait3A_852, %dma_wait3A_853] : memref<10240x16xf32, #tpu.memory_space<vmem_shared>> -> memref<10240x16xf32, #tpu.memory_space<vmem_shared>>
    tpu.wait_indirect_dma semaphore(%arg12 : memref<!tpu.dma_semaphore, #tpu.memory_space<semaphore_mem>>) src(%dma_wait3A_848 : memref<500x16xf32, #tpu.memory_space<vmem>>) dst(%dma_wait3A_854 : memref<10240x16xf32, #tpu.memory_space<vmem_shared>>)
    %dma_start3A_855 = arith.constant 18 : i32
    %dma_start3A_856 = arith.constant 0 : i32
    %dma_start3A_857 = arith.constant 0 : i32
    %dma_start3A_858 = arith.constant 0 : i32
    %dma_start3A_859 = tpu.memref_slice %arg7[%dma_start3A_856, %dma_start3A_857, %dma_start3A_858] : memref<6x500x16xf32, #tpu.memory_space<vmem>> -> memref<1x500x16xf32, #tpu.memory_space<vmem>>
    %dma_start3A_860 = tpu.memref_squeeze %dma_start3A_859 : memref<1x500x16xf32, #tpu.memory_space<vmem>> -> memref<500x16xf32, #tpu.memory_space<vmem>>
    %dma_start3A_861 = arith.constant 0 : i32
    %dma_start3A_862 = tpu.memref_slice %arg5[%dma_start3A_855, %dma_start3A_861] : memref<20x500xi32, #tpu.memory_space<vmem>> -> memref<1x500xi32, #tpu.memory_space<vmem>>
    %dma_start3A_863 = tpu.memref_squeeze %dma_start3A_862 : memref<1x500xi32, #tpu.memory_space<vmem>> -> memref<500xi32, #tpu.memory_space<vmem>>
    %dma_start3A_864 = arith.constant 0 : i32
    %dma_start3A_865 = arith.constant 0 : i32
    %dma_start3A_866 = tpu.memref_slice %arg10[%dma_start3A_864, %dma_start3A_865] : memref<10240x16xf32, #tpu.memory_space<vmem_shared>> -> memref<10240x16xf32, #tpu.memory_space<vmem_shared>>
    tpu.enqueue_indirect_dma source(%dma_start3A_866 : memref<10240x16xf32, #tpu.memory_space<vmem_shared>>) target(%dma_start3A_860 : memref<500x16xf32, #tpu.memory_space<vmem>>) offsets(%dma_start3A_863 : memref<500xi32, #tpu.memory_space<vmem>>) semaphore(%arg11 : memref<!tpu.dma_semaphore, #tpu.memory_space<semaphore_mem>>)
    %dma_wait3A_867 = arith.constant 0 : i32
    %dma_wait3A_868 = arith.constant 0 : i32
    %dma_wait3A_869 = arith.constant 0 : i32
    %dma_wait3A_870 = arith.constant 0 : i32
    %dma_wait3A_871 = tpu.memref_slice %arg7[%dma_wait3A_868, %dma_wait3A_869, %dma_wait3A_870] : memref<6x500x16xf32, #tpu.memory_space<vmem>> -> memref<1x500x16xf32, #tpu.memory_space<vmem>>
    %dma_wait3A_872 = tpu.memref_squeeze %dma_wait3A_871 : memref<1x500x16xf32, #tpu.memory_space<vmem>> -> memref<500x16xf32, #tpu.memory_space<vmem>>
    %dma_wait3A_873 = arith.constant 0 : i32
    %dma_wait3A_874 = tpu.memref_slice %arg5[%dma_wait3A_867, %dma_wait3A_873] : memref<20x500xi32, #tpu.memory_space<vmem>> -> memref<1x500xi32, #tpu.memory_space<vmem>>
    %dma_wait3A_875 = tpu.memref_squeeze %dma_wait3A_874 : memref<1x500xi32, #tpu.memory_space<vmem>> -> memref<500xi32, #tpu.memory_space<vmem>>
    %dma_wait3A_876 = arith.constant 0 : i32
    %dma_wait3A_877 = arith.constant 0 : i32
    %dma_wait3A_878 = tpu.memref_slice %arg10[%dma_wait3A_876, %dma_wait3A_877] : memref<10240x16xf32, #tpu.memory_space<vmem_shared>> -> memref<10240x16xf32, #tpu.memory_space<vmem_shared>>
    tpu.wait_indirect_dma semaphore(%arg11 : memref<!tpu.dma_semaphore, #tpu.memory_space<semaphore_mem>>) src(%dma_wait3A_878 : memref<10240x16xf32, #tpu.memory_space<vmem_shared>>) dst(%dma_wait3A_872 : memref<500x16xf32, #tpu.memory_space<vmem>>)
    %dma_start3A_879 = arith.constant 5 : i32
    %dma_start3A_880 = arith.constant 17 : i32
    %dma_start3A_881 = arith.constant 0 : i32
    %dma_start3A_882 = arith.constant 0 : i32
    %dma_start3A_883 = tpu.memref_slice %arg7[%dma_start3A_879, %dma_start3A_881, %dma_start3A_882] : memref<6x500x16xf32, #tpu.memory_space<vmem>> -> memref<1x500x16xf32, #tpu.memory_space<vmem>>
    %dma_start3A_884 = tpu.memref_squeeze %dma_start3A_883 : memref<1x500x16xf32, #tpu.memory_space<vmem>> -> memref<500x16xf32, #tpu.memory_space<vmem>>
    %dma_start3A_885 = arith.constant 0 : i32
    %dma_start3A_886 = tpu.memref_slice %arg6[%dma_start3A_880, %dma_start3A_885] : memref<20x500xi32, #tpu.memory_space<vmem>> -> memref<1x500xi32, #tpu.memory_space<vmem>>
    %dma_start3A_887 = tpu.memref_squeeze %dma_start3A_886 : memref<1x500xi32, #tpu.memory_space<vmem>> -> memref<500xi32, #tpu.memory_space<vmem>>
    %dma_start3A_888 = arith.constant 0 : i32
    %dma_start3A_889 = arith.constant 0 : i32
    %dma_start3A_890 = tpu.memref_slice %arg9[%dma_start3A_888, %dma_start3A_889] : memref<10240x16xf32, #tpu.memory_space<vmem_shared>> -> memref<10240x16xf32, #tpu.memory_space<vmem_shared>>
    tpu.enqueue_indirect_dma source(%dma_start3A_884 : memref<500x16xf32, #tpu.memory_space<vmem>>) target(%dma_start3A_890 : memref<10240x16xf32, #tpu.memory_space<vmem_shared>>) offsets(%dma_start3A_887 : memref<500xi32, #tpu.memory_space<vmem>>) semaphore(%arg12 : memref<!tpu.dma_semaphore, #tpu.memory_space<semaphore_mem>>) {add = true}
    %dma_wait3A_891 = arith.constant 0 : i32
    %dma_wait3A_892 = arith.constant 0 : i32
    %dma_wait3A_893 = arith.constant 0 : i32
    %dma_wait3A_894 = arith.constant 0 : i32
    %dma_wait3A_895 = tpu.memref_slice %arg7[%dma_wait3A_891, %dma_wait3A_893, %dma_wait3A_894] : memref<6x500x16xf32, #tpu.memory_space<vmem>> -> memref<1x500x16xf32, #tpu.memory_space<vmem>>
    %dma_wait3A_896 = tpu.memref_squeeze %dma_wait3A_895 : memref<1x500x16xf32, #tpu.memory_space<vmem>> -> memref<500x16xf32, #tpu.memory_space<vmem>>
    %dma_wait3A_897 = arith.constant 0 : i32
    %dma_wait3A_898 = tpu.memref_slice %arg6[%dma_wait3A_892, %dma_wait3A_897] : memref<20x500xi32, #tpu.memory_space<vmem>> -> memref<1x500xi32, #tpu.memory_space<vmem>>
    %dma_wait3A_899 = tpu.memref_squeeze %dma_wait3A_898 : memref<1x500xi32, #tpu.memory_space<vmem>> -> memref<500xi32, #tpu.memory_space<vmem>>
    %dma_wait3A_900 = arith.constant 0 : i32
    %dma_wait3A_901 = arith.constant 0 : i32
    %dma_wait3A_902 = tpu.memref_slice %arg9[%dma_wait3A_900, %dma_wait3A_901] : memref<10240x16xf32, #tpu.memory_space<vmem_shared>> -> memref<10240x16xf32, #tpu.memory_space<vmem_shared>>
    tpu.wait_indirect_dma semaphore(%arg12 : memref<!tpu.dma_semaphore, #tpu.memory_space<semaphore_mem>>) src(%dma_wait3A_896 : memref<500x16xf32, #tpu.memory_space<vmem>>) dst(%dma_wait3A_902 : memref<10240x16xf32, #tpu.memory_space<vmem_shared>>)
    %dma_start3A_903 = arith.constant 19 : i32
    %dma_start3A_904 = arith.constant 1 : i32
    %dma_start3A_905 = arith.constant 0 : i32
    %dma_start3A_906 = arith.constant 0 : i32
    %dma_start3A_907 = tpu.memref_slice %arg7[%dma_start3A_904, %dma_start3A_905, %dma_start3A_906] : memref<6x500x16xf32, #tpu.memory_space<vmem>> -> memref<1x500x16xf32, #tpu.memory_space<vmem>>
    %dma_start3A_908 = tpu.memref_squeeze %dma_start3A_907 : memref<1x500x16xf32, #tpu.memory_space<vmem>> -> memref<500x16xf32, #tpu.memory_space<vmem>>
    %dma_start3A_909 = arith.constant 0 : i32
    %dma_start3A_910 = tpu.memref_slice %arg5[%dma_start3A_903, %dma_start3A_909] : memref<20x500xi32, #tpu.memory_space<vmem>> -> memref<1x500xi32, #tpu.memory_space<vmem>>
    %dma_start3A_911 = tpu.memref_squeeze %dma_start3A_910 : memref<1x500xi32, #tpu.memory_space<vmem>> -> memref<500xi32, #tpu.memory_space<vmem>>
    %dma_start3A_912 = arith.constant 0 : i32
    %dma_start3A_913 = arith.constant 0 : i32
    %dma_start3A_914 = tpu.memref_slice %arg10[%dma_start3A_912, %dma_start3A_913] : memref<10240x16xf32, #tpu.memory_space<vmem_shared>> -> memref<10240x16xf32, #tpu.memory_space<vmem_shared>>
    tpu.enqueue_indirect_dma source(%dma_start3A_914 : memref<10240x16xf32, #tpu.memory_space<vmem_shared>>) target(%dma_start3A_908 : memref<500x16xf32, #tpu.memory_space<vmem>>) offsets(%dma_start3A_911 : memref<500xi32, #tpu.memory_space<vmem>>) semaphore(%arg11 : memref<!tpu.dma_semaphore, #tpu.memory_space<semaphore_mem>>)
    %dma_wait3A_915 = arith.constant 0 : i32
    %dma_wait3A_916 = arith.constant 0 : i32
    %dma_wait3A_917 = arith.constant 0 : i32
    %dma_wait3A_918 = arith.constant 0 : i32
    %dma_wait3A_919 = tpu.memref_slice %arg7[%dma_wait3A_916, %dma_wait3A_917, %dma_wait3A_918] : memref<6x500x16xf32, #tpu.memory_space<vmem>> -> memref<1x500x16xf32, #tpu.memory_space<vmem>>
    %dma_wait3A_920 = tpu.memref_squeeze %dma_wait3A_919 : memref<1x500x16xf32, #tpu.memory_space<vmem>> -> memref<500x16xf32, #tpu.memory_space<vmem>>
    %dma_wait3A_921 = arith.constant 0 : i32
    %dma_wait3A_922 = tpu.memref_slice %arg5[%dma_wait3A_915, %dma_wait3A_921] : memref<20x500xi32, #tpu.memory_space<vmem>> -> memref<1x500xi32, #tpu.memory_space<vmem>>
    %dma_wait3A_923 = tpu.memref_squeeze %dma_wait3A_922 : memref<1x500xi32, #tpu.memory_space<vmem>> -> memref<500xi32, #tpu.memory_space<vmem>>
    %dma_wait3A_924 = arith.constant 0 : i32
    %dma_wait3A_925 = arith.constant 0 : i32
    %dma_wait3A_926 = tpu.memref_slice %arg10[%dma_wait3A_924, %dma_wait3A_925] : memref<10240x16xf32, #tpu.memory_space<vmem_shared>> -> memref<10240x16xf32, #tpu.memory_space<vmem_shared>>
    tpu.wait_indirect_dma semaphore(%arg11 : memref<!tpu.dma_semaphore, #tpu.memory_space<semaphore_mem>>) src(%dma_wait3A_926 : memref<10240x16xf32, #tpu.memory_space<vmem_shared>>) dst(%dma_wait3A_920 : memref<500x16xf32, #tpu.memory_space<vmem>>)
    %dma_start3A_927 = arith.constant 0 : i32
    %dma_start3A_928 = arith.constant 18 : i32
    %dma_start3A_929 = arith.constant 0 : i32
    %dma_start3A_930 = arith.constant 0 : i32
    %dma_start3A_931 = tpu.memref_slice %arg7[%dma_start3A_927, %dma_start3A_929, %dma_start3A_930] : memref<6x500x16xf32, #tpu.memory_space<vmem>> -> memref<1x500x16xf32, #tpu.memory_space<vmem>>
    %dma_start3A_932 = tpu.memref_squeeze %dma_start3A_931 : memref<1x500x16xf32, #tpu.memory_space<vmem>> -> memref<500x16xf32, #tpu.memory_space<vmem>>
    %dma_start3A_933 = arith.constant 0 : i32
    %dma_start3A_934 = tpu.memref_slice %arg6[%dma_start3A_928, %dma_start3A_933] : memref<20x500xi32, #tpu.memory_space<vmem>> -> memref<1x500xi32, #tpu.memory_space<vmem>>
    %dma_start3A_935 = tpu.memref_squeeze %dma_start3A_934 : memref<1x500xi32, #tpu.memory_space<vmem>> -> memref<500xi32, #tpu.memory_space<vmem>>
    %dma_start3A_936 = arith.constant 0 : i32
    %dma_start3A_937 = arith.constant 0 : i32
    %dma_start3A_938 = tpu.memref_slice %arg9[%dma_start3A_936, %dma_start3A_937] : memref<10240x16xf32, #tpu.memory_space<vmem_shared>> -> memref<10240x16xf32, #tpu.memory_space<vmem_shared>>
    tpu.enqueue_indirect_dma source(%dma_start3A_932 : memref<500x16xf32, #tpu.memory_space<vmem>>) target(%dma_start3A_938 : memref<10240x16xf32, #tpu.memory_space<vmem_shared>>) offsets(%dma_start3A_935 : memref<500xi32, #tpu.memory_space<vmem>>) semaphore(%arg12 : memref<!tpu.dma_semaphore, #tpu.memory_space<semaphore_mem>>) {add = true}
    %dma_wait3A_939 = arith.constant 0 : i32
    %dma_wait3A_940 = arith.constant 0 : i32
    %dma_wait3A_941 = arith.constant 0 : i32
    %dma_wait3A_942 = arith.constant 0 : i32
    %dma_wait3A_943 = tpu.memref_slice %arg7[%dma_wait3A_940, %dma_wait3A_941, %dma_wait3A_942] : memref<6x500x16xf32, #tpu.memory_space<vmem>> -> memref<1x500x16xf32, #tpu.memory_space<vmem>>
    %dma_wait3A_944 = tpu.memref_squeeze %dma_wait3A_943 : memref<1x500x16xf32, #tpu.memory_space<vmem>> -> memref<500x16xf32, #tpu.memory_space<vmem>>
    %dma_wait3A_945 = arith.constant 0 : i32
    %dma_wait3A_946 = tpu.memref_slice %arg5[%dma_wait3A_939, %dma_wait3A_945] : memref<20x500xi32, #tpu.memory_space<vmem>> -> memref<1x500xi32, #tpu.memory_space<vmem>>
    %dma_wait3A_947 = tpu.memref_squeeze %dma_wait3A_946 : memref<1x500xi32, #tpu.memory_space<vmem>> -> memref<500xi32, #tpu.memory_space<vmem>>
    %dma_wait3A_948 = arith.constant 0 : i32
    %dma_wait3A_949 = arith.constant 0 : i32
    %dma_wait3A_950 = tpu.memref_slice %arg10[%dma_wait3A_948, %dma_wait3A_949] : memref<10240x16xf32, #tpu.memory_space<vmem_shared>> -> memref<10240x16xf32, #tpu.memory_space<vmem_shared>>
    tpu.wait_indirect_dma semaphore(%arg11 : memref<!tpu.dma_semaphore, #tpu.memory_space<semaphore_mem>>) src(%dma_wait3A_950 : memref<10240x16xf32, #tpu.memory_space<vmem_shared>>) dst(%dma_wait3A_944 : memref<500x16xf32, #tpu.memory_space<vmem>>)
    %dma_start3A_951 = arith.constant 1 : i32
    %dma_start3A_952 = arith.constant 19 : i32
    %dma_start3A_953 = arith.constant 0 : i32
    %dma_start3A_954 = arith.constant 0 : i32
    %dma_start3A_955 = tpu.memref_slice %arg7[%dma_start3A_951, %dma_start3A_953, %dma_start3A_954] : memref<6x500x16xf32, #tpu.memory_space<vmem>> -> memref<1x500x16xf32, #tpu.memory_space<vmem>>
    %dma_start3A_956 = tpu.memref_squeeze %dma_start3A_955 : memref<1x500x16xf32, #tpu.memory_space<vmem>> -> memref<500x16xf32, #tpu.memory_space<vmem>>
    %dma_start3A_957 = arith.constant 0 : i32
    %dma_start3A_958 = tpu.memref_slice %arg6[%dma_start3A_952, %dma_start3A_957] : memref<20x500xi32, #tpu.memory_space<vmem>> -> memref<1x500xi32, #tpu.memory_space<vmem>>
    %dma_start3A_959 = tpu.memref_squeeze %dma_start3A_958 : memref<1x500xi32, #tpu.memory_space<vmem>> -> memref<500xi32, #tpu.memory_space<vmem>>
    %dma_start3A_960 = arith.constant 0 : i32
    %dma_start3A_961 = arith.constant 0 : i32
    %dma_start3A_962 = tpu.memref_slice %arg9[%dma_start3A_960, %dma_start3A_961] : memref<10240x16xf32, #tpu.memory_space<vmem_shared>> -> memref<10240x16xf32, #tpu.memory_space<vmem_shared>>
    tpu.enqueue_indirect_dma source(%dma_start3A_956 : memref<500x16xf32, #tpu.memory_space<vmem>>) target(%dma_start3A_962 : memref<10240x16xf32, #tpu.memory_space<vmem_shared>>) offsets(%dma_start3A_959 : memref<500xi32, #tpu.memory_space<vmem>>) semaphore(%arg12 : memref<!tpu.dma_semaphore, #tpu.memory_space<semaphore_mem>>) {add = true}
    %dma_wait3A_963 = arith.constant 0 : i32
    %dma_wait3A_964 = arith.constant 0 : i32
    %dma_wait3A_965 = arith.constant 0 : i32
    %dma_wait3A_966 = arith.constant 0 : i32
    %dma_wait3A_967 = tpu.memref_slice %arg7[%dma_wait3A_963, %dma_wait3A_965, %dma_wait3A_966] : memref<6x500x16xf32, #tpu.memory_space<vmem>> -> memref<1x500x16xf32, #tpu.memory_space<vmem>>
    %dma_wait3A_968 = tpu.memref_squeeze %dma_wait3A_967 : memref<1x500x16xf32, #tpu.memory_space<vmem>> -> memref<500x16xf32, #tpu.memory_space<vmem>>
    %dma_wait3A_969 = arith.constant 0 : i32
    %dma_wait3A_970 = tpu.memref_slice %arg6[%dma_wait3A_964, %dma_wait3A_969] : memref<20x500xi32, #tpu.memory_space<vmem>> -> memref<1x500xi32, #tpu.memory_space<vmem>>
    %dma_wait3A_971 = tpu.memref_squeeze %dma_wait3A_970 : memref<1x500xi32, #tpu.memory_space<vmem>> -> memref<500xi32, #tpu.memory_space<vmem>>
    %dma_wait3A_972 = arith.constant 0 : i32
    %dma_wait3A_973 = arith.constant 0 : i32
    %dma_wait3A_974 = tpu.memref_slice %arg9[%dma_wait3A_972, %dma_wait3A_973] : memref<10240x16xf32, #tpu.memory_space<vmem_shared>> -> memref<10240x16xf32, #tpu.memory_space<vmem_shared>>
    tpu.wait_indirect_dma semaphore(%arg12 : memref<!tpu.dma_semaphore, #tpu.memory_space<semaphore_mem>>) src(%dma_wait3A_968 : memref<500x16xf32, #tpu.memory_space<vmem>>) dst(%dma_wait3A_974 : memref<10240x16xf32, #tpu.memory_space<vmem_shared>>)
    %dma_wait3A_975 = arith.constant 0 : i32
    %dma_wait3A_976 = arith.constant 0 : i32
    %dma_wait3A_977 = arith.constant 0 : i32
    %dma_wait3A_978 = arith.constant 0 : i32
    %dma_wait3A_979 = tpu.memref_slice %arg7[%dma_wait3A_975, %dma_wait3A_977, %dma_wait3A_978] : memref<6x500x16xf32, #tpu.memory_space<vmem>> -> memref<1x500x16xf32, #tpu.memory_space<vmem>>
    %dma_wait3A_980 = tpu.memref_squeeze %dma_wait3A_979 : memref<1x500x16xf32, #tpu.memory_space<vmem>> -> memref<500x16xf32, #tpu.memory_space<vmem>>
    %dma_wait3A_981 = arith.constant 0 : i32
    %dma_wait3A_982 = tpu.memref_slice %arg6[%dma_wait3A_976, %dma_wait3A_981] : memref<20x500xi32, #tpu.memory_space<vmem>> -> memref<1x500xi32, #tpu.memory_space<vmem>>
    %dma_wait3A_983 = tpu.memref_squeeze %dma_wait3A_982 : memref<1x500xi32, #tpu.memory_space<vmem>> -> memref<500xi32, #tpu.memory_space<vmem>>
    %dma_wait3A_984 = arith.constant 0 : i32
    %dma_wait3A_985 = arith.constant 0 : i32
    %dma_wait3A_986 = tpu.memref_slice %arg9[%dma_wait3A_984, %dma_wait3A_985] : memref<10240x16xf32, #tpu.memory_space<vmem_shared>> -> memref<10240x16xf32, #tpu.memory_space<vmem_shared>>
    tpu.wait_indirect_dma semaphore(%arg12 : memref<!tpu.dma_semaphore, #tpu.memory_space<semaphore_mem>>) src(%dma_wait3A_980 : memref<500x16xf32, #tpu.memory_space<vmem>>) dst(%dma_wait3A_986 : memref<10240x16xf32, #tpu.memory_space<vmem_shared>>)
    %dma_wait3A_987 = arith.constant 0 : i32
    %dma_wait3A_988 = arith.constant 0 : i32
    %dma_wait3A_989 = arith.constant 0 : i32
    %dma_wait3A_990 = arith.constant 0 : i32
    %dma_wait3A_991 = tpu.memref_slice %arg7[%dma_wait3A_987, %dma_wait3A_989, %dma_wait3A_990] : memref<6x500x16xf32, #tpu.memory_space<vmem>> -> memref<1x500x16xf32, #tpu.memory_space<vmem>>
    %dma_wait3A_992 = tpu.memref_squeeze %dma_wait3A_991 : memref<1x500x16xf32, #tpu.memory_space<vmem>> -> memref<500x16xf32, #tpu.memory_space<vmem>>
    %dma_wait3A_993 = arith.constant 0 : i32
    %dma_wait3A_994 = tpu.memref_slice %arg6[%dma_wait3A_988, %dma_wait3A_993] : memref<20x500xi32, #tpu.memory_space<vmem>> -> memref<1x500xi32, #tpu.memory_space<vmem>>
    %dma_wait3A_995 = tpu.memref_squeeze %dma_wait3A_994 : memref<1x500xi32, #tpu.memory_space<vmem>> -> memref<500xi32, #tpu.memory_space<vmem>>
    %dma_wait3A_996 = arith.constant 0 : i32
    %dma_wait3A_997 = arith.constant 0 : i32
    %dma_wait3A_998 = tpu.memref_slice %arg9[%dma_wait3A_996, %dma_wait3A_997] : memref<10240x16xf32, #tpu.memory_space<vmem_shared>> -> memref<10240x16xf32, #tpu.memory_space<vmem_shared>>
    tpu.wait_indirect_dma semaphore(%arg12 : memref<!tpu.dma_semaphore, #tpu.memory_space<semaphore_mem>>) src(%dma_wait3A_992 : memref<500x16xf32, #tpu.memory_space<vmem>>) dst(%dma_wait3A_998 : memref<10240x16xf32, #tpu.memory_space<vmem_shared>>)
    %dma_wait3A_999 = arith.constant 0 : i32
    %dma_wait3A_1000 = arith.constant 0 : i32
    %dma_wait3A_1001 = arith.constant 0 : i32
    %dma_wait3A_1002 = arith.constant 0 : i32
    %dma_wait3A_1003 = tpu.memref_slice %arg7[%dma_wait3A_999, %dma_wait3A_1001, %dma_wait3A_1002] : memref<6x500x16xf32, #tpu.memory_space<vmem>> -> memref<1x500x16xf32, #tpu.memory_space<vmem>>
    %dma_wait3A_1004 = tpu.memref_squeeze %dma_wait3A_1003 : memref<1x500x16xf32, #tpu.memory_space<vmem>> -> memref<500x16xf32, #tpu.memory_space<vmem>>
    %dma_wait3A_1005 = arith.constant 0 : i32
    %dma_wait3A_1006 = tpu.memref_slice %arg6[%dma_wait3A_1000, %dma_wait3A_1005] : memref<20x500xi32, #tpu.memory_space<vmem>> -> memref<1x500xi32, #tpu.memory_space<vmem>>
    %dma_wait3A_1007 = tpu.memref_squeeze %dma_wait3A_1006 : memref<1x500xi32, #tpu.memory_space<vmem>> -> memref<500xi32, #tpu.memory_space<vmem>>
    %dma_wait3A_1008 = arith.constant 0 : i32
    %dma_wait3A_1009 = arith.constant 0 : i32
    %dma_wait3A_1010 = tpu.memref_slice %arg9[%dma_wait3A_1008, %dma_wait3A_1009] : memref<10240x16xf32, #tpu.memory_space<vmem_shared>> -> memref<10240x16xf32, #tpu.memory_space<vmem_shared>>
    tpu.wait_indirect_dma semaphore(%arg12 : memref<!tpu.dma_semaphore, #tpu.memory_space<semaphore_mem>>) src(%dma_wait3A_1004 : memref<500x16xf32, #tpu.memory_space<vmem>>) dst(%dma_wait3A_1010 : memref<10240x16xf32, #tpu.memory_space<vmem_shared>>)
    %dma_wait3A_1011 = arith.constant 0 : i32
    %dma_wait3A_1012 = arith.constant 0 : i32
    %dma_wait3A_1013 = arith.constant 0 : i32
    %dma_wait3A_1014 = arith.constant 0 : i32
    %dma_wait3A_1015 = tpu.memref_slice %arg7[%dma_wait3A_1011, %dma_wait3A_1013, %dma_wait3A_1014] : memref<6x500x16xf32, #tpu.memory_space<vmem>> -> memref<1x500x16xf32, #tpu.memory_space<vmem>>
    %dma_wait3A_1016 = tpu.memref_squeeze %dma_wait3A_1015 : memref<1x500x16xf32, #tpu.memory_space<vmem>> -> memref<500x16xf32, #tpu.memory_space<vmem>>
    %dma_wait3A_1017 = arith.constant 0 : i32
    %dma_wait3A_1018 = tpu.memref_slice %arg6[%dma_wait3A_1012, %dma_wait3A_1017] : memref<20x500xi32, #tpu.memory_space<vmem>> -> memref<1x500xi32, #tpu.memory_space<vmem>>
    %dma_wait3A_1019 = tpu.memref_squeeze %dma_wait3A_1018 : memref<1x500xi32, #tpu.memory_space<vmem>> -> memref<500xi32, #tpu.memory_space<vmem>>
    %dma_wait3A_1020 = arith.constant 0 : i32
    %dma_wait3A_1021 = arith.constant 0 : i32
    %dma_wait3A_1022 = tpu.memref_slice %arg9[%dma_wait3A_1020, %dma_wait3A_1021] : memref<10240x16xf32, #tpu.memory_space<vmem_shared>> -> memref<10240x16xf32, #tpu.memory_space<vmem_shared>>
    tpu.wait_indirect_dma semaphore(%arg12 : memref<!tpu.dma_semaphore, #tpu.memory_space<semaphore_mem>>) src(%dma_wait3A_1016 : memref<500x16xf32, #tpu.memory_space<vmem>>) dst(%dma_wait3A_1022 : memref<10240x16xf32, #tpu.memory_space<vmem_shared>>)
    %dma_wait3A_1023 = arith.constant 0 : i32
    %dma_wait3A_1024 = arith.constant 0 : i32
    %dma_wait3A_1025 = arith.constant 0 : i32
    %dma_wait3A_1026 = arith.constant 0 : i32
    %dma_wait3A_1027 = tpu.memref_slice %arg7[%dma_wait3A_1023, %dma_wait3A_1025, %dma_wait3A_1026] : memref<6x500x16xf32, #tpu.memory_space<vmem>> -> memref<1x500x16xf32, #tpu.memory_space<vmem>>
    %dma_wait3A_1028 = tpu.memref_squeeze %dma_wait3A_1027 : memref<1x500x16xf32, #tpu.memory_space<vmem>> -> memref<500x16xf32, #tpu.memory_space<vmem>>
    %dma_wait3A_1029 = arith.constant 0 : i32
    %dma_wait3A_1030 = tpu.memref_slice %arg6[%dma_wait3A_1024, %dma_wait3A_1029] : memref<20x500xi32, #tpu.memory_space<vmem>> -> memref<1x500xi32, #tpu.memory_space<vmem>>
    %dma_wait3A_1031 = tpu.memref_squeeze %dma_wait3A_1030 : memref<1x500xi32, #tpu.memory_space<vmem>> -> memref<500xi32, #tpu.memory_space<vmem>>
    %dma_wait3A_1032 = arith.constant 0 : i32
    %dma_wait3A_1033 = arith.constant 0 : i32
    %dma_wait3A_1034 = tpu.memref_slice %arg9[%dma_wait3A_1032, %dma_wait3A_1033] : memref<10240x16xf32, #tpu.memory_space<vmem_shared>> -> memref<10240x16xf32, #tpu.memory_space<vmem_shared>>
    tpu.wait_indirect_dma semaphore(%arg12 : memref<!tpu.dma_semaphore, #tpu.memory_space<semaphore_mem>>) src(%dma_wait3A_1028 : memref<500x16xf32, #tpu.memory_space<vmem>>) dst(%dma_wait3A_1034 : memref<10240x16xf32, #tpu.memory_space<vmem_shared>>)
    %barrier3A_1035 = arith.constant 0 : index
    tpu.barrier barrier_id(%barrier3A_1035)
    %mul3A_1036 = arith.constant 640 : i32
    %mul3A_1037 = arith.muli %arg1, %mul3A_1036 : i32
    %mul3A_1038 = arith.constant 640 : i32
    %mul3A_1039 = arith.muli %arg1, %mul3A_1038 : i32
    "tpu.region"() ({
      %run_scoped3A = tpu.sem_alloc : memref<!tpu.dma_semaphore, #tpu.memory_space<semaphore_mem>>
      %dma_start3A_1040 = arith.constant 0 : i32
      %dma_start3A_1041 = arith.constant 0 : i32
      %dma_start3A_1042 = tpu.memref_slice %arg4[%arg0, %dma_start3A_1040, %dma_start3A_1041] : memref<2x10240x16xf32, #tpu.memory_space<hbm>> -> memref<1x10240x16xf32, #tpu.memory_space<hbm>>
      %dma_start3A_1043 = tpu.memref_squeeze %dma_start3A_1042 : memref<1x10240x16xf32, #tpu.memory_space<hbm>> -> memref<10240x16xf32, #tpu.memory_space<hbm>>
      %dma_start3A_1044 = arith.constant 0 : i32
      %dma_start3A_1045 = tpu.memref_slice %dma_start3A_1043[%mul3A_1039, %dma_start3A_1044] : memref<10240x16xf32, #tpu.memory_space<hbm>> -> memref<640x16xf32, #tpu.memory_space<hbm>>
      %dma_start3A_1046 = arith.constant 0 : i32
      %dma_start3A_1047 = tpu.memref_slice %arg9[%mul3A_1037, %dma_start3A_1046] : memref<10240x16xf32, #tpu.memory_space<vmem_shared>> -> memref<640x16xf32, #tpu.memory_space<vmem_shared>>
      tpu.enqueue_dma source(%dma_start3A_1047 : memref<640x16xf32, #tpu.memory_space<vmem_shared>>) target(%dma_start3A_1045 : memref<640x16xf32, #tpu.memory_space<hbm>>) target_semaphore(%run_scoped3A : memref<!tpu.dma_semaphore, #tpu.memory_space<semaphore_mem>>)
      %dma_wait3A_1048 = arith.constant 0 : i32
      %dma_wait3A_1049 = arith.constant 0 : i32
      %dma_wait3A_1050 = tpu.memref_slice %arg4[%arg0, %dma_wait3A_1048, %dma_wait3A_1049] : memref<2x10240x16xf32, #tpu.memory_space<hbm>> -> memref<1x10240x16xf32, #tpu.memory_space<hbm>>
      %dma_wait3A_1051 = tpu.memref_squeeze %dma_wait3A_1050 : memref<1x10240x16xf32, #tpu.memory_space<hbm>> -> memref<10240x16xf32, #tpu.memory_space<hbm>>
      %dma_wait3A_1052 = arith.constant 0 : i32
      %dma_wait3A_1053 = tpu.memref_slice %dma_wait3A_1051[%mul3A_1039, %dma_wait3A_1052] : memref<10240x16xf32, #tpu.memory_space<hbm>> -> memref<640x16xf32, #tpu.memory_space<hbm>>
      %dma_wait3A_1054 = arith.constant 0 : i32
      %dma_wait3A_1055 = tpu.memref_slice %arg9[%mul3A_1037, %dma_wait3A_1054] : memref<10240x16xf32, #tpu.memory_space<vmem_shared>> -> memref<640x16xf32, #tpu.memory_space<vmem_shared>>
      tpu.wait_dma2 semaphore(%run_scoped3A : memref<!tpu.dma_semaphore, #tpu.memory_space<semaphore_mem>>) src(%dma_wait3A_1055 : memref<640x16xf32, #tpu.memory_space<vmem_shared>>) dst(%dma_wait3A_1053 : memref<640x16xf32, #tpu.memory_space<hbm>>)
      tpu.yield
    }) : () -> ()
    return
  }
}

module attributes {stable_mosaic.version = 14 : i64} {
  func.func @_mm1_body(%arg0: i32, %arg1: memref<2048x128xf32, #tpu.memory_space<vmem>>, %arg2: memref<128x16xf32, #tpu.memory_space<vmem>>, %arg3: memref<2048x16xf32, #tpu.memory_space<vmem>>) attributes {dimension_semantics = [#tpu.dimension_semantics<arbitrary>], iteration_bounds = array<i64: 5>, scalar_prefetch = 0 : i64, scratch_operands = 0 : i64, tpu.core_type = #tpu.core_type<tc>, window_params = [{transform_indices = @transform_0, window_bounds = array<i64: 2048, 128>}, {pipeline_mode = #tpu.pipeline_mode<synchronous>, transform_indices = @transform_1, window_bounds = array<i64: 128, 16>}, {transform_indices = @transform_2, window_bounds = array<i64: 2048, 16>}]} {
    %mul3A = arith.constant 2048 : i32
    %mul3A_0 = arith.muli %arg0, %mul3A : i32
    %iota3A = tpu.iota {dimensions = array<i32: 0>} : vector<2048x16xi32>
    %add3A = vector.broadcast %mul3A_0 : i32 to vector<2048x16xi32>
    %add3A_1 = arith.addi %add3A, %iota3A : vector<2048x16xi32>
    %get3A = arith.constant 0 : index
    %get3A_2 = arith.constant 0 : index
    %get3A_3 = vector.load %arg1[%get3A, %get3A_2] : memref<2048x128xf32, #tpu.memory_space<vmem>>, vector<2048x128xf32>
    %get3A_4 = arith.constant 0 : index
    %get3A_5 = arith.constant 0 : index
    %get3A_6 = vector.load %arg2[%get3A_4, %get3A_5] : memref<128x16xf32, #tpu.memory_space<vmem>>, vector<128x16xf32>
    %dot_general3A = arith.constant dense<0.000000e+00> : vector<2048x16xf32>
    %dot_general3A_7 = tpu.matmul %get3A_3, %get3A_6, %dot_general3A {dimension_numbers = #tpu.dot_dimension_numbers<[1], [0], [0], [1], [0, 0, 1, 1], [], []>, transpose_lhs_hint = false} : vector<2048x128xf32>, vector<128x16xf32>, vector<2048x16xf32> -> vector<2048x16xf32>
    %lt3A = arith.constant 10000 : i32
    %lt3A_8 = vector.broadcast %lt3A : i32 to vector<2048x16xi32>
    %lt3A_9 = arith.cmpi slt, %add3A_1, %lt3A_8 : vector<2048x16xi32>
    %jit3A = arith.constant 0.000000e+00 : f32
    %broadcast_in_dim3A = vector.broadcast %jit3A : f32 to vector<2048x16xf32>
    %select_n3A = arith.select %lt3A_9, %dot_general3A_7, %broadcast_in_dim3A : vector<2048x16xi1>, vector<2048x16xf32>
    %swap3A = arith.constant 0 : index
    %swap3A_10 = arith.constant 0 : index
    %swap3A_11 = vector.load %arg3[%swap3A, %swap3A_10] : memref<2048x16xf32, #tpu.memory_space<vmem>>, vector<2048x16xf32>
    tpu.vector_store %arg3[%swap3A, %swap3A_10], %select_n3A {strides = array<i32>} : memref<2048x16xf32, #tpu.memory_space<vmem>>, vector<2048x16xf32>,
    return
  }
  func.func @transform_0(%arg0: i32) -> (i32, i32) {
    %c0_i32 = arith.constant 0 : i32
    %c0_i32_0 = arith.constant 0 : i32
    return %arg0, %c0_i32 : i32, i32
  }
  func.func @transform_1(%arg0: i32) -> (i32, i32) {
    %c0_i32 = arith.constant 0 : i32
    %c0_i32_0 = arith.constant 0 : i32
    %c0_i32_1 = arith.constant 0 : i32
    return %c0_i32, %c0_i32_0 : i32, i32
  }
  func.func @transform_2(%arg0: i32) -> (i32, i32) {
    %c0_i32 = arith.constant 0 : i32
    %c0_i32_0 = arith.constant 0 : i32
    return %arg0, %c0_i32 : i32, i32
  }
}

module attributes {stable_mosaic.version = 14 : i64} {
  func.func @_scale_body(%arg0: i32, %arg1: memref<2x256x128xf32, #tpu.memory_space<vmem>>, %arg2: memref<256x128xf32, #tpu.memory_space<vmem>>, %arg3: memref<256x128xf32, #tpu.memory_space<vmem>>, %arg4: memref<256x128xf32, #tpu.memory_space<vmem>>) attributes {dimension_semantics = [#tpu.dimension_semantics<arbitrary>], iteration_bounds = array<i64: 5>, scalar_prefetch = 0 : i64, scratch_operands = 0 : i64, tpu.core_type = #tpu.core_type<tc>, window_params = [{transform_indices = @transform_0, window_bounds = array<i64: 2, 256, 128>}, {transform_indices = @transform_1, window_bounds = array<i64: 256, 128>}, {transform_indices = @transform_2, window_bounds = array<i64: 256, 128>}, {transform_indices = @transform_3, window_bounds = array<i64: 256, 128>}]} {
    %get3A = arith.constant 0 : index
    %get3A_0 = arith.constant 0 : index
    %get3A_1 = arith.constant 0 : index
    %get3A_2 = vector.load %arg1[%get3A, %get3A_0, %get3A_1] : memref<2x256x128xf32, #tpu.memory_space<vmem>>, vector<1x256x128xf32>
    %get3A_3 = vector.shape_cast %get3A_2 : vector<1x256x128xf32> to vector<256x128xf32>
    %get3A_4 = arith.constant 1 : index
    %get3A_5 = arith.constant 0 : index
    %get3A_6 = arith.constant 0 : index
    %get3A_7 = vector.load %arg1[%get3A_4, %get3A_5, %get3A_6] : memref<2x256x128xf32, #tpu.memory_space<vmem>>, vector<1x256x128xf32>
    %get3A_8 = vector.shape_cast %get3A_7 : vector<1x256x128xf32> to vector<256x128xf32>
    %add3A = arith.addf %get3A_3, %get3A_8 : vector<256x128xf32>
    %sub3A = arith.constant 1.000000e+00 : f32
    %sub3A_9 = vector.broadcast %sub3A : f32 to vector<256x128xf32>
    %sub3A_10 = arith.subf %add3A, %sub3A_9 : vector<256x128xf32>
    %rsqrt3A = math.rsqrt %sub3A_10 : vector<256x128xf32>
    %swap3A = arith.constant 0 : index
    %swap3A_11 = arith.constant 0 : index
    %swap3A_12 = vector.load %arg3[%swap3A, %swap3A_11] : memref<256x128xf32, #tpu.memory_space<vmem>>, vector<256x128xf32>
    tpu.vector_store %arg3[%swap3A, %swap3A_11], %rsqrt3A {strides = array<i32>} : memref<256x128xf32, #tpu.memory_space<vmem>>, vector<256x128xf32>,
    %get3A_13 = arith.constant 0 : index
    %get3A_14 = arith.constant 0 : index
    %get3A_15 = vector.load %arg2[%get3A_13, %get3A_14] : memref<256x128xf32, #tpu.memory_space<vmem>>, vector<256x128xf32>
    %mul3A = arith.mulf %get3A_15, %rsqrt3A : vector<256x128xf32>
    %swap3A_16 = arith.constant 0 : index
    %swap3A_17 = arith.constant 0 : index
    %swap3A_18 = vector.load %arg4[%swap3A_16, %swap3A_17] : memref<256x128xf32, #tpu.memory_space<vmem>>, vector<256x128xf32>
    tpu.vector_store %arg4[%swap3A_16, %swap3A_17], %mul3A {strides = array<i32>} : memref<256x128xf32, #tpu.memory_space<vmem>>, vector<256x128xf32>,
    return
  }
  func.func @transform_0(%arg0: i32) -> (i32, i32, i32) {
    %c0_i32 = arith.constant 0 : i32
    %c0_i32_0 = arith.constant 0 : i32
    %c0_i32_1 = arith.constant 0 : i32
    return %c0_i32, %arg0, %c0_i32_0 : i32, i32, i32
  }
  func.func @transform_1(%arg0: i32) -> (i32, i32) {
    %c0_i32 = arith.constant 0 : i32
    %c0_i32_0 = arith.constant 0 : i32
    return %arg0, %c0_i32 : i32, i32
  }
  func.func @transform_2(%arg0: i32) -> (i32, i32) {
    %c0_i32 = arith.constant 0 : i32
    %c0_i32_0 = arith.constant 0 : i32
    return %arg0, %c0_i32 : i32, i32
  }
  func.func @transform_3(%arg0: i32) -> (i32, i32) {
    %c0_i32 = arith.constant 0 : i32
    %c0_i32_0 = arith.constant 0 : i32
    return %arg0, %c0_i32 : i32, i32
  }
}

module attributes {stable_mosaic.version = 14 : i64} {
  func.func @_stage2_body(%arg0: i32, %arg1: memref<2x256x128xf32, #tpu.memory_space<vmem>>, %arg2: memref<256x128xf32, #tpu.memory_space<vmem>>, %arg3: memref<256x128xf32, #tpu.memory_space<vmem>>, %arg4: memref<128x128xf32, #tpu.memory_space<vmem>>, %arg5: memref<1x128xf32, #tpu.memory_space<vmem>>, %arg6: memref<256x128xf32, #tpu.memory_space<vmem>>) attributes {dimension_semantics = [#tpu.dimension_semantics<arbitrary>], iteration_bounds = array<i64: 5>, scalar_prefetch = 0 : i64, scratch_operands = 0 : i64, tpu.core_type = #tpu.core_type<tc>, window_params = [{transform_indices = @transform_0, window_bounds = array<i64: 2, 256, 128>}, {transform_indices = @transform_1, window_bounds = array<i64: 256, 128>}, {transform_indices = @transform_2, window_bounds = array<i64: 256, 128>}, {pipeline_mode = #tpu.pipeline_mode<synchronous>, transform_indices = @transform_3, window_bounds = array<i64: 128, 128>}, {pipeline_mode = #tpu.pipeline_mode<synchronous>, transform_indices = @transform_4, window_bounds = array<i64: 1, 128>}, {transform_indices = @transform_5, window_bounds = array<i64: 256, 128>}]} {
    %get3A = arith.constant 0 : index
    %get3A_0 = arith.constant 0 : index
    %get3A_1 = arith.constant 0 : index
    %get3A_2 = vector.load %arg1[%get3A, %get3A_0, %get3A_1] : memref<2x256x128xf32, #tpu.memory_space<vmem>>, vector<1x256x128xf32>
    %get3A_3 = vector.shape_cast %get3A_2 : vector<1x256x128xf32> to vector<256x128xf32>
    %get3A_4 = arith.constant 1 : index
    %get3A_5 = arith.constant 0 : index
    %get3A_6 = arith.constant 0 : index
    %get3A_7 = vector.load %arg1[%get3A_4, %get3A_5, %get3A_6] : memref<2x256x128xf32, #tpu.memory_space<vmem>>, vector<1x256x128xf32>
    %get3A_8 = vector.shape_cast %get3A_7 : vector<1x256x128xf32> to vector<256x128xf32>
    %add3A = arith.addf %get3A_3, %get3A_8 : vector<256x128xf32>
    %get3A_9 = arith.constant 0 : index
    %get3A_10 = arith.constant 0 : index
    %get3A_11 = vector.load %arg2[%get3A_9, %get3A_10] : memref<256x128xf32, #tpu.memory_space<vmem>>, vector<256x128xf32>
    %sub3A = arith.subf %add3A, %get3A_11 : vector<256x128xf32>
    %get3A_12 = arith.constant 0 : index
    %get3A_13 = arith.constant 0 : index
    %get3A_14 = vector.load %arg3[%get3A_12, %get3A_13] : memref<256x128xf32, #tpu.memory_space<vmem>>, vector<256x128xf32>
    %mul3A = arith.mulf %sub3A, %get3A_14 : vector<256x128xf32>
    %get3A_15 = arith.constant 0 : index
    %get3A_16 = arith.constant 0 : index
    %get3A_17 = vector.load %arg5[%get3A_15, %get3A_16] : memref<1x128xf32, #tpu.memory_space<vmem>>, vector<1x128xf32>
    %add3A_18 = vector.broadcast %get3A_17 : vector<1x128xf32> to vector<256x128xf32>
    %add3A_19 = arith.addf %mul3A, %add3A_18 : vector<256x128xf32>
    %max3A = arith.constant 0.000000e+00 : f32
    %max3A_20 = vector.broadcast %max3A : f32 to vector<256x128xf32>
    %max3A_21 = arith.maximumf %add3A_19, %max3A_20 : vector<256x128xf32>
    %get3A_22 = arith.constant 0 : index
    %get3A_23 = arith.constant 0 : index
    %get3A_24 = vector.load %arg4[%get3A_22, %get3A_23] : memref<128x128xf32, #tpu.memory_space<vmem>>, vector<128x128xf32>
    %dot_general3A = arith.constant dense<0.000000e+00> : vector<256x128xf32>
    %dot_general3A_25 = tpu.matmul %max3A_21, %get3A_24, %dot_general3A {dimension_numbers = #tpu.dot_dimension_numbers<[1], [0], [0], [1], [0, 0, 1, 1], [], []>, transpose_lhs_hint = false} : vector<256x128xf32>, vector<128x128xf32>, vector<256x128xf32> -> vector<256x128xf32>
    %get3A_26 = arith.constant 0 : index
    %get3A_27 = arith.constant 0 : index
    %get3A_28 = vector.load %arg3[%get3A_26, %get3A_27] : memref<256x128xf32, #tpu.memory_space<vmem>>, vector<256x128xf32>
    %mul3A_29 = arith.mulf %dot_general3A_25, %get3A_28 : vector<256x128xf32>
    %swap3A = arith.constant 0 : index
    %swap3A_30 = arith.constant 0 : index
    %swap3A_31 = vector.load %arg6[%swap3A, %swap3A_30] : memref<256x128xf32, #tpu.memory_space<vmem>>, vector<256x128xf32>
    tpu.vector_store %arg6[%swap3A, %swap3A_30], %mul3A_29 {strides = array<i32>} : memref<256x128xf32, #tpu.memory_space<vmem>>, vector<256x128xf32>,
    return
  }
  func.func @transform_0(%arg0: i32) -> (i32, i32, i32) {
    %c0_i32 = arith.constant 0 : i32
    %c0_i32_0 = arith.constant 0 : i32
    %c0_i32_1 = arith.constant 0 : i32
    return %c0_i32, %arg0, %c0_i32_0 : i32, i32, i32
  }
  func.func @transform_1(%arg0: i32) -> (i32, i32) {
    %c0_i32 = arith.constant 0 : i32
    %c0_i32_0 = arith.constant 0 : i32
    return %arg0, %c0_i32 : i32, i32
  }
  func.func @transform_2(%arg0: i32) -> (i32, i32) {
    %c0_i32 = arith.constant 0 : i32
    %c0_i32_0 = arith.constant 0 : i32
    return %arg0, %c0_i32 : i32, i32
  }
  func.func @transform_3(%arg0: i32) -> (i32, i32) {
    %c0_i32 = arith.constant 0 : i32
    %c0_i32_0 = arith.constant 0 : i32
    %c0_i32_1 = arith.constant 0 : i32
    return %c0_i32, %c0_i32_0 : i32, i32
  }
  func.func @transform_4(%arg0: i32) -> (i32, i32) {
    %c0_i32 = arith.constant 0 : i32
    %c0_i32_0 = arith.constant 0 : i32
    %c0_i32_1 = arith.constant 0 : i32
    return %c0_i32, %c0_i32_0 : i32, i32
  }
  func.func @transform_5(%arg0: i32) -> (i32, i32) {
    %c0_i32 = arith.constant 0 : i32
    %c0_i32_0 = arith.constant 0 : i32
    return %arg0, %c0_i32 : i32, i32
  }
}

module attributes {stable_mosaic.version = 14 : i64} {
  func.func @_stage3_body(%arg0: i32, %arg1: memref<2x256x128xf32, #tpu.memory_space<vmem>>, %arg2: memref<256x128xf32, #tpu.memory_space<vmem>>, %arg3: memref<256x128xf32, #tpu.memory_space<vmem>>, %arg4: memref<1x128xf32, #tpu.memory_space<vmem>>, %arg5: memref<128x128xf32, #tpu.memory_space<vmem>>, %arg6: memref<256x128xf32, #tpu.memory_space<vmem>>) attributes {dimension_semantics = [#tpu.dimension_semantics<arbitrary>], iteration_bounds = array<i64: 5>, scalar_prefetch = 0 : i64, scratch_operands = 0 : i64, tpu.core_type = #tpu.core_type<tc>, window_params = [{transform_indices = @transform_0, window_bounds = array<i64: 2, 256, 128>}, {transform_indices = @transform_1, window_bounds = array<i64: 256, 128>}, {transform_indices = @transform_2, window_bounds = array<i64: 256, 128>}, {pipeline_mode = #tpu.pipeline_mode<synchronous>, transform_indices = @transform_3, window_bounds = array<i64: 1, 128>}, {pipeline_mode = #tpu.pipeline_mode<synchronous>, transform_indices = @transform_4, window_bounds = array<i64: 128, 128>}, {transform_indices = @transform_5, window_bounds = array<i64: 256, 128>}]} {
    %get3A = arith.constant 0 : index
    %get3A_0 = arith.constant 0 : index
    %get3A_1 = arith.constant 0 : index
    %get3A_2 = vector.load %arg1[%get3A, %get3A_0, %get3A_1] : memref<2x256x128xf32, #tpu.memory_space<vmem>>, vector<1x256x128xf32>
    %get3A_3 = vector.shape_cast %get3A_2 : vector<1x256x128xf32> to vector<256x128xf32>
    %get3A_4 = arith.constant 1 : index
    %get3A_5 = arith.constant 0 : index
    %get3A_6 = arith.constant 0 : index
    %get3A_7 = vector.load %arg1[%get3A_4, %get3A_5, %get3A_6] : memref<2x256x128xf32, #tpu.memory_space<vmem>>, vector<1x256x128xf32>
    %get3A_8 = vector.shape_cast %get3A_7 : vector<1x256x128xf32> to vector<256x128xf32>
    %add3A = arith.addf %get3A_3, %get3A_8 : vector<256x128xf32>
    %get3A_9 = arith.constant 0 : index
    %get3A_10 = arith.constant 0 : index
    %get3A_11 = vector.load %arg2[%get3A_9, %get3A_10] : memref<256x128xf32, #tpu.memory_space<vmem>>, vector<256x128xf32>
    %sub3A = arith.subf %add3A, %get3A_11 : vector<256x128xf32>
    %get3A_12 = arith.constant 0 : index
    %get3A_13 = arith.constant 0 : index
    %get3A_14 = vector.load %arg3[%get3A_12, %get3A_13] : memref<256x128xf32, #tpu.memory_space<vmem>>, vector<256x128xf32>
    %mul3A = arith.mulf %sub3A, %get3A_14 : vector<256x128xf32>
    %get3A_15 = arith.constant 0 : index
    %get3A_16 = arith.constant 0 : index
    %get3A_17 = vector.load %arg4[%get3A_15, %get3A_16] : memref<1x128xf32, #tpu.memory_space<vmem>>, vector<1x128xf32>
    %add3A_18 = vector.broadcast %get3A_17 : vector<1x128xf32> to vector<256x128xf32>
    %add3A_19 = arith.addf %mul3A, %add3A_18 : vector<256x128xf32>
    %reduce_max3A = arith.constant dense<0xFF800000> : vector<256xf32>
    %reduce_max3A_20 = vector.multi_reduction <maximumf>, %add3A_19, %reduce_max3A [1] : vector<256x128xf32> to vector<256xf32>
    %broadcast_in_dim3A = vector.shape_cast %reduce_max3A_20 : vector<256xf32> to vector<256x1xf32>
    %sub3A_21 = vector.broadcast %broadcast_in_dim3A : vector<256x1xf32> to vector<256x128xf32>
    %sub3A_22 = arith.subf %add3A_19, %sub3A_21 : vector<256x128xf32>
    %iota3A = tpu.iota {dimensions = array<i32: 1>} : vector<256x128xi32>
    %jit3A = arith.constant 16 : i32
    %eq3A = arith.constant 0 : i32
    %eq3A_23 = arith.cmpi eq, %jit3A, %eq3A : i32
    %jit3A_24 = arith.constant 1 : i32
    %select_n3A = arith.select %eq3A_23, %jit3A_24, %jit3A : i32
    %rem3A = vector.broadcast %select_n3A : i32 to vector<256x128xi32>
    %rem3A_25 = arith.remsi %iota3A, %rem3A : vector<256x128xi32>
    %ne3A = arith.constant 0 : i32
    %ne3A_26 = vector.broadcast %ne3A : i32 to vector<256x128xi32>
    %ne3A_27 = arith.cmpi ne, %rem3A_25, %ne3A_26 : vector<256x128xi32>
    %lt3A = arith.constant 0 : i32
    %lt3A_28 = vector.broadcast %lt3A : i32 to vector<256x128xi32>
    %lt3A_29 = arith.cmpi slt, %rem3A_25, %lt3A_28 : vector<256x128xi32>
    %lt3A_30 = arith.constant 0 : i32
    %lt3A_31 = arith.cmpi slt, %select_n3A, %lt3A_30 : i32
    %ne3A_32 = vector.broadcast %lt3A_31 : i1 to vector<256x128xi1>
    %ne3A_33 = vector.broadcast %ne3A_32 : vector<256x128xi1> to vector<256x128xi1>
    %ne3A_34 = arith.xori %lt3A_29, %ne3A_33 : vector<256x128xi1>
    %and3A = arith.andi %ne3A_34, %ne3A_27 : vector<256x128xi1>
    %add3A_35 = vector.broadcast %select_n3A : i32 to vector<256x128xi32>
    %add3A_36 = arith.addi %rem3A_25, %add3A_35 : vector<256x128xi32>
    %select_n3A_37 = arith.select %and3A, %add3A_36, %rem3A_25 : vector<256x128xi1>, vector<256x128xi32>
    %lt3A_38 = arith.constant 7 : i32
    %lt3A_39 = vector.broadcast %lt3A_38 : i32 to vector<256x128xi32>
    %lt3A_40 = arith.cmpi slt, %select_n3A_37, %lt3A_39 : vector<256x128xi32>
    %exp3A = math.exp %sub3A_22 : vector<256x128xf32>
    %jit3A_41 = arith.constant 0.000000e+00 : f32
    %broadcast_in_dim3A_42 = vector.broadcast %jit3A_41 : f32 to vector<256x128xf32>
    %select_n3A_43 = arith.select %lt3A_40, %exp3A, %broadcast_in_dim3A_42 : vector<256x128xi1>, vector<256x128xf32>
    %get3A_44 = arith.constant 0 : index
    %get3A_45 = arith.constant 0 : index
    %get3A_46 = vector.load %arg5[%get3A_44, %get3A_45] : memref<128x128xf32, #tpu.memory_space<vmem>>, vector<128x128xf32>
    %dot_general3A = arith.constant dense<0.000000e+00> : vector<256x128xf32>
    %dot_general3A_47 = tpu.matmul %select_n3A_43, %get3A_46, %dot_general3A {dimension_numbers = #tpu.dot_dimension_numbers<[1], [0], [0], [1], [0, 0, 1, 1], [], []>, transpose_lhs_hint = false} : vector<256x128xf32>, vector<128x128xf32>, vector<256x128xf32> -> vector<256x128xf32>
    %log3A = math.log %dot_general3A_47 : vector<256x128xf32>
    %sub3A_48 = arith.subf %sub3A_22, %log3A : vector<256x128xf32>
    %swap3A = arith.constant 0 : index
    %swap3A_49 = arith.constant 0 : index
    %swap3A_50 = vector.load %arg6[%swap3A, %swap3A_49] : memref<256x128xf32, #tpu.memory_space<vmem>>, vector<256x128xf32>
    tpu.vector_store %arg6[%swap3A, %swap3A_49], %sub3A_48 {strides = array<i32>} : memref<256x128xf32, #tpu.memory_space<vmem>>, vector<256x128xf32>,
    return
  }
  func.func @transform_0(%arg0: i32) -> (i32, i32, i32) {
    %c0_i32 = arith.constant 0 : i32
    %c0_i32_0 = arith.constant 0 : i32
    %c0_i32_1 = arith.constant 0 : i32
    return %c0_i32, %arg0, %c0_i32_0 : i32, i32, i32
  }
  func.func @transform_1(%arg0: i32) -> (i32, i32) {
    %c0_i32 = arith.constant 0 : i32
    %c0_i32_0 = arith.constant 0 : i32
    return %arg0, %c0_i32 : i32, i32
  }
  func.func @transform_2(%arg0: i32) -> (i32, i32) {
    %c0_i32 = arith.constant 0 : i32
    %c0_i32_0 = arith.constant 0 : i32
    return %arg0, %c0_i32 : i32, i32
  }
  func.func @transform_3(%arg0: i32) -> (i32, i32) {
    %c0_i32 = arith.constant 0 : i32
    %c0_i32_0 = arith.constant 0 : i32
    %c0_i32_1 = arith.constant 0 : i32
    return %c0_i32, %c0_i32_0 : i32, i32
  }
  func.func @transform_4(%arg0: i32) -> (i32, i32) {
    %c0_i32 = arith.constant 0 : i32
    %c0_i32_0 = arith.constant 0 : i32
    %c0_i32_1 = arith.constant 0 : i32
    return %c0_i32, %c0_i32_0 : i32, i32
  }
  func.func @transform_5(%arg0: i32) -> (i32, i32) {
    %c0_i32 = arith.constant 0 : i32
    %c0_i32_0 = arith.constant 0 : i32
    return %arg0, %c0_i32 : i32, i32
  }
}

</mosaic_0001>

<sc_bundles>
// kernel: kernel.12.cloned.1.call-start
scs
__scs_entry_jumppad:
0x0: {  	(pc) =	sbr.rel $0x88, $3  }
0x1: {  	(tag) =	ssettag $0x0;
	lr =	simm.s32 $0x1  }
0x2: {  	[smem:$0x3F9B] =	sst lr;
	_ =	strace $0xD0000000  }
0x3: {  	_ = 	snop  }
0x4: {  	_ = 	snop  }
0x5: {  	_ = 	snop  }
0x6: {  	_ = 	snop  }
0x7: {  	_ = 	snop  }
__scs_overlays_trampoline_lowered:
0x8: {  	[smem:$0x3FAA] =	sst s0  }
0x9: {  	[smem:$0x3FAB] =	sst s1  }
0xa: {  	[smem:$0x3FAC] =	sst s2  }
0xb: {  	[smem:$0x3FAD] =	sst s3  }
0xc: {  	[smem:$0x3FAE] =	sst s4  }
0xd: {  	[smem:$0x3FAF] =	sst s5  }
0xe: {  	[smem:$0x3FB0] =	sst s6  }
0xf: {  	[smem:$0x3FB1] =	sst s7  }
0x10: {  	[smem:$0x3FB2] =	sst s8  }
0x11: {  	[smem:$0x3FB3] =	sst s9;
	s0 =	simm.s32 @!p0 $0x0  }
0x12: {  	s1 =	sld [smem:$0x3F99];
	s0 =	simm.s32 @p0 $0x1  }
0x13: {  	[smem:$0x3FB4] =	sst s0;
	s0 =	simm.s32 @!p1 $0x0  }
0x14: {  	s2 =	sld [smem:$0x3F98];
	s0 =	simm.s32 @p1 $0x1  }
0x15: {  	[smem:$0x3FB5] =	sst s0;
	s0 =	simm.s32 @!p2 $0x0  }
0x16: {  	s3 =	sld [smem:$0x3FDB];
	s0 =	simm.s32 @p2 $0x1  }
0x17: {  	s4 =	simm.s32 $0x1BF5;
	[smem:$0x3FB7] =	sst s0  }
0x18: {  	s0 =	sld [smem:$0x3F9A];
	_ =	swait.ge [sflag:s4], $0x0  }
0x19: {  	s7 =	sld [smem:$0x3F9B]  }
0x1a: {  	s8 =	sadd.s32 $0xFFFFE003, lr  }
0x1b: {  	s9 =	sadd.s32 $0xFFFFFEF7, lr;
	s5 =	simm.s32 $0xFFFFFFFF;
	p2 =	slt.u32 s8, $0xFFFFF086  }
0x1c: {  	p1 =	slt.u32 s9, $0xF7A;
	s5 =	simm.s32 @!p2 $0x0  }
0x1d: {  	s5 =	simm.s32 @p1 $0x1;
	p0 =	seq.s32 s7, s2  }
0x1e: {  	s7 =	smul.u32 @!p0 $0xF7A, s2;
	p2 =	seq.s32 @!p0 s5, $0x0  }
0x1f: {  	s9 =	smul.u32 $0xF7A, s1;
	s8 =	simm.s32 @!p0 $0x1BF5;
	p2 =	por !p2, p0  }
0x20: {  	[sflag:s8] =	ssyncset.s32 @!p0 $0xFFFFF086;
	s6 =	sadd.s32 @!p0 s3, s7;
	s7 =	simm.s32 @!p0 $0x108  }
0x21: {  	s3 =	sadd.s32 s3, s9;
	s6 =	sadd.s32 @!p0 $0x88, s6;
	s7 =	simm.s32 @p2 $0x1082  }
0x22: {  	[simem:s7], [sflag:s8] =	dma.local @!p0 [hbm:s6], $0xF7A  }
0x23: {  	s9 =	sor.u32 $0xD0000000, s2;
	s6 =	simm.s32 $0x108;
	_ =	swait.ge @!p0 [sflag:s8], $0x0  }
0x24: {  	s3 =	sadd.s32 $0x88, s3;
	s6 =	simm.s32 @!p1 $0x1082;
	[sflag:s4] =	ssyncset.s32 $0xFFFFF086  }
0x25: {  	[simem:s6], [sflag:s4] =	dma.local [hbm:s3], $0xF7A  }
0x26: {  	[smem:$0x3F9B] =	sst s1;
	(tag) =	ssettag s2;
	_ =	strace s9  }
0x27: {  	s1 =	sld [smem:$0x3FAB]  }
0x28: {  	s2 =	sld [smem:$0x3FAC]  }
0x29: {  	s4 =	sld [smem:$0x3FAE]  }
0x2a: {  	p0 =	seq.s32 s5, $0x0;
	s5 =	sld [smem:$0x3FAF]  }
0x2b: {  	s6 =	sld [smem:$0x3FB0]  }
0x2c: {  	s7 =	sld [smem:$0x3FB1]  }
0x2d: {  	s3 =	simm.s32 $0x108;
	s8 =	sld [smem:$0x3FB2]  }
0x2e: {  	s3 =	simm.s32 @!p0 $0x1082;
	s9 =	sld [smem:$0x3FB3]  }
0x2f: {  	lr =	sadd.s32 s0, s3;
	s0 =	sld [smem:$0x3FAA]  }
0x30: {  	s3 =	sld [smem:$0x3FAD]  }
0x31: {  	[smem:$0x3FB6] =	sst s10  }
0x32: {  	s10 =	sld [smem:$0x3FB4];
	_ =	sdelay $0x3  }
0x33: {  	p0 =	seq.s32 s10, $0x1;
	s10 =	sld [smem:$0x3FB6];
	_ =	sdelay $0x3  }
0x34: {  	[smem:$0x3FB6] =	sst s10  }
0x35: {  	s10 =	sld [smem:$0x3FB5];
	_ =	sdelay $0x3  }
0x36: {  	p1 =	seq.s32 s10, $0x1;
	s10 =	sld [smem:$0x3FB6];
	_ =	sdelay $0x3  }
0x37: {  	[smem:$0x3FB6] =	sst s10  }
0x38: {  	s10 =	sld [smem:$0x3FB7]  }
0x39: {  	_ = 	snop;
	(pc) =	sbr.ind lr, $3  }
0x3a: {  	_ = 	snop  }
0x3b: {  	_ = 	snop  }
0x3c: {  	p2 =	seq.s32 s10, $0x1;
	s10 =	sld [smem:$0x3FB6]  }
0x3d: {  	_ =	shalt  }
0x3e: {  	_ =	shalt  }
0x3f: {  	_ =	shalt  }
0x40: {  	_ =	shalt  }
0x41: {  	_ =	shalt  }
0x42: {  	_ =	shalt  }
0x43: {  	_ =	shalt  }
0x44: {  	_ =	shalt  }
0x45: {  	_ =	shalt  }
0x46: {  	_ =	shalt  }
0x47: {  	_ =	shalt  }
0x48: {  	_ =	shalt  }
0x49: {  	_ =	shalt  }
0x4a: {  	_ =	shalt  }
0x4b: {  	_ =	shalt  }
0x4c: {  	_ =	shalt  }
0x4d: {  	_ =	shalt  }
0x4e: {  	_ =	shalt  }
0x4f: {  	_ =	shalt  }
0x50: {  	_ =	shalt  }
0x51: {  	_ =	shalt  }
0x52: {  	_ =	shalt  }
0x53: {  	_ =	shalt  }
0x54: {  	_ =	shalt  }
0x55: {  	_ =	shalt  }
0x56: {  	_ =	shalt  }
0x57: {  	_ =	shalt  }
0x58: {  	_ =	shalt  }
0x59: {  	_ =	shalt  }
0x5a: {  	_ =	shalt  }
0x5b: {  	_ =	shalt  }
0x5c: {  	_ =	shalt  }
0x5d: {  	_ =	shalt  }
0x5e: {  	_ =	shalt  }
0x5f: {  	_ =	shalt  }
0x60: {  	_ =	shalt  }
0x61: {  	_ =	shalt  }
0x62: {  	_ =	shalt  }
0x63: {  	_ =	shalt  }
0x64: {  	_ =	shalt  }
0x65: {  	_ =	shalt  }
0x66: {  	_ =	shalt  }
0x67: {  	_ =	shalt  }
0x68: {  	_ =	shalt  }
0x69: {  	_ =	shalt  }
0x6a: {  	_ =	shalt  }
0x6b: {  	_ =	shalt  }
0x6c: {  	_ =	shalt  }
0x6d: {  	_ =	shalt  }
0x6e: {  	_ =	shalt  }
0x6f: {  	_ =	shalt  }
0x70: {  	_ =	shalt  }
0x71: {  	_ =	shalt  }
0x72: {  	_ =	shalt  }
0x73: {  	_ =	shalt  }
0x74: {  	_ =	shalt  }
0x75: {  	_ =	shalt  }
0x76: {  	_ =	shalt  }
0x77: {  	_ =	shalt  }
0x78: {  	_ =	shalt  }
0x79: {  	_ =	shalt  }
0x7a: {  	_ =	shalt  }
0x7b: {  	_ =	shalt  }
0x7c: {  	_ =	shalt  }
0x7d: {  	_ =	shalt  }
0x7e: {  	_ =	shalt  }
0x7f: {  	_ =	shalt  }
0x80: {  	_ =	shalt  }
0x81: {  	_ =	shalt  }
0x82: {  	_ =	shalt  }
0x83: {  	_ =	shalt  }
0x84: {  	_ =	shalt  }
0x85: {  	_ =	shalt  }
0x86: {  	_ =	shalt  }
0x87: {  	_ =	shalt  }
.Lfunc_end0:
.L_simem_size_0:
called_computation.1_lowered:
.L_overlay_start_0:
0x88: {  	s2 =	sld [smem:$0x3FD9]  }
0x89: {  	s3 =	sld [smem:$0x3FFE];
	_ =	sdelay $0x1  }
0x8a: {  	s1 =	srdreg.scid  }
0x8b: {  	s0 =	sand.u32 $0x1, s1  }
0x8c: {  	s16 =	sshll.u32 s0, $0xA;
	s2 =	sadd.s32 s3, s2  }
0x8d: {  	s2 =	sadd.s32 s2, s16  }
0x8e: {  	[smem:$0x3FC2] =	sst s2  }
0x8f: {  	_ = 	snop  }
0x90: {  	(tm) =	ssettm $0x1  }
0x91: {  	s17 =	sld [smem:$0x3FFB];
	_ =	sdelay $0x3  }
0x92: {  	_ =	strace s17  }
0x93: {  	s2 =	sld [smem:$0x3FFC];
	_ =	sdelay $0x3  }
0x94: {  	_ =	strace s2  }
0x95: {  	s2 =	sld [smem:$0x3FFD];
	_ =	sdelay $0x3  }
0x96: {  	_ =	strace s2  }
0x97: {  	_ =	strace $0x8FFFFFFF  }
0x98: {  	s18 =	sld [smem:$0x3FDB];
	_ =	sdelay $0x1  }
0x99: {  	s19 =	simm.s32 $_scs_section_size  }
0x9a: {  	s4 =	simm.s32 $_size__tile_overlayer_lowered;
	s5 =	simm.s32 $_tile_overlayer_lowered  }
0x9b: {  	s22 =	simm.s32 $0x1BFF;
	s21 =	sshll.u32 s5, $0x1;
	s2 =	sadd.s32 s19, s18  }
0x9c: {  	s6 =	simm.s32 $0x0;
	s20 =	sshll.u32 s4, $0x1;
	s4 =	sadd.s32 s21, s2  }
0x9d: {  	[timem:s6], [sflag:s22] =	dma.local [hbm:s4], s20  }
0x9e: {  	_ =	swait.ge [sflag:s22], s20  }
0x9f: {  	s3 =	ssub.s32 $0x0, s20;
	[sflag:s22] =	ssyncset.done $0x0  }
0xa0: {  	[sflag:s22] =	ssyncadd.s32 s3;
	_ =	sdelay $0x1  }
0xa1: {  	s23 =	simm.s32 $0x1B8B  }
0xa2: {  	_ =	swait.ge [sflag:s23], $0x1  }
0xa3: {  	[sflag:s23] =	ssyncset.done $0x0  }
0xa4: {  	s25 =	simm.s32 $0x1B8E;
	s24 =	sld [smem:$0x3FFE];
	[sflag:s23] =	ssyncadd.s32 $0xFFFFFFFF  }
0xa5: {  	s26 =	simm.s32 $execute0_lowered;
	[smem:$0x3FD2] =	sst s25  }
0xa6: {  	s4 =	sshll.u32 s26, $0x1;
	_ =	strace $0x80000049;
	[dreg:$0x1] =	wrdreg $0xFFFFFFFF  }
0xa7: {  	s28 =	simm.s32 $_size_execute0_lowered;
	s2 =	sadd.s32 s2, s4;
	[dreg:$0x0] =	wrdreg $0x0  }
0xa8: {  	s4 =	sshll.u32 s28, $0x1;
	[dreg:$0x2] =	wrdreg s2  }
0xa9: {  	[dreg:$0x3] =	wrdreg s4  }
0xaa: {  	[dreg:$0x4] =	wrdreg $0xC0  }
0xab: {  	_ =	task [dreg:s6], $0x5FFFF  }
0xac: {  	[dreg:$0x1] =	wrdreg $0xFFFFFFFF  }
0xad: {  	[dreg:$0x0] =	wrdreg $0x60  }
0xae: {  	[dreg:$0x2] =	wrdreg s24  }
0xaf: {  	[dreg:$0x3] =	wrdreg $0x132400  }
0xb0: {  	[dreg:$0x4] =	wrdreg $0x15A400  }
0xb1: {  	[dreg:$0x5] =	wrdreg $0x9  }
0xb2: {  	_ =	task.clear_ibuf [dreg:s6], $0x6FFFF;
	_ =	strace $0x90000049  }
0xb3: {  	s29 =	simm.s32 $0x9;
	_ =	strace $0x8000004B  }
0xb4: {  	_ =	swait.ge [sflag:s29], $0x1  }
0xb5: {  	[sflag:s29] =	ssyncadd.s32 $0xFFFFFFFF  }
0xb6: {  	_ =	strace $0x9000004B  }
0xb7: {  	_ =	sfence  }
0xb8: {  	s30 =	sld [smem:$0x0];
	_ =	sdelay $0x2  }
0xb9: {  	s31 =	sshll.u32 s1, $0xD;
	s1 =	sshrl.u32 s1, $0x2  }
0xba: {  	s3 =	sand.u32 $0x4000, s31;
	s1 =	sadd.s32 s1, s30  }
0xbb: {  	s0 =	sor.u32 s3, s0;
	s1 =	sshll.u32 s1, $0x11  }
0xbc: {  	s0 =	sor.u32 s1, s0  }
0xbd: {  	s0 =	sadd.s32 $0x8F2B, s0  }
0xbe: {  	[sflag:s0] =	ssyncadd.remote.s32 $0x1  }
0xbf: {  	_ =	sfence.sel $0xFFFF  }
0xc0: {  	[dreg:$0x0] =	wrdreg $0xFFFFFFFF;
	(pc) =	sbr.abs _section_cstart, $3  }
0xc1: {  	[dreg:$0x1] =	wrdreg $0xFFFFFFFF  }
0xc2: {  	_ =	task.clear_ibuf [dreg:s6], $0x2FFFF;
	_ =	strace $0x9FFFFFFF  }
0xc3: {  	(tm) =	ssettm $0x7FFFFFFF  }
tec
execute0_lowered:
.L_overlay_start_1:
0x0: {  	(tag) =	ssettag $0x1  }
0x1: {  	s4 =	rddreg [dreg:$0x0]  }
0x2: {  	s2 =	rddreg [dreg:$0x1]  }
0x3: {  	s3 =	rddreg [dreg:$0x2]  }
0x4: {  	s29 =	rddreg [dreg:$0x3];
	s24 =	simm.s32 $0x0  }
0x5: {  	s10 =	simm.s32 $0x1F8;
	[smem:$0x7FF] =	sst s24  }
0x6: {  	s11 =	simm.s32 $0x3F0;
	_ =	strace $0x8000004A;
	[dreg:$0x8] =	wrdreg s10  }
0x7: {  	s12 =	simm.s32 $0x2958;
	[dreg:$0x9] =	wrdreg s11  }
0x8: {  	s13 =	simm.s32 $0x5E8;
	[dreg:$0xa] =	wrdreg s12  }
0x9: {  	s14 =	simm.s32 $0x2B50;
	[dreg:$0xb] =	wrdreg s13  }
0xa: {  	s15 =	simm.s32 $0x7E0;
	[dreg:$0xc] =	wrdreg s14  }
0xb: {  	s16 =	simm.s32 $0x2D48;
	[dreg:$0xd] =	wrdreg s15  }
0xc: {  	s17 =	simm.s32 $0x9D8;
	[dreg:$0xe] =	wrdreg s16  }
0xd: {  	s18 =	simm.s32 $0x2F40;
	[dreg:$0xf] =	wrdreg s17  }
0xe: {  	s19 =	simm.s32 $0xBD0;
	[dreg:$0x10] =	wrdreg s18  }
0xf: {  	s1 =	srdreg.scid;
	s21 =	simm.s32 $0x3138;
	[dreg:$0x11] =	wrdreg s19  }
0x10: {  	s0 =	stileid.u32;
	s22 =	simm.s32 $0xDC8;
	[dreg:$0x12] =	wrdreg s21  }
0x11: {  	s23 =	simm.s32 $0x3330;
	s25 =	simm.s32 $0xFC0;
	[dreg:$0x13] =	wrdreg s22  }
0x12: {  	s28 =	simm.s32 $0x3528;
	p0 =	por $0x0, $0x0;
	[dreg:$0x14] =	wrdreg s23  }
0x13: {  	s5 =	sand.u32 $0x1, s1;
	s6 =	smul.u32 $0x2800, s0;
	[dreg:$0x15] =	wrdreg s25  }
0x14: {  	s7 =	sshll.u32 s5, $0x4;
	[dreg:$0x16] =	wrdreg s28;
	s10 =	simm.s32 $0x13B0  }
0x15: {  	s20 =	smul.u32 $0x5000, s5;
	s11 =	simm.s32 $0x3918;
	[dreg:$0x19] =	wrdreg s10  }
0x16: {  	s5 =	ssub.s32 $0x2, s5;
	s12 =	simm.s32 $0x15A8;
	[dreg:$0x1a] =	wrdreg s11  }
0x17: {  	s25 =	simm.s32 $0x2760;
	s14 =	simm.s32 $0x3B10;
	[dreg:$0x1b] =	wrdreg s12  }
0x18: {  	s15 =	simm.s32 $0x17A0;
	s17 =	simm.s32 $0x3D08;
	[dreg:$0x1c] =	wrdreg s14  }
0x19: {  	s18 =	simm.s32 $0x1998;
	s19 =	simm.s32 $0x3F00;
	[dreg:$0x1d] =	wrdreg s15  }
0x1a: {  	s21 =	simm.s32 $0x8D40;
	s22 =	simm.s32 $0x40F8;
	[dreg:$0x1e] =	wrdreg s17  }
0x1b: {  	s23 =	simm.s32 $0x1D88;
	s28 =	simm.s32 $0x42F0;
	[dreg:$0x1f] =	wrdreg s18  }
0x1c: {  	s7 =	sor.u32 s0, s7;
	s9 =	sshrl.u32 s6, $0x3;
	[smem:$0x7F8] =	sst s19  }
0x1d: {  	s26 =	sshrl.u32 s5, $0x1;
	s11 =	simm.s32 $0x4EC0;
	[smem:$0x7FA] =	sst s22  }
0x1e: {  	s10 =	simm.s32 $0x6E00;
	s18 =	simm.s32 $0xAC80;
	[smem:$0x7FB] =	sst s23  }
0x1f: {  	s14 =	simm.s32 $0xCBC0;
	s12 =	simm.s32 $0xEB00;
	[smem:$0x7FC] =	sst s28  }
0x20: {  	s15 =	simm.s32 $0x1F80;
	s23 =	simm.s32 $0x44E8;
	s22 =	simm.s32 $0x2178  }
0x21: {  	s19 =	simm.s32 $0x2370;
	s17 =	simm.s32 $0x48D8;
	s7 =	smul.u32 $0x4EC, s7  }
0x22: {  	s8 =	sadd.s32 s9, s4;
	s5 =	ssub.s32 s5, s26;
	s26 =	simm.s32 $0x10A40  }
0x23: {  	[smem:$0x7FD] =	sst s15;
	s15 =	simm.s32 $0x2568;
	s8 =	sadd.s32 $0x16400, s8  }
0x24: {  	s16 =	smax.u32 s5, $0x1;
	s5 =	simm.s32 $0x3;
	s7 =	sadd.s32 s7, s4  }
0x25: {  	[dreg:$0x4] =	wrdreg s8;
	s8 =	sadd.s32 s6, s3;
	p1 =	sne.s32 s16, $0x1  }
0x26: {  	s30 =	sadd.s32 $0xFFFFFFFF, s16;
	s16 =	simm.s32 $0x4AD0;
	[dreg:$0x7] =	wrdreg s8  }
0x27: {  	s1 =	sadd.s32 $0x2800, s7;
	s7 =	sadd.s32 $0xC580, s7;
	s31 =	rddreg [dreg:$0x4]  }
0x28: {  	s8 =	sadd.s32 s20, s4;
	s4 =	sadd.s32 s6, s2;
	[dreg:$0x5] =	wrdreg s1  }
.Ltmp0:
0x29: {  	s20 =	simm.s32 $0x1B90;
	[dreg:$0x6] =	wrdreg s7;
	(pc) =	sbr.rel @!p1 .LBB2_5-.Ltmp0, $4  }
0x2a: {  	s6 =	simm.s32 $0x1;
	s1 =	simm.s32 $0x11B8;
	[smem:$0x7F9] =	sst s20  }
0x2b: {  	s7 =	simm.s32 $0x3720;
	s13 =	sadd.s32 $0x1B400, s8;
	[dreg:$0x17] =	wrdreg s1  }
0x2c: {  	s8 =	simm.s32 $0x2;
	s20 =	simm.s32 $0x46E0;
	[dreg:$0x18] =	wrdreg s7  }
0x2d: {  	s7 =	simm.s32 $0x1F4;
	s9 =	sadd.s32 s9, s13;
	s13 =	simm.s32 $0x4CC8  }
0x2e: {  	[tilespmem:s26], [sflag:$0x1] =	stream.linear.gather [hbm4b:s31+s24], $0x2800, $0x38;
	[tilespmem:$0x18240] =	vst v63  }
0x2f: {  	s28 =	rddreg [dreg:$0x5]  }
0x30: {  	[tilespmem:s24], [sflag:$0x1] =	stream.linear.gather [hbm4b:s28+s24], $0x2760, $0x38;
	[tilespmem:$0x18240] =	vst v63  }
0x31: {  	s29 =	rddreg [dreg:$0x6]  }
0x32: {  	[tilespmem:s25], [sflag:$0x1] =	stream.linear.gather [hbm4b:s29+s24], $0x2760, $0x38;
	[tilespmem:$0x18240] =	vst v63  }
0x33: {  	_ =	swait.ge [sflag:s6], $0x2800  }
0x34: {  	[sflag:s6] =	ssyncset.done $0x0  }
0x35: {  	[sflag:s6] =	ssyncadd.s32 $0xFFFFD800  }
0x36: {  	_ =	swait.ge [sflag:s6], $0x2760  }
0x37: {  	[sflag:s6] =	ssyncset.done $0x0  }
0x38: {  	[sflag:s6] =	ssyncadd.s32 $0xFFFFD8A0  }
0x39: {  	_ =	swait.ge [sflag:s6], $0x2760  }
0x3a: {  	[sflag:s6] =	ssyncset.done $0x0  }
0x3b: {  	[sflag:s6] =	ssyncadd.s32 $0xFFFFD8A0  }
0x3c: {  	[spmem:s4] =	stream.linear.scatter [tilespmem:s26], [sflag:$0x3], $0x2800, $0x38;
	[tilespmem:$0x18240] =	vst v63  }
0x3d: {  	_ =	swait.ge [sflag:s5], $0x2800  }
0x3e: {  	[sflag:s5] =	ssyncset.done $0x0  }
0x3f: {  	s28 =	rddreg [dreg:$0x7];
	[sflag:s5] =	ssyncadd.s32 $0xFFFFD800  }
0x40: {  	[spmem:s28] =	stream.linear.scatter [tilespmem:s26], [sflag:$0x3], $0x2800, $0x38;
	[tilespmem:$0x18240] =	vst v63  }
0x41: {  	_ =	swait.ge [sflag:s5], $0x2800  }
0x42: {  	[sflag:s5] =	ssyncset.done $0x0  }
0x43: {  	[sflag:s5] =	ssyncadd.s32 $0xFFFFD800  }
0x44: {  	[bflag:$0x0] =	sbarrier.arrive $0xFFFF  }
0x45: {  	[tilespmem:s11], [sflag:$0x1] =	stream.indirect.gather [spmem:s3], $0x10, s24, s7, $0xb8;
	[tilespmem:$0x18240] =	vst v63  }
0x46: {  	s28 =	rddreg [dreg:$0x8]  }
0x47: {  	[tilespmem:s10], [sflag:$0x1] =	stream.indirect.gather [spmem:s3], $0x10, s28, s7, $0xb8;
	[tilespmem:$0x18240] =	vst v63  }
0x48: {  	_ =	swait.ge [sflag:s6], $0x1F40  }
0x49: {  	[sflag:s6] =	ssyncset.done $0x0  }
0x4a: {  	[sflag:s6] =	ssyncadd.s32 $0xFFFFE0C0  }
0x4b: {  	[spmem:s2] =	stream.indirect.scatter.add.f32 [tilespmem:s11], [sflag:$0x2], $0x10, s25, s7, $0xb8;
	[tilespmem:$0x18240] =	vst v63  }
0x4c: {  	s28 =	rddreg [dreg:$0x9]  }
0x4d: {  	[tilespmem:s21], [sflag:$0x1] =	stream.indirect.gather [spmem:s3], $0x10, s28, s7, $0xb8;
	[tilespmem:$0x18240] =	vst v63  }
0x4e: {  	_ =	swait.ge [sflag:s6], $0x1F40  }
0x4f: {  	[sflag:s6] =	ssyncset.done $0x0  }
0x50: {  	s28 =	rddreg [dreg:$0xa];
	[sflag:s6] =	ssyncadd.s32 $0xFFFFE0C0  }
0x51: {  	[spmem:s2] =	stream.indirect.scatter.add.f32 [tilespmem:s10], [sflag:$0x2], $0x10, s28, s7, $0xb8;
	[tilespmem:$0x18240] =	vst v63  }
0x52: {  	s29 =	rddreg [dreg:$0xb]  }
0x53: {  	[tilespmem:s18], [sflag:$0x1] =	stream.indirect.gather [spmem:s3], $0x10, s29, s7, $0xb8;
	[tilespmem:$0x18240] =	vst v63  }
0x54: {  	_ =	swait.ge [sflag:s6], $0x1F40  }
0x55: {  	[sflag:s6] =	ssyncset.done $0x0  }
0x56: {  	s28 =	rddreg [dreg:$0xc];
	[sflag:s6] =	ssyncadd.s32 $0xFFFFE0C0  }
0x57: {  	[spmem:s2] =	stream.indirect.scatter.add.f32 [tilespmem:s21], [sflag:$0x2], $0x10, s28, s7, $0xb8;
	[tilespmem:$0x18240] =	vst v63  }
0x58: {  	s29 =	rddreg [dreg:$0xd]  }
0x59: {  	[tilespmem:s14], [sflag:$0x1] =	stream.indirect.gather [spmem:s3], $0x10, s29, s7, $0xb8;
	[tilespmem:$0x18240] =	vst v63  }
0x5a: {  	_ =	swait.ge [sflag:s6], $0x1F40  }
0x5b: {  	[sflag:s6] =	ssyncset.done $0x0  }
0x5c: {  	s28 =	rddreg [dreg:$0xe];
	[sflag:s6] =	ssyncadd.s32 $0xFFFFE0C0  }
0x5d: {  	[spmem:s2] =	stream.indirect.scatter.add.f32 [tilespmem:s18], [sflag:$0x2], $0x10, s28, s7, $0xb8;
	[tilespmem:$0x18240] =	vst v63  }
0x5e: {  	s29 =	rddreg [dreg:$0xf]  }
0x5f: {  	[tilespmem:s12], [sflag:$0x1] =	stream.indirect.gather [spmem:s3], $0x10, s29, s7, $0xb8;
	[tilespmem:$0x18240] =	vst v63  }
0x60: {  	_ =	swait.ge [sflag:s6], $0x1F40  }
0x61: {  	[sflag:s6] =	ssyncset.done $0x0  }
0x62: {  	s28 =	rddreg [dreg:$0x10];
	[sflag:s6] =	ssyncadd.s32 $0xFFFFE0C0  }
0x63: {  	[spmem:s2] =	stream.indirect.scatter.add.f32 [tilespmem:s14], [sflag:$0x2], $0x10, s28, s7, $0xb8;
	[tilespmem:$0x18240] =	vst v63  }
0x64: {  	_ =	swait.ge [sflag:s8], $0x1F40  }
0x65: {  	[sflag:s8] =	ssyncset.done $0x0  }
0x66: {  	s28 =	rddreg [dreg:$0x11];
	[sflag:s8] =	ssyncadd.s32 $0xFFFFE0C0  }
0x67: {  	[tilespmem:s11], [sflag:$0x1] =	stream.indirect.gather [spmem:s3], $0x10, s28, s7, $0xb8;
	[tilespmem:$0x18240] =	vst v63  }
0x68: {  	_ =	swait.ge [sflag:s6], $0x1F40  }
0x69: {  	[sflag:s6] =	ssyncset.done $0x0  }
0x6a: {  	s28 =	rddreg [dreg:$0x12];
	[sflag:s6] =	ssyncadd.s32 $0xFFFFE0C0  }
0x6b: {  	[spmem:s2] =	stream.indirect.scatter.add.f32 [tilespmem:s12], [sflag:$0x2], $0x10, s28, s7, $0xb8;
	[tilespmem:$0x18240] =	vst v63  }
0x6c: {  	_ =	swait.ge [sflag:s8], $0x1F40  }
0x6d: {  	[sflag:s8] =	ssyncset.done $0x0  }
0x6e: {  	s28 =	rddreg [dreg:$0x13];
	[sflag:s8] =	ssyncadd.s32 $0xFFFFE0C0  }
0x6f: {  	[tilespmem:s10], [sflag:$0x1] =	stream.indirect.gather [spmem:s3], $0x10, s28, s7, $0xb8;
	[tilespmem:$0x18240] =	vst v63  }
0x70: {  	_ =	swait.ge [sflag:s6], $0x1F40  }
0x71: {  	[sflag:s6] =	ssyncset.done $0x0  }
0x72: {  	s28 =	rddreg [dreg:$0x14];
	[sflag:s6] =	ssyncadd.s32 $0xFFFFE0C0  }
0x73: {  	[spmem:s2] =	stream.indirect.scatter.add.f32 [tilespmem:s11], [sflag:$0x2], $0x10, s28, s7, $0xb8;
	[tilespmem:$0x18240] =	vst v63  }
0x74: {  	_ =	swait.ge [sflag:s8], $0x1F40  }
0x75: {  	[sflag:s8] =	ssyncset.done $0x0  }
0x76: {  	s28 =	rddreg [dreg:$0x15];
	[sflag:s8] =	ssyncadd.s32 $0xFFFFE0C0  }
0x77: {  	[tilespmem:s21], [sflag:$0x1] =	stream.indirect.gather [spmem:s3], $0x10, s28, s7, $0xb8;
	[tilespmem:$0x18240] =	vst v63  }
0x78: {  	_ =	swait.ge [sflag:s6], $0x1F40  }
0x79: {  	[sflag:s6] =	ssyncset.done $0x0  }
0x7a: {  	s28 =	rddreg [dreg:$0x16];
	[sflag:s6] =	ssyncadd.s32 $0xFFFFE0C0  }
0x7b: {  	[spmem:s2] =	stream.indirect.scatter.add.f32 [tilespmem:s10], [sflag:$0x2], $0x10, s28, s7, $0xb8;
	[tilespmem:$0x18240] =	vst v63  }
0x7c: {  	_ =	swait.ge [sflag:s8], $0x1F40  }
0x7d: {  	[sflag:s8] =	ssyncset.done $0x0  }
0x7e: {  	s28 =	rddreg [dreg:$0x17];
	[sflag:s8] =	ssyncadd.s32 $0xFFFFE0C0  }
0x7f: {  	[tilespmem:s18], [sflag:$0x1] =	stream.indirect.gather [spmem:s3], $0x10, s28, s7, $0xb8;
	[tilespmem:$0x18240] =	vst v63  }
0x80: {  	_ =	swait.ge [sflag:s6], $0x1F40  }
0x81: {  	[sflag:s6] =	ssyncset.done $0x0  }
0x82: {  	s28 =	rddreg [dreg:$0x18];
	[sflag:s6] =	ssyncadd.s32 $0xFFFFE0C0  }
0x83: {  	[spmem:s2] =	stream.indirect.scatter.add.f32 [tilespmem:s21], [sflag:$0x2], $0x10, s28, s7, $0xb8;
	[tilespmem:$0x18240] =	vst v63  }
0x84: {  	_ =	swait.ge [sflag:s8], $0x1F40  }
0x85: {  	[sflag:s8] =	ssyncset.done $0x0  }
0x86: {  	s28 =	rddreg [dreg:$0x19];
	[sflag:s8] =	ssyncadd.s32 $0xFFFFE0C0  }
0x87: {  	[tilespmem:s14], [sflag:$0x1] =	stream.indirect.gather [spmem:s3], $0x10, s28, s7, $0xb8;
	[tilespmem:$0x18240] =	vst v63  }
0x88: {  	_ =	swait.ge [sflag:s6], $0x1F40  }
0x89: {  	[sflag:s6] =	ssyncset.done $0x0  }
0x8a: {  	s28 =	rddreg [dreg:$0x1a];
	[sflag:s6] =	ssyncadd.s32 $0xFFFFE0C0  }
0x8b: {  	[spmem:s2] =	stream.indirect.scatter.add.f32 [tilespmem:s18], [sflag:$0x2], $0x10, s28, s7, $0xb8;
	[tilespmem:$0x18240] =	vst v63  }
0x8c: {  	_ =	swait.ge [sflag:s8], $0x1F40  }
0x8d: {  	[sflag:s8] =	ssyncset.done $0x0  }
0x8e: {  	s28 =	rddreg [dreg:$0x1b];
	[sflag:s8] =	ssyncadd.s32 $0xFFFFE0C0  }
0x8f: {  	[tilespmem:s12], [sflag:$0x1] =	stream.indirect.gather [spmem:s3], $0x10, s28, s7, $0xb8;
	[tilespmem:$0x18240] =	vst v63  }
0x90: {  	_ =	swait.ge [sflag:s6], $0x1F40  }
0x91: {  	[sflag:s6] =	ssyncset.done $0x0  }
0x92: {  	s28 =	rddreg [dreg:$0x1c];
	[sflag:s6] =	ssyncadd.s32 $0xFFFFE0C0  }
0x93: {  	[spmem:s2] =	stream.indirect.scatter.add.f32 [tilespmem:s14], [sflag:$0x2], $0x10, s28, s7, $0xb8;
	[tilespmem:$0x18240] =	vst v63  }
0x94: {  	_ =	swait.ge [sflag:s8], $0x1F40  }
0x95: {  	[sflag:s8] =	ssyncset.done $0x0  }
0x96: {  	s28 =	rddreg [dreg:$0x1d];
	[sflag:s8] =	ssyncadd.s32 $0xFFFFE0C0  }
0x97: {  	[tilespmem:s11], [sflag:$0x1] =	stream.indirect.gather [spmem:s3], $0x10, s28, s7, $0xb8;
	[tilespmem:$0x18240] =	vst v63  }
0x98: {  	_ =	swait.ge [sflag:s6], $0x1F40  }
0x99: {  	[sflag:s6] =	ssyncset.done $0x0  }
0x9a: {  	s28 =	rddreg [dreg:$0x1e];
	[sflag:s6] =	ssyncadd.s32 $0xFFFFE0C0  }
0x9b: {  	[spmem:s2] =	stream.indirect.scatter.add.f32 [tilespmem:s12], [sflag:$0x2], $0x10, s28, s7, $0xb8;
	[tilespmem:$0x18240] =	vst v63  }
0x9c: {  	_ =	swait.ge [sflag:s8], $0x1F40  }
0x9d: {  	[sflag:s8] =	ssyncset.done $0x0  }
0x9e: {  	s28 =	rddreg [dreg:$0x1f];
	[sflag:s8] =	ssyncadd.s32 $0xFFFFE0C0  }
0x9f: {  	[tilespmem:s10], [sflag:$0x1] =	stream.indirect.gather [spmem:s3], $0x10, s28, s7, $0xb8;
	[tilespmem:$0x18240] =	vst v63  }
0xa0: {  	_ =	swait.ge [sflag:s6], $0x1F40  }
0xa1: {  	s28 =	sld [smem:$0x7F8]  }
0xa2: {  	[sflag:s6] =	ssyncset.done $0x0  }
0xa3: {  	[sflag:s6] =	ssyncadd.s32 $0xFFFFE0C0  }
0xa4: {  	[spmem:s2] =	stream.indirect.scatter.add.f32 [tilespmem:s11], [sflag:$0x2], $0x10, s28, s7, $0xb8;
	[tilespmem:$0x18240] =	vst v63  }
0xa5: {  	_ =	swait.ge [sflag:s8], $0x1F40  }
0xa6: {  	s28 =	sld [smem:$0x7F9]  }
0xa7: {  	[sflag:s8] =	ssyncset.done $0x0  }
0xa8: {  	[sflag:s8] =	ssyncadd.s32 $0xFFFFE0C0  }
0xa9: {  	[tilespmem:s21], [sflag:$0x1] =	stream.indirect.gather [spmem:s3], $0x10, s28, s7, $0xb8;
	[tilespmem:$0x18240] =	vst v63  }
0xaa: {  	_ =	swait.ge [sflag:s6], $0x1F40  }
0xab: {  	s28 =	sld [smem:$0x7FA]  }
0xac: {  	[sflag:s6] =	ssyncset.done $0x0  }
0xad: {  	[sflag:s6] =	ssyncadd.s32 $0xFFFFE0C0  }
0xae: {  	[spmem:s2] =	stream.indirect.scatter.add.f32 [tilespmem:s10], [sflag:$0x2], $0x10, s28, s7, $0xb8;
	[tilespmem:$0x18240] =	vst v63  }
0xaf: {  	_ =	swait.ge [sflag:s8], $0x1F40  }
0xb0: {  	s28 =	sld [smem:$0x7FB]  }
0xb1: {  	[sflag:s8] =	ssyncset.done $0x0  }
0xb2: {  	[sflag:s8] =	ssyncadd.s32 $0xFFFFE0C0  }
0xb3: {  	[tilespmem:s18], [sflag:$0x1] =	stream.indirect.gather [spmem:s3], $0x10, s28, s7, $0xb8;
	[tilespmem:$0x18240] =	vst v63  }
0xb4: {  	_ =	swait.ge [sflag:s6], $0x1F40  }
0xb5: {  	s28 =	sld [smem:$0x7FC]  }
0xb6: {  	[sflag:s6] =	ssyncset.done $0x0  }
0xb7: {  	[sflag:s6] =	ssyncadd.s32 $0xFFFFE0C0  }
0xb8: {  	[spmem:s2] =	stream.indirect.scatter.add.f32 [tilespmem:s21], [sflag:$0x2], $0x10, s28, s7, $0xb8;
	[tilespmem:$0x18240] =	vst v63  }
0xb9: {  	_ =	swait.ge [sflag:s8], $0x1F40  }
0xba: {  	s28 =	sld [smem:$0x7FD]  }
0xbb: {  	[sflag:s8] =	ssyncset.done $0x0  }
0xbc: {  	[sflag:s8] =	ssyncadd.s32 $0xFFFFE0C0  }
0xbd: {  	[tilespmem:s14], [sflag:$0x1] =	stream.indirect.gather [spmem:s3], $0x10, s28, s7, $0xb8;
	[tilespmem:$0x18240] =	vst v63  }
0xbe: {  	_ =	swait.ge [sflag:s6], $0x1F40  }
0xbf: {  	[sflag:s6] =	ssyncset.done $0x0  }
0xc0: {  	[sflag:s6] =	ssyncadd.s32 $0xFFFFE0C0  }
0xc1: {  	[spmem:s2] =	stream.indirect.scatter.add.f32 [tilespmem:s18], [sflag:$0x2], $0x10, s23, s7, $0xb8;
	[tilespmem:$0x18240] =	vst v63  }
0xc2: {  	_ =	swait.ge [sflag:s8], $0x1F40  }
0xc3: {  	[sflag:s8] =	ssyncset.done $0x0  }
0xc4: {  	[sflag:s8] =	ssyncadd.s32 $0xFFFFE0C0  }
0xc5: {  	[tilespmem:s12], [sflag:$0x1] =	stream.indirect.gather [spmem:s3], $0x10, s22, s7, $0xb8;
	[tilespmem:$0x18240] =	vst v63  }
0xc6: {  	_ =	swait.ge [sflag:s6], $0x1F40  }
0xc7: {  	[sflag:s6] =	ssyncset.done $0x0  }
0xc8: {  	[sflag:s6] =	ssyncadd.s32 $0xFFFFE0C0  }
0xc9: {  	[spmem:s2] =	stream.indirect.scatter.add.f32 [tilespmem:s14], [sflag:$0x2], $0x10, s20, s7, $0xb8;
	[tilespmem:$0x18240] =	vst v63  }
0xca: {  	_ =	swait.ge [sflag:s8], $0x1F40  }
0xcb: {  	[sflag:s8] =	ssyncset.done $0x0  }
0xcc: {  	[sflag:s8] =	ssyncadd.s32 $0xFFFFE0C0  }
0xcd: {  	[tilespmem:s11], [sflag:$0x1] =	stream.indirect.gather [spmem:s3], $0x10, s19, s7, $0xb8;
	[tilespmem:$0x18240] =	vst v63  }
0xce: {  	_ =	swait.ge [sflag:s6], $0x1F40  }
0xcf: {  	[sflag:s6] =	ssyncset.done $0x0  }
0xd0: {  	[sflag:s6] =	ssyncadd.s32 $0xFFFFE0C0  }
0xd1: {  	[spmem:s2] =	stream.indirect.scatter.add.f32 [tilespmem:s12], [sflag:$0x2], $0x10, s17, s7, $0xb8;
	[tilespmem:$0x18240] =	vst v63  }
0xd2: {  	_ =	swait.ge [sflag:s8], $0x1F40  }
0xd3: {  	[sflag:s8] =	ssyncset.done $0x0  }
0xd4: {  	[sflag:s8] =	ssyncadd.s32 $0xFFFFE0C0  }
0xd5: {  	[tilespmem:s10], [sflag:$0x1] =	stream.indirect.gather [spmem:s3], $0x10, s15, s7, $0xb8;
	[tilespmem:$0x18240] =	vst v63  }
0xd6: {  	_ =	swait.ge [sflag:s6], $0x1F40  }
0xd7: {  	[sflag:s6] =	ssyncset.done $0x0  }
0xd8: {  	[sflag:s6] =	ssyncadd.s32 $0xFFFFE0C0  }
0xd9: {  	[spmem:s2] =	stream.indirect.scatter.add.f32 [tilespmem:s11], [sflag:$0x2], $0x10, s16, s7, $0xb8;
	[tilespmem:$0x18240] =	vst v63  }
0xda: {  	_ =	swait.ge [sflag:s6], $0x1F40  }
0xdb: {  	[sflag:s6] =	ssyncset.done $0x0  }
0xdc: {  	[sflag:s6] =	ssyncadd.s32 $0xFFFFE0C0  }
0xdd: {  	[spmem:s2] =	stream.indirect.scatter.add.f32 [tilespmem:s10], [sflag:$0x2], $0x10, s13, s7, $0xb8;
	[tilespmem:$0x18240] =	vst v63  }
0xde: {  	_ =	swait.ge [sflag:s8], $0x1F40  }
0xdf: {  	[sflag:s8] =	ssyncset.done $0x0  }
0xe0: {  	[sflag:s8] =	ssyncadd.s32 $0xFFFFE0C0  }
0xe1: {  	_ =	swait.ge [sflag:s8], $0x1F40  }
0xe2: {  	[sflag:s8] =	ssyncset.done $0x0  }
0xe3: {  	[sflag:s8] =	ssyncadd.s32 $0xFFFFE0C0  }
0xe4: {  	_ =	swait.ge [sflag:s8], $0x1F40  }
0xe5: {  	[sflag:s8] =	ssyncset.done $0x0  }
0xe6: {  	[sflag:s8] =	ssyncadd.s32 $0xFFFFE0C0  }
0xe7: {  	_ =	swait.ge [sflag:s8], $0x1F40  }
0xe8: {  	[sflag:s8] =	ssyncset.done $0x0  }
0xe9: {  	[sflag:s8] =	ssyncadd.s32 $0xFFFFE0C0  }
0xea: {  	_ =	swait.ge [sflag:s8], $0x1F40  }
0xeb: {  	[sflag:s8] =	ssyncset.done $0x0  }
0xec: {  	[sflag:s8] =	ssyncadd.s32 $0xFFFFE0C0  }
0xed: {  	_ =	swait.ge [sflag:s8], $0x1F40  }
0xee: {  	p1 =	sne.s32 s30, $0x1;
	[sflag:s8] =	ssyncset.done $0x0  }
.Ltmp1:
0xef: {  	s28 =	sshll.u32 s0, $0x6;
	[sflag:s8] =	ssyncadd.s32 $0xFFFFE0C0;
	(pc) =	sbr.rel @!p1 .LBB2_2-.Ltmp1, $4  }
0xf0: {  	s29 =	sshrl.u32 s4, $0x3;
	s28 =	sor.u32 $0x1C03, s28;
	[bflag:$0x0] =	sbarrier.arrive $0xFFFF  }
0xf1: {  	[hbm:s9], [sflag:s28] =	dma.local [spmem:s29], $0x500  }
0xf2: {  	s30 =	sadd.s32 $0xFFFFFFFF, s30;
	_ =	swait.ge [sflag:s5], $0x500  }
0xf3: {  	p0 =	por $0x1, $0x1;
	s31 =	rddreg [dreg:$0x4];
	[sflag:s5] =	ssyncset.done $0x0  }
.LBB2_3:
0xf4: {  	[sflag:s5] =	ssyncadd.s32 $0xFFFFFB00  }
0xf5: {  	[tilespmem:s26], [sflag:$0x1] =	stream.linear.gather [hbm4b:s31+s24], $0x2800, $0x38;
	[tilespmem:$0x18240] =	vst v63  }
0xf6: {  	s1 =	rddreg [dreg:$0x5]  }
0xf7: {  	[tilespmem:s24], [sflag:$0x1] =	stream.linear.gather [hbm4b:s1+s24], $0x2760, $0x38;
	[tilespmem:$0x18240] =	vst v63  }
0xf8: {  	s31 =	rddreg [dreg:$0x6]  }
0xf9: {  	[tilespmem:s25], [sflag:$0x1] =	stream.linear.gather [hbm4b:s31+s24], $0x2760, $0x38;
	[tilespmem:$0x18240] =	vst v63  }
0xfa: {  	_ =	swait.ge [sflag:s6], $0x2800  }
0xfb: {  	[sflag:s6] =	ssyncset.done $0x0  }
0xfc: {  	[sflag:s6] =	ssyncadd.s32 $0xFFFFD800  }
0xfd: {  	_ =	swait.ge [sflag:s6], $0x2760  }
0xfe: {  	[sflag:s6] =	ssyncset.done $0x0  }
0xff: {  	[sflag:s6] =	ssyncadd.s32 $0xFFFFD8A0  }
0x100: {  	_ =	swait.ge [sflag:s6], $0x2760  }
0x101: {  	[sflag:s6] =	ssyncset.done $0x0  }
0x102: {  	[sflag:s6] =	ssyncadd.s32 $0xFFFFD8A0  }
0x103: {  	[spmem:s4] =	stream.linear.scatter [tilespmem:s26], [sflag:$0x3], $0x2800, $0x38;
	[tilespmem:$0x18240] =	vst v63  }
0x104: {  	_ =	swait.ge [sflag:s5], $0x2800  }
0x105: {  	[sflag:s5] =	ssyncset.done $0x0  }
0x106: {  	s1 =	rddreg [dreg:$0x7];
	[sflag:s5] =	ssyncadd.s32 $0xFFFFD800  }
0x107: {  	[spmem:s1] =	stream.linear.scatter [tilespmem:s26], [sflag:$0x3], $0x2800, $0x38;
	[tilespmem:$0x18240] =	vst v63  }
0x108: {  	_ =	swait.ge [sflag:s5], $0x2800  }
0x109: {  	[sflag:s5] =	ssyncset.done $0x0  }
0x10a: {  	[sflag:s5] =	ssyncadd.s32 $0xFFFFD800  }
0x10b: {  	[bflag:$0x0] =	sbarrier.arrive $0xFFFF  }
0x10c: {  	[tilespmem:s11], [sflag:$0x1] =	stream.indirect.gather [spmem:s3], $0x10, s24, s7, $0xb8;
	[tilespmem:$0x18240] =	vst v63  }
0x10d: {  	s1 =	rddreg [dreg:$0x8]  }
0x10e: {  	[tilespmem:s10], [sflag:$0x1] =	stream.indirect.gather [spmem:s3], $0x10, s1, s7, $0xb8;
	[tilespmem:$0x18240] =	vst v63  }
0x10f: {  	_ =	swait.ge [sflag:s6], $0x1F40  }
0x110: {  	[sflag:s6] =	ssyncset.done $0x0  }
0x111: {  	[sflag:s6] =	ssyncadd.s32 $0xFFFFE0C0  }
0x112: {  	[spmem:s2] =	stream.indirect.scatter.add.f32 [tilespmem:s11], [sflag:$0x2], $0x10, s25, s7, $0xb8;
	[tilespmem:$0x18240] =	vst v63  }
0x113: {  	s1 =	rddreg [dreg:$0x9]  }
0x114: {  	[tilespmem:s21], [sflag:$0x1] =	stream.indirect.gather [spmem:s3], $0x10, s1, s7, $0xb8;
	[tilespmem:$0x18240] =	vst v63  }
0x115: {  	_ =	swait.ge [sflag:s6], $0x1F40  }
0x116: {  	[sflag:s6] =	ssyncset.done $0x0  }
0x117: {  	s1 =	rddreg [dreg:$0xa];
	[sflag:s6] =	ssyncadd.s32 $0xFFFFE0C0  }
0x118: {  	[spmem:s2] =	stream.indirect.scatter.add.f32 [tilespmem:s10], [sflag:$0x2], $0x10, s1, s7, $0xb8;
	[tilespmem:$0x18240] =	vst v63  }
0x119: {  	s31 =	rddreg [dreg:$0xb]  }
0x11a: {  	[tilespmem:s18], [sflag:$0x1] =	stream.indirect.gather [spmem:s3], $0x10, s31, s7, $0xb8;
	[tilespmem:$0x18240] =	vst v63  }
0x11b: {  	_ =	swait.ge [sflag:s6], $0x1F40  }
0x11c: {  	[sflag:s6] =	ssyncset.done $0x0  }
0x11d: {  	s1 =	rddreg [dreg:$0xc];
	[sflag:s6] =	ssyncadd.s32 $0xFFFFE0C0  }
0x11e: {  	[spmem:s2] =	stream.indirect.scatter.add.f32 [tilespmem:s21], [sflag:$0x2], $0x10, s1, s7, $0xb8;
	[tilespmem:$0x18240] =	vst v63  }
0x11f: {  	s31 =	rddreg [dreg:$0xd]  }
0x120: {  	[tilespmem:s14], [sflag:$0x1] =	stream.indirect.gather [spmem:s3], $0x10, s31, s7, $0xb8;
	[tilespmem:$0x18240] =	vst v63  }
0x121: {  	_ =	swait.ge [sflag:s6], $0x1F40  }
0x122: {  	[sflag:s6] =	ssyncset.done $0x0  }
0x123: {  	s1 =	rddreg [dreg:$0xe];
	[sflag:s6] =	ssyncadd.s32 $0xFFFFE0C0  }
0x124: {  	[spmem:s2] =	stream.indirect.scatter.add.f32 [tilespmem:s18], [sflag:$0x2], $0x10, s1, s7, $0xb8;
	[tilespmem:$0x18240] =	vst v63  }
0x125: {  	s31 =	rddreg [dreg:$0xf]  }
0x126: {  	[tilespmem:s12], [sflag:$0x1] =	stream.indirect.gather [spmem:s3], $0x10, s31, s7, $0xb8;
	[tilespmem:$0x18240] =	vst v63  }
0x127: {  	_ =	swait.ge [sflag:s6], $0x1F40  }
0x128: {  	[sflag:s6] =	ssyncset.done $0x0  }
0x129: {  	s1 =	rddreg [dreg:$0x10];
	[sflag:s6] =	ssyncadd.s32 $0xFFFFE0C0  }
0x12a: {  	[spmem:s2] =	stream.indirect.scatter.add.f32 [tilespmem:s14], [sflag:$0x2], $0x10, s1, s7, $0xb8;
	[tilespmem:$0x18240] =	vst v63  }
0x12b: {  	_ =	swait.ge [sflag:s8], $0x1F40  }
0x12c: {  	[sflag:s8] =	ssyncset.done $0x0  }
0x12d: {  	s1 =	rddreg [dreg:$0x11];
	[sflag:s8] =	ssyncadd.s32 $0xFFFFE0C0  }
0x12e: {  	[tilespmem:s11], [sflag:$0x1] =	stream.indirect.gather [spmem:s3], $0x10, s1, s7, $0xb8;
	[tilespmem:$0x18240] =	vst v63  }
0x12f: {  	_ =	swait.ge [sflag:s6], $0x1F40  }
0x130: {  	[sflag:s6] =	ssyncset.done $0x0  }
0x131: {  	s1 =	rddreg [dreg:$0x12];
	[sflag:s6] =	ssyncadd.s32 $0xFFFFE0C0  }
0x132: {  	[spmem:s2] =	stream.indirect.scatter.add.f32 [tilespmem:s12], [sflag:$0x2], $0x10, s1, s7, $0xb8;
	[tilespmem:$0x18240] =	vst v63  }
0x133: {  	_ =	swait.ge [sflag:s8], $0x1F40  }
0x134: {  	[sflag:s8] =	ssyncset.done $0x0  }
0x135: {  	s1 =	rddreg [dreg:$0x13];
	[sflag:s8] =	ssyncadd.s32 $0xFFFFE0C0  }
0x136: {  	[tilespmem:s10], [sflag:$0x1] =	stream.indirect.gather [spmem:s3], $0x10, s1, s7, $0xb8;
	[tilespmem:$0x18240] =	vst v63  }
0x137: {  	_ =	swait.ge [sflag:s6], $0x1F40  }
0x138: {  	[sflag:s6] =	ssyncset.done $0x0  }
0x139: {  	s1 =	rddreg [dreg:$0x14];
	[sflag:s6] =	ssyncadd.s32 $0xFFFFE0C0  }
0x13a: {  	[spmem:s2] =	stream.indirect.scatter.add.f32 [tilespmem:s11], [sflag:$0x2], $0x10, s1, s7, $0xb8;
	[tilespmem:$0x18240] =	vst v63  }
0x13b: {  	_ =	swait.ge [sflag:s8], $0x1F40  }
0x13c: {  	[sflag:s8] =	ssyncset.done $0x0  }
0x13d: {  	s1 =	rddreg [dreg:$0x15];
	[sflag:s8] =	ssyncadd.s32 $0xFFFFE0C0  }
0x13e: {  	[tilespmem:s21], [sflag:$0x1] =	stream.indirect.gather [spmem:s3], $0x10, s1, s7, $0xb8;
	[tilespmem:$0x18240] =	vst v63  }
0x13f: {  	_ =	swait.ge [sflag:s6], $0x1F40  }
0x140: {  	[sflag:s6] =	ssyncset.done $0x0  }
0x141: {  	s1 =	rddreg [dreg:$0x16];
	[sflag:s6] =	ssyncadd.s32 $0xFFFFE0C0  }
0x142: {  	[spmem:s2] =	stream.indirect.scatter.add.f32 [tilespmem:s10], [sflag:$0x2], $0x10, s1, s7, $0xb8;
	[tilespmem:$0x18240] =	vst v63  }
0x143: {  	_ =	swait.ge [sflag:s8], $0x1F40  }
0x144: {  	[sflag:s8] =	ssyncset.done $0x0  }
0x145: {  	s1 =	rddreg [dreg:$0x17];
	[sflag:s8] =	ssyncadd.s32 $0xFFFFE0C0  }
0x146: {  	[tilespmem:s18], [sflag:$0x1] =	stream.indirect.gather [spmem:s3], $0x10, s1, s7, $0xb8;
	[tilespmem:$0x18240] =	vst v63  }
0x147: {  	_ =	swait.ge [sflag:s6], $0x1F40  }
0x148: {  	[sflag:s6] =	ssyncset.done $0x0  }
0x149: {  	s1 =	rddreg [dreg:$0x18];
	[sflag:s6] =	ssyncadd.s32 $0xFFFFE0C0  }
0x14a: {  	[spmem:s2] =	stream.indirect.scatter.add.f32 [tilespmem:s21], [sflag:$0x2], $0x10, s1, s7, $0xb8;
	[tilespmem:$0x18240] =	vst v63  }
0x14b: {  	_ =	swait.ge [sflag:s8], $0x1F40  }
0x14c: {  	[sflag:s8] =	ssyncset.done $0x0  }
0x14d: {  	s1 =	rddreg [dreg:$0x19];
	[sflag:s8] =	ssyncadd.s32 $0xFFFFE0C0  }
0x14e: {  	[tilespmem:s14], [sflag:$0x1] =	stream.indirect.gather [spmem:s3], $0x10, s1, s7, $0xb8;
	[tilespmem:$0x18240] =	vst v63  }
0x14f: {  	_ =	swait.ge [sflag:s6], $0x1F40  }
0x150: {  	[sflag:s6] =	ssyncset.done $0x0  }
0x151: {  	s1 =	rddreg [dreg:$0x1a];
	[sflag:s6] =	ssyncadd.s32 $0xFFFFE0C0  }
0x152: {  	[spmem:s2] =	stream.indirect.scatter.add.f32 [tilespmem:s18], [sflag:$0x2], $0x10, s1, s7, $0xb8;
	[tilespmem:$0x18240] =	vst v63  }
0x153: {  	_ =	swait.ge [sflag:s8], $0x1F40  }
0x154: {  	[sflag:s8] =	ssyncset.done $0x0  }
0x155: {  	s1 =	rddreg [dreg:$0x1b];
	[sflag:s8] =	ssyncadd.s32 $0xFFFFE0C0  }
0x156: {  	[tilespmem:s12], [sflag:$0x1] =	stream.indirect.gather [spmem:s3], $0x10, s1, s7, $0xb8;
	[tilespmem:$0x18240] =	vst v63  }
0x157: {  	_ =	swait.ge [sflag:s6], $0x1F40  }
0x158: {  	[sflag:s6] =	ssyncset.done $0x0  }
0x159: {  	s1 =	rddreg [dreg:$0x1c];
	[sflag:s6] =	ssyncadd.s32 $0xFFFFE0C0  }
0x15a: {  	[spmem:s2] =	stream.indirect.scatter.add.f32 [tilespmem:s14], [sflag:$0x2], $0x10, s1, s7, $0xb8;
	[tilespmem:$0x18240] =	vst v63  }
0x15b: {  	_ =	swait.ge [sflag:s8], $0x1F40  }
0x15c: {  	[sflag:s8] =	ssyncset.done $0x0  }
0x15d: {  	s1 =	rddreg [dreg:$0x1d];
	[sflag:s8] =	ssyncadd.s32 $0xFFFFE0C0  }
0x15e: {  	[tilespmem:s11], [sflag:$0x1] =	stream.indirect.gather [spmem:s3], $0x10, s1, s7, $0xb8;
	[tilespmem:$0x18240] =	vst v63  }
0x15f: {  	_ =	swait.ge [sflag:s6], $0x1F40  }
0x160: {  	[sflag:s6] =	ssyncset.done $0x0  }
0x161: {  	s1 =	rddreg [dreg:$0x1e];
	[sflag:s6] =	ssyncadd.s32 $0xFFFFE0C0  }
0x162: {  	[spmem:s2] =	stream.indirect.scatter.add.f32 [tilespmem:s12], [sflag:$0x2], $0x10, s1, s7, $0xb8;
	[tilespmem:$0x18240] =	vst v63  }
0x163: {  	_ =	swait.ge [sflag:s8], $0x1F40  }
0x164: {  	[sflag:s8] =	ssyncset.done $0x0  }
0x165: {  	s1 =	rddreg [dreg:$0x1f];
	[sflag:s8] =	ssyncadd.s32 $0xFFFFE0C0  }
0x166: {  	[tilespmem:s10], [sflag:$0x1] =	stream.indirect.gather [spmem:s3], $0x10, s1, s7, $0xb8;
	[tilespmem:$0x18240] =	vst v63  }
0x167: {  	_ =	swait.ge [sflag:s6], $0x1F40  }
0x168: {  	s1 =	sld [smem:$0x7F8]  }
0x169: {  	[sflag:s6] =	ssyncset.done $0x0  }
0x16a: {  	[sflag:s6] =	ssyncadd.s32 $0xFFFFE0C0  }
0x16b: {  	[spmem:s2] =	stream.indirect.scatter.add.f32 [tilespmem:s11], [sflag:$0x2], $0x10, s1, s7, $0xb8;
	[tilespmem:$0x18240] =	vst v63  }
0x16c: {  	_ =	swait.ge [sflag:s8], $0x1F40  }
0x16d: {  	s1 =	sld [smem:$0x7F9]  }
0x16e: {  	[sflag:s8] =	ssyncset.done $0x0  }
0x16f: {  	[sflag:s8] =	ssyncadd.s32 $0xFFFFE0C0  }
0x170: {  	[tilespmem:s21], [sflag:$0x1] =	stream.indirect.gather [spmem:s3], $0x10, s1, s7, $0xb8;
	[tilespmem:$0x18240] =	vst v63  }
0x171: {  	_ =	swait.ge [sflag:s6], $0x1F40  }
0x172: {  	s1 =	sld [smem:$0x7FA]  }
0x173: {  	[sflag:s6] =	ssyncset.done $0x0  }
0x174: {  	[sflag:s6] =	ssyncadd.s32 $0xFFFFE0C0  }
0x175: {  	[spmem:s2] =	stream.indirect.scatter.add.f32 [tilespmem:s10], [sflag:$0x2], $0x10, s1, s7, $0xb8;
	[tilespmem:$0x18240] =	vst v63  }
0x176: {  	_ =	swait.ge [sflag:s8], $0x1F40  }
0x177: {  	s1 =	sld [smem:$0x7FB]  }
0x178: {  	[sflag:s8] =	ssyncset.done $0x0  }
0x179: {  	[sflag:s8] =	ssyncadd.s32 $0xFFFFE0C0  }
0x17a: {  	[tilespmem:s18], [sflag:$0x1] =	stream.indirect.gather [spmem:s3], $0x10, s1, s7, $0xb8;
	[tilespmem:$0x18240] =	vst v63  }
0x17b: {  	_ =	swait.ge [sflag:s6], $0x1F40  }
0x17c: {  	s1 =	sld [smem:$0x7FC]  }
0x17d: {  	[sflag:s6] =	ssyncset.done $0x0  }
0x17e: {  	[sflag:s6] =	ssyncadd.s32 $0xFFFFE0C0  }
0x17f: {  	[spmem:s2] =	stream.indirect.scatter.add.f32 [tilespmem:s21], [sflag:$0x2], $0x10, s1, s7, $0xb8;
	[tilespmem:$0x18240] =	vst v63  }
0x180: {  	_ =	swait.ge [sflag:s8], $0x1F40  }
0x181: {  	s1 =	sld [smem:$0x7FD]  }
0x182: {  	[sflag:s8] =	ssyncset.done $0x0  }
0x183: {  	[sflag:s8] =	ssyncadd.s32 $0xFFFFE0C0  }
0x184: {  	[tilespmem:s14], [sflag:$0x1] =	stream.indirect.gather [spmem:s3], $0x10, s1, s7, $0xb8;
	[tilespmem:$0x18240] =	vst v63  }
0x185: {  	_ =	swait.ge [sflag:s6], $0x1F40  }
0x186: {  	[sflag:s6] =	ssyncset.done $0x0  }
0x187: {  	[sflag:s6] =	ssyncadd.s32 $0xFFFFE0C0  }
0x188: {  	[spmem:s2] =	stream.indirect.scatter.add.f32 [tilespmem:s18], [sflag:$0x2], $0x10, s23, s7, $0xb8;
	[tilespmem:$0x18240] =	vst v63  }
0x189: {  	_ =	swait.ge [sflag:s8], $0x1F40  }
0x18a: {  	[sflag:s8] =	ssyncset.done $0x0  }
0x18b: {  	[sflag:s8] =	ssyncadd.s32 $0xFFFFE0C0  }
0x18c: {  	[tilespmem:s12], [sflag:$0x1] =	stream.indirect.gather [spmem:s3], $0x10, s22, s7, $0xb8;
	[tilespmem:$0x18240] =	vst v63  }
0x18d: {  	_ =	swait.ge [sflag:s6], $0x1F40  }
0x18e: {  	[sflag:s6] =	ssyncset.done $0x0  }
0x18f: {  	[sflag:s6] =	ssyncadd.s32 $0xFFFFE0C0  }
0x190: {  	[spmem:s2] =	stream.indirect.scatter.add.f32 [tilespmem:s14], [sflag:$0x2], $0x10, s20, s7, $0xb8;
	[tilespmem:$0x18240] =	vst v63  }
0x191: {  	_ =	swait.ge [sflag:s8], $0x1F40  }
0x192: {  	[sflag:s8] =	ssyncset.done $0x0  }
0x193: {  	[sflag:s8] =	ssyncadd.s32 $0xFFFFE0C0  }
0x194: {  	[tilespmem:s11], [sflag:$0x1] =	stream.indirect.gather [spmem:s3], $0x10, s19, s7, $0xb8;
	[tilespmem:$0x18240] =	vst v63  }
0x195: {  	_ =	swait.ge [sflag:s6], $0x1F40  }
0x196: {  	[sflag:s6] =	ssyncset.done $0x0  }
0x197: {  	[sflag:s6] =	ssyncadd.s32 $0xFFFFE0C0  }
0x198: {  	[spmem:s2] =	stream.indirect.scatter.add.f32 [tilespmem:s12], [sflag:$0x2], $0x10, s17, s7, $0xb8;
	[tilespmem:$0x18240] =	vst v63  }
0x199: {  	_ =	swait.ge [sflag:s8], $0x1F40  }
0x19a: {  	[sflag:s8] =	ssyncset.done $0x0  }
0x19b: {  	[sflag:s8] =	ssyncadd.s32 $0xFFFFE0C0  }
0x19c: {  	[tilespmem:s10], [sflag:$0x1] =	stream.indirect.gather [spmem:s3], $0x10, s15, s7, $0xb8;
	[tilespmem:$0x18240] =	vst v63  }
0x19d: {  	_ =	swait.ge [sflag:s6], $0x1F40  }
0x19e: {  	[sflag:s6] =	ssyncset.done $0x0  }
0x19f: {  	[sflag:s6] =	ssyncadd.s32 $0xFFFFE0C0  }
0x1a0: {  	[spmem:s2] =	stream.indirect.scatter.add.f32 [tilespmem:s11], [sflag:$0x2], $0x10, s16, s7, $0xb8;
	[tilespmem:$0x18240] =	vst v63  }
0x1a1: {  	_ =	swait.ge [sflag:s6], $0x1F40  }
0x1a2: {  	[sflag:s6] =	ssyncset.done $0x0  }
0x1a3: {  	[sflag:s6] =	ssyncadd.s32 $0xFFFFE0C0  }
0x1a4: {  	[spmem:s2] =	stream.indirect.scatter.add.f32 [tilespmem:s10], [sflag:$0x2], $0x10, s13, s7, $0xb8;
	[tilespmem:$0x18240] =	vst v63  }
0x1a5: {  	_ =	swait.ge [sflag:s8], $0x1F40  }
0x1a6: {  	[sflag:s8] =	ssyncset.done $0x0  }
0x1a7: {  	[sflag:s8] =	ssyncadd.s32 $0xFFFFE0C0  }
0x1a8: {  	_ =	swait.ge [sflag:s8], $0x1F40  }
0x1a9: {  	[sflag:s8] =	ssyncset.done $0x0  }
0x1aa: {  	[sflag:s8] =	ssyncadd.s32 $0xFFFFE0C0  }
0x1ab: {  	_ =	swait.ge [sflag:s8], $0x1F40  }
0x1ac: {  	[sflag:s8] =	ssyncset.done $0x0  }
0x1ad: {  	[sflag:s8] =	ssyncadd.s32 $0xFFFFE0C0  }
0x1ae: {  	_ =	swait.ge [sflag:s8], $0x1F40  }
0x1af: {  	[sflag:s8] =	ssyncset.done $0x0  }
0x1b0: {  	[sflag:s8] =	ssyncadd.s32 $0xFFFFE0C0  }
0x1b1: {  	_ =	swait.ge [sflag:s8], $0x1F40  }
0x1b2: {  	[sflag:s8] =	ssyncset.done $0x0  }
0x1b3: {  	[sflag:s8] =	ssyncadd.s32 $0xFFFFE0C0  }
0x1b4: {  	_ =	swait.ge [sflag:s8], $0x1F40  }
0x1b5: {  	p1 =	sne.s32 s30, $0x1;
	[sflag:s8] =	ssyncset.done $0x0  }
.Ltmp2:
0x1b6: {  	[sflag:s8] =	ssyncadd.s32 $0xFFFFE0C0;
	(pc) =	sbr.rel @p1 .LBB2_3-.Ltmp2, $4  }
0x1b7: {  	[bflag:$0x0] =	sbarrier.arrive $0xFFFF  }
0x1b8: {  	[hbm:s9], [sflag:s28] =	dma.local [spmem:s29], $0x500  }
0x1b9: {  	_ =	swait.ge [sflag:s5], $0x500  }
0x1ba: {  	s30 =	sadd.s32 $0xFFFFFFFF, s30;
	s31 =	rddreg [dreg:$0x4];
	[sflag:s5] =	ssyncset.done $0x0  }
0x1bb: {  	s29 =	rddreg [dreg:$0x3]  }
.LBB2_5:
0x1bc: {  	[sflag:s5] =	ssyncadd.s32 @p0 $0xFFFFFB00  }
0x1bd: {  	[tilespmem:s26], [sflag:$0x1] =	stream.linear.gather [hbm4b:s31+s24], $0x2800, $0x38;
	[tilespmem:$0x18240] =	vst v63  }
0x1be: {  	s1 =	rddreg [dreg:$0x5]  }
0x1bf: {  	[tilespmem:s24], [sflag:$0x1] =	stream.linear.gather [hbm4b:s1+s24], $0x2760, $0x38;
	[tilespmem:$0x18240] =	vst v63  }
0x1c0: {  	s28 =	rddreg [dreg:$0x6]  }
0x1c1: {  	[tilespmem:s25], [sflag:$0x1] =	stream.linear.gather [hbm4b:s28+s24], $0x2760, $0x38;
	[tilespmem:$0x18240] =	vst v63  }
0x1c2: {  	_ =	swait.ge [sflag:s6], $0x2800  }
0x1c3: {  	[sflag:s6] =	ssyncset.done $0x0  }
0x1c4: {  	[sflag:s6] =	ssyncadd.s32 $0xFFFFD800  }
0x1c5: {  	_ =	swait.ge [sflag:s6], $0x2760  }
0x1c6: {  	[sflag:s6] =	ssyncset.done $0x0  }
0x1c7: {  	[sflag:s6] =	ssyncadd.s32 $0xFFFFD8A0  }
0x1c8: {  	_ =	swait.ge [sflag:s6], $0x2760  }
0x1c9: {  	[sflag:s6] =	ssyncset.done $0x0  }
0x1ca: {  	[sflag:s6] =	ssyncadd.s32 $0xFFFFD8A0  }
0x1cb: {  	[spmem:s4] =	stream.linear.scatter [tilespmem:s26], [sflag:$0x3], $0x2800, $0x38;
	[tilespmem:$0x18240] =	vst v63  }
0x1cc: {  	_ =	swait.ge [sflag:s5], $0x2800  }
0x1cd: {  	[sflag:s5] =	ssyncset.done $0x0  }
0x1ce: {  	s28 =	rddreg [dreg:$0x7];
	[sflag:s5] =	ssyncadd.s32 $0xFFFFD800  }
0x1cf: {  	[spmem:s28] =	stream.linear.scatter [tilespmem:s26], [sflag:$0x3], $0x2800, $0x38;
	[tilespmem:$0x18240] =	vst v63  }
0x1d0: {  	_ =	swait.ge [sflag:s5], $0x2800  }
0x1d1: {  	[sflag:s5] =	ssyncset.done $0x0  }
0x1d2: {  	[sflag:s5] =	ssyncadd.s32 $0xFFFFD800  }
0x1d3: {  	[bflag:$0x0] =	sbarrier.arrive $0xFFFF  }
0x1d4: {  	[tilespmem:s11], [sflag:$0x1] =	stream.indirect.gather [spmem:s3], $0x10, s24, s7, $0xb8;
	[tilespmem:$0x18240] =	vst v63  }
0x1d5: {  	s30 =	rddreg [dreg:$0x8]  }
0x1d6: {  	[tilespmem:s10], [sflag:$0x1] =	stream.indirect.gather [spmem:s3], $0x10, s30, s7, $0xb8;
	[tilespmem:$0x18240] =	vst v63  }
0x1d7: {  	_ =	swait.ge [sflag:s6], $0x1F40  }
0x1d8: {  	[sflag:s6] =	ssyncset.done $0x0  }
0x1d9: {  	[sflag:s6] =	ssyncadd.s32 $0xFFFFE0C0  }
0x1da: {  	[spmem:s2] =	stream.indirect.scatter.add.f32 [tilespmem:s11], [sflag:$0x2], $0x10, s25, s7, $0xb8;
	[tilespmem:$0x18240] =	vst v63  }
0x1db: {  	s31 =	rddreg [dreg:$0x9]  }
0x1dc: {  	[tilespmem:s21], [sflag:$0x1] =	stream.indirect.gather [spmem:s3], $0x10, s31, s7, $0xb8;
	[tilespmem:$0x18240] =	vst v63  }
0x1dd: {  	_ =	swait.ge [sflag:s6], $0x1F40  }
0x1de: {  	[sflag:s6] =	ssyncset.done $0x0  }
0x1df: {  	s24 =	rddreg [dreg:$0xa];
	[sflag:s6] =	ssyncadd.s32 $0xFFFFE0C0  }
0x1e0: {  	[spmem:s2] =	stream.indirect.scatter.add.f32 [tilespmem:s10], [sflag:$0x2], $0x10, s24, s7, $0xb8;
	[tilespmem:$0x18240] =	vst v63  }
0x1e1: {  	s25 =	rddreg [dreg:$0xb]  }
0x1e2: {  	[tilespmem:s18], [sflag:$0x1] =	stream.indirect.gather [spmem:s3], $0x10, s25, s7, $0xb8;
	[tilespmem:$0x18240] =	vst v63  }
0x1e3: {  	_ =	swait.ge [sflag:s6], $0x1F40  }
0x1e4: {  	[sflag:s6] =	ssyncset.done $0x0  }
0x1e5: {  	s26 =	rddreg [dreg:$0xc];
	[sflag:s6] =	ssyncadd.s32 $0xFFFFE0C0  }
0x1e6: {  	[spmem:s2] =	stream.indirect.scatter.add.f32 [tilespmem:s21], [sflag:$0x2], $0x10, s26, s7, $0xb8;
	[tilespmem:$0x18240] =	vst v63  }
0x1e7: {  	s28 =	rddreg [dreg:$0xd]  }
0x1e8: {  	[tilespmem:s14], [sflag:$0x1] =	stream.indirect.gather [spmem:s3], $0x10, s28, s7, $0xb8;
	[tilespmem:$0x18240] =	vst v63  }
0x1e9: {  	_ =	swait.ge [sflag:s6], $0x1F40  }
0x1ea: {  	[sflag:s6] =	ssyncset.done $0x0  }
0x1eb: {  	s30 =	rddreg [dreg:$0xe];
	[sflag:s6] =	ssyncadd.s32 $0xFFFFE0C0  }
0x1ec: {  	[spmem:s2] =	stream.indirect.scatter.add.f32 [tilespmem:s18], [sflag:$0x2], $0x10, s30, s7, $0xb8;
	[tilespmem:$0x18240] =	vst v63  }
0x1ed: {  	s31 =	rddreg [dreg:$0xf]  }
0x1ee: {  	[tilespmem:s12], [sflag:$0x1] =	stream.indirect.gather [spmem:s3], $0x10, s31, s7, $0xb8;
	[tilespmem:$0x18240] =	vst v63  }
0x1ef: {  	_ =	swait.ge [sflag:s6], $0x1F40  }
0x1f0: {  	[sflag:s6] =	ssyncset.done $0x0  }
0x1f1: {  	s24 =	rddreg [dreg:$0x10];
	[sflag:s6] =	ssyncadd.s32 $0xFFFFE0C0  }
0x1f2: {  	[spmem:s2] =	stream.indirect.scatter.add.f32 [tilespmem:s14], [sflag:$0x2], $0x10, s24, s7, $0xb8;
	[tilespmem:$0x18240] =	vst v63  }
0x1f3: {  	_ =	swait.ge [sflag:s8], $0x1F40  }
0x1f4: {  	[sflag:s8] =	ssyncset.done $0x0  }
0x1f5: {  	s25 =	rddreg [dreg:$0x11];
	[sflag:s8] =	ssyncadd.s32 $0xFFFFE0C0  }
0x1f6: {  	[tilespmem:s11], [sflag:$0x1] =	stream.indirect.gather [spmem:s3], $0x10, s25, s7, $0xb8;
	[tilespmem:$0x18240] =	vst v63  }
0x1f7: {  	_ =	swait.ge [sflag:s6], $0x1F40  }
0x1f8: {  	[sflag:s6] =	ssyncset.done $0x0  }
0x1f9: {  	s26 =	rddreg [dreg:$0x12];
	[sflag:s6] =	ssyncadd.s32 $0xFFFFE0C0  }
0x1fa: {  	[spmem:s2] =	stream.indirect.scatter.add.f32 [tilespmem:s12], [sflag:$0x2], $0x10, s26, s7, $0xb8;
	[tilespmem:$0x18240] =	vst v63  }
0x1fb: {  	_ =	swait.ge [sflag:s8], $0x1F40  }
0x1fc: {  	[sflag:s8] =	ssyncset.done $0x0  }
0x1fd: {  	s28 =	rddreg [dreg:$0x13];
	[sflag:s8] =	ssyncadd.s32 $0xFFFFE0C0  }
0x1fe: {  	[tilespmem:s10], [sflag:$0x1] =	stream.indirect.gather [spmem:s3], $0x10, s28, s7, $0xb8;
	[tilespmem:$0x18240] =	vst v63  }
0x1ff: {  	_ =	swait.ge [sflag:s6], $0x1F40  }
0x200: {  	[sflag:s6] =	ssyncset.done $0x0  }
0x201: {  	s30 =	rddreg [dreg:$0x14];
	[sflag:s6] =	ssyncadd.s32 $0xFFFFE0C0  }
0x202: {  	[spmem:s2] =	stream.indirect.scatter.add.f32 [tilespmem:s11], [sflag:$0x2], $0x10, s30, s7, $0xb8;
	[tilespmem:$0x18240] =	vst v63  }
0x203: {  	_ =	swait.ge [sflag:s8], $0x1F40  }
0x204: {  	[sflag:s8] =	ssyncset.done $0x0  }
0x205: {  	s31 =	rddreg [dreg:$0x15];
	[sflag:s8] =	ssyncadd.s32 $0xFFFFE0C0  }
0x206: {  	[tilespmem:s21], [sflag:$0x1] =	stream.indirect.gather [spmem:s3], $0x10, s31, s7, $0xb8;
	[tilespmem:$0x18240] =	vst v63  }
0x207: {  	_ =	swait.ge [sflag:s6], $0x1F40  }
0x208: {  	[sflag:s6] =	ssyncset.done $0x0  }
0x209: {  	s24 =	rddreg [dreg:$0x16];
	[sflag:s6] =	ssyncadd.s32 $0xFFFFE0C0  }
0x20a: {  	[spmem:s2] =	stream.indirect.scatter.add.f32 [tilespmem:s10], [sflag:$0x2], $0x10, s24, s7, $0xb8;
	[tilespmem:$0x18240] =	vst v63  }
0x20b: {  	_ =	swait.ge [sflag:s8], $0x1F40  }
0x20c: {  	[sflag:s8] =	ssyncset.done $0x0  }
0x20d: {  	s25 =	rddreg [dreg:$0x17];
	[sflag:s8] =	ssyncadd.s32 $0xFFFFE0C0  }
0x20e: {  	[tilespmem:s18], [sflag:$0x1] =	stream.indirect.gather [spmem:s3], $0x10, s25, s7, $0xb8;
	[tilespmem:$0x18240] =	vst v63  }
0x20f: {  	_ =	swait.ge [sflag:s6], $0x1F40  }
0x210: {  	[sflag:s6] =	ssyncset.done $0x0  }
0x211: {  	s26 =	rddreg [dreg:$0x18];
	[sflag:s6] =	ssyncadd.s32 $0xFFFFE0C0  }
0x212: {  	[spmem:s2] =	stream.indirect.scatter.add.f32 [tilespmem:s21], [sflag:$0x2], $0x10, s26, s7, $0xb8;
	[tilespmem:$0x18240] =	vst v63  }
0x213: {  	_ =	swait.ge [sflag:s8], $0x1F40  }
0x214: {  	[sflag:s8] =	ssyncset.done $0x0  }
0x215: {  	s28 =	rddreg [dreg:$0x19];
	[sflag:s8] =	ssyncadd.s32 $0xFFFFE0C0  }
0x216: {  	[tilespmem:s14], [sflag:$0x1] =	stream.indirect.gather [spmem:s3], $0x10, s28, s7, $0xb8;
	[tilespmem:$0x18240] =	vst v63  }
0x217: {  	_ =	swait.ge [sflag:s6], $0x1F40  }
0x218: {  	[sflag:s6] =	ssyncset.done $0x0  }
0x219: {  	s30 =	rddreg [dreg:$0x1a];
	[sflag:s6] =	ssyncadd.s32 $0xFFFFE0C0  }
0x21a: {  	[spmem:s2] =	stream.indirect.scatter.add.f32 [tilespmem:s18], [sflag:$0x2], $0x10, s30, s7, $0xb8;
	[tilespmem:$0x18240] =	vst v63  }
0x21b: {  	_ =	swait.ge [sflag:s8], $0x1F40  }
0x21c: {  	[sflag:s8] =	ssyncset.done $0x0  }
0x21d: {  	s31 =	rddreg [dreg:$0x1b];
	[sflag:s8] =	ssyncadd.s32 $0xFFFFE0C0  }
0x21e: {  	[tilespmem:s12], [sflag:$0x1] =	stream.indirect.gather [spmem:s3], $0x10, s31, s7, $0xb8;
	[tilespmem:$0x18240] =	vst v63  }
0x21f: {  	_ =	swait.ge [sflag:s6], $0x1F40  }
0x220: {  	[sflag:s6] =	ssyncset.done $0x0  }
0x221: {  	s24 =	rddreg [dreg:$0x1c];
	[sflag:s6] =	ssyncadd.s32 $0xFFFFE0C0  }
0x222: {  	[spmem:s2] =	stream.indirect.scatter.add.f32 [tilespmem:s14], [sflag:$0x2], $0x10, s24, s7, $0xb8;
	[tilespmem:$0x18240] =	vst v63  }
0x223: {  	_ =	swait.ge [sflag:s8], $0x1F40  }
0x224: {  	[sflag:s8] =	ssyncset.done $0x0  }
0x225: {  	s25 =	rddreg [dreg:$0x1d];
	[sflag:s8] =	ssyncadd.s32 $0xFFFFE0C0  }
0x226: {  	[tilespmem:s11], [sflag:$0x1] =	stream.indirect.gather [spmem:s3], $0x10, s25, s7, $0xb8;
	[tilespmem:$0x18240] =	vst v63  }
0x227: {  	_ =	swait.ge [sflag:s6], $0x1F40  }
0x228: {  	[sflag:s6] =	ssyncset.done $0x0  }
0x229: {  	s26 =	rddreg [dreg:$0x1e];
	[sflag:s6] =	ssyncadd.s32 $0xFFFFE0C0  }
0x22a: {  	[spmem:s2] =	stream.indirect.scatter.add.f32 [tilespmem:s12], [sflag:$0x2], $0x10, s26, s7, $0xb8;
	[tilespmem:$0x18240] =	vst v63  }
0x22b: {  	_ =	swait.ge [sflag:s8], $0x1F40  }
0x22c: {  	[sflag:s8] =	ssyncset.done $0x0  }
0x22d: {  	s28 =	rddreg [dreg:$0x1f];
	[sflag:s8] =	ssyncadd.s32 $0xFFFFE0C0  }
0x22e: {  	[tilespmem:s10], [sflag:$0x1] =	stream.indirect.gather [spmem:s3], $0x10, s28, s7, $0xb8;
	[tilespmem:$0x18240] =	vst v63  }
0x22f: {  	_ =	swait.ge [sflag:s6], $0x1F40  }
0x230: {  	s30 =	sld [smem:$0x7F8]  }
0x231: {  	[sflag:s6] =	ssyncset.done $0x0  }
0x232: {  	[sflag:s6] =	ssyncadd.s32 $0xFFFFE0C0  }
0x233: {  	[spmem:s2] =	stream.indirect.scatter.add.f32 [tilespmem:s11], [sflag:$0x2], $0x10, s30, s7, $0xb8;
	[tilespmem:$0x18240] =	vst v63  }
0x234: {  	_ =	swait.ge [sflag:s8], $0x1F40  }
0x235: {  	s31 =	sld [smem:$0x7F9]  }
0x236: {  	[sflag:s8] =	ssyncset.done $0x0  }
0x237: {  	[sflag:s8] =	ssyncadd.s32 $0xFFFFE0C0  }
0x238: {  	[tilespmem:s21], [sflag:$0x1] =	stream.indirect.gather [spmem:s3], $0x10, s31, s7, $0xb8;
	[tilespmem:$0x18240] =	vst v63  }
0x239: {  	_ =	swait.ge [sflag:s6], $0x1F40  }
0x23a: {  	s24 =	sld [smem:$0x7FA]  }
0x23b: {  	[sflag:s6] =	ssyncset.done $0x0  }
0x23c: {  	[sflag:s6] =	ssyncadd.s32 $0xFFFFE0C0  }
0x23d: {  	[spmem:s2] =	stream.indirect.scatter.add.f32 [tilespmem:s10], [sflag:$0x2], $0x10, s24, s7, $0xb8;
	[tilespmem:$0x18240] =	vst v63  }
0x23e: {  	_ =	swait.ge [sflag:s8], $0x1F40  }
0x23f: {  	s25 =	sld [smem:$0x7FB]  }
0x240: {  	[sflag:s8] =	ssyncset.done $0x0  }
0x241: {  	[sflag:s8] =	ssyncadd.s32 $0xFFFFE0C0  }
0x242: {  	[tilespmem:s18], [sflag:$0x1] =	stream.indirect.gather [spmem:s3], $0x10, s25, s7, $0xb8;
	[tilespmem:$0x18240] =	vst v63  }
0x243: {  	_ =	swait.ge [sflag:s6], $0x1F40  }
0x244: {  	s26 =	sld [smem:$0x7FC]  }
0x245: {  	[sflag:s6] =	ssyncset.done $0x0  }
0x246: {  	[sflag:s6] =	ssyncadd.s32 $0xFFFFE0C0  }
0x247: {  	[spmem:s2] =	stream.indirect.scatter.add.f32 [tilespmem:s21], [sflag:$0x2], $0x10, s26, s7, $0xb8;
	[tilespmem:$0x18240] =	vst v63  }
0x248: {  	_ =	swait.ge [sflag:s8], $0x1F40  }
0x249: {  	s28 =	sld [smem:$0x7FD]  }
0x24a: {  	[sflag:s8] =	ssyncset.done $0x0  }
0x24b: {  	[sflag:s8] =	ssyncadd.s32 $0xFFFFE0C0  }
0x24c: {  	[tilespmem:s14], [sflag:$0x1] =	stream.indirect.gather [spmem:s3], $0x10, s28, s7, $0xb8;
	[tilespmem:$0x18240] =	vst v63  }
0x24d: {  	_ =	swait.ge [sflag:s6], $0x1F40  }
0x24e: {  	[sflag:s6] =	ssyncset.done $0x0  }
0x24f: {  	[sflag:s6] =	ssyncadd.s32 $0xFFFFE0C0  }
0x250: {  	[spmem:s2] =	stream.indirect.scatter.add.f32 [tilespmem:s18], [sflag:$0x2], $0x10, s23, s7, $0xb8;
	[tilespmem:$0x18240] =	vst v63  }
0x251: {  	_ =	swait.ge [sflag:s8], $0x1F40  }
0x252: {  	[sflag:s8] =	ssyncset.done $0x0  }
0x253: {  	[sflag:s8] =	ssyncadd.s32 $0xFFFFE0C0  }
0x254: {  	[tilespmem:s12], [sflag:$0x1] =	stream.indirect.gather [spmem:s3], $0x10, s22, s7, $0xb8;
	[tilespmem:$0x18240] =	vst v63  }
0x255: {  	_ =	swait.ge [sflag:s6], $0x1F40  }
0x256: {  	[sflag:s6] =	ssyncset.done $0x0  }
0x257: {  	[sflag:s6] =	ssyncadd.s32 $0xFFFFE0C0  }
0x258: {  	[spmem:s2] =	stream.indirect.scatter.add.f32 [tilespmem:s14], [sflag:$0x2], $0x10, s20, s7, $0xb8;
	[tilespmem:$0x18240] =	vst v63  }
0x259: {  	_ =	swait.ge [sflag:s8], $0x1F40  }
0x25a: {  	[sflag:s8] =	ssyncset.done $0x0  }
0x25b: {  	[sflag:s8] =	ssyncadd.s32 $0xFFFFE0C0  }
0x25c: {  	[tilespmem:s11], [sflag:$0x1] =	stream.indirect.gather [spmem:s3], $0x10, s19, s7, $0xb8;
	[tilespmem:$0x18240] =	vst v63  }
0x25d: {  	_ =	swait.ge [sflag:s6], $0x1F40  }
0x25e: {  	[sflag:s6] =	ssyncset.done $0x0  }
0x25f: {  	[sflag:s6] =	ssyncadd.s32 $0xFFFFE0C0  }
0x260: {  	[spmem:s2] =	stream.indirect.scatter.add.f32 [tilespmem:s12], [sflag:$0x2], $0x10, s17, s7, $0xb8;
	[tilespmem:$0x18240] =	vst v63  }
0x261: {  	_ =	swait.ge [sflag:s8], $0x1F40  }
0x262: {  	[sflag:s8] =	ssyncset.done $0x0  }
0x263: {  	[sflag:s8] =	ssyncadd.s32 $0xFFFFE0C0  }
0x264: {  	[tilespmem:s10], [sflag:$0x1] =	stream.indirect.gather [spmem:s3], $0x10, s15, s7, $0xb8;
	[tilespmem:$0x18240] =	vst v63  }
0x265: {  	_ =	swait.ge [sflag:s6], $0x1F40  }
0x266: {  	[sflag:s6] =	ssyncset.done $0x0  }
0x267: {  	[sflag:s6] =	ssyncadd.s32 $0xFFFFE0C0  }
0x268: {  	[spmem:s2] =	stream.indirect.scatter.add.f32 [tilespmem:s11], [sflag:$0x2], $0x10, s16, s7, $0xb8;
	[tilespmem:$0x18240] =	vst v63  }
0x269: {  	_ =	swait.ge [sflag:s6], $0x1F40  }
0x26a: {  	[sflag:s6] =	ssyncset.done $0x0  }
0x26b: {  	[sflag:s6] =	ssyncadd.s32 $0xFFFFE0C0  }
0x26c: {  	[spmem:s2] =	stream.indirect.scatter.add.f32 [tilespmem:s10], [sflag:$0x2], $0x10, s13, s7, $0xb8;
	[tilespmem:$0x18240] =	vst v63  }
0x26d: {  	_ =	swait.ge [sflag:s8], $0x1F40  }
0x26e: {  	[sflag:s8] =	ssyncset.done $0x0  }
0x26f: {  	[sflag:s8] =	ssyncadd.s32 $0xFFFFE0C0  }
0x270: {  	_ =	swait.ge [sflag:s8], $0x1F40  }
0x271: {  	[sflag:s8] =	ssyncset.done $0x0  }
0x272: {  	[sflag:s8] =	ssyncadd.s32 $0xFFFFE0C0  }
0x273: {  	_ =	swait.ge [sflag:s8], $0x1F40  }
0x274: {  	[sflag:s8] =	ssyncset.done $0x0  }
0x275: {  	[sflag:s8] =	ssyncadd.s32 $0xFFFFE0C0  }
0x276: {  	_ =	swait.ge [sflag:s8], $0x1F40  }
0x277: {  	[sflag:s8] =	ssyncset.done $0x0  }
0x278: {  	[sflag:s8] =	ssyncadd.s32 $0xFFFFE0C0  }
0x279: {  	_ =	swait.ge [sflag:s8], $0x1F40  }
0x27a: {  	[sflag:s8] =	ssyncset.done $0x0  }
0x27b: {  	[sflag:s8] =	ssyncadd.s32 $0xFFFFE0C0  }
0x27c: {  	_ =	swait.ge [sflag:s8], $0x1F40  }
0x27d: {  	[sflag:s8] =	ssyncset.done $0x0  }
0x27e: {  	s30 =	sshll.u32 s0, $0x6;
	[sflag:s8] =	ssyncadd.s32 $0xFFFFE0C0  }
0x27f: {  	s1 =	sor.u32 $0x1C03, s30;
	s31 =	sshrl.u32 s4, $0x3;
	[bflag:$0x0] =	sbarrier.arrive $0xFFFF  }
0x280: {  	[hbm:s9], [sflag:s1] =	dma.local [spmem:s31], $0x500  }
0x281: {  	_ =	swait.ge [sflag:s5], $0x500  }
0x282: {  	[sflag:s5] =	ssyncset.done $0x0  }
0x283: {  	[sflag:s5] =	ssyncadd.s32 $0xFFFFFB00  }
0x284: {  	_ =	sfence.sel $0x180000  }
0x285: {  	[bflag:$0x0] =	sbarrier.arrive $0xFFFF  }
0x286: {  	p0 =	sne.s32 s0, $0x0;
	_ =	strace $0x9000004A  }
0x287: {  	s0 =	sadd.s32 @!p0 $0x100000, s29;
	[bflag:$0x2] =	sbarrier.arrive $0xFFFF  }
0x288: {  	[sflag:s0] =	ssyncadd.tile.s32 @!p0 $0x1;
	_ =	shalt  }
.LBB2_2:
.Ltmp3:
0x289: {  	(pc) =	sbr.rel .LBB2_5-.Ltmp3, $2  }
0x28a: {  	_ =	sdelay $0x2  }
0x28b: {  	s29 =	rddreg [dreg:$0x3]  }
.Lfunc_end2:
_tile_overlayer_lowered:
.L_overlay_start_2:
0x28c: {  	(tag) =	ssettag $0x2  }
0x28d: {  	s0 =	rddreg [dreg:$0x0];
	s2 =	stileid.u32  }
0x28e: {  	s1 =	rddreg [dreg:$0x1];
	p0 =	sne.s32 s2, $0x0  }
0x28f: {  	s3 =	rddreg [dreg:$0x2];
	[bflag:$0x3] =	sbarrier.arrive $0xFFFF;
	s2 =	simm.s32 @!p0 $0x1C03  }
0x290: {  	[timem:s3], [sflag:s2] =	dma.local @!p0 [hbm:s0], s1  }
0x291: {  	s0 =	simm.s32 @!p0 $0x3  }
0x292: {  	_ =	swait.ge @!p0 [sflag:s0], s1  }
0x293: {  	s1 =	ssub.s32 @!p0 $0x0, s1;
	[sflag:s0] =	ssyncset.done @!p0 $0x0  }
0x294: {  	[sflag:s0] =	ssyncadd.s32 @!p0 s1  }
0x295: {  	[bflag:$0x3] =	sbarrier.arrive $0xFFFF  }
0x296: {  	_ =	shalt  }

// kernel: kernel.15.cloned.1.call-start
scs
__scs_entry_jumppad:
0x0: {  	(pc) =	sbr.rel $0x88, $3  }
0x1: {  	(tag) =	ssettag $0x0;
	lr =	simm.s32 $0x1  }
0x2: {  	[smem:$0x3F9B] =	sst lr;
	_ =	strace $0xD0000000  }
0x3: {  	_ = 	snop  }
0x4: {  	_ = 	snop  }
0x5: {  	_ = 	snop  }
0x6: {  	_ = 	snop  }
0x7: {  	_ = 	snop  }
__scs_overlays_trampoline_lowered:
0x8: {  	[smem:$0x3FAA] =	sst s0  }
0x9: {  	[smem:$0x3FAB] =	sst s1  }
0xa: {  	[smem:$0x3FAC] =	sst s2  }
0xb: {  	[smem:$0x3FAD] =	sst s3  }
0xc: {  	[smem:$0x3FAE] =	sst s4  }
0xd: {  	[smem:$0x3FAF] =	sst s5  }
0xe: {  	[smem:$0x3FB0] =	sst s6  }
0xf: {  	[smem:$0x3FB1] =	sst s7  }
0x10: {  	[smem:$0x3FB2] =	sst s8  }
0x11: {  	[smem:$0x3FB3] =	sst s9;
	s0 =	simm.s32 @!p0 $0x0  }
0x12: {  	s1 =	sld [smem:$0x3F99];
	s0 =	simm.s32 @p0 $0x1  }
0x13: {  	[smem:$0x3FB4] =	sst s0;
	s0 =	simm.s32 @!p1 $0x0  }
0x14: {  	s2 =	sld [smem:$0x3F98];
	s0 =	simm.s32 @p1 $0x1  }
0x15: {  	[smem:$0x3FB5] =	sst s0;
	s0 =	simm.s32 @!p2 $0x0  }
0x16: {  	s3 =	sld [smem:$0x3FDB];
	s0 =	simm.s32 @p2 $0x1  }
0x17: {  	s4 =	simm.s32 $0x1BF5;
	[smem:$0x3FB7] =	sst s0  }
0x18: {  	s0 =	sld [smem:$0x3F9A];
	_ =	swait.ge [sflag:s4], $0x0  }
0x19: {  	s7 =	sld [smem:$0x3F9B]  }
0x1a: {  	s8 =	sadd.s32 $0xFFFFE003, lr  }
0x1b: {  	s9 =	sadd.s32 $0xFFFFFEF7, lr;
	s5 =	simm.s32 $0xFFFFFFFF;
	p2 =	slt.u32 s8, $0xFFFFF086  }
0x1c: {  	p1 =	slt.u32 s9, $0xF7A;
	s5 =	simm.s32 @!p2 $0x0  }
0x1d: {  	s5 =	simm.s32 @p1 $0x1;
	p0 =	seq.s32 s7, s2  }
0x1e: {  	s7 =	smul.u32 @!p0 $0xF7A, s2;
	p2 =	seq.s32 @!p0 s5, $0x0  }
0x1f: {  	s9 =	smul.u32 $0xF7A, s1;
	s8 =	simm.s32 @!p0 $0x1BF5;
	p2 =	por !p2, p0  }
0x20: {  	[sflag:s8] =	ssyncset.s32 @!p0 $0xFFFFF086;
	s6 =	sadd.s32 @!p0 s3, s7;
	s7 =	simm.s32 @!p0 $0x108  }
0x21: {  	s3 =	sadd.s32 s3, s9;
	s6 =	sadd.s32 @!p0 $0x88, s6;
	s7 =	simm.s32 @p2 $0x1082  }
0x22: {  	[simem:s7], [sflag:s8] =	dma.local @!p0 [hbm:s6], $0xF7A  }
0x23: {  	s9 =	sor.u32 $0xD0000000, s2;
	s6 =	simm.s32 $0x108;
	_ =	swait.ge @!p0 [sflag:s8], $0x0  }
0x24: {  	s3 =	sadd.s32 $0x88, s3;
	s6 =	simm.s32 @!p1 $0x1082;
	[sflag:s4] =	ssyncset.s32 $0xFFFFF086  }
0x25: {  	[simem:s6], [sflag:s4] =	dma.local [hbm:s3], $0xF7A  }
0x26: {  	[smem:$0x3F9B] =	sst s1;
	(tag) =	ssettag s2;
	_ =	strace s9  }
0x27: {  	s1 =	sld [smem:$0x3FAB]  }
0x28: {  	s2 =	sld [smem:$0x3FAC]  }
0x29: {  	s4 =	sld [smem:$0x3FAE]  }
0x2a: {  	p0 =	seq.s32 s5, $0x0;
	s5 =	sld [smem:$0x3FAF]  }
0x2b: {  	s6 =	sld [smem:$0x3FB0]  }
0x2c: {  	s7 =	sld [smem:$0x3FB1]  }
0x2d: {  	s3 =	simm.s32 $0x108;
	s8 =	sld [smem:$0x3FB2]  }
0x2e: {  	s3 =	simm.s32 @!p0 $0x1082;
	s9 =	sld [smem:$0x3FB3]  }
0x2f: {  	lr =	sadd.s32 s0, s3;
	s0 =	sld [smem:$0x3FAA]  }
0x30: {  	s3 =	sld [smem:$0x3FAD]  }
0x31: {  	[smem:$0x3FB6] =	sst s10  }
0x32: {  	s10 =	sld [smem:$0x3FB4];
	_ =	sdelay $0x3  }
0x33: {  	p0 =	seq.s32 s10, $0x1;
	s10 =	sld [smem:$0x3FB6];
	_ =	sdelay $0x3  }
0x34: {  	[smem:$0x3FB6] =	sst s10  }
0x35: {  	s10 =	sld [smem:$0x3FB5];
	_ =	sdelay $0x3  }
0x36: {  	p1 =	seq.s32 s10, $0x1;
	s10 =	sld [smem:$0x3FB6];
	_ =	sdelay $0x3  }
0x37: {  	[smem:$0x3FB6] =	sst s10  }
0x38: {  	s10 =	sld [smem:$0x3FB7]  }
0x39: {  	_ = 	snop;
	(pc) =	sbr.ind lr, $3  }
0x3a: {  	_ = 	snop  }
0x3b: {  	_ = 	snop  }
0x3c: {  	p2 =	seq.s32 s10, $0x1;
	s10 =	sld [smem:$0x3FB6]  }
0x3d: {  	_ =	shalt  }
0x3e: {  	_ =	shalt  }
0x3f: {  	_ =	shalt  }
0x40: {  	_ =	shalt  }
0x41: {  	_ =	shalt  }
0x42: {  	_ =	shalt  }
0x43: {  	_ =	shalt  }
0x44: {  	_ =	shalt  }
0x45: {  	_ =	shalt  }
0x46: {  	_ =	shalt  }
0x47: {  	_ =	shalt  }
0x48: {  	_ =	shalt  }
0x49: {  	_ =	shalt  }
0x4a: {  	_ =	shalt  }
0x4b: {  	_ =	shalt  }
0x4c: {  	_ =	shalt  }
0x4d: {  	_ =	shalt  }
0x4e: {  	_ =	shalt  }
0x4f: {  	_ =	shalt  }
0x50: {  	_ =	shalt  }
0x51: {  	_ =	shalt  }
0x52: {  	_ =	shalt  }
0x53: {  	_ =	shalt  }
0x54: {  	_ =	shalt  }
0x55: {  	_ =	shalt  }
0x56: {  	_ =	shalt  }
0x57: {  	_ =	shalt  }
0x58: {  	_ =	shalt  }
0x59: {  	_ =	shalt  }
0x5a: {  	_ =	shalt  }
0x5b: {  	_ =	shalt  }
0x5c: {  	_ =	shalt  }
0x5d: {  	_ =	shalt  }
0x5e: {  	_ =	shalt  }
0x5f: {  	_ =	shalt  }
0x60: {  	_ =	shalt  }
0x61: {  	_ =	shalt  }
0x62: {  	_ =	shalt  }
0x63: {  	_ =	shalt  }
0x64: {  	_ =	shalt  }
0x65: {  	_ =	shalt  }
0x66: {  	_ =	shalt  }
0x67: {  	_ =	shalt  }
0x68: {  	_ =	shalt  }
0x69: {  	_ =	shalt  }
0x6a: {  	_ =	shalt  }
0x6b: {  	_ =	shalt  }
0x6c: {  	_ =	shalt  }
0x6d: {  	_ =	shalt  }
0x6e: {  	_ =	shalt  }
0x6f: {  	_ =	shalt  }
0x70: {  	_ =	shalt  }
0x71: {  	_ =	shalt  }
0x72: {  	_ =	shalt  }
0x73: {  	_ =	shalt  }
0x74: {  	_ =	shalt  }
0x75: {  	_ =	shalt  }
0x76: {  	_ =	shalt  }
0x77: {  	_ =	shalt  }
0x78: {  	_ =	shalt  }
0x79: {  	_ =	shalt  }
0x7a: {  	_ =	shalt  }
0x7b: {  	_ =	shalt  }
0x7c: {  	_ =	shalt  }
0x7d: {  	_ =	shalt  }
0x7e: {  	_ =	shalt  }
0x7f: {  	_ =	shalt  }
0x80: {  	_ =	shalt  }
0x81: {  	_ =	shalt  }
0x82: {  	_ =	shalt  }
0x83: {  	_ =	shalt  }
0x84: {  	_ =	shalt  }
0x85: {  	_ =	shalt  }
0x86: {  	_ =	shalt  }
0x87: {  	_ =	shalt  }
.Lfunc_end0:
.L_simem_size_0:
called_computation.2_lowered:
.L_overlay_start_0:
0x88: {  	s2 =	sld [smem:$0x3FD9]  }
0x89: {  	s3 =	sld [smem:$0x3FFE];
	_ =	sdelay $0x1  }
0x8a: {  	s1 =	srdreg.scid  }
0x8b: {  	s0 =	sand.u32 $0x1, s1  }
0x8c: {  	s16 =	sshll.u32 s0, $0xA;
	s2 =	sadd.s32 s3, s2  }
0x8d: {  	s2 =	sadd.s32 s2, s16  }
0x8e: {  	[smem:$0x3FC2] =	sst s2  }
0x8f: {  	_ = 	snop  }
0x90: {  	(tm) =	ssettm $0x1  }
0x91: {  	s17 =	sld [smem:$0x3FFB];
	_ =	sdelay $0x3  }
0x92: {  	_ =	strace s17  }
0x93: {  	s2 =	sld [smem:$0x3FFC];
	_ =	sdelay $0x3  }
0x94: {  	_ =	strace s2  }
0x95: {  	s2 =	sld [smem:$0x3FFD];
	_ =	sdelay $0x3  }
0x96: {  	_ =	strace s2  }
0x97: {  	_ =	strace $0x8FFFFFFF  }
0x98: {  	s18 =	sld [smem:$0x3FDB];
	_ =	sdelay $0x1  }
0x99: {  	s19 =	simm.s32 $_scs_section_size  }
0x9a: {  	s4 =	simm.s32 $_size__tile_overlayer_lowered;
	s5 =	simm.s32 $_tile_overlayer_lowered  }
0x9b: {  	s22 =	simm.s32 $0x1BFF;
	s21 =	sshll.u32 s5, $0x1;
	s2 =	sadd.s32 s19, s18  }
0x9c: {  	s6 =	simm.s32 $0x0;
	s20 =	sshll.u32 s4, $0x1;
	s4 =	sadd.s32 s21, s2  }
0x9d: {  	[timem:s6], [sflag:s22] =	dma.local [hbm:s4], s20  }
0x9e: {  	_ =	swait.ge [sflag:s22], s20  }
0x9f: {  	s3 =	ssub.s32 $0x0, s20;
	[sflag:s22] =	ssyncset.done $0x0  }
0xa0: {  	[sflag:s22] =	ssyncadd.s32 s3;
	_ =	sdelay $0x1  }
0xa1: {  	s23 =	simm.s32 $0x1B8B  }
0xa2: {  	_ =	swait.ge [sflag:s23], $0x1  }
0xa3: {  	[sflag:s23] =	ssyncset.done $0x0  }
0xa4: {  	s25 =	simm.s32 $0x1B8E;
	s24 =	sld [smem:$0x3FFE];
	[sflag:s23] =	ssyncadd.s32 $0xFFFFFFFF  }
0xa5: {  	s26 =	simm.s32 $execute0_lowered;
	[smem:$0x3FD2] =	sst s25  }
0xa6: {  	s4 =	sshll.u32 s26, $0x1;
	_ =	strace $0x8000004C;
	[dreg:$0x1] =	wrdreg $0xFFFFFFFF  }
0xa7: {  	s28 =	simm.s32 $_size_execute0_lowered;
	s2 =	sadd.s32 s2, s4;
	[dreg:$0x0] =	wrdreg $0x0  }
0xa8: {  	s4 =	sshll.u32 s28, $0x1;
	[dreg:$0x2] =	wrdreg s2  }
0xa9: {  	[dreg:$0x3] =	wrdreg s4  }
0xaa: {  	[dreg:$0x4] =	wrdreg $0xC0  }
0xab: {  	_ =	task [dreg:s6], $0x5FFFF  }
0xac: {  	[dreg:$0x1] =	wrdreg $0xFFFFFFFF  }
0xad: {  	[dreg:$0x0] =	wrdreg $0x60  }
0xae: {  	[dreg:$0x2] =	wrdreg s24  }
0xaf: {  	[dreg:$0x3] =	wrdreg $0x132400  }
0xb0: {  	[dreg:$0x4] =	wrdreg $0x15A400  }
0xb1: {  	[dreg:$0x5] =	wrdreg $0x9  }
0xb2: {  	_ =	task.clear_ibuf [dreg:s6], $0x6FFFF;
	_ =	strace $0x9000004C  }
0xb3: {  	s29 =	simm.s32 $0x9;
	_ =	strace $0x8000004E  }
0xb4: {  	_ =	swait.ge [sflag:s29], $0x1  }
0xb5: {  	[sflag:s29] =	ssyncadd.s32 $0xFFFFFFFF  }
0xb6: {  	_ =	strace $0x9000004E  }
0xb7: {  	_ =	sfence  }
0xb8: {  	s30 =	sld [smem:$0x0];
	_ =	sdelay $0x2  }
0xb9: {  	s31 =	sshll.u32 s1, $0xD;
	s1 =	sshrl.u32 s1, $0x2  }
0xba: {  	s3 =	sand.u32 $0x4000, s31;
	s1 =	sadd.s32 s1, s30  }
0xbb: {  	s0 =	sor.u32 s3, s0;
	s1 =	sshll.u32 s1, $0x11  }
0xbc: {  	s0 =	sor.u32 s1, s0  }
0xbd: {  	s0 =	sadd.s32 $0x8F2B, s0  }
0xbe: {  	[sflag:s0] =	ssyncadd.remote.s32 $0x1  }
0xbf: {  	_ =	sfence.sel $0xFFFF  }
0xc0: {  	[dreg:$0x0] =	wrdreg $0xFFFFFFFF;
	(pc) =	sbr.abs _section_cstart, $3  }
0xc1: {  	[dreg:$0x1] =	wrdreg $0xFFFFFFFF  }
0xc2: {  	_ =	task.clear_ibuf [dreg:s6], $0x2FFFF;
	_ =	strace $0x9FFFFFFF  }
0xc3: {  	(tm) =	ssettm $0x7FFFFFFF  }
tec
execute0_lowered:
.L_overlay_start_1:
0x0: {  	(tag) =	ssettag $0x1  }
0x1: {  	s4 =	rddreg [dreg:$0x0]  }
0x2: {  	s2 =	rddreg [dreg:$0x1]  }
0x3: {  	s3 =	rddreg [dreg:$0x2]  }
0x4: {  	s29 =	rddreg [dreg:$0x3];
	s24 =	simm.s32 $0x0  }
0x5: {  	s10 =	simm.s32 $0x1F8;
	[smem:$0x7FF] =	sst s24  }
0x6: {  	s11 =	simm.s32 $0x3F0;
	_ =	strace $0x8000004D;
	[dreg:$0x8] =	wrdreg s10  }
0x7: {  	s12 =	simm.s32 $0x2958;
	[dreg:$0x9] =	wrdreg s11  }
0x8: {  	s13 =	simm.s32 $0x5E8;
	[dreg:$0xa] =	wrdreg s12  }
0x9: {  	s14 =	simm.s32 $0x2B50;
	[dreg:$0xb] =	wrdreg s13  }
0xa: {  	s15 =	simm.s32 $0x7E0;
	[dreg:$0xc] =	wrdreg s14  }
0xb: {  	s16 =	simm.s32 $0x2D48;
	[dreg:$0xd] =	wrdreg s15  }
0xc: {  	s17 =	simm.s32 $0x9D8;
	[dreg:$0xe] =	wrdreg s16  }
0xd: {  	s18 =	simm.s32 $0x2F40;
	[dreg:$0xf] =	wrdreg s17  }
0xe: {  	s19 =	simm.s32 $0xBD0;
	[dreg:$0x10] =	wrdreg s18  }
0xf: {  	s1 =	srdreg.scid;
	s21 =	simm.s32 $0x3138;
	[dreg:$0x11] =	wrdreg s19  }
0x10: {  	s0 =	stileid.u32;
	s22 =	simm.s32 $0xDC8;
	[dreg:$0x12] =	wrdreg s21  }
0x11: {  	s23 =	simm.s32 $0x3330;
	s25 =	simm.s32 $0xFC0;
	[dreg:$0x13] =	wrdreg s22  }
0x12: {  	s28 =	simm.s32 $0x3528;
	p0 =	por $0x0, $0x0;
	[dreg:$0x14] =	wrdreg s23  }
0x13: {  	s5 =	sand.u32 $0x1, s1;
	s6 =	smul.u32 $0x2800, s0;
	[dreg:$0x15] =	wrdreg s25  }
0x14: {  	s7 =	sshll.u32 s5, $0x4;
	[dreg:$0x16] =	wrdreg s28;
	s10 =	simm.s32 $0x13B0  }
0x15: {  	s20 =	smul.u32 $0x5000, s5;
	s11 =	simm.s32 $0x3918;
	[dreg:$0x19] =	wrdreg s10  }
0x16: {  	s5 =	ssub.s32 $0x2, s5;
	s12 =	simm.s32 $0x15A8;
	[dreg:$0x1a] =	wrdreg s11  }
0x17: {  	s25 =	simm.s32 $0x2760;
	s14 =	simm.s32 $0x3B10;
	[dreg:$0x1b] =	wrdreg s12  }
0x18: {  	s15 =	simm.s32 $0x17A0;
	s17 =	simm.s32 $0x3D08;
	[dreg:$0x1c] =	wrdreg s14  }
0x19: {  	s18 =	simm.s32 $0x1998;
	s19 =	simm.s32 $0x3F00;
	[dreg:$0x1d] =	wrdreg s15  }
0x1a: {  	s21 =	simm.s32 $0x8D40;
	s22 =	simm.s32 $0x40F8;
	[dreg:$0x1e] =	wrdreg s17  }
0x1b: {  	s23 =	simm.s32 $0x1D88;
	s28 =	simm.s32 $0x42F0;
	[dreg:$0x1f] =	wrdreg s18  }
0x1c: {  	s7 =	sor.u32 s0, s7;
	s9 =	sshrl.u32 s6, $0x3;
	[smem:$0x7F8] =	sst s19  }
0x1d: {  	s26 =	sshrl.u32 s5, $0x1;
	s11 =	simm.s32 $0x4EC0;
	[smem:$0x7FA] =	sst s22  }
0x1e: {  	s10 =	simm.s32 $0x6E00;
	s18 =	simm.s32 $0xAC80;
	[smem:$0x7FB] =	sst s23  }
0x1f: {  	s14 =	simm.s32 $0xCBC0;
	s12 =	simm.s32 $0xEB00;
	[smem:$0x7FC] =	sst s28  }
0x20: {  	s15 =	simm.s32 $0x1F80;
	s23 =	simm.s32 $0x44E8;
	s22 =	simm.s32 $0x2178  }
0x21: {  	s19 =	simm.s32 $0x2370;
	s17 =	simm.s32 $0x48D8;
	s7 =	smul.u32 $0x4EC, s7  }
0x22: {  	s8 =	sadd.s32 s9, s4;
	s5 =	ssub.s32 s5, s26;
	s26 =	simm.s32 $0x10A40  }
0x23: {  	[smem:$0x7FD] =	sst s15;
	s15 =	simm.s32 $0x2568;
	s8 =	sadd.s32 $0x16400, s8  }
0x24: {  	s16 =	smax.u32 s5, $0x1;
	s5 =	simm.s32 $0x3;
	s7 =	sadd.s32 s7, s4  }
0x25: {  	[dreg:$0x4] =	wrdreg s8;
	s8 =	sadd.s32 s6, s3;
	p1 =	sne.s32 s16, $0x1  }
0x26: {  	s30 =	sadd.s32 $0xFFFFFFFF, s16;
	s16 =	simm.s32 $0x4AD0;
	[dreg:$0x7] =	wrdreg s8  }
0x27: {  	s1 =	sadd.s32 $0x2800, s7;
	s7 =	sadd.s32 $0xC580, s7;
	s31 =	rddreg [dreg:$0x4]  }
0x28: {  	s8 =	sadd.s32 s20, s4;
	s4 =	sadd.s32 s6, s2;
	[dreg:$0x5] =	wrdreg s1  }
.Ltmp0:
0x29: {  	s20 =	simm.s32 $0x1B90;
	[dreg:$0x6] =	wrdreg s7;
	(pc) =	sbr.rel @!p1 .LBB2_5-.Ltmp0, $4  }
0x2a: {  	s6 =	simm.s32 $0x1;
	s1 =	simm.s32 $0x11B8;
	[smem:$0x7F9] =	sst s20  }
0x2b: {  	s7 =	simm.s32 $0x3720;
	s13 =	sadd.s32 $0x1B400, s8;
	[dreg:$0x17] =	wrdreg s1  }
0x2c: {  	s8 =	simm.s32 $0x2;
	s20 =	simm.s32 $0x46E0;
	[dreg:$0x18] =	wrdreg s7  }
0x2d: {  	s7 =	simm.s32 $0x1F4;
	s9 =	sadd.s32 s9, s13;
	s13 =	simm.s32 $0x4CC8  }
0x2e: {  	[tilespmem:s26], [sflag:$0x1] =	stream.linear.gather [hbm4b:s31+s24], $0x2800, $0x38;
	[tilespmem:$0x18240] =	vst v63  }
0x2f: {  	s28 =	rddreg [dreg:$0x5]  }
0x30: {  	[tilespmem:s24], [sflag:$0x1] =	stream.linear.gather [hbm4b:s28+s24], $0x2760, $0x38;
	[tilespmem:$0x18240] =	vst v63  }
0x31: {  	s29 =	rddreg [dreg:$0x6]  }
0x32: {  	[tilespmem:s25], [sflag:$0x1] =	stream.linear.gather [hbm4b:s29+s24], $0x2760, $0x38;
	[tilespmem:$0x18240] =	vst v63  }
0x33: {  	_ =	swait.ge [sflag:s6], $0x2800  }
0x34: {  	[sflag:s6] =	ssyncset.done $0x0  }
0x35: {  	[sflag:s6] =	ssyncadd.s32 $0xFFFFD800  }
0x36: {  	_ =	swait.ge [sflag:s6], $0x2760  }
0x37: {  	[sflag:s6] =	ssyncset.done $0x0  }
0x38: {  	[sflag:s6] =	ssyncadd.s32 $0xFFFFD8A0  }
0x39: {  	_ =	swait.ge [sflag:s6], $0x2760  }
0x3a: {  	[sflag:s6] =	ssyncset.done $0x0  }
0x3b: {  	[sflag:s6] =	ssyncadd.s32 $0xFFFFD8A0  }
0x3c: {  	[spmem:s4] =	stream.linear.scatter [tilespmem:s26], [sflag:$0x3], $0x2800, $0x38;
	[tilespmem:$0x18240] =	vst v63  }
0x3d: {  	_ =	swait.ge [sflag:s5], $0x2800  }
0x3e: {  	[sflag:s5] =	ssyncset.done $0x0  }
0x3f: {  	s28 =	rddreg [dreg:$0x7];
	[sflag:s5] =	ssyncadd.s32 $0xFFFFD800  }
0x40: {  	[spmem:s28] =	stream.linear.scatter [tilespmem:s26], [sflag:$0x3], $0x2800, $0x38;
	[tilespmem:$0x18240] =	vst v63  }
0x41: {  	_ =	swait.ge [sflag:s5], $0x2800  }
0x42: {  	[sflag:s5] =	ssyncset.done $0x0  }
0x43: {  	[sflag:s5] =	ssyncadd.s32 $0xFFFFD800  }
0x44: {  	[bflag:$0x0] =	sbarrier.arrive $0xFFFF  }
0x45: {  	[tilespmem:s11], [sflag:$0x1] =	stream.indirect.gather [spmem:s3], $0x10, s24, s7, $0xb8;
	[tilespmem:$0x18240] =	vst v63  }
0x46: {  	s28 =	rddreg [dreg:$0x8]  }
0x47: {  	[tilespmem:s10], [sflag:$0x1] =	stream.indirect.gather [spmem:s3], $0x10, s28, s7, $0xb8;
	[tilespmem:$0x18240] =	vst v63  }
0x48: {  	_ =	swait.ge [sflag:s6], $0x1F40  }
0x49: {  	[sflag:s6] =	ssyncset.done $0x0  }
0x4a: {  	[sflag:s6] =	ssyncadd.s32 $0xFFFFE0C0  }
0x4b: {  	[spmem:s2] =	stream.indirect.scatter.add.f32 [tilespmem:s11], [sflag:$0x2], $0x10, s25, s7, $0xb8;
	[tilespmem:$0x18240] =	vst v63  }
0x4c: {  	s28 =	rddreg [dreg:$0x9]  }
0x4d: {  	[tilespmem:s21], [sflag:$0x1] =	stream.indirect.gather [spmem:s3], $0x10, s28, s7, $0xb8;
	[tilespmem:$0x18240] =	vst v63  }
0x4e: {  	_ =	swait.ge [sflag:s6], $0x1F40  }
0x4f: {  	[sflag:s6] =	ssyncset.done $0x0  }
0x50: {  	s28 =	rddreg [dreg:$0xa];
	[sflag:s6] =	ssyncadd.s32 $0xFFFFE0C0  }
0x51: {  	[spmem:s2] =	stream.indirect.scatter.add.f32 [tilespmem:s10], [sflag:$0x2], $0x10, s28, s7, $0xb8;
	[tilespmem:$0x18240] =	vst v63  }
0x52: {  	s29 =	rddreg [dreg:$0xb]  }
0x53: {  	[tilespmem:s18], [sflag:$0x1] =	stream.indirect.gather [spmem:s3], $0x10, s29, s7, $0xb8;
	[tilespmem:$0x18240] =	vst v63  }
0x54: {  	_ =	swait.ge [sflag:s6], $0x1F40  }
0x55: {  	[sflag:s6] =	ssyncset.done $0x0  }
0x56: {  	s28 =	rddreg [dreg:$0xc];
	[sflag:s6] =	ssyncadd.s32 $0xFFFFE0C0  }
0x57: {  	[spmem:s2] =	stream.indirect.scatter.add.f32 [tilespmem:s21], [sflag:$0x2], $0x10, s28, s7, $0xb8;
	[tilespmem:$0x18240] =	vst v63  }
0x58: {  	s29 =	rddreg [dreg:$0xd]  }
0x59: {  	[tilespmem:s14], [sflag:$0x1] =	stream.indirect.gather [spmem:s3], $0x10, s29, s7, $0xb8;
	[tilespmem:$0x18240] =	vst v63  }
0x5a: {  	_ =	swait.ge [sflag:s6], $0x1F40  }
0x5b: {  	[sflag:s6] =	ssyncset.done $0x0  }
0x5c: {  	s28 =	rddreg [dreg:$0xe];
	[sflag:s6] =	ssyncadd.s32 $0xFFFFE0C0  }
0x5d: {  	[spmem:s2] =	stream.indirect.scatter.add.f32 [tilespmem:s18], [sflag:$0x2], $0x10, s28, s7, $0xb8;
	[tilespmem:$0x18240] =	vst v63  }
0x5e: {  	s29 =	rddreg [dreg:$0xf]  }
0x5f: {  	[tilespmem:s12], [sflag:$0x1] =	stream.indirect.gather [spmem:s3], $0x10, s29, s7, $0xb8;
	[tilespmem:$0x18240] =	vst v63  }
0x60: {  	_ =	swait.ge [sflag:s6], $0x1F40  }
0x61: {  	[sflag:s6] =	ssyncset.done $0x0  }
0x62: {  	s28 =	rddreg [dreg:$0x10];
	[sflag:s6] =	ssyncadd.s32 $0xFFFFE0C0  }
0x63: {  	[spmem:s2] =	stream.indirect.scatter.add.f32 [tilespmem:s14], [sflag:$0x2], $0x10, s28, s7, $0xb8;
	[tilespmem:$0x18240] =	vst v63  }
0x64: {  	_ =	swait.ge [sflag:s8], $0x1F40  }
0x65: {  	[sflag:s8] =	ssyncset.done $0x0  }
0x66: {  	s28 =	rddreg [dreg:$0x11];
	[sflag:s8] =	ssyncadd.s32 $0xFFFFE0C0  }
0x67: {  	[tilespmem:s11], [sflag:$0x1] =	stream.indirect.gather [spmem:s3], $0x10, s28, s7, $0xb8;
	[tilespmem:$0x18240] =	vst v63  }
0x68: {  	_ =	swait.ge [sflag:s6], $0x1F40  }
0x69: {  	[sflag:s6] =	ssyncset.done $0x0  }
0x6a: {  	s28 =	rddreg [dreg:$0x12];
	[sflag:s6] =	ssyncadd.s32 $0xFFFFE0C0  }
0x6b: {  	[spmem:s2] =	stream.indirect.scatter.add.f32 [tilespmem:s12], [sflag:$0x2], $0x10, s28, s7, $0xb8;
	[tilespmem:$0x18240] =	vst v63  }
0x6c: {  	_ =	swait.ge [sflag:s8], $0x1F40  }
0x6d: {  	[sflag:s8] =	ssyncset.done $0x0  }
0x6e: {  	s28 =	rddreg [dreg:$0x13];
	[sflag:s8] =	ssyncadd.s32 $0xFFFFE0C0  }
0x6f: {  	[tilespmem:s10], [sflag:$0x1] =	stream.indirect.gather [spmem:s3], $0x10, s28, s7, $0xb8;
	[tilespmem:$0x18240] =	vst v63  }
0x70: {  	_ =	swait.ge [sflag:s6], $0x1F40  }
0x71: {  	[sflag:s6] =	ssyncset.done $0x0  }
0x72: {  	s28 =	rddreg [dreg:$0x14];
	[sflag:s6] =	ssyncadd.s32 $0xFFFFE0C0  }
0x73: {  	[spmem:s2] =	stream.indirect.scatter.add.f32 [tilespmem:s11], [sflag:$0x2], $0x10, s28, s7, $0xb8;
	[tilespmem:$0x18240] =	vst v63  }
0x74: {  	_ =	swait.ge [sflag:s8], $0x1F40  }
0x75: {  	[sflag:s8] =	ssyncset.done $0x0  }
0x76: {  	s28 =	rddreg [dreg:$0x15];
	[sflag:s8] =	ssyncadd.s32 $0xFFFFE0C0  }
0x77: {  	[tilespmem:s21], [sflag:$0x1] =	stream.indirect.gather [spmem:s3], $0x10, s28, s7, $0xb8;
	[tilespmem:$0x18240] =	vst v63  }
0x78: {  	_ =	swait.ge [sflag:s6], $0x1F40  }
0x79: {  	[sflag:s6] =	ssyncset.done $0x0  }
0x7a: {  	s28 =	rddreg [dreg:$0x16];
	[sflag:s6] =	ssyncadd.s32 $0xFFFFE0C0  }
0x7b: {  	[spmem:s2] =	stream.indirect.scatter.add.f32 [tilespmem:s10], [sflag:$0x2], $0x10, s28, s7, $0xb8;
	[tilespmem:$0x18240] =	vst v63  }
0x7c: {  	_ =	swait.ge [sflag:s8], $0x1F40  }
0x7d: {  	[sflag:s8] =	ssyncset.done $0x0  }
0x7e: {  	s28 =	rddreg [dreg:$0x17];
	[sflag:s8] =	ssyncadd.s32 $0xFFFFE0C0  }
0x7f: {  	[tilespmem:s18], [sflag:$0x1] =	stream.indirect.gather [spmem:s3], $0x10, s28, s7, $0xb8;
	[tilespmem:$0x18240] =	vst v63  }
0x80: {  	_ =	swait.ge [sflag:s6], $0x1F40  }
0x81: {  	[sflag:s6] =	ssyncset.done $0x0  }
0x82: {  	s28 =	rddreg [dreg:$0x18];
	[sflag:s6] =	ssyncadd.s32 $0xFFFFE0C0  }
0x83: {  	[spmem:s2] =	stream.indirect.scatter.add.f32 [tilespmem:s21], [sflag:$0x2], $0x10, s28, s7, $0xb8;
	[tilespmem:$0x18240] =	vst v63  }
0x84: {  	_ =	swait.ge [sflag:s8], $0x1F40  }
0x85: {  	[sflag:s8] =	ssyncset.done $0x0  }
0x86: {  	s28 =	rddreg [dreg:$0x19];
	[sflag:s8] =	ssyncadd.s32 $0xFFFFE0C0  }
0x87: {  	[tilespmem:s14], [sflag:$0x1] =	stream.indirect.gather [spmem:s3], $0x10, s28, s7, $0xb8;
	[tilespmem:$0x18240] =	vst v63  }
0x88: {  	_ =	swait.ge [sflag:s6], $0x1F40  }
0x89: {  	[sflag:s6] =	ssyncset.done $0x0  }
0x8a: {  	s28 =	rddreg [dreg:$0x1a];
	[sflag:s6] =	ssyncadd.s32 $0xFFFFE0C0  }
0x8b: {  	[spmem:s2] =	stream.indirect.scatter.add.f32 [tilespmem:s18], [sflag:$0x2], $0x10, s28, s7, $0xb8;
	[tilespmem:$0x18240] =	vst v63  }
0x8c: {  	_ =	swait.ge [sflag:s8], $0x1F40  }
0x8d: {  	[sflag:s8] =	ssyncset.done $0x0  }
0x8e: {  	s28 =	rddreg [dreg:$0x1b];
	[sflag:s8] =	ssyncadd.s32 $0xFFFFE0C0  }
0x8f: {  	[tilespmem:s12], [sflag:$0x1] =	stream.indirect.gather [spmem:s3], $0x10, s28, s7, $0xb8;
	[tilespmem:$0x18240] =	vst v63  }
0x90: {  	_ =	swait.ge [sflag:s6], $0x1F40  }
0x91: {  	[sflag:s6] =	ssyncset.done $0x0  }
0x92: {  	s28 =	rddreg [dreg:$0x1c];
	[sflag:s6] =	ssyncadd.s32 $0xFFFFE0C0  }
0x93: {  	[spmem:s2] =	stream.indirect.scatter.add.f32 [tilespmem:s14], [sflag:$0x2], $0x10, s28, s7, $0xb8;
	[tilespmem:$0x18240] =	vst v63  }
0x94: {  	_ =	swait.ge [sflag:s8], $0x1F40  }
0x95: {  	[sflag:s8] =	ssyncset.done $0x0  }
0x96: {  	s28 =	rddreg [dreg:$0x1d];
	[sflag:s8] =	ssyncadd.s32 $0xFFFFE0C0  }
0x97: {  	[tilespmem:s11], [sflag:$0x1] =	stream.indirect.gather [spmem:s3], $0x10, s28, s7, $0xb8;
	[tilespmem:$0x18240] =	vst v63  }
0x98: {  	_ =	swait.ge [sflag:s6], $0x1F40  }
0x99: {  	[sflag:s6] =	ssyncset.done $0x0  }
0x9a: {  	s28 =	rddreg [dreg:$0x1e];
	[sflag:s6] =	ssyncadd.s32 $0xFFFFE0C0  }
0x9b: {  	[spmem:s2] =	stream.indirect.scatter.add.f32 [tilespmem:s12], [sflag:$0x2], $0x10, s28, s7, $0xb8;
	[tilespmem:$0x18240] =	vst v63  }
0x9c: {  	_ =	swait.ge [sflag:s8], $0x1F40  }
0x9d: {  	[sflag:s8] =	ssyncset.done $0x0  }
0x9e: {  	s28 =	rddreg [dreg:$0x1f];
	[sflag:s8] =	ssyncadd.s32 $0xFFFFE0C0  }
0x9f: {  	[tilespmem:s10], [sflag:$0x1] =	stream.indirect.gather [spmem:s3], $0x10, s28, s7, $0xb8;
	[tilespmem:$0x18240] =	vst v63  }
0xa0: {  	_ =	swait.ge [sflag:s6], $0x1F40  }
0xa1: {  	s28 =	sld [smem:$0x7F8]  }
0xa2: {  	[sflag:s6] =	ssyncset.done $0x0  }
0xa3: {  	[sflag:s6] =	ssyncadd.s32 $0xFFFFE0C0  }
0xa4: {  	[spmem:s2] =	stream.indirect.scatter.add.f32 [tilespmem:s11], [sflag:$0x2], $0x10, s28, s7, $0xb8;
	[tilespmem:$0x18240] =	vst v63  }
0xa5: {  	_ =	swait.ge [sflag:s8], $0x1F40  }
0xa6: {  	s28 =	sld [smem:$0x7F9]  }
0xa7: {  	[sflag:s8] =	ssyncset.done $0x0  }
0xa8: {  	[sflag:s8] =	ssyncadd.s32 $0xFFFFE0C0  }
0xa9: {  	[tilespmem:s21], [sflag:$0x1] =	stream.indirect.gather [spmem:s3], $0x10, s28, s7, $0xb8;
	[tilespmem:$0x18240] =	vst v63  }
0xaa: {  	_ =	swait.ge [sflag:s6], $0x1F40  }
0xab: {  	s28 =	sld [smem:$0x7FA]  }
0xac: {  	[sflag:s6] =	ssyncset.done $0x0  }
0xad: {  	[sflag:s6] =	ssyncadd.s32 $0xFFFFE0C0  }
0xae: {  	[spmem:s2] =	stream.indirect.scatter.add.f32 [tilespmem:s10], [sflag:$0x2], $0x10, s28, s7, $0xb8;
	[tilespmem:$0x18240] =	vst v63  }
0xaf: {  	_ =	swait.ge [sflag:s8], $0x1F40  }
0xb0: {  	s28 =	sld [smem:$0x7FB]  }
0xb1: {  	[sflag:s8] =	ssyncset.done $0x0  }
0xb2: {  	[sflag:s8] =	ssyncadd.s32 $0xFFFFE0C0  }
0xb3: {  	[tilespmem:s18], [sflag:$0x1] =	stream.indirect.gather [spmem:s3], $0x10, s28, s7, $0xb8;
	[tilespmem:$0x18240] =	vst v63  }
0xb4: {  	_ =	swait.ge [sflag:s6], $0x1F40  }
0xb5: {  	s28 =	sld [smem:$0x7FC]  }
0xb6: {  	[sflag:s6] =	ssyncset.done $0x0  }
0xb7: {  	[sflag:s6] =	ssyncadd.s32 $0xFFFFE0C0  }
0xb8: {  	[spmem:s2] =	stream.indirect.scatter.add.f32 [tilespmem:s21], [sflag:$0x2], $0x10, s28, s7, $0xb8;
	[tilespmem:$0x18240] =	vst v63  }
0xb9: {  	_ =	swait.ge [sflag:s8], $0x1F40  }
0xba: {  	s28 =	sld [smem:$0x7FD]  }
0xbb: {  	[sflag:s8] =	ssyncset.done $0x0  }
0xbc: {  	[sflag:s8] =	ssyncadd.s32 $0xFFFFE0C0  }
0xbd: {  	[tilespmem:s14], [sflag:$0x1] =	stream.indirect.gather [spmem:s3], $0x10, s28, s7, $0xb8;
	[tilespmem:$0x18240] =	vst v63  }
0xbe: {  	_ =	swait.ge [sflag:s6], $0x1F40  }
0xbf: {  	[sflag:s6] =	ssyncset.done $0x0  }
0xc0: {  	[sflag:s6] =	ssyncadd.s32 $0xFFFFE0C0  }
0xc1: {  	[spmem:s2] =	stream.indirect.scatter.add.f32 [tilespmem:s18], [sflag:$0x2], $0x10, s23, s7, $0xb8;
	[tilespmem:$0x18240] =	vst v63  }
0xc2: {  	_ =	swait.ge [sflag:s8], $0x1F40  }
0xc3: {  	[sflag:s8] =	ssyncset.done $0x0  }
0xc4: {  	[sflag:s8] =	ssyncadd.s32 $0xFFFFE0C0  }
0xc5: {  	[tilespmem:s12], [sflag:$0x1] =	stream.indirect.gather [spmem:s3], $0x10, s22, s7, $0xb8;
	[tilespmem:$0x18240] =	vst v63  }
0xc6: {  	_ =	swait.ge [sflag:s6], $0x1F40  }
0xc7: {  	[sflag:s6] =	ssyncset.done $0x0  }
0xc8: {  	[sflag:s6] =	ssyncadd.s32 $0xFFFFE0C0  }
0xc9: {  	[spmem:s2] =	stream.indirect.scatter.add.f32 [tilespmem:s14], [sflag:$0x2], $0x10, s20, s7, $0xb8;
	[tilespmem:$0x18240] =	vst v63  }
0xca: {  	_ =	swait.ge [sflag:s8], $0x1F40  }
0xcb: {  	[sflag:s8] =	ssyncset.done $0x0  }
0xcc: {  	[sflag:s8] =	ssyncadd.s32 $0xFFFFE0C0  }
0xcd: {  	[tilespmem:s11], [sflag:$0x1] =	stream.indirect.gather [spmem:s3], $0x10, s19, s7, $0xb8;
	[tilespmem:$0x18240] =	vst v63  }
0xce: {  	_ =	swait.ge [sflag:s6], $0x1F40  }
0xcf: {  	[sflag:s6] =	ssyncset.done $0x0  }
0xd0: {  	[sflag:s6] =	ssyncadd.s32 $0xFFFFE0C0  }
0xd1: {  	[spmem:s2] =	stream.indirect.scatter.add.f32 [tilespmem:s12], [sflag:$0x2], $0x10, s17, s7, $0xb8;
	[tilespmem:$0x18240] =	vst v63  }
0xd2: {  	_ =	swait.ge [sflag:s8], $0x1F40  }
0xd3: {  	[sflag:s8] =	ssyncset.done $0x0  }
0xd4: {  	[sflag:s8] =	ssyncadd.s32 $0xFFFFE0C0  }
0xd5: {  	[tilespmem:s10], [sflag:$0x1] =	stream.indirect.gather [spmem:s3], $0x10, s15, s7, $0xb8;
	[tilespmem:$0x18240] =	vst v63  }
0xd6: {  	_ =	swait.ge [sflag:s6], $0x1F40  }
0xd7: {  	[sflag:s6] =	ssyncset.done $0x0  }
0xd8: {  	[sflag:s6] =	ssyncadd.s32 $0xFFFFE0C0  }
0xd9: {  	[spmem:s2] =	stream.indirect.scatter.add.f32 [tilespmem:s11], [sflag:$0x2], $0x10, s16, s7, $0xb8;
	[tilespmem:$0x18240] =	vst v63  }
0xda: {  	_ =	swait.ge [sflag:s6], $0x1F40  }
0xdb: {  	[sflag:s6] =	ssyncset.done $0x0  }
0xdc: {  	[sflag:s6] =	ssyncadd.s32 $0xFFFFE0C0  }
0xdd: {  	[spmem:s2] =	stream.indirect.scatter.add.f32 [tilespmem:s10], [sflag:$0x2], $0x10, s13, s7, $0xb8;
	[tilespmem:$0x18240] =	vst v63  }
0xde: {  	_ =	swait.ge [sflag:s8], $0x1F40  }
0xdf: {  	[sflag:s8] =	ssyncset.done $0x0  }
0xe0: {  	[sflag:s8] =	ssyncadd.s32 $0xFFFFE0C0  }
0xe1: {  	_ =	swait.ge [sflag:s8], $0x1F40  }
0xe2: {  	[sflag:s8] =	ssyncset.done $0x0  }
0xe3: {  	[sflag:s8] =	ssyncadd.s32 $0xFFFFE0C0  }
0xe4: {  	_ =	swait.ge [sflag:s8], $0x1F40  }
0xe5: {  	[sflag:s8] =	ssyncset.done $0x0  }
0xe6: {  	[sflag:s8] =	ssyncadd.s32 $0xFFFFE0C0  }
0xe7: {  	_ =	swait.ge [sflag:s8], $0x1F40  }
0xe8: {  	[sflag:s8] =	ssyncset.done $0x0  }
0xe9: {  	[sflag:s8] =	ssyncadd.s32 $0xFFFFE0C0  }
0xea: {  	_ =	swait.ge [sflag:s8], $0x1F40  }
0xeb: {  	[sflag:s8] =	ssyncset.done $0x0  }
0xec: {  	[sflag:s8] =	ssyncadd.s32 $0xFFFFE0C0  }
0xed: {  	_ =	swait.ge [sflag:s8], $0x1F40  }
0xee: {  	p1 =	sne.s32 s30, $0x1;
	[sflag:s8] =	ssyncset.done $0x0  }
.Ltmp1:
0xef: {  	s28 =	sshll.u32 s0, $0x6;
	[sflag:s8] =	ssyncadd.s32 $0xFFFFE0C0;
	(pc) =	sbr.rel @!p1 .LBB2_2-.Ltmp1, $4  }
0xf0: {  	s29 =	sshrl.u32 s4, $0x3;
	s28 =	sor.u32 $0x1C03, s28;
	[bflag:$0x0] =	sbarrier.arrive $0xFFFF  }
0xf1: {  	[hbm:s9], [sflag:s28] =	dma.local [spmem:s29], $0x500  }
0xf2: {  	s30 =	sadd.s32 $0xFFFFFFFF, s30;
	_ =	swait.ge [sflag:s5], $0x500  }
0xf3: {  	p0 =	por $0x1, $0x1;
	s31 =	rddreg [dreg:$0x4];
	[sflag:s5] =	ssyncset.done $0x0  }
.LBB2_3:
0xf4: {  	[sflag:s5] =	ssyncadd.s32 $0xFFFFFB00  }
0xf5: {  	[tilespmem:s26], [sflag:$0x1] =	stream.linear.gather [hbm4b:s31+s24], $0x2800, $0x38;
	[tilespmem:$0x18240] =	vst v63  }
0xf6: {  	s1 =	rddreg [dreg:$0x5]  }
0xf7: {  	[tilespmem:s24], [sflag:$0x1] =	stream.linear.gather [hbm4b:s1+s24], $0x2760, $0x38;
	[tilespmem:$0x18240] =	vst v63  }
0xf8: {  	s31 =	rddreg [dreg:$0x6]  }
0xf9: {  	[tilespmem:s25], [sflag:$0x1] =	stream.linear.gather [hbm4b:s31+s24], $0x2760, $0x38;
	[tilespmem:$0x18240] =	vst v63  }
0xfa: {  	_ =	swait.ge [sflag:s6], $0x2800  }
0xfb: {  	[sflag:s6] =	ssyncset.done $0x0  }
0xfc: {  	[sflag:s6] =	ssyncadd.s32 $0xFFFFD800  }
0xfd: {  	_ =	swait.ge [sflag:s6], $0x2760  }
0xfe: {  	[sflag:s6] =	ssyncset.done $0x0  }
0xff: {  	[sflag:s6] =	ssyncadd.s32 $0xFFFFD8A0  }
0x100: {  	_ =	swait.ge [sflag:s6], $0x2760  }
0x101: {  	[sflag:s6] =	ssyncset.done $0x0  }
0x102: {  	[sflag:s6] =	ssyncadd.s32 $0xFFFFD8A0  }
0x103: {  	[spmem:s4] =	stream.linear.scatter [tilespmem:s26], [sflag:$0x3], $0x2800, $0x38;
	[tilespmem:$0x18240] =	vst v63  }
0x104: {  	_ =	swait.ge [sflag:s5], $0x2800  }
0x105: {  	[sflag:s5] =	ssyncset.done $0x0  }
0x106: {  	s1 =	rddreg [dreg:$0x7];
	[sflag:s5] =	ssyncadd.s32 $0xFFFFD800  }
0x107: {  	[spmem:s1] =	stream.linear.scatter [tilespmem:s26], [sflag:$0x3], $0x2800, $0x38;
	[tilespmem:$0x18240] =	vst v63  }
0x108: {  	_ =	swait.ge [sflag:s5], $0x2800  }
0x109: {  	[sflag:s5] =	ssyncset.done $0x0  }
0x10a: {  	[sflag:s5] =	ssyncadd.s32 $0xFFFFD800  }
0x10b: {  	[bflag:$0x0] =	sbarrier.arrive $0xFFFF  }
0x10c: {  	[tilespmem:s11], [sflag:$0x1] =	stream.indirect.gather [spmem:s3], $0x10, s24, s7, $0xb8;
	[tilespmem:$0x18240] =	vst v63  }
0x10d: {  	s1 =	rddreg [dreg:$0x8]  }
0x10e: {  	[tilespmem:s10], [sflag:$0x1] =	stream.indirect.gather [spmem:s3], $0x10, s1, s7, $0xb8;
	[tilespmem:$0x18240] =	vst v63  }
0x10f: {  	_ =	swait.ge [sflag:s6], $0x1F40  }
0x110: {  	[sflag:s6] =	ssyncset.done $0x0  }
0x111: {  	[sflag:s6] =	ssyncadd.s32 $0xFFFFE0C0  }
0x112: {  	[spmem:s2] =	stream.indirect.scatter.add.f32 [tilespmem:s11], [sflag:$0x2], $0x10, s25, s7, $0xb8;
	[tilespmem:$0x18240] =	vst v63  }
0x113: {  	s1 =	rddreg [dreg:$0x9]  }
0x114: {  	[tilespmem:s21], [sflag:$0x1] =	stream.indirect.gather [spmem:s3], $0x10, s1, s7, $0xb8;
	[tilespmem:$0x18240] =	vst v63  }
0x115: {  	_ =	swait.ge [sflag:s6], $0x1F40  }
0x116: {  	[sflag:s6] =	ssyncset.done $0x0  }
0x117: {  	s1 =	rddreg [dreg:$0xa];
	[sflag:s6] =	ssyncadd.s32 $0xFFFFE0C0  }
0x118: {  	[spmem:s2] =	stream.indirect.scatter.add.f32 [tilespmem:s10], [sflag:$0x2], $0x10, s1, s7, $0xb8;
	[tilespmem:$0x18240] =	vst v63  }
0x119: {  	s31 =	rddreg [dreg:$0xb]  }
0x11a: {  	[tilespmem:s18], [sflag:$0x1] =	stream.indirect.gather [spmem:s3], $0x10, s31, s7, $0xb8;
	[tilespmem:$0x18240] =	vst v63  }
0x11b: {  	_ =	swait.ge [sflag:s6], $0x1F40  }
0x11c: {  	[sflag:s6] =	ssyncset.done $0x0  }
0x11d: {  	s1 =	rddreg [dreg:$0xc];
	[sflag:s6] =	ssyncadd.s32 $0xFFFFE0C0  }
0x11e: {  	[spmem:s2] =	stream.indirect.scatter.add.f32 [tilespmem:s21], [sflag:$0x2], $0x10, s1, s7, $0xb8;
	[tilespmem:$0x18240] =	vst v63  }
0x11f: {  	s31 =	rddreg [dreg:$0xd]  }
0x120: {  	[tilespmem:s14], [sflag:$0x1] =	stream.indirect.gather [spmem:s3], $0x10, s31, s7, $0xb8;
	[tilespmem:$0x18240] =	vst v63  }
0x121: {  	_ =	swait.ge [sflag:s6], $0x1F40  }
0x122: {  	[sflag:s6] =	ssyncset.done $0x0  }
0x123: {  	s1 =	rddreg [dreg:$0xe];
	[sflag:s6] =	ssyncadd.s32 $0xFFFFE0C0  }
0x124: {  	[spmem:s2] =	stream.indirect.scatter.add.f32 [tilespmem:s18], [sflag:$0x2], $0x10, s1, s7, $0xb8;
	[tilespmem:$0x18240] =	vst v63  }
0x125: {  	s31 =	rddreg [dreg:$0xf]  }
0x126: {  	[tilespmem:s12], [sflag:$0x1] =	stream.indirect.gather [spmem:s3], $0x10, s31, s7, $0xb8;
	[tilespmem:$0x18240] =	vst v63  }
0x127: {  	_ =	swait.ge [sflag:s6], $0x1F40  }
0x128: {  	[sflag:s6] =	ssyncset.done $0x0  }
0x129: {  	s1 =	rddreg [dreg:$0x10];
	[sflag:s6] =	ssyncadd.s32 $0xFFFFE0C0  }
0x12a: {  	[spmem:s2] =	stream.indirect.scatter.add.f32 [tilespmem:s14], [sflag:$0x2], $0x10, s1, s7, $0xb8;
	[tilespmem:$0x18240] =	vst v63  }
0x12b: {  	_ =	swait.ge [sflag:s8], $0x1F40  }
0x12c: {  	[sflag:s8] =	ssyncset.done $0x0  }
0x12d: {  	s1 =	rddreg [dreg:$0x11];
	[sflag:s8] =	ssyncadd.s32 $0xFFFFE0C0  }
0x12e: {  	[tilespmem:s11], [sflag:$0x1] =	stream.indirect.gather [spmem:s3], $0x10, s1, s7, $0xb8;
	[tilespmem:$0x18240] =	vst v63  }
0x12f: {  	_ =	swait.ge [sflag:s6], $0x1F40  }
0x130: {  	[sflag:s6] =	ssyncset.done $0x0  }
0x131: {  	s1 =	rddreg [dreg:$0x12];
	[sflag:s6] =	ssyncadd.s32 $0xFFFFE0C0  }
0x132: {  	[spmem:s2] =	stream.indirect.scatter.add.f32 [tilespmem:s12], [sflag:$0x2], $0x10, s1, s7, $0xb8;
	[tilespmem:$0x18240] =	vst v63  }
0x133: {  	_ =	swait.ge [sflag:s8], $0x1F40  }
0x134: {  	[sflag:s8] =	ssyncset.done $0x0  }
0x135: {  	s1 =	rddreg [dreg:$0x13];
	[sflag:s8] =	ssyncadd.s32 $0xFFFFE0C0  }
0x136: {  	[tilespmem:s10], [sflag:$0x1] =	stream.indirect.gather [spmem:s3], $0x10, s1, s7, $0xb8;
	[tilespmem:$0x18240] =	vst v63  }
0x137: {  	_ =	swait.ge [sflag:s6], $0x1F40  }
0x138: {  	[sflag:s6] =	ssyncset.done $0x0  }
0x139: {  	s1 =	rddreg [dreg:$0x14];
	[sflag:s6] =	ssyncadd.s32 $0xFFFFE0C0  }
0x13a: {  	[spmem:s2] =	stream.indirect.scatter.add.f32 [tilespmem:s11], [sflag:$0x2], $0x10, s1, s7, $0xb8;
	[tilespmem:$0x18240] =	vst v63  }
0x13b: {  	_ =	swait.ge [sflag:s8], $0x1F40  }
0x13c: {  	[sflag:s8] =	ssyncset.done $0x0  }
0x13d: {  	s1 =	rddreg [dreg:$0x15];
	[sflag:s8] =	ssyncadd.s32 $0xFFFFE0C0  }
0x13e: {  	[tilespmem:s21], [sflag:$0x1] =	stream.indirect.gather [spmem:s3], $0x10, s1, s7, $0xb8;
	[tilespmem:$0x18240] =	vst v63  }
0x13f: {  	_ =	swait.ge [sflag:s6], $0x1F40  }
0x140: {  	[sflag:s6] =	ssyncset.done $0x0  }
0x141: {  	s1 =	rddreg [dreg:$0x16];
	[sflag:s6] =	ssyncadd.s32 $0xFFFFE0C0  }
0x142: {  	[spmem:s2] =	stream.indirect.scatter.add.f32 [tilespmem:s10], [sflag:$0x2], $0x10, s1, s7, $0xb8;
	[tilespmem:$0x18240] =	vst v63  }
0x143: {  	_ =	swait.ge [sflag:s8], $0x1F40  }
0x144: {  	[sflag:s8] =	ssyncset.done $0x0  }
0x145: {  	s1 =	rddreg [dreg:$0x17];
	[sflag:s8] =	ssyncadd.s32 $0xFFFFE0C0  }
0x146: {  	[tilespmem:s18], [sflag:$0x1] =	stream.indirect.gather [spmem:s3], $0x10, s1, s7, $0xb8;
	[tilespmem:$0x18240] =	vst v63  }
0x147: {  	_ =	swait.ge [sflag:s6], $0x1F40  }
0x148: {  	[sflag:s6] =	ssyncset.done $0x0  }
0x149: {  	s1 =	rddreg [dreg:$0x18];
	[sflag:s6] =	ssyncadd.s32 $0xFFFFE0C0  }
0x14a: {  	[spmem:s2] =	stream.indirect.scatter.add.f32 [tilespmem:s21], [sflag:$0x2], $0x10, s1, s7, $0xb8;
	[tilespmem:$0x18240] =	vst v63  }
0x14b: {  	_ =	swait.ge [sflag:s8], $0x1F40  }
0x14c: {  	[sflag:s8] =	ssyncset.done $0x0  }
0x14d: {  	s1 =	rddreg [dreg:$0x19];
	[sflag:s8] =	ssyncadd.s32 $0xFFFFE0C0  }
0x14e: {  	[tilespmem:s14], [sflag:$0x1] =	stream.indirect.gather [spmem:s3], $0x10, s1, s7, $0xb8;
	[tilespmem:$0x18240] =	vst v63  }
0x14f: {  	_ =	swait.ge [sflag:s6], $0x1F40  }
0x150: {  	[sflag:s6] =	ssyncset.done $0x0  }
0x151: {  	s1 =	rddreg [dreg:$0x1a];
	[sflag:s6] =	ssyncadd.s32 $0xFFFFE0C0  }
0x152: {  	[spmem:s2] =	stream.indirect.scatter.add.f32 [tilespmem:s18], [sflag:$0x2], $0x10, s1, s7, $0xb8;
	[tilespmem:$0x18240] =	vst v63  }
0x153: {  	_ =	swait.ge [sflag:s8], $0x1F40  }
0x154: {  	[sflag:s8] =	ssyncset.done $0x0  }
0x155: {  	s1 =	rddreg [dreg:$0x1b];
	[sflag:s8] =	ssyncadd.s32 $0xFFFFE0C0  }
0x156: {  	[tilespmem:s12], [sflag:$0x1] =	stream.indirect.gather [spmem:s3], $0x10, s1, s7, $0xb8;
	[tilespmem:$0x18240] =	vst v63  }
0x157: {  	_ =	swait.ge [sflag:s6], $0x1F40  }
0x158: {  	[sflag:s6] =	ssyncset.done $0x0  }
0x159: {  	s1 =	rddreg [dreg:$0x1c];
	[sflag:s6] =	ssyncadd.s32 $0xFFFFE0C0  }
0x15a: {  	[spmem:s2] =	stream.indirect.scatter.add.f32 [tilespmem:s14], [sflag:$0x2], $0x10, s1, s7, $0xb8;
	[tilespmem:$0x18240] =	vst v63  }
0x15b: {  	_ =	swait.ge [sflag:s8], $0x1F40  }
0x15c: {  	[sflag:s8] =	ssyncset.done $0x0  }
0x15d: {  	s1 =	rddreg [dreg:$0x1d];
	[sflag:s8] =	ssyncadd.s32 $0xFFFFE0C0  }
0x15e: {  	[tilespmem:s11], [sflag:$0x1] =	stream.indirect.gather [spmem:s3], $0x10, s1, s7, $0xb8;
	[tilespmem:$0x18240] =	vst v63  }
0x15f: {  	_ =	swait.ge [sflag:s6], $0x1F40  }
0x160: {  	[sflag:s6] =	ssyncset.done $0x0  }
0x161: {  	s1 =	rddreg [dreg:$0x1e];
	[sflag:s6] =	ssyncadd.s32 $0xFFFFE0C0  }
0x162: {  	[spmem:s2] =	stream.indirect.scatter.add.f32 [tilespmem:s12], [sflag:$0x2], $0x10, s1, s7, $0xb8;
	[tilespmem:$0x18240] =	vst v63  }
0x163: {  	_ =	swait.ge [sflag:s8], $0x1F40  }
0x164: {  	[sflag:s8] =	ssyncset.done $0x0  }
0x165: {  	s1 =	rddreg [dreg:$0x1f];
	[sflag:s8] =	ssyncadd.s32 $0xFFFFE0C0  }
0x166: {  	[tilespmem:s10], [sflag:$0x1] =	stream.indirect.gather [spmem:s3], $0x10, s1, s7, $0xb8;
	[tilespmem:$0x18240] =	vst v63  }
0x167: {  	_ =	swait.ge [sflag:s6], $0x1F40  }
0x168: {  	s1 =	sld [smem:$0x7F8]  }
0x169: {  	[sflag:s6] =	ssyncset.done $0x0  }
0x16a: {  	[sflag:s6] =	ssyncadd.s32 $0xFFFFE0C0  }
0x16b: {  	[spmem:s2] =	stream.indirect.scatter.add.f32 [tilespmem:s11], [sflag:$0x2], $0x10, s1, s7, $0xb8;
	[tilespmem:$0x18240] =	vst v63  }
0x16c: {  	_ =	swait.ge [sflag:s8], $0x1F40  }
0x16d: {  	s1 =	sld [smem:$0x7F9]  }
0x16e: {  	[sflag:s8] =	ssyncset.done $0x0  }
0x16f: {  	[sflag:s8] =	ssyncadd.s32 $0xFFFFE0C0  }
0x170: {  	[tilespmem:s21], [sflag:$0x1] =	stream.indirect.gather [spmem:s3], $0x10, s1, s7, $0xb8;
	[tilespmem:$0x18240] =	vst v63  }
0x171: {  	_ =	swait.ge [sflag:s6], $0x1F40  }
0x172: {  	s1 =	sld [smem:$0x7FA]  }
0x173: {  	[sflag:s6] =	ssyncset.done $0x0  }
0x174: {  	[sflag:s6] =	ssyncadd.s32 $0xFFFFE0C0  }
0x175: {  	[spmem:s2] =	stream.indirect.scatter.add.f32 [tilespmem:s10], [sflag:$0x2], $0x10, s1, s7, $0xb8;
	[tilespmem:$0x18240] =	vst v63  }
0x176: {  	_ =	swait.ge [sflag:s8], $0x1F40  }
0x177: {  	s1 =	sld [smem:$0x7FB]  }
0x178: {  	[sflag:s8] =	ssyncset.done $0x0  }
0x179: {  	[sflag:s8] =	ssyncadd.s32 $0xFFFFE0C0  }
0x17a: {  	[tilespmem:s18], [sflag:$0x1] =	stream.indirect.gather [spmem:s3], $0x10, s1, s7, $0xb8;
	[tilespmem:$0x18240] =	vst v63  }
0x17b: {  	_ =	swait.ge [sflag:s6], $0x1F40  }
0x17c: {  	s1 =	sld [smem:$0x7FC]  }
0x17d: {  	[sflag:s6] =	ssyncset.done $0x0  }
0x17e: {  	[sflag:s6] =	ssyncadd.s32 $0xFFFFE0C0  }
0x17f: {  	[spmem:s2] =	stream.indirect.scatter.add.f32 [tilespmem:s21], [sflag:$0x2], $0x10, s1, s7, $0xb8;
	[tilespmem:$0x18240] =	vst v63  }
0x180: {  	_ =	swait.ge [sflag:s8], $0x1F40  }
0x181: {  	s1 =	sld [smem:$0x7FD]  }
0x182: {  	[sflag:s8] =	ssyncset.done $0x0  }
0x183: {  	[sflag:s8] =	ssyncadd.s32 $0xFFFFE0C0  }
0x184: {  	[tilespmem:s14], [sflag:$0x1] =	stream.indirect.gather [spmem:s3], $0x10, s1, s7, $0xb8;
	[tilespmem:$0x18240] =	vst v63  }
0x185: {  	_ =	swait.ge [sflag:s6], $0x1F40  }
0x186: {  	[sflag:s6] =	ssyncset.done $0x0  }
0x187: {  	[sflag:s6] =	ssyncadd.s32 $0xFFFFE0C0  }
0x188: {  	[spmem:s2] =	stream.indirect.scatter.add.f32 [tilespmem:s18], [sflag:$0x2], $0x10, s23, s7, $0xb8;
	[tilespmem:$0x18240] =	vst v63  }
0x189: {  	_ =	swait.ge [sflag:s8], $0x1F40  }
0x18a: {  	[sflag:s8] =	ssyncset.done $0x0  }
0x18b: {  	[sflag:s8] =	ssyncadd.s32 $0xFFFFE0C0  }
0x18c: {  	[tilespmem:s12], [sflag:$0x1] =	stream.indirect.gather [spmem:s3], $0x10, s22, s7, $0xb8;
	[tilespmem:$0x18240] =	vst v63  }
0x18d: {  	_ =	swait.ge [sflag:s6], $0x1F40  }
0x18e: {  	[sflag:s6] =	ssyncset.done $0x0  }
0x18f: {  	[sflag:s6] =	ssyncadd.s32 $0xFFFFE0C0  }
0x190: {  	[spmem:s2] =	stream.indirect.scatter.add.f32 [tilespmem:s14], [sflag:$0x2], $0x10, s20, s7, $0xb8;
	[tilespmem:$0x18240] =	vst v63  }
0x191: {  	_ =	swait.ge [sflag:s8], $0x1F40  }
0x192: {  	[sflag:s8] =	ssyncset.done $0x0  }
0x193: {  	[sflag:s8] =	ssyncadd.s32 $0xFFFFE0C0  }
0x194: {  	[tilespmem:s11], [sflag:$0x1] =	stream.indirect.gather [spmem:s3], $0x10, s19, s7, $0xb8;
	[tilespmem:$0x18240] =	vst v63  }
0x195: {  	_ =	swait.ge [sflag:s6], $0x1F40  }
0x196: {  	[sflag:s6] =	ssyncset.done $0x0  }
0x197: {  	[sflag:s6] =	ssyncadd.s32 $0xFFFFE0C0  }
0x198: {  	[spmem:s2] =	stream.indirect.scatter.add.f32 [tilespmem:s12], [sflag:$0x2], $0x10, s17, s7, $0xb8;
	[tilespmem:$0x18240] =	vst v63  }
0x199: {  	_ =	swait.ge [sflag:s8], $0x1F40  }
0x19a: {  	[sflag:s8] =	ssyncset.done $0x0  }
0x19b: {  	[sflag:s8] =	ssyncadd.s32 $0xFFFFE0C0  }
0x19c: {  	[tilespmem:s10], [sflag:$0x1] =	stream.indirect.gather [spmem:s3], $0x10, s15, s7, $0xb8;
	[tilespmem:$0x18240] =	vst v63  }
0x19d: {  	_ =	swait.ge [sflag:s6], $0x1F40  }
0x19e: {  	[sflag:s6] =	ssyncset.done $0x0  }
0x19f: {  	[sflag:s6] =	ssyncadd.s32 $0xFFFFE0C0  }
0x1a0: {  	[spmem:s2] =	stream.indirect.scatter.add.f32 [tilespmem:s11], [sflag:$0x2], $0x10, s16, s7, $0xb8;
	[tilespmem:$0x18240] =	vst v63  }
0x1a1: {  	_ =	swait.ge [sflag:s6], $0x1F40  }
0x1a2: {  	[sflag:s6] =	ssyncset.done $0x0  }
0x1a3: {  	[sflag:s6] =	ssyncadd.s32 $0xFFFFE0C0  }
0x1a4: {  	[spmem:s2] =	stream.indirect.scatter.add.f32 [tilespmem:s10], [sflag:$0x2], $0x10, s13, s7, $0xb8;
	[tilespmem:$0x18240] =	vst v63  }
0x1a5: {  	_ =	swait.ge [sflag:s8], $0x1F40  }
0x1a6: {  	[sflag:s8] =	ssyncset.done $0x0  }
0x1a7: {  	[sflag:s8] =	ssyncadd.s32 $0xFFFFE0C0  }
0x1a8: {  	_ =	swait.ge [sflag:s8], $0x1F40  }
0x1a9: {  	[sflag:s8] =	ssyncset.done $0x0  }
0x1aa: {  	[sflag:s8] =	ssyncadd.s32 $0xFFFFE0C0  }
0x1ab: {  	_ =	swait.ge [sflag:s8], $0x1F40  }
0x1ac: {  	[sflag:s8] =	ssyncset.done $0x0  }
0x1ad: {  	[sflag:s8] =	ssyncadd.s32 $0xFFFFE0C0  }
0x1ae: {  	_ =	swait.ge [sflag:s8], $0x1F40  }
0x1af: {  	[sflag:s8] =	ssyncset.done $0x0  }
0x1b0: {  	[sflag:s8] =	ssyncadd.s32 $0xFFFFE0C0  }
0x1b1: {  	_ =	swait.ge [sflag:s8], $0x1F40  }
0x1b2: {  	[sflag:s8] =	ssyncset.done $0x0  }
0x1b3: {  	[sflag:s8] =	ssyncadd.s32 $0xFFFFE0C0  }
0x1b4: {  	_ =	swait.ge [sflag:s8], $0x1F40  }
0x1b5: {  	p1 =	sne.s32 s30, $0x1;
	[sflag:s8] =	ssyncset.done $0x0  }
.Ltmp2:
0x1b6: {  	[sflag:s8] =	ssyncadd.s32 $0xFFFFE0C0;
	(pc) =	sbr.rel @p1 .LBB2_3-.Ltmp2, $4  }
0x1b7: {  	[bflag:$0x0] =	sbarrier.arrive $0xFFFF  }
0x1b8: {  	[hbm:s9], [sflag:s28] =	dma.local [spmem:s29], $0x500  }
0x1b9: {  	_ =	swait.ge [sflag:s5], $0x500  }
0x1ba: {  	s30 =	sadd.s32 $0xFFFFFFFF, s30;
	s31 =	rddreg [dreg:$0x4];
	[sflag:s5] =	ssyncset.done $0x0  }
0x1bb: {  	s29 =	rddreg [dreg:$0x3]  }
.LBB2_5:
0x1bc: {  	[sflag:s5] =	ssyncadd.s32 @p0 $0xFFFFFB00  }
0x1bd: {  	[tilespmem:s26], [sflag:$0x1] =	stream.linear.gather [hbm4b:s31+s24], $0x2800, $0x38;
	[tilespmem:$0x18240] =	vst v63  }
0x1be: {  	s1 =	rddreg [dreg:$0x5]  }
0x1bf: {  	[tilespmem:s24], [sflag:$0x1] =	stream.linear.gather [hbm4b:s1+s24], $0x2760, $0x38;
	[tilespmem:$0x18240] =	vst v63  }
0x1c0: {  	s28 =	rddreg [dreg:$0x6]  }
0x1c1: {  	[tilespmem:s25], [sflag:$0x1] =	stream.linear.gather [hbm4b:s28+s24], $0x2760, $0x38;
	[tilespmem:$0x18240] =	vst v63  }
0x1c2: {  	_ =	swait.ge [sflag:s6], $0x2800  }
0x1c3: {  	[sflag:s6] =	ssyncset.done $0x0  }
0x1c4: {  	[sflag:s6] =	ssyncadd.s32 $0xFFFFD800  }
0x1c5: {  	_ =	swait.ge [sflag:s6], $0x2760  }
0x1c6: {  	[sflag:s6] =	ssyncset.done $0x0  }
0x1c7: {  	[sflag:s6] =	ssyncadd.s32 $0xFFFFD8A0  }
0x1c8: {  	_ =	swait.ge [sflag:s6], $0x2760  }
0x1c9: {  	[sflag:s6] =	ssyncset.done $0x0  }
0x1ca: {  	[sflag:s6] =	ssyncadd.s32 $0xFFFFD8A0  }
0x1cb: {  	[spmem:s4] =	stream.linear.scatter [tilespmem:s26], [sflag:$0x3], $0x2800, $0x38;
	[tilespmem:$0x18240] =	vst v63  }
0x1cc: {  	_ =	swait.ge [sflag:s5], $0x2800  }
0x1cd: {  	[sflag:s5] =	ssyncset.done $0x0  }
0x1ce: {  	s28 =	rddreg [dreg:$0x7];
	[sflag:s5] =	ssyncadd.s32 $0xFFFFD800  }
0x1cf: {  	[spmem:s28] =	stream.linear.scatter [tilespmem:s26], [sflag:$0x3], $0x2800, $0x38;
	[tilespmem:$0x18240] =	vst v63  }
0x1d0: {  	_ =	swait.ge [sflag:s5], $0x2800  }
0x1d1: {  	[sflag:s5] =	ssyncset.done $0x0  }
0x1d2: {  	[sflag:s5] =	ssyncadd.s32 $0xFFFFD800  }
0x1d3: {  	[bflag:$0x0] =	sbarrier.arrive $0xFFFF  }
0x1d4: {  	[tilespmem:s11], [sflag:$0x1] =	stream.indirect.gather [spmem:s3], $0x10, s24, s7, $0xb8;
	[tilespmem:$0x18240] =	vst v63  }
0x1d5: {  	s30 =	rddreg [dreg:$0x8]  }
0x1d6: {  	[tilespmem:s10], [sflag:$0x1] =	stream.indirect.gather [spmem:s3], $0x10, s30, s7, $0xb8;
	[tilespmem:$0x18240] =	vst v63  }
0x1d7: {  	_ =	swait.ge [sflag:s6], $0x1F40  }
0x1d8: {  	[sflag:s6] =	ssyncset.done $0x0  }
0x1d9: {  	[sflag:s6] =	ssyncadd.s32 $0xFFFFE0C0  }
0x1da: {  	[spmem:s2] =	stream.indirect.scatter.add.f32 [tilespmem:s11], [sflag:$0x2], $0x10, s25, s7, $0xb8;
	[tilespmem:$0x18240] =	vst v63  }
0x1db: {  	s31 =	rddreg [dreg:$0x9]  }
0x1dc: {  	[tilespmem:s21], [sflag:$0x1] =	stream.indirect.gather [spmem:s3], $0x10, s31, s7, $0xb8;
	[tilespmem:$0x18240] =	vst v63  }
0x1dd: {  	_ =	swait.ge [sflag:s6], $0x1F40  }
0x1de: {  	[sflag:s6] =	ssyncset.done $0x0  }
0x1df: {  	s24 =	rddreg [dreg:$0xa];
	[sflag:s6] =	ssyncadd.s32 $0xFFFFE0C0  }
0x1e0: {  	[spmem:s2] =	stream.indirect.scatter.add.f32 [tilespmem:s10], [sflag:$0x2], $0x10, s24, s7, $0xb8;
	[tilespmem:$0x18240] =	vst v63  }
0x1e1: {  	s25 =	rddreg [dreg:$0xb]  }
0x1e2: {  	[tilespmem:s18], [sflag:$0x1] =	stream.indirect.gather [spmem:s3], $0x10, s25, s7, $0xb8;
	[tilespmem:$0x18240] =	vst v63  }
0x1e3: {  	_ =	swait.ge [sflag:s6], $0x1F40  }
0x1e4: {  	[sflag:s6] =	ssyncset.done $0x0  }
0x1e5: {  	s26 =	rddreg [dreg:$0xc];
	[sflag:s6] =	ssyncadd.s32 $0xFFFFE0C0  }
0x1e6: {  	[spmem:s2] =	stream.indirect.scatter.add.f32 [tilespmem:s21], [sflag:$0x2], $0x10, s26, s7, $0xb8;
	[tilespmem:$0x18240] =	vst v63  }
0x1e7: {  	s28 =	rddreg [dreg:$0xd]  }
0x1e8: {  	[tilespmem:s14], [sflag:$0x1] =	stream.indirect.gather [spmem:s3], $0x10, s28, s7, $0xb8;
	[tilespmem:$0x18240] =	vst v63  }
0x1e9: {  	_ =	swait.ge [sflag:s6], $0x1F40  }
0x1ea: {  	[sflag:s6] =	ssyncset.done $0x0  }
0x1eb: {  	s30 =	rddreg [dreg:$0xe];
	[sflag:s6] =	ssyncadd.s32 $0xFFFFE0C0  }
0x1ec: {  	[spmem:s2] =	stream.indirect.scatter.add.f32 [tilespmem:s18], [sflag:$0x2], $0x10, s30, s7, $0xb8;
	[tilespmem:$0x18240] =	vst v63  }
0x1ed: {  	s31 =	rddreg [dreg:$0xf]  }
0x1ee: {  	[tilespmem:s12], [sflag:$0x1] =	stream.indirect.gather [spmem:s3], $0x10, s31, s7, $0xb8;
	[tilespmem:$0x18240] =	vst v63  }
0x1ef: {  	_ =	swait.ge [sflag:s6], $0x1F40  }
0x1f0: {  	[sflag:s6] =	ssyncset.done $0x0  }
0x1f1: {  	s24 =	rddreg [dreg:$0x10];
	[sflag:s6] =	ssyncadd.s32 $0xFFFFE0C0  }
0x1f2: {  	[spmem:s2] =	stream.indirect.scatter.add.f32 [tilespmem:s14], [sflag:$0x2], $0x10, s24, s7, $0xb8;
	[tilespmem:$0x18240] =	vst v63  }
0x1f3: {  	_ =	swait.ge [sflag:s8], $0x1F40  }
0x1f4: {  	[sflag:s8] =	ssyncset.done $0x0  }
0x1f5: {  	s25 =	rddreg [dreg:$0x11];
	[sflag:s8] =	ssyncadd.s32 $0xFFFFE0C0  }
0x1f6: {  	[tilespmem:s11], [sflag:$0x1] =	stream.indirect.gather [spmem:s3], $0x10, s25, s7, $0xb8;
	[tilespmem:$0x18240] =	vst v63  }
0x1f7: {  	_ =	swait.ge [sflag:s6], $0x1F40  }
0x1f8: {  	[sflag:s6] =	ssyncset.done $0x0  }
0x1f9: {  	s26 =	rddreg [dreg:$0x12];
	[sflag:s6] =	ssyncadd.s32 $0xFFFFE0C0  }
0x1fa: {  	[spmem:s2] =	stream.indirect.scatter.add.f32 [tilespmem:s12], [sflag:$0x2], $0x10, s26, s7, $0xb8;
	[tilespmem:$0x18240] =	vst v63  }
0x1fb: {  	_ =	swait.ge [sflag:s8], $0x1F40  }
0x1fc: {  	[sflag:s8] =	ssyncset.done $0x0  }
0x1fd: {  	s28 =	rddreg [dreg:$0x13];
	[sflag:s8] =	ssyncadd.s32 $0xFFFFE0C0  }
0x1fe: {  	[tilespmem:s10], [sflag:$0x1] =	stream.indirect.gather [spmem:s3], $0x10, s28, s7, $0xb8;
	[tilespmem:$0x18240] =	vst v63  }
0x1ff: {  	_ =	swait.ge [sflag:s6], $0x1F40  }
0x200: {  	[sflag:s6] =	ssyncset.done $0x0  }
0x201: {  	s30 =	rddreg [dreg:$0x14];
	[sflag:s6] =	ssyncadd.s32 $0xFFFFE0C0  }
0x202: {  	[spmem:s2] =	stream.indirect.scatter.add.f32 [tilespmem:s11], [sflag:$0x2], $0x10, s30, s7, $0xb8;
	[tilespmem:$0x18240] =	vst v63  }
0x203: {  	_ =	swait.ge [sflag:s8], $0x1F40  }
0x204: {  	[sflag:s8] =	ssyncset.done $0x0  }
0x205: {  	s31 =	rddreg [dreg:$0x15];
	[sflag:s8] =	ssyncadd.s32 $0xFFFFE0C0  }
0x206: {  	[tilespmem:s21], [sflag:$0x1] =	stream.indirect.gather [spmem:s3], $0x10, s31, s7, $0xb8;
	[tilespmem:$0x18240] =	vst v63  }
0x207: {  	_ =	swait.ge [sflag:s6], $0x1F40  }
0x208: {  	[sflag:s6] =	ssyncset.done $0x0  }
0x209: {  	s24 =	rddreg [dreg:$0x16];
	[sflag:s6] =	ssyncadd.s32 $0xFFFFE0C0  }
0x20a: {  	[spmem:s2] =	stream.indirect.scatter.add.f32 [tilespmem:s10], [sflag:$0x2], $0x10, s24, s7, $0xb8;
	[tilespmem:$0x18240] =	vst v63  }
0x20b: {  	_ =	swait.ge [sflag:s8], $0x1F40  }
0x20c: {  	[sflag:s8] =	ssyncset.done $0x0  }
0x20d: {  	s25 =	rddreg [dreg:$0x17];
	[sflag:s8] =	ssyncadd.s32 $0xFFFFE0C0  }
0x20e: {  	[tilespmem:s18], [sflag:$0x1] =	stream.indirect.gather [spmem:s3], $0x10, s25, s7, $0xb8;
	[tilespmem:$0x18240] =	vst v63  }
0x20f: {  	_ =	swait.ge [sflag:s6], $0x1F40  }
0x210: {  	[sflag:s6] =	ssyncset.done $0x0  }
0x211: {  	s26 =	rddreg [dreg:$0x18];
	[sflag:s6] =	ssyncadd.s32 $0xFFFFE0C0  }
0x212: {  	[spmem:s2] =	stream.indirect.scatter.add.f32 [tilespmem:s21], [sflag:$0x2], $0x10, s26, s7, $0xb8;
	[tilespmem:$0x18240] =	vst v63  }
0x213: {  	_ =	swait.ge [sflag:s8], $0x1F40  }
0x214: {  	[sflag:s8] =	ssyncset.done $0x0  }
0x215: {  	s28 =	rddreg [dreg:$0x19];
	[sflag:s8] =	ssyncadd.s32 $0xFFFFE0C0  }
0x216: {  	[tilespmem:s14], [sflag:$0x1] =	stream.indirect.gather [spmem:s3], $0x10, s28, s7, $0xb8;
	[tilespmem:$0x18240] =	vst v63  }
0x217: {  	_ =	swait.ge [sflag:s6], $0x1F40  }
0x218: {  	[sflag:s6] =	ssyncset.done $0x0  }
0x219: {  	s30 =	rddreg [dreg:$0x1a];
	[sflag:s6] =	ssyncadd.s32 $0xFFFFE0C0  }
0x21a: {  	[spmem:s2] =	stream.indirect.scatter.add.f32 [tilespmem:s18], [sflag:$0x2], $0x10, s30, s7, $0xb8;
	[tilespmem:$0x18240] =	vst v63  }
0x21b: {  	_ =	swait.ge [sflag:s8], $0x1F40  }
0x21c: {  	[sflag:s8] =	ssyncset.done $0x0  }
0x21d: {  	s31 =	rddreg [dreg:$0x1b];
	[sflag:s8] =	ssyncadd.s32 $0xFFFFE0C0  }
0x21e: {  	[tilespmem:s12], [sflag:$0x1] =	stream.indirect.gather [spmem:s3], $0x10, s31, s7, $0xb8;
	[tilespmem:$0x18240] =	vst v63  }
0x21f: {  	_ =	swait.ge [sflag:s6], $0x1F40  }
0x220: {  	[sflag:s6] =	ssyncset.done $0x0  }
0x221: {  	s24 =	rddreg [dreg:$0x1c];
	[sflag:s6] =	ssyncadd.s32 $0xFFFFE0C0  }
0x222: {  	[spmem:s2] =	stream.indirect.scatter.add.f32 [tilespmem:s14], [sflag:$0x2], $0x10, s24, s7, $0xb8;
	[tilespmem:$0x18240] =	vst v63  }
0x223: {  	_ =	swait.ge [sflag:s8], $0x1F40  }
0x224: {  	[sflag:s8] =	ssyncset.done $0x0  }
0x225: {  	s25 =	rddreg [dreg:$0x1d];
	[sflag:s8] =	ssyncadd.s32 $0xFFFFE0C0  }
0x226: {  	[tilespmem:s11], [sflag:$0x1] =	stream.indirect.gather [spmem:s3], $0x10, s25, s7, $0xb8;
	[tilespmem:$0x18240] =	vst v63  }
0x227: {  	_ =	swait.ge [sflag:s6], $0x1F40  }
0x228: {  	[sflag:s6] =	ssyncset.done $0x0  }
0x229: {  	s26 =	rddreg [dreg:$0x1e];
	[sflag:s6] =	ssyncadd.s32 $0xFFFFE0C0  }
0x22a: {  	[spmem:s2] =	stream.indirect.scatter.add.f32 [tilespmem:s12], [sflag:$0x2], $0x10, s26, s7, $0xb8;
	[tilespmem:$0x18240] =	vst v63  }
0x22b: {  	_ =	swait.ge [sflag:s8], $0x1F40  }
0x22c: {  	[sflag:s8] =	ssyncset.done $0x0  }
0x22d: {  	s28 =	rddreg [dreg:$0x1f];
	[sflag:s8] =	ssyncadd.s32 $0xFFFFE0C0  }
0x22e: {  	[tilespmem:s10], [sflag:$0x1] =	stream.indirect.gather [spmem:s3], $0x10, s28, s7, $0xb8;
	[tilespmem:$0x18240] =	vst v63  }
0x22f: {  	_ =	swait.ge [sflag:s6], $0x1F40  }
0x230: {  	s30 =	sld [smem:$0x7F8]  }
0x231: {  	[sflag:s6] =	ssyncset.done $0x0  }
0x232: {  	[sflag:s6] =	ssyncadd.s32 $0xFFFFE0C0  }
0x233: {  	[spmem:s2] =	stream.indirect.scatter.add.f32 [tilespmem:s11], [sflag:$0x2], $0x10, s30, s7, $0xb8;
	[tilespmem:$0x18240] =	vst v63  }
0x234: {  	_ =	swait.ge [sflag:s8], $0x1F40  }
0x235: {  	s31 =	sld [smem:$0x7F9]  }
0x236: {  	[sflag:s8] =	ssyncset.done $0x0  }
0x237: {  	[sflag:s8] =	ssyncadd.s32 $0xFFFFE0C0  }
0x238: {  	[tilespmem:s21], [sflag:$0x1] =	stream.indirect.gather [spmem:s3], $0x10, s31, s7, $0xb8;
	[tilespmem:$0x18240] =	vst v63  }
0x239: {  	_ =	swait.ge [sflag:s6], $0x1F40  }
0x23a: {  	s24 =	sld [smem:$0x7FA]  }
0x23b: {  	[sflag:s6] =	ssyncset.done $0x0  }
0x23c: {  	[sflag:s6] =	ssyncadd.s32 $0xFFFFE0C0  }
0x23d: {  	[spmem:s2] =	stream.indirect.scatter.add.f32 [tilespmem:s10], [sflag:$0x2], $0x10, s24, s7, $0xb8;
	[tilespmem:$0x18240] =	vst v63  }
0x23e: {  	_ =	swait.ge [sflag:s8], $0x1F40  }
0x23f: {  	s25 =	sld [smem:$0x7FB]  }
0x240: {  	[sflag:s8] =	ssyncset.done $0x0  }
0x241: {  	[sflag:s8] =	ssyncadd.s32 $0xFFFFE0C0  }
0x242: {  	[tilespmem:s18], [sflag:$0x1] =	stream.indirect.gather [spmem:s3], $0x10, s25, s7, $0xb8;
	[tilespmem:$0x18240] =	vst v63  }
0x243: {  	_ =	swait.ge [sflag:s6], $0x1F40  }
0x244: {  	s26 =	sld [smem:$0x7FC]  }
0x245: {  	[sflag:s6] =	ssyncset.done $0x0  }
0x246: {  	[sflag:s6] =	ssyncadd.s32 $0xFFFFE0C0  }
0x247: {  	[spmem:s2] =	stream.indirect.scatter.add.f32 [tilespmem:s21], [sflag:$0x2], $0x10, s26, s7, $0xb8;
	[tilespmem:$0x18240] =	vst v63  }
0x248: {  	_ =	swait.ge [sflag:s8], $0x1F40  }
0x249: {  	s28 =	sld [smem:$0x7FD]  }
0x24a: {  	[sflag:s8] =	ssyncset.done $0x0  }
0x24b: {  	[sflag:s8] =	ssyncadd.s32 $0xFFFFE0C0  }
0x24c: {  	[tilespmem:s14], [sflag:$0x1] =	stream.indirect.gather [spmem:s3], $0x10, s28, s7, $0xb8;
	[tilespmem:$0x18240] =	vst v63  }
0x24d: {  	_ =	swait.ge [sflag:s6], $0x1F40  }
0x24e: {  	[sflag:s6] =	ssyncset.done $0x0  }
0x24f: {  	[sflag:s6] =	ssyncadd.s32 $0xFFFFE0C0  }
0x250: {  	[spmem:s2] =	stream.indirect.scatter.add.f32 [tilespmem:s18], [sflag:$0x2], $0x10, s23, s7, $0xb8;
	[tilespmem:$0x18240] =	vst v63  }
0x251: {  	_ =	swait.ge [sflag:s8], $0x1F40  }
0x252: {  	[sflag:s8] =	ssyncset.done $0x0  }
0x253: {  	[sflag:s8] =	ssyncadd.s32 $0xFFFFE0C0  }
0x254: {  	[tilespmem:s12], [sflag:$0x1] =	stream.indirect.gather [spmem:s3], $0x10, s22, s7, $0xb8;
	[tilespmem:$0x18240] =	vst v63  }
0x255: {  	_ =	swait.ge [sflag:s6], $0x1F40  }
0x256: {  	[sflag:s6] =	ssyncset.done $0x0  }
0x257: {  	[sflag:s6] =	ssyncadd.s32 $0xFFFFE0C0  }
0x258: {  	[spmem:s2] =	stream.indirect.scatter.add.f32 [tilespmem:s14], [sflag:$0x2], $0x10, s20, s7, $0xb8;
	[tilespmem:$0x18240] =	vst v63  }
0x259: {  	_ =	swait.ge [sflag:s8], $0x1F40  }
0x25a: {  	[sflag:s8] =	ssyncset.done $0x0  }
0x25b: {  	[sflag:s8] =	ssyncadd.s32 $0xFFFFE0C0  }
0x25c: {  	[tilespmem:s11], [sflag:$0x1] =	stream.indirect.gather [spmem:s3], $0x10, s19, s7, $0xb8;
	[tilespmem:$0x18240] =	vst v63  }
0x25d: {  	_ =	swait.ge [sflag:s6], $0x1F40  }
0x25e: {  	[sflag:s6] =	ssyncset.done $0x0  }
0x25f: {  	[sflag:s6] =	ssyncadd.s32 $0xFFFFE0C0  }
0x260: {  	[spmem:s2] =	stream.indirect.scatter.add.f32 [tilespmem:s12], [sflag:$0x2], $0x10, s17, s7, $0xb8;
	[tilespmem:$0x18240] =	vst v63  }
0x261: {  	_ =	swait.ge [sflag:s8], $0x1F40  }
0x262: {  	[sflag:s8] =	ssyncset.done $0x0  }
0x263: {  	[sflag:s8] =	ssyncadd.s32 $0xFFFFE0C0  }
0x264: {  	[tilespmem:s10], [sflag:$0x1] =	stream.indirect.gather [spmem:s3], $0x10, s15, s7, $0xb8;
	[tilespmem:$0x18240] =	vst v63  }
0x265: {  	_ =	swait.ge [sflag:s6], $0x1F40  }
0x266: {  	[sflag:s6] =	ssyncset.done $0x0  }
0x267: {  	[sflag:s6] =	ssyncadd.s32 $0xFFFFE0C0  }
0x268: {  	[spmem:s2] =	stream.indirect.scatter.add.f32 [tilespmem:s11], [sflag:$0x2], $0x10, s16, s7, $0xb8;
	[tilespmem:$0x18240] =	vst v63  }
0x269: {  	_ =	swait.ge [sflag:s6], $0x1F40  }
0x26a: {  	[sflag:s6] =	ssyncset.done $0x0  }
0x26b: {  	[sflag:s6] =	ssyncadd.s32 $0xFFFFE0C0  }
0x26c: {  	[spmem:s2] =	stream.indirect.scatter.add.f32 [tilespmem:s10], [sflag:$0x2], $0x10, s13, s7, $0xb8;
	[tilespmem:$0x18240] =	vst v63  }
0x26d: {  	_ =	swait.ge [sflag:s8], $0x1F40  }
0x26e: {  	[sflag:s8] =	ssyncset.done $0x0  }
0x26f: {  	[sflag:s8] =	ssyncadd.s32 $0xFFFFE0C0  }
0x270: {  	_ =	swait.ge [sflag:s8], $0x1F40  }
0x271: {  	[sflag:s8] =	ssyncset.done $0x0  }
0x272: {  	[sflag:s8] =	ssyncadd.s32 $0xFFFFE0C0  }
0x273: {  	_ =	swait.ge [sflag:s8], $0x1F40  }
0x274: {  	[sflag:s8] =	ssyncset.done $0x0  }
0x275: {  	[sflag:s8] =	ssyncadd.s32 $0xFFFFE0C0  }
0x276: {  	_ =	swait.ge [sflag:s8], $0x1F40  }
0x277: {  	[sflag:s8] =	ssyncset.done $0x0  }
0x278: {  	[sflag:s8] =	ssyncadd.s32 $0xFFFFE0C0  }
0x279: {  	_ =	swait.ge [sflag:s8], $0x1F40  }
0x27a: {  	[sflag:s8] =	ssyncset.done $0x0  }
0x27b: {  	[sflag:s8] =	ssyncadd.s32 $0xFFFFE0C0  }
0x27c: {  	_ =	swait.ge [sflag:s8], $0x1F40  }
0x27d: {  	[sflag:s8] =	ssyncset.done $0x0  }
0x27e: {  	s30 =	sshll.u32 s0, $0x6;
	[sflag:s8] =	ssyncadd.s32 $0xFFFFE0C0  }
0x27f: {  	s1 =	sor.u32 $0x1C03, s30;
	s31 =	sshrl.u32 s4, $0x3;
	[bflag:$0x0] =	sbarrier.arrive $0xFFFF  }
0x280: {  	[hbm:s9], [sflag:s1] =	dma.local [spmem:s31], $0x500  }
0x281: {  	_ =	swait.ge [sflag:s5], $0x500  }
0x282: {  	[sflag:s5] =	ssyncset.done $0x0  }
0x283: {  	[sflag:s5] =	ssyncadd.s32 $0xFFFFFB00  }
0x284: {  	_ =	sfence.sel $0x180000  }
0x285: {  	[bflag:$0x0] =	sbarrier.arrive $0xFFFF  }
0x286: {  	p0 =	sne.s32 s0, $0x0;
	_ =	strace $0x9000004D  }
0x287: {  	s0 =	sadd.s32 @!p0 $0x100000, s29;
	[bflag:$0x2] =	sbarrier.arrive $0xFFFF  }
0x288: {  	[sflag:s0] =	ssyncadd.tile.s32 @!p0 $0x1;
	_ =	shalt  }
.LBB2_2:
.Ltmp3:
0x289: {  	(pc) =	sbr.rel .LBB2_5-.Ltmp3, $2  }
0x28a: {  	_ =	sdelay $0x2  }
0x28b: {  	s29 =	rddreg [dreg:$0x3]  }
.Lfunc_end2:
_tile_overlayer_lowered:
.L_overlay_start_2:
0x28c: {  	(tag) =	ssettag $0x2  }
0x28d: {  	s0 =	rddreg [dreg:$0x0];
	s2 =	stileid.u32  }
0x28e: {  	s1 =	rddreg [dreg:$0x1];
	p0 =	sne.s32 s2, $0x0  }
0x28f: {  	s3 =	rddreg [dreg:$0x2];
	[bflag:$0x3] =	sbarrier.arrive $0xFFFF;
	s2 =	simm.s32 @!p0 $0x1C03  }
0x290: {  	[timem:s3], [sflag:s2] =	dma.local @!p0 [hbm:s0], s1  }
0x291: {  	s0 =	simm.s32 @!p0 $0x3  }
0x292: {  	_ =	swait.ge @!p0 [sflag:s0], s1  }
0x293: {  	s1 =	ssub.s32 @!p0 $0x0, s1;
	[sflag:s0] =	ssyncset.done @!p0 $0x0  }
0x294: {  	[sflag:s0] =	ssyncadd.s32 @!p0 s1  }
0x295: {  	[bflag:$0x3] =	sbarrier.arrive $0xFFFF  }
0x296: {  	_ =	shalt  }

// kernel: kernel.9.cloned.1.call-start
scs
__scs_entry_jumppad:
0x0: {  	(pc) =	sbr.rel $0x88, $3  }
0x1: {  	(tag) =	ssettag $0x0;
	lr =	simm.s32 $0x1  }
0x2: {  	[smem:$0x3F9B] =	sst lr;
	_ =	strace $0xD0000000  }
0x3: {  	_ = 	snop  }
0x4: {  	_ = 	snop  }
0x5: {  	_ = 	snop  }
0x6: {  	_ = 	snop  }
0x7: {  	_ = 	snop  }
__scs_overlays_trampoline_lowered:
0x8: {  	[smem:$0x3FAA] =	sst s0  }
0x9: {  	[smem:$0x3FAB] =	sst s1  }
0xa: {  	[smem:$0x3FAC] =	sst s2  }
0xb: {  	[smem:$0x3FAD] =	sst s3  }
0xc: {  	[smem:$0x3FAE] =	sst s4  }
0xd: {  	[smem:$0x3FAF] =	sst s5  }
0xe: {  	[smem:$0x3FB0] =	sst s6  }
0xf: {  	[smem:$0x3FB1] =	sst s7  }
0x10: {  	[smem:$0x3FB2] =	sst s8  }
0x11: {  	[smem:$0x3FB3] =	sst s9;
	s0 =	simm.s32 @!p0 $0x0  }
0x12: {  	s1 =	sld [smem:$0x3F99];
	s0 =	simm.s32 @p0 $0x1  }
0x13: {  	[smem:$0x3FB4] =	sst s0;
	s0 =	simm.s32 @!p1 $0x0  }
0x14: {  	s2 =	sld [smem:$0x3F98];
	s0 =	simm.s32 @p1 $0x1  }
0x15: {  	[smem:$0x3FB5] =	sst s0;
	s0 =	simm.s32 @!p2 $0x0  }
0x16: {  	s3 =	sld [smem:$0x3FDB];
	s0 =	simm.s32 @p2 $0x1  }
0x17: {  	s4 =	simm.s32 $0x1BF5;
	[smem:$0x3FB7] =	sst s0  }
0x18: {  	s0 =	sld [smem:$0x3F9A];
	_ =	swait.ge [sflag:s4], $0x0  }
0x19: {  	s7 =	sld [smem:$0x3F9B]  }
0x1a: {  	s8 =	sadd.s32 $0xFFFFE003, lr  }
0x1b: {  	s9 =	sadd.s32 $0xFFFFFEF7, lr;
	s5 =	simm.s32 $0xFFFFFFFF;
	p2 =	slt.u32 s8, $0xFFFFF086  }
0x1c: {  	p1 =	slt.u32 s9, $0xF7A;
	s5 =	simm.s32 @!p2 $0x0  }
0x1d: {  	s5 =	simm.s32 @p1 $0x1;
	p0 =	seq.s32 s7, s2  }
0x1e: {  	s7 =	smul.u32 @!p0 $0xF7A, s2;
	p2 =	seq.s32 @!p0 s5, $0x0  }
0x1f: {  	s9 =	smul.u32 $0xF7A, s1;
	s8 =	simm.s32 @!p0 $0x1BF5;
	p2 =	por !p2, p0  }
0x20: {  	[sflag:s8] =	ssyncset.s32 @!p0 $0xFFFFF086;
	s6 =	sadd.s32 @!p0 s3, s7;
	s7 =	simm.s32 @!p0 $0x108  }
0x21: {  	s3 =	sadd.s32 s3, s9;
	s6 =	sadd.s32 @!p0 $0x88, s6;
	s7 =	simm.s32 @p2 $0x1082  }
0x22: {  	[simem:s7], [sflag:s8] =	dma.local @!p0 [hbm:s6], $0xF7A  }
0x23: {  	s9 =	sor.u32 $0xD0000000, s2;
	s6 =	simm.s32 $0x108;
	_ =	swait.ge @!p0 [sflag:s8], $0x0  }
0x24: {  	s3 =	sadd.s32 $0x88, s3;
	s6 =	simm.s32 @!p1 $0x1082;
	[sflag:s4] =	ssyncset.s32 $0xFFFFF086  }
0x25: {  	[simem:s6], [sflag:s4] =	dma.local [hbm:s3], $0xF7A  }
0x26: {  	[smem:$0x3F9B] =	sst s1;
	(tag) =	ssettag s2;
	_ =	strace s9  }
0x27: {  	s1 =	sld [smem:$0x3FAB]  }
0x28: {  	s2 =	sld [smem:$0x3FAC]  }
0x29: {  	s4 =	sld [smem:$0x3FAE]  }
0x2a: {  	p0 =	seq.s32 s5, $0x0;
	s5 =	sld [smem:$0x3FAF]  }
0x2b: {  	s6 =	sld [smem:$0x3FB0]  }
0x2c: {  	s7 =	sld [smem:$0x3FB1]  }
0x2d: {  	s3 =	simm.s32 $0x108;
	s8 =	sld [smem:$0x3FB2]  }
0x2e: {  	s3 =	simm.s32 @!p0 $0x1082;
	s9 =	sld [smem:$0x3FB3]  }
0x2f: {  	lr =	sadd.s32 s0, s3;
	s0 =	sld [smem:$0x3FAA]  }
0x30: {  	s3 =	sld [smem:$0x3FAD]  }
0x31: {  	[smem:$0x3FB6] =	sst s10  }
0x32: {  	s10 =	sld [smem:$0x3FB4];
	_ =	sdelay $0x3  }
0x33: {  	p0 =	seq.s32 s10, $0x1;
	s10 =	sld [smem:$0x3FB6];
	_ =	sdelay $0x3  }
0x34: {  	[smem:$0x3FB6] =	sst s10  }
0x35: {  	s10 =	sld [smem:$0x3FB5];
	_ =	sdelay $0x3  }
0x36: {  	p1 =	seq.s32 s10, $0x1;
	s10 =	sld [smem:$0x3FB6];
	_ =	sdelay $0x3  }
0x37: {  	[smem:$0x3FB6] =	sst s10  }
0x38: {  	s10 =	sld [smem:$0x3FB7]  }
0x39: {  	_ = 	snop;
	(pc) =	sbr.ind lr, $3  }
0x3a: {  	_ = 	snop  }
0x3b: {  	_ = 	snop  }
0x3c: {  	p2 =	seq.s32 s10, $0x1;
	s10 =	sld [smem:$0x3FB6]  }
0x3d: {  	_ =	shalt  }
0x3e: {  	_ =	shalt  }
0x3f: {  	_ =	shalt  }
0x40: {  	_ =	shalt  }
0x41: {  	_ =	shalt  }
0x42: {  	_ =	shalt  }
0x43: {  	_ =	shalt  }
0x44: {  	_ =	shalt  }
0x45: {  	_ =	shalt  }
0x46: {  	_ =	shalt  }
0x47: {  	_ =	shalt  }
0x48: {  	_ =	shalt  }
0x49: {  	_ =	shalt  }
0x4a: {  	_ =	shalt  }
0x4b: {  	_ =	shalt  }
0x4c: {  	_ =	shalt  }
0x4d: {  	_ =	shalt  }
0x4e: {  	_ =	shalt  }
0x4f: {  	_ =	shalt  }
0x50: {  	_ =	shalt  }
0x51: {  	_ =	shalt  }
0x52: {  	_ =	shalt  }
0x53: {  	_ =	shalt  }
0x54: {  	_ =	shalt  }
0x55: {  	_ =	shalt  }
0x56: {  	_ =	shalt  }
0x57: {  	_ =	shalt  }
0x58: {  	_ =	shalt  }
0x59: {  	_ =	shalt  }
0x5a: {  	_ =	shalt  }
0x5b: {  	_ =	shalt  }
0x5c: {  	_ =	shalt  }
0x5d: {  	_ =	shalt  }
0x5e: {  	_ =	shalt  }
0x5f: {  	_ =	shalt  }
0x60: {  	_ =	shalt  }
0x61: {  	_ =	shalt  }
0x62: {  	_ =	shalt  }
0x63: {  	_ =	shalt  }
0x64: {  	_ =	shalt  }
0x65: {  	_ =	shalt  }
0x66: {  	_ =	shalt  }
0x67: {  	_ =	shalt  }
0x68: {  	_ =	shalt  }
0x69: {  	_ =	shalt  }
0x6a: {  	_ =	shalt  }
0x6b: {  	_ =	shalt  }
0x6c: {  	_ =	shalt  }
0x6d: {  	_ =	shalt  }
0x6e: {  	_ =	shalt  }
0x6f: {  	_ =	shalt  }
0x70: {  	_ =	shalt  }
0x71: {  	_ =	shalt  }
0x72: {  	_ =	shalt  }
0x73: {  	_ =	shalt  }
0x74: {  	_ =	shalt  }
0x75: {  	_ =	shalt  }
0x76: {  	_ =	shalt  }
0x77: {  	_ =	shalt  }
0x78: {  	_ =	shalt  }
0x79: {  	_ =	shalt  }
0x7a: {  	_ =	shalt  }
0x7b: {  	_ =	shalt  }
0x7c: {  	_ =	shalt  }
0x7d: {  	_ =	shalt  }
0x7e: {  	_ =	shalt  }
0x7f: {  	_ =	shalt  }
0x80: {  	_ =	shalt  }
0x81: {  	_ =	shalt  }
0x82: {  	_ =	shalt  }
0x83: {  	_ =	shalt  }
0x84: {  	_ =	shalt  }
0x85: {  	_ =	shalt  }
0x86: {  	_ =	shalt  }
0x87: {  	_ =	shalt  }
.Lfunc_end0:
.L_simem_size_0:
called_computation_lowered:
.L_overlay_start_0:
0x88: {  	s2 =	sld [smem:$0x3FD9]  }
0x89: {  	s3 =	sld [smem:$0x3FFE];
	_ =	sdelay $0x1  }
0x8a: {  	s1 =	srdreg.scid  }
0x8b: {  	s0 =	sand.u32 $0x1, s1  }
0x8c: {  	s16 =	sshll.u32 s0, $0xA;
	s2 =	sadd.s32 s3, s2  }
0x8d: {  	s2 =	sadd.s32 s2, s16  }
0x8e: {  	[smem:$0x3FC2] =	sst s2  }
0x8f: {  	_ = 	snop  }
0x90: {  	(tm) =	ssettm $0x1  }
0x91: {  	s17 =	sld [smem:$0x3FFB];
	_ =	sdelay $0x3  }
0x92: {  	_ =	strace s17  }
0x93: {  	s2 =	sld [smem:$0x3FFC];
	_ =	sdelay $0x3  }
0x94: {  	_ =	strace s2  }
0x95: {  	s2 =	sld [smem:$0x3FFD];
	_ =	sdelay $0x3  }
0x96: {  	_ =	strace s2  }
0x97: {  	_ =	strace $0x8FFFFFFF  }
0x98: {  	s18 =	sld [smem:$0x3FDB];
	_ =	sdelay $0x1  }
0x99: {  	s19 =	simm.s32 $_scs_section_size  }
0x9a: {  	s4 =	simm.s32 $_size__tile_overlayer_lowered;
	s5 =	simm.s32 $_tile_overlayer_lowered  }
0x9b: {  	s22 =	simm.s32 $0x1BFF;
	s21 =	sshll.u32 s5, $0x1;
	s2 =	sadd.s32 s19, s18  }
0x9c: {  	s6 =	simm.s32 $0x0;
	s20 =	sshll.u32 s4, $0x1;
	s4 =	sadd.s32 s21, s2  }
0x9d: {  	[timem:s6], [sflag:s22] =	dma.local [hbm:s4], s20  }
0x9e: {  	_ =	swait.ge [sflag:s22], s20  }
0x9f: {  	s3 =	ssub.s32 $0x0, s20;
	[sflag:s22] =	ssyncset.done $0x0  }
0xa0: {  	[sflag:s22] =	ssyncadd.s32 s3;
	_ =	sdelay $0x1  }
0xa1: {  	s23 =	simm.s32 $0x1B8B  }
0xa2: {  	_ =	swait.ge [sflag:s23], $0x1  }
0xa3: {  	[sflag:s23] =	ssyncset.done $0x0  }
0xa4: {  	s25 =	simm.s32 $0x1B8E;
	s24 =	sld [smem:$0x3FFE];
	[sflag:s23] =	ssyncadd.s32 $0xFFFFFFFF  }
0xa5: {  	s26 =	simm.s32 $execute0_lowered;
	[smem:$0x3FD2] =	sst s25  }
0xa6: {  	s4 =	sshll.u32 s26, $0x1;
	_ =	strace $0x80000046;
	[dreg:$0x1] =	wrdreg $0xFFFFFFFF  }
0xa7: {  	s28 =	simm.s32 $_size_execute0_lowered;
	s2 =	sadd.s32 s2, s4;
	[dreg:$0x0] =	wrdreg $0x0  }
0xa8: {  	s4 =	sshll.u32 s28, $0x1;
	[dreg:$0x2] =	wrdreg s2  }
0xa9: {  	[dreg:$0x3] =	wrdreg s4  }
0xaa: {  	[dreg:$0x4] =	wrdreg $0xC0  }
0xab: {  	_ =	task [dreg:s6], $0x5FFFF  }
0xac: {  	[dreg:$0x1] =	wrdreg $0xFFFFFFFF  }
0xad: {  	[dreg:$0x0] =	wrdreg $0x60  }
0xae: {  	[dreg:$0x2] =	wrdreg s24  }
0xaf: {  	[dreg:$0x3] =	wrdreg $0x4F600  }
0xb0: {  	[dreg:$0x4] =	wrdreg $0x9  }
0xb1: {  	_ =	task.clear_ibuf [dreg:s6], $0x5FFFF;
	_ =	strace $0x90000046  }
0xb2: {  	s29 =	simm.s32 $0x9;
	_ =	strace $0x80000048  }
0xb3: {  	_ =	swait.ge [sflag:s29], $0x1  }
0xb4: {  	[sflag:s29] =	ssyncadd.s32 $0xFFFFFFFF  }
0xb5: {  	_ =	strace $0x90000048  }
0xb6: {  	_ =	sfence  }
0xb7: {  	s30 =	sld [smem:$0x0];
	_ =	sdelay $0x2  }
0xb8: {  	s31 =	sshll.u32 s1, $0xD;
	s1 =	sshrl.u32 s1, $0x2  }
0xb9: {  	s3 =	sand.u32 $0x4000, s31;
	s1 =	sadd.s32 s1, s30  }
0xba: {  	s0 =	sor.u32 s3, s0;
	s1 =	sshll.u32 s1, $0x11  }
0xbb: {  	s0 =	sor.u32 s1, s0  }
0xbc: {  	s0 =	sadd.s32 $0x8F2B, s0  }
0xbd: {  	[sflag:s0] =	ssyncadd.remote.s32 $0x1  }
0xbe: {  	_ =	sfence.sel $0xFFFF  }
0xbf: {  	[dreg:$0x0] =	wrdreg $0xFFFFFFFF;
	(pc) =	sbr.abs _section_cstart, $3  }
0xc0: {  	[dreg:$0x1] =	wrdreg $0xFFFFFFFF  }
0xc1: {  	_ =	task.clear_ibuf [dreg:s6], $0x2FFFF;
	_ =	strace $0x9FFFFFFF  }
0xc2: {  	(tm) =	ssettm $0x7FFFFFFF  }
0xc3: {  	_ =	shalt  }
tec
execute0_lowered:
.L_overlay_start_1:
0x0: {  	(tag) =	ssettag $0x1  }
0x1: {  	s0 =	srdreg.scid;
	s1 =	rddreg [dreg:$0x0]  }
0x2: {  	s7 =	stileid.u32;
	s2 =	rddreg [dreg:$0x1];
	s8 =	simm.s32 $0x2  }
0x3: {  	s9 =	simm.s32 $0x1;
	s10 =	simm.s32 $0x1F4;
	s12 =	simm.s32 $0x3F0  }
0x4: {  	s13 =	simm.s32 $0x5E8;
	s14 =	simm.s32 $0x7E0;
	s15 =	simm.s32 $0x9D8  }
0x5: {  	s16 =	simm.s32 $0xBD0;
	s17 =	simm.s32 $0xDC8;
	s18 =	simm.s32 $0xFC0  }
0x6: {  	s19 =	simm.s32 $0x11B8;
	s20 =	simm.s32 $0x13B0;
	s21 =	simm.s32 $0x15A8  }
0x7: {  	s22 =	simm.s32 $0x17A0;
	s23 =	simm.s32 $0x1998;
	s25 =	simm.s32 $0x1B90  }
0x8: {  	s26 =	simm.s32 $0x1D88;
	s28 =	simm.s32 $0x1F80;
	s29 =	simm.s32 $0x2178  }
0x9: {  	s30 =	simm.s32 $0x2370;
	s31 =	simm.s32 $0x2568;
	s0 =	sand.u32 $0x1, s0  }
0xa: {  	s3 =	sshll.u32 s0, $0x4;
	s5 =	smul.u32 $0x5000, s0;
	s0 =	ssub.s32 $0x2, s0  }
0xb: {  	s4 =	sor.u32 s7, s3;
	s3 =	simm.s32 $0x0;
	s7 =	smul.u32 $0x2800, s7  }
0xc: {  	s6 =	sshrl.u32 s0, $0x1;
	s4 =	smul.u32 $0x4EC, s4;
	[smem:$0x7FF] =	sst s3  }
0xd: {  	s0 =	ssub.s32 s0, s6;
	_ =	strace $0x80000047;
	s11 =	sshrl.u32 s7, $0x3  }
0xe: {  	s6 =	smax.u32 s0, $0x1;
	s4 =	sadd.s32 s4, s1;
	s1 =	sadd.s32 s5, s1  }
0xf: {  	s5 =	sadd.s32 s7, s2;
	s7 =	simm.s32 $0x2760;
	s1 =	sadd.s32 $0x16400, s1  }
0x10: {  	v0 =	vimm.f32 $1.000000000e+00;
	s4 =	sadd.s32 $0xC580, s4;
	s24 =	sadd.s32 s11, s1;
	s1 =	simm.s32 $0x0  }
.LBB2_1:
0x11: {  	[tilespmem:s3], [sflag:$0x1] =	stream.linear.gather [hbm4b:s4+s3], $0x2760, $0x38;
	[tilespmem:$0x7760] =	vst v63  }
0x12: {  	s0 =	simm.s32 $0x40;
	s11 =	simm.s32 $0x0  }
.LBB2_2:
0x13: {  	p0 =	sne.s32 s0, $0x9FC0;
	[tilespmem:s11+$0x2760] =	vst v0;
	s11 =	smov.u32 s0;
	s0 =	sadd.s32 $0x40, s0  }
.Ltmp0:
0x14: {  	(pc) =	sbr.rel @p0 .LBB2_2-.Ltmp0, $2  }
0x15: {  	_ =	sdelay $0x2  }
0x16: {  	s11 =	sshra.s32 s11, $0x2  }
0x17: {  	[tilespmem:s11+$0x2760] =	vst v0  }
0x18: {  	[spmem:s5] =	stream.linear.scatter [tilespmem:s7], [sflag:$0x2], $0x2800, $0x38;
	[tilespmem:$0x7760] =	vst v63  }
0x19: {  	_ =	swait.ge [sflag:s8], $0x2800  }
0x1a: {  	[sflag:s8] =	ssyncset.done $0x0  }
0x1b: {  	[sflag:s8] =	ssyncadd.s32 $0xFFFFD800  }
0x1c: {  	_ =	swait.ge [sflag:s9], $0x2760  }
0x1d: {  	[sflag:s9] =	ssyncset.done $0x0  }
0x1e: {  	[sflag:s9] =	ssyncadd.s32 $0xFFFFD8A0  }
0x1f: {  	[bflag:$0x0] =	sbarrier.arrive $0xFFFF  }
0x20: {  	[spmem:s2] =	stream.indirect.scatter.add.f32 [tilespmem:s7], [sflag:$0x1], $0x10, s3, s10, $0xb8;
	[tilespmem:$0x7760] =	vst v63  }
0x21: {  	s0 =	simm.s32 $0x1F8  }
0x22: {  	[spmem:s2] =	stream.indirect.scatter.add.f32 [tilespmem:s7], [sflag:$0x1], $0x10, s0, s10, $0xb8;
	[tilespmem:$0x7760] =	vst v63  }
0x23: {  	_ = 	snop  }
0x24: {  	[spmem:s2] =	stream.indirect.scatter.add.f32 [tilespmem:s7], [sflag:$0x1], $0x10, s12, s10, $0xb8;
	[tilespmem:$0x7760] =	vst v63  }
0x25: {  	_ = 	snop  }
0x26: {  	[spmem:s2] =	stream.indirect.scatter.add.f32 [tilespmem:s7], [sflag:$0x1], $0x10, s13, s10, $0xb8;
	[tilespmem:$0x7760] =	vst v63  }
0x27: {  	_ = 	snop  }
0x28: {  	[spmem:s2] =	stream.indirect.scatter.add.f32 [tilespmem:s7], [sflag:$0x1], $0x10, s14, s10, $0xb8;
	[tilespmem:$0x7760] =	vst v63  }
0x29: {  	_ = 	snop  }
0x2a: {  	[spmem:s2] =	stream.indirect.scatter.add.f32 [tilespmem:s7], [sflag:$0x1], $0x10, s15, s10, $0xb8;
	[tilespmem:$0x7760] =	vst v63  }
0x2b: {  	_ = 	snop  }
0x2c: {  	[spmem:s2] =	stream.indirect.scatter.add.f32 [tilespmem:s7], [sflag:$0x1], $0x10, s16, s10, $0xb8;
	[tilespmem:$0x7760] =	vst v63  }
0x2d: {  	_ = 	snop  }
0x2e: {  	[spmem:s2] =	stream.indirect.scatter.add.f32 [tilespmem:s7], [sflag:$0x1], $0x10, s17, s10, $0xb8;
	[tilespmem:$0x7760] =	vst v63  }
0x2f: {  	_ = 	snop  }
0x30: {  	[spmem:s2] =	stream.indirect.scatter.add.f32 [tilespmem:s7], [sflag:$0x1], $0x10, s18, s10, $0xb8;
	[tilespmem:$0x7760] =	vst v63  }
0x31: {  	_ = 	snop  }
0x32: {  	[spmem:s2] =	stream.indirect.scatter.add.f32 [tilespmem:s7], [sflag:$0x1], $0x10, s19, s10, $0xb8;
	[tilespmem:$0x7760] =	vst v63  }
0x33: {  	_ = 	snop  }
0x34: {  	[spmem:s2] =	stream.indirect.scatter.add.f32 [tilespmem:s7], [sflag:$0x1], $0x10, s20, s10, $0xb8;
	[tilespmem:$0x7760] =	vst v63  }
0x35: {  	_ = 	snop  }
0x36: {  	[spmem:s2] =	stream.indirect.scatter.add.f32 [tilespmem:s7], [sflag:$0x1], $0x10, s21, s10, $0xb8;
	[tilespmem:$0x7760] =	vst v63  }
0x37: {  	_ = 	snop  }
0x38: {  	[spmem:s2] =	stream.indirect.scatter.add.f32 [tilespmem:s7], [sflag:$0x1], $0x10, s22, s10, $0xb8;
	[tilespmem:$0x7760] =	vst v63  }
0x39: {  	_ = 	snop  }
0x3a: {  	[spmem:s2] =	stream.indirect.scatter.add.f32 [tilespmem:s7], [sflag:$0x1], $0x10, s23, s10, $0xb8;
	[tilespmem:$0x7760] =	vst v63  }
0x3b: {  	_ = 	snop  }
0x3c: {  	[spmem:s2] =	stream.indirect.scatter.add.f32 [tilespmem:s7], [sflag:$0x1], $0x10, s25, s10, $0xb8;
	[tilespmem:$0x7760] =	vst v63  }
0x3d: {  	_ = 	snop  }
0x3e: {  	[spmem:s2] =	stream.indirect.scatter.add.f32 [tilespmem:s7], [sflag:$0x1], $0x10, s26, s10, $0xb8;
	[tilespmem:$0x7760] =	vst v63  }
0x3f: {  	_ = 	snop  }
0x40: {  	[spmem:s2] =	stream.indirect.scatter.add.f32 [tilespmem:s7], [sflag:$0x1], $0x10, s28, s10, $0xb8;
	[tilespmem:$0x7760] =	vst v63  }
0x41: {  	_ = 	snop  }
0x42: {  	[spmem:s2] =	stream.indirect.scatter.add.f32 [tilespmem:s7], [sflag:$0x1], $0x10, s29, s10, $0xb8;
	[tilespmem:$0x7760] =	vst v63  }
0x43: {  	_ = 	snop  }
0x44: {  	[spmem:s2] =	stream.indirect.scatter.add.f32 [tilespmem:s7], [sflag:$0x1], $0x10, s30, s10, $0xb8;
	[tilespmem:$0x7760] =	vst v63  }
0x45: {  	_ = 	snop  }
0x46: {  	[spmem:s2] =	stream.indirect.scatter.add.f32 [tilespmem:s7], [sflag:$0x1], $0x10, s31, s10, $0xb8;
	[tilespmem:$0x7760] =	vst v63  }
0x47: {  	_ =	swait.ge [sflag:s9], $0x1F40  }
0x48: {  	[sflag:s9] =	ssyncset.done $0x0  }
0x49: {  	[sflag:s9] =	ssyncadd.s32 $0xFFFFE0C0  }
0x4a: {  	_ =	swait.ge [sflag:s9], $0x1F40  }
0x4b: {  	[sflag:s9] =	ssyncset.done $0x0  }
0x4c: {  	[sflag:s9] =	ssyncadd.s32 $0xFFFFE0C0  }
0x4d: {  	_ =	swait.ge [sflag:s9], $0x1F40  }
0x4e: {  	[sflag:s9] =	ssyncset.done $0x0  }
0x4f: {  	[sflag:s9] =	ssyncadd.s32 $0xFFFFE0C0  }
0x50: {  	_ =	swait.ge [sflag:s9], $0x1F40  }
0x51: {  	[sflag:s9] =	ssyncset.done $0x0  }
0x52: {  	[sflag:s9] =	ssyncadd.s32 $0xFFFFE0C0  }
0x53: {  	_ =	swait.ge [sflag:s9], $0x1F40  }
0x54: {  	[sflag:s9] =	ssyncset.done $0x0  }
0x55: {  	[sflag:s9] =	ssyncadd.s32 $0xFFFFE0C0  }
0x56: {  	_ =	swait.ge [sflag:s9], $0x1F40  }
0x57: {  	[sflag:s9] =	ssyncset.done $0x0  }
0x58: {  	[sflag:s9] =	ssyncadd.s32 $0xFFFFE0C0  }
0x59: {  	_ =	swait.ge [sflag:s9], $0x1F40  }
0x5a: {  	[sflag:s9] =	ssyncset.done $0x0  }
0x5b: {  	[sflag:s9] =	ssyncadd.s32 $0xFFFFE0C0  }
0x5c: {  	_ =	swait.ge [sflag:s9], $0x1F40  }
0x5d: {  	[sflag:s9] =	ssyncset.done $0x0  }
0x5e: {  	[sflag:s9] =	ssyncadd.s32 $0xFFFFE0C0  }
0x5f: {  	_ =	swait.ge [sflag:s9], $0x1F40  }
0x60: {  	[sflag:s9] =	ssyncset.done $0x0  }
0x61: {  	[sflag:s9] =	ssyncadd.s32 $0xFFFFE0C0  }
0x62: {  	_ =	swait.ge [sflag:s9], $0x1F40  }
0x63: {  	[sflag:s9] =	ssyncset.done $0x0  }
0x64: {  	[sflag:s9] =	ssyncadd.s32 $0xFFFFE0C0  }
0x65: {  	_ =	swait.ge [sflag:s9], $0x1F40  }
0x66: {  	[sflag:s9] =	ssyncset.done $0x0  }
0x67: {  	[sflag:s9] =	ssyncadd.s32 $0xFFFFE0C0  }
0x68: {  	_ =	swait.ge [sflag:s9], $0x1F40  }
0x69: {  	[sflag:s9] =	ssyncset.done $0x0  }
0x6a: {  	[sflag:s9] =	ssyncadd.s32 $0xFFFFE0C0  }
0x6b: {  	_ =	swait.ge [sflag:s9], $0x1F40  }
0x6c: {  	[sflag:s9] =	ssyncset.done $0x0  }
0x6d: {  	[sflag:s9] =	ssyncadd.s32 $0xFFFFE0C0  }
0x6e: {  	_ =	swait.ge [sflag:s9], $0x1F40  }
0x6f: {  	[sflag:s9] =	ssyncset.done $0x0  }
0x70: {  	[sflag:s9] =	ssyncadd.s32 $0xFFFFE0C0  }
0x71: {  	_ =	swait.ge [sflag:s9], $0x1F40  }
0x72: {  	[sflag:s9] =	ssyncset.done $0x0  }
0x73: {  	[sflag:s9] =	ssyncadd.s32 $0xFFFFE0C0  }
0x74: {  	_ =	swait.ge [sflag:s9], $0x1F40  }
0x75: {  	[sflag:s9] =	ssyncset.done $0x0  }
0x76: {  	[sflag:s9] =	ssyncadd.s32 $0xFFFFE0C0  }
0x77: {  	_ =	swait.ge [sflag:s9], $0x1F40  }
0x78: {  	[sflag:s9] =	ssyncset.done $0x0  }
0x79: {  	[sflag:s9] =	ssyncadd.s32 $0xFFFFE0C0  }
0x7a: {  	_ =	swait.ge [sflag:s9], $0x1F40  }
0x7b: {  	[sflag:s9] =	ssyncset.done $0x0  }
0x7c: {  	[sflag:s9] =	ssyncadd.s32 $0xFFFFE0C0  }
0x7d: {  	_ =	swait.ge [sflag:s9], $0x1F40  }
0x7e: {  	[sflag:s9] =	ssyncset.done $0x0  }
0x7f: {  	[sflag:s9] =	ssyncadd.s32 $0xFFFFE0C0  }
0x80: {  	s1 =	sadd.s32 $0x1, s1;
	_ =	swait.ge [sflag:s9], $0x1F40  }
0x81: {  	s11 =	stileid.u32;
	p0 =	sne.s32 s1, s6;
	[sflag:s9] =	ssyncset.done $0x0  }
0x82: {  	s0 =	sshll.u32 s11, $0x6;
	s11 =	sshrl.u32 s5, $0x3;
	[sflag:s9] =	ssyncadd.s32 $0xFFFFE0C0  }
.Ltmp1:
0x83: {  	s0 =	sor.u32 $0x1C02, s0;
	[bflag:$0x0] =	sbarrier.arrive $0xFFFF;
	(pc) =	sbr.rel @p0 .LBB2_1-.Ltmp1, $4  }
0x84: {  	[hbm:s24], [sflag:s0] =	dma.local [spmem:s11], $0x500  }
0x85: {  	_ =	swait.ge [sflag:s8], $0x500  }
0x86: {  	[sflag:s8] =	ssyncset.done $0x0  }
0x87: {  	[sflag:s8] =	ssyncadd.s32 $0xFFFFFB00  }
0x88: {  	_ =	sfence.sel $0x180000  }
0x89: {  	[bflag:$0x0] =	sbarrier.arrive $0xFFFF  }
0x8a: {  	_ =	strace $0x90000047  }
0x8b: {  	s0 =	stileid.u32;
	[bflag:$0x2] =	sbarrier.arrive $0xFFFF  }
0x8c: {  	p0 =	sne.s32 s0, $0x0;
	s0 =	rddreg [dreg:$0x2]  }
0x8d: {  	s0 =	sadd.s32 @!p0 $0x100000, s0  }
0x8e: {  	[sflag:s0] =	ssyncadd.tile.s32 @!p0 $0x1;
	_ =	shalt  }
.Lfunc_end2:
_tile_overlayer_lowered:
.L_overlay_start_2:
0x8f: {  	(tag) =	ssettag $0x2  }
0x90: {  	s0 =	rddreg [dreg:$0x0];
	s2 =	stileid.u32  }
0x91: {  	s1 =	rddreg [dreg:$0x1];
	p0 =	sne.s32 s2, $0x0  }
0x92: {  	s3 =	rddreg [dreg:$0x2];
	[bflag:$0x3] =	sbarrier.arrive $0xFFFF;
	s2 =	simm.s32 @!p0 $0x1C02  }
0x93: {  	[timem:s3], [sflag:s2] =	dma.local @!p0 [hbm:s0], s1  }
0x94: {  	s0 =	simm.s32 @!p0 $0x2  }
0x95: {  	_ =	swait.ge @!p0 [sflag:s0], s1  }
0x96: {  	s1 =	ssub.s32 @!p0 $0x0, s1;
	[sflag:s0] =	ssyncset.done @!p0 $0x0  }
0x97: {  	[sflag:s0] =	ssyncadd.s32 @!p0 s1  }
0x98: {  	[bflag:$0x3] =	sbarrier.arrive $0xFFFF  }
0x99: {  	_ =	shalt  }

</sc_bundles>
